<compile_context>
chip_gen: v7x
topology: tpu7x:2x2x1
jax: 0.10.2.dev20260603
libtpu: 0.0.44.dev20260713+nightly
codegen_flags: <defaults>
</compile_context>

<pallas_src>
import functools

import jax
import jax.numpy as jnp
from jax import lax
from jax.experimental import pallas as pl
from jax.experimental.pallas import tpu as pltpu
from jax.experimental.pallas import tpu_sc as plsc

NC = 2
NS = 16
NW = NC * NS
LANES = 16
C = 80




def _expand2(v2, m, h):
    return jnp.concatenate(
        [jnp.broadcast_to(v2[:, 0:1], (m, h)),
         jnp.broadcast_to(v2[:, 1:2], (m, h))], axis=1)


def _blockdiag(w):
    z = jnp.zeros_like(w)
    return jnp.concatenate(
        [jnp.concatenate([w, z], axis=1), jnp.concatenate([z, w], axis=1)],
        axis=0)


def _t1_body(n, h, degm_ref, x_ref, w1_ref, dis_ref, g1_ref):
    m = n // 2
    dis2 = lax.rsqrt(degm_ref[...] + 1.0)
    dis = _expand2(dis2, m, h)
    dis_ref[...] = dis
    top = jnp.dot(x_ref[:m], w1_ref[...], preferred_element_type=jnp.float32)
    bot = jnp.dot(x_ref[m:], w1_ref[...], preferred_element_type=jnp.float32)
    g1_ref[...] = dis * jnp.concatenate([top, bot], axis=1)


def _sg(n, npad, sp_ref, g_ref, dis_ref, b_ref):
    m = n // 2
    rpad = npad // 2
    s = sp_ref[0:m] + sp_ref[rpad:rpad + m] + g_ref[...]
    b2 = jnp.concatenate([b_ref[...], b_ref[...]], axis=1)
    return jnp.maximum(dis_ref[...] * s + b2, 0.0)


def _t2_body(n, npad, sp_ref, g_ref, dis_ref, b_ref, wn_ref, gn_ref):
    hh = _sg(n, npad, sp_ref, g_ref, dis_ref, b_ref)
    wd = _blockdiag(wn_ref[...])
    gn_ref[...] = dis_ref[...] * jnp.dot(hh, wd,
                                         preferred_element_type=jnp.float32)


def _t3_body(n, npad, h, sp_ref, g_ref, dis_ref, b_ref, aw_ref, ab_ref,
             fw_ref, fb_ref, out_ref, attn_ref):
    hh = _sg(n, npad, sp_ref, g_ref, dis_ref, b_ref)
    awd = _blockdiag(aw_ref[...])
    a2 = jnp.dot(hh, awd, preferred_element_type=jnp.float32) + ab_ref[...]
    mx = jnp.max(a2)
    e = jnp.exp(a2 - mx)
    attn2 = e / jnp.sum(e)
    attn_ref[...] = attn2
    aex = _expand2(attn2, n // 2, h)
    fwd = _blockdiag(fw_ref[...])
    o = jnp.dot(hh * aex, fwd, preferred_element_type=jnp.float32) + fb_ref[...]
    out_ref[...] = 1.0 / (1.0 + jnp.exp(-o))



def _deg_body(ne, ept, chd, dt, ei_ref, out_ref, acc, idx, ones, zbuf, *sems):
    c = lax.axis_index("c")
    s = lax.axis_index("s")

    @pl.when(c == 0)
    def _():
        pltpu.async_copy(
            ei_ref.at[pl.ds(pl.multiple_of(ne + s * ept, 8), ept)], idx,
            sems[0])
        for k in range(C // LANES):
            ones[pl.ds(k * LANES, LANES)] = jnp.ones((LANES,), jnp.float32)

        def zrow(i, carry):
            zbuf[pl.ds(i * LANES, LANES)] = jnp.zeros((LANES,), jnp.float32)
            return carry
        lax.fori_loop(0, dt // LANES, zrow, 0)
        pltpu.sync_copy(zbuf, acc.at[pl.ds(s * dt, dt)])
        pltpu.make_async_copy(
            ei_ref.at[pl.ds(pl.multiple_of(ne + s * ept, 8), ept)], idx,
            sems[0]).wait()
        plsc.subcore_barrier()

        nbuf = 5

        def islc(j):
            return idx.at[pl.ds(pl.multiple_of(j * C, 8), C)]

        for b in range(nbuf):
            pltpu.async_copy(ones, acc.at[islc(b)], sems[b], add=True)

        def body(i, carry):
            for b in range(nbuf):
                j = i * nbuf + b
                pltpu.make_async_copy(ones, acc.at[islc(j)], sems[b]).wait()
                jn = j + nbuf

                @pl.when(jn < chd)
                def _():
                    pltpu.async_copy(ones, acc.at[islc(jn)], sems[b],
                                     add=True)
            return carry
        lax.fori_loop(0, chd // nbuf, body, 0)
        plsc.subcore_barrier()

        pltpu.sync_copy(acc.at[pl.ds(s * dt, dt)], zbuf)
        pltpu.sync_copy(zbuf, out_ref.at[pl.ds(s * dt, dt)])


def _spmm_body(ne, epw, cs, ch, rt, rc, h, nbuf, ei_ref, g_ref, out_ref,
               acc, sidx, didx, gbuf, cbuf, *sems):
    gsem, ssem = sems[:nbuf], sems[nbuf:]
    c = lax.axis_index("c")
    s = lax.axis_index("s")
    w = c * NS + s

    pltpu.async_copy(
        ei_ref.at[pl.ds(pl.multiple_of(w * epw, 8), epw)], sidx, gsem[0])
    pltpu.async_copy(
        ei_ref.at[pl.ds(pl.multiple_of(ne + w * epw, 8), epw)], didx, gsem[1])

    def sslc(j):
        return sidx.at[pl.ds(pl.multiple_of(j * cs, 8), cs)]

    def dslc(j):
        return didx.at[pl.ds(pl.multiple_of(j * cs, 8), cs)]

    def zrow(i, carry):
        for k in range(h // LANES):
            cbuf[0, i, pl.ds(k * LANES, LANES)] = jnp.zeros((LANES,),
                                                            jnp.float32)
        return carry
    lax.fori_loop(0, rc, zrow, 0)
    for t in range(rt // rc):
        pltpu.sync_copy(cbuf.at[0], acc.at[pl.ds(s * rt + t * rc, rc)])
    pltpu.make_async_copy(
        ei_ref.at[pl.ds(pl.multiple_of(w * epw, 8), epw)], sidx,
        gsem[0]).wait()
    pltpu.make_async_copy(
        ei_ref.at[pl.ds(pl.multiple_of(ne + w * epw, 8), epw)], didx,
        gsem[1]).wait()
    plsc.subcore_barrier()

    for b in range(nbuf):
        pltpu.async_copy(g_ref.at[sslc(b)], gbuf.at[b], gsem[b])

    def body(i, carry):
        for b in range(nbuf):
            j = i * nbuf + b
            pltpu.make_async_copy(g_ref.at[sslc(j)], gbuf.at[b],
                                  gsem[b]).wait()
            pltpu.async_copy(gbuf.at[b], acc.at[dslc(j)], ssem[b],
                             add=True)
        for b in range(nbuf):
            j = i * nbuf + b
            pltpu.make_async_copy(gbuf.at[b], acc.at[dslc(j)],
                                  ssem[b]).wait()
            jn = j + nbuf

            @pl.when(jn < ch)
            def _():
                pltpu.async_copy(g_ref.at[sslc(jn)], gbuf.at[b], gsem[b])
        return carry
    lax.fori_loop(0, ch // nbuf, body, 0)
    plsc.subcore_barrier()

    nt = rt // rc

    def pull(t, sem):
        return pltpu.make_async_copy(
            acc.at[pl.ds(s * rt + t * rc, rc)], cbuf.at[t % 2], sem)

    def push(t, sem):
        return pltpu.make_async_copy(
            cbuf.at[t % 2], out_ref.at[c, pl.ds(s * rt + t * rc, rc)], sem)

    pull(0, gsem[0]).start()
    for t in range(nt):
        b = t % 2
        pull(t, gsem[b]).wait()
        push(t, ssem[b]).start()
        if t + 1 < nt:
            nb = (t + 1) % 2
            if t >= 1:
                push(t - 1, ssem[nb]).wait()
            pull(t + 1, gsem[nb]).start()
    if nt >= 2:
        push(nt - 2, ssem[(nt - 2) % 2]).wait()
    push(nt - 1, ssem[(nt - 1) % 2]).wait()



def kernel(x, edge_index, W1, b1, W2, b2, W3, b3, attn_W, attn_b, fc_W, fc_b):
    N, d_in = x.shape
    E = edge_index.shape[1]
    H = W1.shape[1]

    epw = E // NW
    ept = E // NS
    cs = 80
    ch = epw // cs
    chd = ept // C
    nbuf = 5
    npad = ((N + 128 * NS - 1) // (128 * NS)) * (128 * NS)
    rt = npad // NS
    rc = 128
    dt = npad // NS

    mesh = plsc.VectorSubcoreMesh(core_axis_name="c", subcore_axis_name="s")

    deg_call = pl.kernel(
        functools.partial(_deg_body, E, ept, chd, dt),
        out_type=jax.ShapeDtypeStruct((npad,), jnp.float32),
        mesh=mesh,
        scratch_types=[
            pltpu.VMEM_SHARED((npad,), jnp.float32),
            pltpu.VMEM((ept,), jnp.int32),
            pltpu.VMEM((C,), jnp.float32),
            pltpu.VMEM((dt,), jnp.float32),
        ] + [pltpu.SemaphoreType.DMA] * 5,
        compiler_params=pltpu.CompilerParams(use_tc_tiling_on_sc=False),
    )
    spmm_call = pl.kernel(
        functools.partial(_spmm_body, E, epw, cs, ch, rt, rc, H, nbuf),
        out_type=jax.ShapeDtypeStruct((NC, npad, H), jnp.float32),
        mesh=mesh,
        scratch_types=[
            pltpu.VMEM_SHARED((npad, H), jnp.float32),
            pltpu.VMEM((epw,), jnp.int32),
            pltpu.VMEM((epw,), jnp.int32),
            pltpu.VMEM((nbuf, cs, H), jnp.float32),
            pltpu.VMEM((2, rc, H), jnp.float32),
        ] + [pltpu.SemaphoreType.DMA] * (2 * nbuf),
        compiler_params=pltpu.CompilerParams(use_tc_tiling_on_sc=False),
    )

    m = N // 2
    ei2 = (edge_index * 2
           - jnp.where(edge_index >= m, 2 * m - 1, 0)).reshape(2 * E)

    deg_p = deg_call(ei2)
    degm = deg_p[:N].reshape(m, 2)

    t1 = pl.pallas_call(
        functools.partial(_t1_body, N, H),
        out_shape=(jax.ShapeDtypeStruct((m, 2 * H), jnp.float32),
                   jax.ShapeDtypeStruct((m, 2 * H), jnp.float32)),
    )
    dis, g = t1(degm, x, W1)

    t2 = pl.pallas_call(
        functools.partial(_t2_body, N, npad),
        out_shape=jax.ShapeDtypeStruct((m, 2 * H), jnp.float32),
    )
    for b, wn in ((b1, W2), (b2, W3)):
        sp = spmm_call(ei2, g.reshape(N, H))
        g = t2(sp.reshape(NC * npad // 2, 2 * H), g, dis,
               b.reshape(1, H), wn)

    sp = spmm_call(ei2, g.reshape(N, H))
    t3 = pl.pallas_call(
        functools.partial(_t3_body, N, npad, H),
        out_shape=(jax.ShapeDtypeStruct((m, 2), jnp.float32),
                   jax.ShapeDtypeStruct((m, 2), jnp.float32)),
    )
    o2, a2 = t3(sp.reshape(NC * npad // 2, 2 * H), g, dis,
                b3.reshape(1, H), attn_W, attn_b.reshape(1, 1),
                fc_W, fc_b.reshape(1, 1))
    out = o2.T.reshape(N, 1)
    attn = a2.T.reshape(N, 1)
    return out, attn

# --- scband reference (transcript-rebuilt; emitter-appended) ---
"""Pipeline reference for scband-gcnmodel-34651796144253 (READ-ONLY COPY).

The authoritative reference and input builder live on the scoring server;
editing this copy changes nothing except your own understanding.
"""

import jax, jax.numpy as jnp
import numpy as np


def gcn_conv(x, edge_index, W, b):
    # PyG GCNConv: add self-loops, symmetric normalization, linear, scatter-add aggregate
    N = x.shape[0]
    loop = jnp.arange(N, dtype=edge_index.dtype)
    src = jnp.concatenate([edge_index[0], loop])
    dst = jnp.concatenate([edge_index[1], loop])
    deg = jnp.zeros((N,), x.dtype).at[dst].add(1.0)
    dis = jnp.where(deg > 0, deg ** -0.5, 0.0)
    norm = dis[src] * dis[dst]
    h = x @ W
    msg = h[src] * norm[:, None]
    out = jnp.zeros((N, W.shape[1]), x.dtype).at[dst].add(msg)
    return out + b


def setup_inputs(seed: int = 0):
    key = jax.random.key(seed)
    ks = jax.random.split(key, 12)
    N, E, d_in = 10000, 320000, 128
    h1, h2, h3 = 64, 64, 64
    x = jax.random.normal(ks[0], (N, d_in), jnp.float32)
    edge_index = jax.random.randint(ks[1], (2, E), 0, N, jnp.int32)
    W1 = jax.random.normal(ks[2], (d_in, h1), jnp.float32) * (1.0 / np.sqrt(d_in))
    b1 = jnp.zeros((h1,), jnp.float32)
    W2 = jax.random.normal(ks[3], (h1, h2), jnp.float32) * (1.0 / np.sqrt(h1))
    b2 = jnp.zeros((h2,), jnp.float32)
    W3 = jax.random.normal(ks[4], (h2, h3), jnp.float32) * (1.0 / np.sqrt(h2))
    b3 = jnp.zeros((h3,), jnp.float32)
    attn_W = jax.random.normal(ks[5], (h3, 1), jnp.float32) * (1.0 / np.sqrt(h3))
    attn_b = jnp.zeros((1,), jnp.float32)
    fc_W = jax.random.normal(ks[6], (h3, 1), jnp.float32) * (1.0 / np.sqrt(h3))
    fc_b = jnp.zeros((1,), jnp.float32)
    return {"x": x, "edge_index": edge_index, "W1": W1, "b1": b1, "W2": W2, "b2": b2,
            "W3": W3, "b3": b3, "attn_W": attn_W, "attn_b": attn_b, "fc_W": fc_W, "fc_b": fc_b}


def reference(x, edge_index, W1, b1, W2, b2, W3, b3, attn_W, attn_b, fc_W, fc_b):
    # dropout is identity in eval mode; batch=None so no global_mean_pool
    h = jax.nn.relu(gcn_conv(x, edge_index, W1, b1))
    h = jax.nn.relu(gcn_conv(h, edge_index, W2, b2))
    h = jax.nn.relu(gcn_conv(h, edge_index, W3, b3))
    attn_weights = jax.nn.softmax(h @ attn_W + attn_b, axis=0)
    h = h * attn_weights
    out = jax.nn.sigmoid(h @ fc_W + fc_b)
    return out, attn_weights

if __name__ == "__main__":
    import jax
    _d = setup_inputs()
    print(jax.jit(kernel)(*tuple(_d.values())))

</pallas_src>

<mosaic_0001>
#map = affine_map<(d0, d1) -> (0)>
#map1 = affine_map<(d0, d1) -> (0, 0)>
#map2 = affine_map<(d0, d1) -> (0, 0, 0)>
module attributes {stable_mosaic.version = 14 : i64} {
  func.func @_spmm_body(%arg0: i32, %arg1: i32, %arg2: memref<640000xi32, #tpu.memory_space<hbm>>, %arg3: memref<10000x64xf32, #tpu.memory_space<hbm>>, %arg4: memref<2x10240x64xf32, #tpu.memory_space<hbm>>, %arg5: memref<10240x64xf32, #tpu.memory_space<vmem_shared>>, %arg6: memref<10000xi32, #tpu.memory_space<vmem>>, %arg7: memref<10000xi32, #tpu.memory_space<vmem>>, %arg8: memref<5x80x64xf32, #tpu.memory_space<vmem>>, %arg9: memref<2x128x64xf32, #tpu.memory_space<vmem>>, %arg10: memref<!tpu.dma_semaphore, #tpu.memory_space<semaphore_mem>>, %arg11: memref<!tpu.dma_semaphore, #tpu.memory_space<semaphore_mem>>, %arg12: memref<!tpu.dma_semaphore, #tpu.memory_space<semaphore_mem>>, %arg13: memref<!tpu.dma_semaphore, #tpu.memory_space<semaphore_mem>>, %arg14: memref<!tpu.dma_semaphore, #tpu.memory_space<semaphore_mem>>, %arg15: memref<!tpu.dma_semaphore, #tpu.memory_space<semaphore_mem>>, %arg16: memref<!tpu.dma_semaphore, #tpu.memory_space<semaphore_mem>>, %arg17: memref<!tpu.dma_semaphore, #tpu.memory_space<semaphore_mem>>, %arg18: memref<!tpu.dma_semaphore, #tpu.memory_space<semaphore_mem>>, %arg19: memref<!tpu.dma_semaphore, #tpu.memory_space<semaphore_mem>>) attributes {dimension_semantics = [#tpu.dimension_semantics<core_parallel>, #tpu.dimension_semantics<subcore_parallel>], iteration_bounds = array<i64: 2, 16>, scalar_prefetch = 0 : i64, scratch_operands = 15 : i64, tpu.core_type = #tpu.core_type<sc_vector_subcore>, window_params = [{transform_indices = #map}, {transform_indices = #map1}, {transform_indices = #map2}]} {
    %mul3A = arith.constant 16 : i32
    %mul3A_0 = arith.muli %arg0, %mul3A : i32
    %add3A = arith.addi %mul3A_0, %arg1 : i32
    %mul3A_1 = arith.constant 10000 : i32
    %mul3A_2 = arith.muli %add3A, %mul3A_1 : i32
    %multiple_of3A = tpu.assume_multiple %mul3A_2, 8 : i32
    %dma_start3A = tpu.memref_slice %arg2[%multiple_of3A] : memref<640000xi32, #tpu.memory_space<hbm>> -> memref<10000xi32, #tpu.memory_space<hbm>>
    %dma_start3A_3 = tpu.memref_slice %arg2[%multiple_of3A] : memref<640000xi32, #tpu.memory_space<hbm>> -> memref<10000xi32, #tpu.memory_space<hbm>>
    tpu.enqueue_dma source(%dma_start3A_3 : memref<10000xi32, #tpu.memory_space<hbm>>) target(%arg6 : memref<10000xi32, #tpu.memory_space<vmem>>) target_semaphore(%arg10 : memref<!tpu.dma_semaphore, #tpu.memory_space<semaphore_mem>>)
    %mul3A_4 = arith.constant 10000 : i32
    %mul3A_5 = arith.muli %add3A, %mul3A_4 : i32
    %add3A_6 = arith.constant 320000 : i32
    %add3A_7 = arith.addi %add3A_6, %mul3A_5 : i32
    %multiple_of3A_8 = tpu.assume_multiple %add3A_7, 8 : i32
    %dma_start3A_9 = tpu.memref_slice %arg2[%multiple_of3A_8] : memref<640000xi32, #tpu.memory_space<hbm>> -> memref<10000xi32, #tpu.memory_space<hbm>>
    %dma_start3A_10 = tpu.memref_slice %arg2[%multiple_of3A_8] : memref<640000xi32, #tpu.memory_space<hbm>> -> memref<10000xi32, #tpu.memory_space<hbm>>
    tpu.enqueue_dma source(%dma_start3A_10 : memref<10000xi32, #tpu.memory_space<hbm>>) target(%arg7 : memref<10000xi32, #tpu.memory_space<vmem>>) target_semaphore(%arg11 : memref<!tpu.dma_semaphore, #tpu.memory_space<semaphore_mem>>)
    %scan3A = arith.constant 0 : i32
    %scan3A_11 = arith.constant 0 : i32
    %scan3A_12 = arith.constant 128 : i32
    %scan3A_13 = arith.addi %scan3A_11, %scan3A_12 : i32
    %scan3A_14 = arith.constant 1 : i32
    scf.for %scan3A_473 = %scan3A_11 to %scan3A_13 step %scan3A_14  : i32 {
      %broadcast_in_dim3A = arith.constant 0.000000e+00 : f32
      %broadcast_in_dim3A_474 = vector.broadcast %broadcast_in_dim3A : f32 to vector<16xf32>
      %swap3A = arith.constant 0 : i32
      %swap3A_475 = arith.index_cast %swap3A : i32 to index
      %swap3A_476 = arith.index_cast %scan3A_473 : i32 to index
      %swap3A_477 = arith.constant 0 : index
      %swap3A_478 = tpu.vector_load %arg9[%swap3A_475, %swap3A_476, %swap3A_477] {strides = array<i32>} : memref<2x128x64xf32, #tpu.memory_space<vmem>>, vector<1x1x16xf32>,
      %swap3A_479 = vector.shape_cast %swap3A_478 : vector<1x1x16xf32> to vector<16xf32>
      %swap3A_480 = vector.shape_cast %broadcast_in_dim3A_474 : vector<16xf32> to vector<1x1x16xf32>
      tpu.vector_store %arg9[%swap3A_475, %swap3A_476, %swap3A_477], %swap3A_480 {strides = array<i32>} : memref<2x128x64xf32, #tpu.memory_space<vmem>>, vector<1x1x16xf32>,
      %broadcast_in_dim3A_481 = arith.constant 0.000000e+00 : f32
      %broadcast_in_dim3A_482 = vector.broadcast %broadcast_in_dim3A_481 : f32 to vector<16xf32>
      %swap3A_483 = arith.constant 0 : i32
      %swap3A_484 = arith.index_cast %swap3A_483 : i32 to index
      %swap3A_485 = arith.index_cast %scan3A_473 : i32 to index
      %swap3A_486 = arith.constant 16 : index
      %swap3A_487 = tpu.vector_load %arg9[%swap3A_484, %swap3A_485, %swap3A_486] {strides = array<i32>} : memref<2x128x64xf32, #tpu.memory_space<vmem>>, vector<1x1x16xf32>,
      %swap3A_488 = vector.shape_cast %swap3A_487 : vector<1x1x16xf32> to vector<16xf32>
      %swap3A_489 = vector.shape_cast %broadcast_in_dim3A_482 : vector<16xf32> to vector<1x1x16xf32>
      tpu.vector_store %arg9[%swap3A_484, %swap3A_485, %swap3A_486], %swap3A_489 {strides = array<i32>} : memref<2x128x64xf32, #tpu.memory_space<vmem>>, vector<1x1x16xf32>,
      %broadcast_in_dim3A_490 = arith.constant 0.000000e+00 : f32
      %broadcast_in_dim3A_491 = vector.broadcast %broadcast_in_dim3A_490 : f32 to vector<16xf32>
      %swap3A_492 = arith.constant 0 : i32
      %swap3A_493 = arith.index_cast %swap3A_492 : i32 to index
      %swap3A_494 = arith.index_cast %scan3A_473 : i32 to index
      %swap3A_495 = arith.constant 32 : index
      %swap3A_496 = tpu.vector_load %arg9[%swap3A_493, %swap3A_494, %swap3A_495] {strides = array<i32>} : memref<2x128x64xf32, #tpu.memory_space<vmem>>, vector<1x1x16xf32>,
      %swap3A_497 = vector.shape_cast %swap3A_496 : vector<1x1x16xf32> to vector<16xf32>
      %swap3A_498 = vector.shape_cast %broadcast_in_dim3A_491 : vector<16xf32> to vector<1x1x16xf32>
      tpu.vector_store %arg9[%swap3A_493, %swap3A_494, %swap3A_495], %swap3A_498 {strides = array<i32>} : memref<2x128x64xf32, #tpu.memory_space<vmem>>, vector<1x1x16xf32>,
      %broadcast_in_dim3A_499 = arith.constant 0.000000e+00 : f32
      %broadcast_in_dim3A_500 = vector.broadcast %broadcast_in_dim3A_499 : f32 to vector<16xf32>
      %swap3A_501 = arith.constant 0 : i32
      %swap3A_502 = arith.index_cast %swap3A_501 : i32 to index
      %swap3A_503 = arith.index_cast %scan3A_473 : i32 to index
      %swap3A_504 = arith.constant 48 : index
      %swap3A_505 = tpu.vector_load %arg9[%swap3A_502, %swap3A_503, %swap3A_504] {strides = array<i32>} : memref<2x128x64xf32, #tpu.memory_space<vmem>>, vector<1x1x16xf32>,
      %swap3A_506 = vector.shape_cast %swap3A_505 : vector<1x1x16xf32> to vector<16xf32>
      %swap3A_507 = vector.shape_cast %broadcast_in_dim3A_500 : vector<16xf32> to vector<1x1x16xf32>
      tpu.vector_store %arg9[%swap3A_502, %swap3A_503, %swap3A_504], %swap3A_507 {strides = array<i32>} : memref<2x128x64xf32, #tpu.memory_space<vmem>>, vector<1x1x16xf32>,
    }
    %scan3A_15 = arith.constant 128 : i32
    %mul3A_16 = arith.constant 640 : i32
    %mul3A_17 = arith.muli %arg1, %mul3A_16 : i32
    %add3A_18 = arith.constant 0 : i32
    %add3A_19 = arith.addi %mul3A_17, %add3A_18 : i32
    %run_scoped3A = arith.constant 0 : i32
    "tpu.region"() ({
      %run_scoped3A_473 = tpu.sem_alloc : memref<!tpu.dma_semaphore, #tpu.memory_space<semaphore_mem>>
      %dma_start3A_474 = arith.constant 0 : i32
      %dma_start3A_475 = arith.constant 0 : i32
      %dma_start3A_476 = tpu.memref_slice %arg9[%run_scoped3A, %dma_start3A_474, %dma_start3A_475] : memref<2x128x64xf32, #tpu.memory_space<vmem>> -> memref<1x128x64xf32, #tpu.memory_space<vmem>>
      %dma_start3A_477 = tpu.memref_squeeze %dma_start3A_476 : memref<1x128x64xf32, #tpu.memory_space<vmem>> -> memref<128x64xf32, #tpu.memory_space<vmem>>
      %dma_start3A_478 = arith.constant 0 : i32
      %dma_start3A_479 = tpu.memref_slice %arg5[%add3A_19, %dma_start3A_478] : memref<10240x64xf32, #tpu.memory_space<vmem_shared>> -> memref<128x64xf32, #tpu.memory_space<vmem_shared>>
      %dma_start3A_480 = arith.constant 0 : i32
      %dma_start3A_481 = tpu.memref_slice %arg5[%add3A_19, %dma_start3A_480] : memref<10240x64xf32, #tpu.memory_space<vmem_shared>> -> memref<128x64xf32, #tpu.memory_space<vmem_shared>>
      %dma_start3A_482 = arith.constant 0 : i32
      %dma_start3A_483 = arith.constant 0 : i32
      %dma_start3A_484 = tpu.memref_slice %arg9[%run_scoped3A, %dma_start3A_482, %dma_start3A_483] : memref<2x128x64xf32, #tpu.memory_space<vmem>> -> memref<1x128x64xf32, #tpu.memory_space<vmem>>
      %dma_start3A_485 = tpu.memref_squeeze %dma_start3A_484 : memref<1x128x64xf32, #tpu.memory_space<vmem>> -> memref<128x64xf32, #tpu.memory_space<vmem>>
      tpu.enqueue_dma source(%dma_start3A_485 : memref<128x64xf32, #tpu.memory_space<vmem>>) target(%dma_start3A_481 : memref<128x64xf32, #tpu.memory_space<vmem_shared>>) target_semaphore(%run_scoped3A_473 : memref<!tpu.dma_semaphore, #tpu.memory_space<semaphore_mem>>)
      %dma_wait3A_486 = arith.constant 0 : i32
      %dma_wait3A_487 = arith.constant 0 : i32
      %dma_wait3A_488 = tpu.memref_slice %arg9[%run_scoped3A, %dma_wait3A_486, %dma_wait3A_487] : memref<2x128x64xf32, #tpu.memory_space<vmem>> -> memref<1x128x64xf32, #tpu.memory_space<vmem>>
      %dma_wait3A_489 = tpu.memref_squeeze %dma_wait3A_488 : memref<1x128x64xf32, #tpu.memory_space<vmem>> -> memref<128x64xf32, #tpu.memory_space<vmem>>
      %dma_wait3A_490 = arith.constant 0 : i32
      %dma_wait3A_491 = tpu.memref_slice %arg5[%add3A_19, %dma_wait3A_490] : memref<10240x64xf32, #tpu.memory_space<vmem_shared>> -> memref<128x64xf32, #tpu.memory_space<vmem_shared>>
      %dma_wait3A_492 = arith.constant 0 : i32
      %dma_wait3A_493 = tpu.memref_slice %arg5[%add3A_19, %dma_wait3A_492] : memref<10240x64xf32, #tpu.memory_space<vmem_shared>> -> memref<128x64xf32, #tpu.memory_space<vmem_shared>>
      %dma_wait3A_494 = arith.constant 0 : i32
      %dma_wait3A_495 = arith.constant 0 : i32
      %dma_wait3A_496 = tpu.memref_slice %arg9[%run_scoped3A, %dma_wait3A_494, %dma_wait3A_495] : memref<2x128x64xf32, #tpu.memory_space<vmem>> -> memref<1x128x64xf32, #tpu.memory_space<vmem>>
      %dma_wait3A_497 = tpu.memref_squeeze %dma_wait3A_496 : memref<1x128x64xf32, #tpu.memory_space<vmem>> -> memref<128x64xf32, #tpu.memory_space<vmem>>
      tpu.wait_dma2 semaphore(%run_scoped3A_473 : memref<!tpu.dma_semaphore, #tpu.memory_space<semaphore_mem>>) src(%dma_wait3A_497 : memref<128x64xf32, #tpu.memory_space<vmem>>) dst(%dma_wait3A_493 : memref<128x64xf32, #tpu.memory_space<vmem_shared>>)
      tpu.yield
    }) : () -> ()
    %mul3A_20 = arith.constant 640 : i32
    %mul3A_21 = arith.muli %arg1, %mul3A_20 : i32
    %add3A_22 = arith.constant 128 : i32
    %add3A_23 = arith.addi %mul3A_21, %add3A_22 : i32
    %run_scoped3A_24 = arith.constant 0 : i32
    "tpu.region"() ({
      %run_scoped3A_473 = tpu.sem_alloc : memref<!tpu.dma_semaphore, #tpu.memory_space<semaphore_mem>>
      %dma_start3A_474 = arith.constant 0 : i32
      %dma_start3A_475 = arith.constant 0 : i32
      %dma_start3A_476 = tpu.memref_slice %arg9[%run_scoped3A_24, %dma_start3A_474, %dma_start3A_475] : memref<2x128x64xf32, #tpu.memory_space<vmem>> -> memref<1x128x64xf32, #tpu.memory_space<vmem>>
      %dma_start3A_477 = tpu.memref_squeeze %dma_start3A_476 : memref<1x128x64xf32, #tpu.memory_space<vmem>> -> memref<128x64xf32, #tpu.memory_space<vmem>>
      %dma_start3A_478 = arith.constant 0 : i32
      %dma_start3A_479 = tpu.memref_slice %arg5[%add3A_23, %dma_start3A_478] : memref<10240x64xf32, #tpu.memory_space<vmem_shared>> -> memref<128x64xf32, #tpu.memory_space<vmem_shared>>
      %dma_start3A_480 = arith.constant 0 : i32
      %dma_start3A_481 = tpu.memref_slice %arg5[%add3A_23, %dma_start3A_480] : memref<10240x64xf32, #tpu.memory_space<vmem_shared>> -> memref<128x64xf32, #tpu.memory_space<vmem_shared>>
      %dma_start3A_482 = arith.constant 0 : i32
      %dma_start3A_483 = arith.constant 0 : i32
      %dma_start3A_484 = tpu.memref_slice %arg9[%run_scoped3A_24, %dma_start3A_482, %dma_start3A_483] : memref<2x128x64xf32, #tpu.memory_space<vmem>> -> memref<1x128x64xf32, #tpu.memory_space<vmem>>
      %dma_start3A_485 = tpu.memref_squeeze %dma_start3A_484 : memref<1x128x64xf32, #tpu.memory_space<vmem>> -> memref<128x64xf32, #tpu.memory_space<vmem>>
      tpu.enqueue_dma source(%dma_start3A_485 : memref<128x64xf32, #tpu.memory_space<vmem>>) target(%dma_start3A_481 : memref<128x64xf32, #tpu.memory_space<vmem_shared>>) target_semaphore(%run_scoped3A_473 : memref<!tpu.dma_semaphore, #tpu.memory_space<semaphore_mem>>)
      %dma_wait3A_486 = arith.constant 0 : i32
      %dma_wait3A_487 = arith.constant 0 : i32
      %dma_wait3A_488 = tpu.memref_slice %arg9[%run_scoped3A_24, %dma_wait3A_486, %dma_wait3A_487] : memref<2x128x64xf32, #tpu.memory_space<vmem>> -> memref<1x128x64xf32, #tpu.memory_space<vmem>>
      %dma_wait3A_489 = tpu.memref_squeeze %dma_wait3A_488 : memref<1x128x64xf32, #tpu.memory_space<vmem>> -> memref<128x64xf32, #tpu.memory_space<vmem>>
      %dma_wait3A_490 = arith.constant 0 : i32
      %dma_wait3A_491 = tpu.memref_slice %arg5[%add3A_23, %dma_wait3A_490] : memref<10240x64xf32, #tpu.memory_space<vmem_shared>> -> memref<128x64xf32, #tpu.memory_space<vmem_shared>>
      %dma_wait3A_492 = arith.constant 0 : i32
      %dma_wait3A_493 = tpu.memref_slice %arg5[%add3A_23, %dma_wait3A_492] : memref<10240x64xf32, #tpu.memory_space<vmem_shared>> -> memref<128x64xf32, #tpu.memory_space<vmem_shared>>
      %dma_wait3A_494 = arith.constant 0 : i32
      %dma_wait3A_495 = arith.constant 0 : i32
      %dma_wait3A_496 = tpu.memref_slice %arg9[%run_scoped3A_24, %dma_wait3A_494, %dma_wait3A_495] : memref<2x128x64xf32, #tpu.memory_space<vmem>> -> memref<1x128x64xf32, #tpu.memory_space<vmem>>
      %dma_wait3A_497 = tpu.memref_squeeze %dma_wait3A_496 : memref<1x128x64xf32, #tpu.memory_space<vmem>> -> memref<128x64xf32, #tpu.memory_space<vmem>>
      tpu.wait_dma2 semaphore(%run_scoped3A_473 : memref<!tpu.dma_semaphore, #tpu.memory_space<semaphore_mem>>) src(%dma_wait3A_497 : memref<128x64xf32, #tpu.memory_space<vmem>>) dst(%dma_wait3A_493 : memref<128x64xf32, #tpu.memory_space<vmem_shared>>)
      tpu.yield
    }) : () -> ()
    %mul3A_25 = arith.constant 640 : i32
    %mul3A_26 = arith.muli %arg1, %mul3A_25 : i32
    %add3A_27 = arith.constant 256 : i32
    %add3A_28 = arith.addi %mul3A_26, %add3A_27 : i32
    %run_scoped3A_29 = arith.constant 0 : i32
    "tpu.region"() ({
      %run_scoped3A_473 = tpu.sem_alloc : memref<!tpu.dma_semaphore, #tpu.memory_space<semaphore_mem>>
      %dma_start3A_474 = arith.constant 0 : i32
      %dma_start3A_475 = arith.constant 0 : i32
      %dma_start3A_476 = tpu.memref_slice %arg9[%run_scoped3A_29, %dma_start3A_474, %dma_start3A_475] : memref<2x128x64xf32, #tpu.memory_space<vmem>> -> memref<1x128x64xf32, #tpu.memory_space<vmem>>
      %dma_start3A_477 = tpu.memref_squeeze %dma_start3A_476 : memref<1x128x64xf32, #tpu.memory_space<vmem>> -> memref<128x64xf32, #tpu.memory_space<vmem>>
      %dma_start3A_478 = arith.constant 0 : i32
      %dma_start3A_479 = tpu.memref_slice %arg5[%add3A_28, %dma_start3A_478] : memref<10240x64xf32, #tpu.memory_space<vmem_shared>> -> memref<128x64xf32, #tpu.memory_space<vmem_shared>>
      %dma_start3A_480 = arith.constant 0 : i32
      %dma_start3A_481 = tpu.memref_slice %arg5[%add3A_28, %dma_start3A_480] : memref<10240x64xf32, #tpu.memory_space<vmem_shared>> -> memref<128x64xf32, #tpu.memory_space<vmem_shared>>
      %dma_start3A_482 = arith.constant 0 : i32
      %dma_start3A_483 = arith.constant 0 : i32
      %dma_start3A_484 = tpu.memref_slice %arg9[%run_scoped3A_29, %dma_start3A_482, %dma_start3A_483] : memref<2x128x64xf32, #tpu.memory_space<vmem>> -> memref<1x128x64xf32, #tpu.memory_space<vmem>>
      %dma_start3A_485 = tpu.memref_squeeze %dma_start3A_484 : memref<1x128x64xf32, #tpu.memory_space<vmem>> -> memref<128x64xf32, #tpu.memory_space<vmem>>
      tpu.enqueue_dma source(%dma_start3A_485 : memref<128x64xf32, #tpu.memory_space<vmem>>) target(%dma_start3A_481 : memref<128x64xf32, #tpu.memory_space<vmem_shared>>) target_semaphore(%run_scoped3A_473 : memref<!tpu.dma_semaphore, #tpu.memory_space<semaphore_mem>>)
      %dma_wait3A_486 = arith.constant 0 : i32
      %dma_wait3A_487 = arith.constant 0 : i32
      %dma_wait3A_488 = tpu.memref_slice %arg9[%run_scoped3A_29, %dma_wait3A_486, %dma_wait3A_487] : memref<2x128x64xf32, #tpu.memory_space<vmem>> -> memref<1x128x64xf32, #tpu.memory_space<vmem>>
      %dma_wait3A_489 = tpu.memref_squeeze %dma_wait3A_488 : memref<1x128x64xf32, #tpu.memory_space<vmem>> -> memref<128x64xf32, #tpu.memory_space<vmem>>
      %dma_wait3A_490 = arith.constant 0 : i32
      %dma_wait3A_491 = tpu.memref_slice %arg5[%add3A_28, %dma_wait3A_490] : memref<10240x64xf32, #tpu.memory_space<vmem_shared>> -> memref<128x64xf32, #tpu.memory_space<vmem_shared>>
      %dma_wait3A_492 = arith.constant 0 : i32
      %dma_wait3A_493 = tpu.memref_slice %arg5[%add3A_28, %dma_wait3A_492] : memref<10240x64xf32, #tpu.memory_space<vmem_shared>> -> memref<128x64xf32, #tpu.memory_space<vmem_shared>>
      %dma_wait3A_494 = arith.constant 0 : i32
      %dma_wait3A_495 = arith.constant 0 : i32
      %dma_wait3A_496 = tpu.memref_slice %arg9[%run_scoped3A_29, %dma_wait3A_494, %dma_wait3A_495] : memref<2x128x64xf32, #tpu.memory_space<vmem>> -> memref<1x128x64xf32, #tpu.memory_space<vmem>>
      %dma_wait3A_497 = tpu.memref_squeeze %dma_wait3A_496 : memref<1x128x64xf32, #tpu.memory_space<vmem>> -> memref<128x64xf32, #tpu.memory_space<vmem>>
      tpu.wait_dma2 semaphore(%run_scoped3A_473 : memref<!tpu.dma_semaphore, #tpu.memory_space<semaphore_mem>>) src(%dma_wait3A_497 : memref<128x64xf32, #tpu.memory_space<vmem>>) dst(%dma_wait3A_493 : memref<128x64xf32, #tpu.memory_space<vmem_shared>>)
      tpu.yield
    }) : () -> ()
    %mul3A_30 = arith.constant 640 : i32
    %mul3A_31 = arith.muli %arg1, %mul3A_30 : i32
    %add3A_32 = arith.constant 384 : i32
    %add3A_33 = arith.addi %mul3A_31, %add3A_32 : i32
    %run_scoped3A_34 = arith.constant 0 : i32
    "tpu.region"() ({
      %run_scoped3A_473 = tpu.sem_alloc : memref<!tpu.dma_semaphore, #tpu.memory_space<semaphore_mem>>
      %dma_start3A_474 = arith.constant 0 : i32
      %dma_start3A_475 = arith.constant 0 : i32
      %dma_start3A_476 = tpu.memref_slice %arg9[%run_scoped3A_34, %dma_start3A_474, %dma_start3A_475] : memref<2x128x64xf32, #tpu.memory_space<vmem>> -> memref<1x128x64xf32, #tpu.memory_space<vmem>>
      %dma_start3A_477 = tpu.memref_squeeze %dma_start3A_476 : memref<1x128x64xf32, #tpu.memory_space<vmem>> -> memref<128x64xf32, #tpu.memory_space<vmem>>
      %dma_start3A_478 = arith.constant 0 : i32
      %dma_start3A_479 = tpu.memref_slice %arg5[%add3A_33, %dma_start3A_478] : memref<10240x64xf32, #tpu.memory_space<vmem_shared>> -> memref<128x64xf32, #tpu.memory_space<vmem_shared>>
      %dma_start3A_480 = arith.constant 0 : i32
      %dma_start3A_481 = tpu.memref_slice %arg5[%add3A_33, %dma_start3A_480] : memref<10240x64xf32, #tpu.memory_space<vmem_shared>> -> memref<128x64xf32, #tpu.memory_space<vmem_shared>>
      %dma_start3A_482 = arith.constant 0 : i32
      %dma_start3A_483 = arith.constant 0 : i32
      %dma_start3A_484 = tpu.memref_slice %arg9[%run_scoped3A_34, %dma_start3A_482, %dma_start3A_483] : memref<2x128x64xf32, #tpu.memory_space<vmem>> -> memref<1x128x64xf32, #tpu.memory_space<vmem>>
      %dma_start3A_485 = tpu.memref_squeeze %dma_start3A_484 : memref<1x128x64xf32, #tpu.memory_space<vmem>> -> memref<128x64xf32, #tpu.memory_space<vmem>>
      tpu.enqueue_dma source(%dma_start3A_485 : memref<128x64xf32, #tpu.memory_space<vmem>>) target(%dma_start3A_481 : memref<128x64xf32, #tpu.memory_space<vmem_shared>>) target_semaphore(%run_scoped3A_473 : memref<!tpu.dma_semaphore, #tpu.memory_space<semaphore_mem>>)
      %dma_wait3A_486 = arith.constant 0 : i32
      %dma_wait3A_487 = arith.constant 0 : i32
      %dma_wait3A_488 = tpu.memref_slice %arg9[%run_scoped3A_34, %dma_wait3A_486, %dma_wait3A_487] : memref<2x128x64xf32, #tpu.memory_space<vmem>> -> memref<1x128x64xf32, #tpu.memory_space<vmem>>
      %dma_wait3A_489 = tpu.memref_squeeze %dma_wait3A_488 : memref<1x128x64xf32, #tpu.memory_space<vmem>> -> memref<128x64xf32, #tpu.memory_space<vmem>>
      %dma_wait3A_490 = arith.constant 0 : i32
      %dma_wait3A_491 = tpu.memref_slice %arg5[%add3A_33, %dma_wait3A_490] : memref<10240x64xf32, #tpu.memory_space<vmem_shared>> -> memref<128x64xf32, #tpu.memory_space<vmem_shared>>
      %dma_wait3A_492 = arith.constant 0 : i32
      %dma_wait3A_493 = tpu.memref_slice %arg5[%add3A_33, %dma_wait3A_492] : memref<10240x64xf32, #tpu.memory_space<vmem_shared>> -> memref<128x64xf32, #tpu.memory_space<vmem_shared>>
      %dma_wait3A_494 = arith.constant 0 : i32
      %dma_wait3A_495 = arith.constant 0 : i32
      %dma_wait3A_496 = tpu.memref_slice %arg9[%run_scoped3A_34, %dma_wait3A_494, %dma_wait3A_495] : memref<2x128x64xf32, #tpu.memory_space<vmem>> -> memref<1x128x64xf32, #tpu.memory_space<vmem>>
      %dma_wait3A_497 = tpu.memref_squeeze %dma_wait3A_496 : memref<1x128x64xf32, #tpu.memory_space<vmem>> -> memref<128x64xf32, #tpu.memory_space<vmem>>
      tpu.wait_dma2 semaphore(%run_scoped3A_473 : memref<!tpu.dma_semaphore, #tpu.memory_space<semaphore_mem>>) src(%dma_wait3A_497 : memref<128x64xf32, #tpu.memory_space<vmem>>) dst(%dma_wait3A_493 : memref<128x64xf32, #tpu.memory_space<vmem_shared>>)
      tpu.yield
    }) : () -> ()
    %mul3A_35 = arith.constant 640 : i32
    %mul3A_36 = arith.muli %arg1, %mul3A_35 : i32
    %add3A_37 = arith.constant 512 : i32
    %add3A_38 = arith.addi %mul3A_36, %add3A_37 : i32
    %run_scoped3A_39 = arith.constant 0 : i32
    "tpu.region"() ({
      %run_scoped3A_473 = tpu.sem_alloc : memref<!tpu.dma_semaphore, #tpu.memory_space<semaphore_mem>>
      %dma_start3A_474 = arith.constant 0 : i32
      %dma_start3A_475 = arith.constant 0 : i32
      %dma_start3A_476 = tpu.memref_slice %arg9[%run_scoped3A_39, %dma_start3A_474, %dma_start3A_475] : memref<2x128x64xf32, #tpu.memory_space<vmem>> -> memref<1x128x64xf32, #tpu.memory_space<vmem>>
      %dma_start3A_477 = tpu.memref_squeeze %dma_start3A_476 : memref<1x128x64xf32, #tpu.memory_space<vmem>> -> memref<128x64xf32, #tpu.memory_space<vmem>>
      %dma_start3A_478 = arith.constant 0 : i32
      %dma_start3A_479 = tpu.memref_slice %arg5[%add3A_38, %dma_start3A_478] : memref<10240x64xf32, #tpu.memory_space<vmem_shared>> -> memref<128x64xf32, #tpu.memory_space<vmem_shared>>
      %dma_start3A_480 = arith.constant 0 : i32
      %dma_start3A_481 = tpu.memref_slice %arg5[%add3A_38, %dma_start3A_480] : memref<10240x64xf32, #tpu.memory_space<vmem_shared>> -> memref<128x64xf32, #tpu.memory_space<vmem_shared>>
      %dma_start3A_482 = arith.constant 0 : i32
      %dma_start3A_483 = arith.constant 0 : i32
      %dma_start3A_484 = tpu.memref_slice %arg9[%run_scoped3A_39, %dma_start3A_482, %dma_start3A_483] : memref<2x128x64xf32, #tpu.memory_space<vmem>> -> memref<1x128x64xf32, #tpu.memory_space<vmem>>
      %dma_start3A_485 = tpu.memref_squeeze %dma_start3A_484 : memref<1x128x64xf32, #tpu.memory_space<vmem>> -> memref<128x64xf32, #tpu.memory_space<vmem>>
      tpu.enqueue_dma source(%dma_start3A_485 : memref<128x64xf32, #tpu.memory_space<vmem>>) target(%dma_start3A_481 : memref<128x64xf32, #tpu.memory_space<vmem_shared>>) target_semaphore(%run_scoped3A_473 : memref<!tpu.dma_semaphore, #tpu.memory_space<semaphore_mem>>)
      %dma_wait3A_486 = arith.constant 0 : i32
      %dma_wait3A_487 = arith.constant 0 : i32
      %dma_wait3A_488 = tpu.memref_slice %arg9[%run_scoped3A_39, %dma_wait3A_486, %dma_wait3A_487] : memref<2x128x64xf32, #tpu.memory_space<vmem>> -> memref<1x128x64xf32, #tpu.memory_space<vmem>>
      %dma_wait3A_489 = tpu.memref_squeeze %dma_wait3A_488 : memref<1x128x64xf32, #tpu.memory_space<vmem>> -> memref<128x64xf32, #tpu.memory_space<vmem>>
      %dma_wait3A_490 = arith.constant 0 : i32
      %dma_wait3A_491 = tpu.memref_slice %arg5[%add3A_38, %dma_wait3A_490] : memref<10240x64xf32, #tpu.memory_space<vmem_shared>> -> memref<128x64xf32, #tpu.memory_space<vmem_shared>>
      %dma_wait3A_492 = arith.constant 0 : i32
      %dma_wait3A_493 = tpu.memref_slice %arg5[%add3A_38, %dma_wait3A_492] : memref<10240x64xf32, #tpu.memory_space<vmem_shared>> -> memref<128x64xf32, #tpu.memory_space<vmem_shared>>
      %dma_wait3A_494 = arith.constant 0 : i32
      %dma_wait3A_495 = arith.constant 0 : i32
      %dma_wait3A_496 = tpu.memref_slice %arg9[%run_scoped3A_39, %dma_wait3A_494, %dma_wait3A_495] : memref<2x128x64xf32, #tpu.memory_space<vmem>> -> memref<1x128x64xf32, #tpu.memory_space<vmem>>
      %dma_wait3A_497 = tpu.memref_squeeze %dma_wait3A_496 : memref<1x128x64xf32, #tpu.memory_space<vmem>> -> memref<128x64xf32, #tpu.memory_space<vmem>>
      tpu.wait_dma2 semaphore(%run_scoped3A_473 : memref<!tpu.dma_semaphore, #tpu.memory_space<semaphore_mem>>) src(%dma_wait3A_497 : memref<128x64xf32, #tpu.memory_space<vmem>>) dst(%dma_wait3A_493 : memref<128x64xf32, #tpu.memory_space<vmem_shared>>)
      tpu.yield
    }) : () -> ()
    %mul3A_40 = arith.constant 10000 : i32
    %mul3A_41 = arith.muli %add3A, %mul3A_40 : i32
    %multiple_of3A_42 = tpu.assume_multiple %mul3A_41, 8 : i32
    %dma_wait3A = tpu.memref_slice %arg2[%multiple_of3A_42] : memref<640000xi32, #tpu.memory_space<hbm>> -> memref<10000xi32, #tpu.memory_space<hbm>>
    %dma_wait3A_43 = tpu.memref_slice %arg2[%multiple_of3A_42] : memref<640000xi32, #tpu.memory_space<hbm>> -> memref<10000xi32, #tpu.memory_space<hbm>>
    tpu.wait_dma2 semaphore(%arg10 : memref<!tpu.dma_semaphore, #tpu.memory_space<semaphore_mem>>) src(%dma_wait3A_43 : memref<10000xi32, #tpu.memory_space<hbm>>) dst(%arg6 : memref<10000xi32, #tpu.memory_space<vmem>>)
    %mul3A_44 = arith.constant 10000 : i32
    %mul3A_45 = arith.muli %add3A, %mul3A_44 : i32
    %add3A_46 = arith.constant 320000 : i32
    %add3A_47 = arith.addi %add3A_46, %mul3A_45 : i32
    %multiple_of3A_48 = tpu.assume_multiple %add3A_47, 8 : i32
    %dma_wait3A_49 = tpu.memref_slice %arg2[%multiple_of3A_48] : memref<640000xi32, #tpu.memory_space<hbm>> -> memref<10000xi32, #tpu.memory_space<hbm>>
    %dma_wait3A_50 = tpu.memref_slice %arg2[%multiple_of3A_48] : memref<640000xi32, #tpu.memory_space<hbm>> -> memref<10000xi32, #tpu.memory_space<hbm>>
    tpu.wait_dma2 semaphore(%arg11 : memref<!tpu.dma_semaphore, #tpu.memory_space<semaphore_mem>>) src(%dma_wait3A_50 : memref<10000xi32, #tpu.memory_space<hbm>>) dst(%arg7 : memref<10000xi32, #tpu.memory_space<vmem>>)
    %barrier3A = arith.constant 0 : index
    tpu.barrier barrier_id(%barrier3A)
    %multiple_of3A_51 = arith.constant 0 : i32
    %multiple_of3A_52 = tpu.assume_multiple %multiple_of3A_51, 8 : i32
    %dma_start3A_53 = arith.constant 0 : i32
    %dma_start3A_54 = arith.constant 0 : i32
    %dma_start3A_55 = arith.constant 0 : i32
    %dma_start3A_56 = tpu.memref_slice %arg8[%dma_start3A_53, %dma_start3A_54, %dma_start3A_55] : memref<5x80x64xf32, #tpu.memory_space<vmem>> -> memref<1x80x64xf32, #tpu.memory_space<vmem>>
    %dma_start3A_57 = tpu.memref_squeeze %dma_start3A_56 : memref<1x80x64xf32, #tpu.memory_space<vmem>> -> memref<80x64xf32, #tpu.memory_space<vmem>>
    %dma_start3A_58 = tpu.memref_slice %arg6[%multiple_of3A_52] : memref<10000xi32, #tpu.memory_space<vmem>> -> memref<80xi32, #tpu.memory_space<vmem>>
    %dma_start3A_59 = arith.constant 0 : i32
    %dma_start3A_60 = arith.constant 0 : i32
    %dma_start3A_61 = tpu.memref_slice %arg3[%dma_start3A_59, %dma_start3A_60] : memref<10000x64xf32, #tpu.memory_space<hbm>> -> memref<10000x64xf32, #tpu.memory_space<hbm>>
    tpu.enqueue_indirect_dma source(%dma_start3A_61 : memref<10000x64xf32, #tpu.memory_space<hbm>>) target(%dma_start3A_57 : memref<80x64xf32, #tpu.memory_space<vmem>>) offsets(%dma_start3A_58 : memref<80xi32, #tpu.memory_space<vmem>>) semaphore(%arg10 : memref<!tpu.dma_semaphore, #tpu.memory_space<semaphore_mem>>)
    %multiple_of3A_62 = arith.constant 80 : i32
    %multiple_of3A_63 = tpu.assume_multiple %multiple_of3A_62, 8 : i32
    %dma_start3A_64 = arith.constant 1 : i32
    %dma_start3A_65 = arith.constant 0 : i32
    %dma_start3A_66 = arith.constant 0 : i32
    %dma_start3A_67 = tpu.memref_slice %arg8[%dma_start3A_64, %dma_start3A_65, %dma_start3A_66] : memref<5x80x64xf32, #tpu.memory_space<vmem>> -> memref<1x80x64xf32, #tpu.memory_space<vmem>>
    %dma_start3A_68 = tpu.memref_squeeze %dma_start3A_67 : memref<1x80x64xf32, #tpu.memory_space<vmem>> -> memref<80x64xf32, #tpu.memory_space<vmem>>
    %dma_start3A_69 = tpu.memref_slice %arg6[%multiple_of3A_63] : memref<10000xi32, #tpu.memory_space<vmem>> -> memref<80xi32, #tpu.memory_space<vmem>>
    %dma_start3A_70 = arith.constant 0 : i32
    %dma_start3A_71 = arith.constant 0 : i32
    %dma_start3A_72 = tpu.memref_slice %arg3[%dma_start3A_70, %dma_start3A_71] : memref<10000x64xf32, #tpu.memory_space<hbm>> -> memref<10000x64xf32, #tpu.memory_space<hbm>>
    tpu.enqueue_indirect_dma source(%dma_start3A_72 : memref<10000x64xf32, #tpu.memory_space<hbm>>) target(%dma_start3A_68 : memref<80x64xf32, #tpu.memory_space<vmem>>) offsets(%dma_start3A_69 : memref<80xi32, #tpu.memory_space<vmem>>) semaphore(%arg11 : memref<!tpu.dma_semaphore, #tpu.memory_space<semaphore_mem>>)
    %multiple_of3A_73 = arith.constant 160 : i32
    %multiple_of3A_74 = tpu.assume_multiple %multiple_of3A_73, 8 : i32
    %dma_start3A_75 = arith.constant 2 : i32
    %dma_start3A_76 = arith.constant 0 : i32
    %dma_start3A_77 = arith.constant 0 : i32
    %dma_start3A_78 = tpu.memref_slice %arg8[%dma_start3A_75, %dma_start3A_76, %dma_start3A_77] : memref<5x80x64xf32, #tpu.memory_space<vmem>> -> memref<1x80x64xf32, #tpu.memory_space<vmem>>
    %dma_start3A_79 = tpu.memref_squeeze %dma_start3A_78 : memref<1x80x64xf32, #tpu.memory_space<vmem>> -> memref<80x64xf32, #tpu.memory_space<vmem>>
    %dma_start3A_80 = tpu.memref_slice %arg6[%multiple_of3A_74] : memref<10000xi32, #tpu.memory_space<vmem>> -> memref<80xi32, #tpu.memory_space<vmem>>
    %dma_start3A_81 = arith.constant 0 : i32
    %dma_start3A_82 = arith.constant 0 : i32
    %dma_start3A_83 = tpu.memref_slice %arg3[%dma_start3A_81, %dma_start3A_82] : memref<10000x64xf32, #tpu.memory_space<hbm>> -> memref<10000x64xf32, #tpu.memory_space<hbm>>
    tpu.enqueue_indirect_dma source(%dma_start3A_83 : memref<10000x64xf32, #tpu.memory_space<hbm>>) target(%dma_start3A_79 : memref<80x64xf32, #tpu.memory_space<vmem>>) offsets(%dma_start3A_80 : memref<80xi32, #tpu.memory_space<vmem>>) semaphore(%arg12 : memref<!tpu.dma_semaphore, #tpu.memory_space<semaphore_mem>>)
    %multiple_of3A_84 = arith.constant 240 : i32
    %multiple_of3A_85 = tpu.assume_multiple %multiple_of3A_84, 8 : i32
    %dma_start3A_86 = arith.constant 3 : i32
    %dma_start3A_87 = arith.constant 0 : i32
    %dma_start3A_88 = arith.constant 0 : i32
    %dma_start3A_89 = tpu.memref_slice %arg8[%dma_start3A_86, %dma_start3A_87, %dma_start3A_88] : memref<5x80x64xf32, #tpu.memory_space<vmem>> -> memref<1x80x64xf32, #tpu.memory_space<vmem>>
    %dma_start3A_90 = tpu.memref_squeeze %dma_start3A_89 : memref<1x80x64xf32, #tpu.memory_space<vmem>> -> memref<80x64xf32, #tpu.memory_space<vmem>>
    %dma_start3A_91 = tpu.memref_slice %arg6[%multiple_of3A_85] : memref<10000xi32, #tpu.memory_space<vmem>> -> memref<80xi32, #tpu.memory_space<vmem>>
    %dma_start3A_92 = arith.constant 0 : i32
    %dma_start3A_93 = arith.constant 0 : i32
    %dma_start3A_94 = tpu.memref_slice %arg3[%dma_start3A_92, %dma_start3A_93] : memref<10000x64xf32, #tpu.memory_space<hbm>> -> memref<10000x64xf32, #tpu.memory_space<hbm>>
    tpu.enqueue_indirect_dma source(%dma_start3A_94 : memref<10000x64xf32, #tpu.memory_space<hbm>>) target(%dma_start3A_90 : memref<80x64xf32, #tpu.memory_space<vmem>>) offsets(%dma_start3A_91 : memref<80xi32, #tpu.memory_space<vmem>>) semaphore(%arg13 : memref<!tpu.dma_semaphore, #tpu.memory_space<semaphore_mem>>)
    %multiple_of3A_95 = arith.constant 320 : i32
    %multiple_of3A_96 = tpu.assume_multiple %multiple_of3A_95, 8 : i32
    %dma_start3A_97 = arith.constant 4 : i32
    %dma_start3A_98 = arith.constant 0 : i32
    %dma_start3A_99 = arith.constant 0 : i32
    %dma_start3A_100 = tpu.memref_slice %arg8[%dma_start3A_97, %dma_start3A_98, %dma_start3A_99] : memref<5x80x64xf32, #tpu.memory_space<vmem>> -> memref<1x80x64xf32, #tpu.memory_space<vmem>>
    %dma_start3A_101 = tpu.memref_squeeze %dma_start3A_100 : memref<1x80x64xf32, #tpu.memory_space<vmem>> -> memref<80x64xf32, #tpu.memory_space<vmem>>
    %dma_start3A_102 = tpu.memref_slice %arg6[%multiple_of3A_96] : memref<10000xi32, #tpu.memory_space<vmem>> -> memref<80xi32, #tpu.memory_space<vmem>>
    %dma_start3A_103 = arith.constant 0 : i32
    %dma_start3A_104 = arith.constant 0 : i32
    %dma_start3A_105 = tpu.memref_slice %arg3[%dma_start3A_103, %dma_start3A_104] : memref<10000x64xf32, #tpu.memory_space<hbm>> -> memref<10000x64xf32, #tpu.memory_space<hbm>>
    tpu.enqueue_indirect_dma source(%dma_start3A_105 : memref<10000x64xf32, #tpu.memory_space<hbm>>) target(%dma_start3A_101 : memref<80x64xf32, #tpu.memory_space<vmem>>) offsets(%dma_start3A_102 : memref<80xi32, #tpu.memory_space<vmem>>) semaphore(%arg14 : memref<!tpu.dma_semaphore, #tpu.memory_space<semaphore_mem>>)
    %scan3A_106 = arith.constant 0 : i32
    %scan3A_107 = arith.constant 0 : i32
    %scan3A_108 = arith.constant 25 : i32
    %scan3A_109 = arith.addi %scan3A_107, %scan3A_108 : i32
    %scan3A_110 = arith.constant 1 : i32
    scf.for %scan3A_473 = %scan3A_107 to %scan3A_109 step %scan3A_110  : i32 {
      %mul3A_474 = arith.constant 5 : i32
      %mul3A_475 = arith.muli %scan3A_473, %mul3A_474 : i32
      %add3A_476 = arith.constant 0 : i32
      %add3A_477 = arith.addi %mul3A_475, %add3A_476 : i32
      %mul3A_478 = arith.constant 80 : i32
      %mul3A_479 = arith.muli %add3A_477, %mul3A_478 : i32
      %multiple_of3A_480 = tpu.assume_multiple %mul3A_479, 8 : i32
      %dma_wait3A_481 = arith.constant 0 : i32
      %dma_wait3A_482 = arith.constant 0 : i32
      %dma_wait3A_483 = arith.constant 0 : i32
      %dma_wait3A_484 = tpu.memref_slice %arg8[%dma_wait3A_481, %dma_wait3A_482, %dma_wait3A_483] : memref<5x80x64xf32, #tpu.memory_space<vmem>> -> memref<1x80x64xf32, #tpu.memory_space<vmem>>
      %dma_wait3A_485 = tpu.memref_squeeze %dma_wait3A_484 : memref<1x80x64xf32, #tpu.memory_space<vmem>> -> memref<80x64xf32, #tpu.memory_space<vmem>>
      %dma_wait3A_486 = tpu.memref_slice %arg6[%multiple_of3A_480] : memref<10000xi32, #tpu.memory_space<vmem>> -> memref<80xi32, #tpu.memory_space<vmem>>
      %dma_wait3A_487 = arith.constant 0 : i32
      %dma_wait3A_488 = arith.constant 0 : i32
      %dma_wait3A_489 = tpu.memref_slice %arg3[%dma_wait3A_487, %dma_wait3A_488] : memref<10000x64xf32, #tpu.memory_space<hbm>> -> memref<10000x64xf32, #tpu.memory_space<hbm>>
      tpu.wait_indirect_dma semaphore(%arg10 : memref<!tpu.dma_semaphore, #tpu.memory_space<semaphore_mem>>) src(%dma_wait3A_489 : memref<10000x64xf32, #tpu.memory_space<hbm>>) dst(%dma_wait3A_485 : memref<80x64xf32, #tpu.memory_space<vmem>>)
      %mul3A_490 = arith.constant 80 : i32
      %mul3A_491 = arith.muli %add3A_477, %mul3A_490 : i32
      %multiple_of3A_492 = tpu.assume_multiple %mul3A_491, 8 : i32
      %dma_start3A_493 = arith.constant 0 : i32
      %dma_start3A_494 = arith.constant 0 : i32
      %dma_start3A_495 = arith.constant 0 : i32
      %dma_start3A_496 = tpu.memref_slice %arg8[%dma_start3A_493, %dma_start3A_494, %dma_start3A_495] : memref<5x80x64xf32, #tpu.memory_space<vmem>> -> memref<1x80x64xf32, #tpu.memory_space<vmem>>
      %dma_start3A_497 = tpu.memref_squeeze %dma_start3A_496 : memref<1x80x64xf32, #tpu.memory_space<vmem>> -> memref<80x64xf32, #tpu.memory_space<vmem>>
      %dma_start3A_498 = tpu.memref_slice %arg7[%multiple_of3A_492] : memref<10000xi32, #tpu.memory_space<vmem>> -> memref<80xi32, #tpu.memory_space<vmem>>
      %dma_start3A_499 = arith.constant 0 : i32
      %dma_start3A_500 = arith.constant 0 : i32
      %dma_start3A_501 = tpu.memref_slice %arg5[%dma_start3A_499, %dma_start3A_500] : memref<10240x64xf32, #tpu.memory_space<vmem_shared>> -> memref<10240x64xf32, #tpu.memory_space<vmem_shared>>
      tpu.enqueue_indirect_dma source(%dma_start3A_497 : memref<80x64xf32, #tpu.memory_space<vmem>>) target(%dma_start3A_501 : memref<10240x64xf32, #tpu.memory_space<vmem_shared>>) offsets(%dma_start3A_498 : memref<80xi32, #tpu.memory_space<vmem>>) semaphore(%arg15 : memref<!tpu.dma_semaphore, #tpu.memory_space<semaphore_mem>>) {add = true}
      %mul3A_502 = arith.constant 5 : i32
      %mul3A_503 = arith.muli %scan3A_473, %mul3A_502 : i32
      %add3A_504 = arith.constant 1 : i32
      %add3A_505 = arith.addi %mul3A_503, %add3A_504 : i32
      %mul3A_506 = arith.constant 80 : i32
      %mul3A_507 = arith.muli %add3A_505, %mul3A_506 : i32
      %multiple_of3A_508 = tpu.assume_multiple %mul3A_507, 8 : i32
      %dma_wait3A_509 = arith.constant 1 : i32
      %dma_wait3A_510 = arith.constant 0 : i32
      %dma_wait3A_511 = arith.constant 0 : i32
      %dma_wait3A_512 = tpu.memref_slice %arg8[%dma_wait3A_509, %dma_wait3A_510, %dma_wait3A_511] : memref<5x80x64xf32, #tpu.memory_space<vmem>> -> memref<1x80x64xf32, #tpu.memory_space<vmem>>
      %dma_wait3A_513 = tpu.memref_squeeze %dma_wait3A_512 : memref<1x80x64xf32, #tpu.memory_space<vmem>> -> memref<80x64xf32, #tpu.memory_space<vmem>>
      %dma_wait3A_514 = tpu.memref_slice %arg6[%multiple_of3A_508] : memref<10000xi32, #tpu.memory_space<vmem>> -> memref<80xi32, #tpu.memory_space<vmem>>
      %dma_wait3A_515 = arith.constant 0 : i32
      %dma_wait3A_516 = arith.constant 0 : i32
      %dma_wait3A_517 = tpu.memref_slice %arg3[%dma_wait3A_515, %dma_wait3A_516] : memref<10000x64xf32, #tpu.memory_space<hbm>> -> memref<10000x64xf32, #tpu.memory_space<hbm>>
      tpu.wait_indirect_dma semaphore(%arg11 : memref<!tpu.dma_semaphore, #tpu.memory_space<semaphore_mem>>) src(%dma_wait3A_517 : memref<10000x64xf32, #tpu.memory_space<hbm>>) dst(%dma_wait3A_513 : memref<80x64xf32, #tpu.memory_space<vmem>>)
      %mul3A_518 = arith.constant 80 : i32
      %mul3A_519 = arith.muli %add3A_505, %mul3A_518 : i32
      %multiple_of3A_520 = tpu.assume_multiple %mul3A_519, 8 : i32
      %dma_start3A_521 = arith.constant 1 : i32
      %dma_start3A_522 = arith.constant 0 : i32
      %dma_start3A_523 = arith.constant 0 : i32
      %dma_start3A_524 = tpu.memref_slice %arg8[%dma_start3A_521, %dma_start3A_522, %dma_start3A_523] : memref<5x80x64xf32, #tpu.memory_space<vmem>> -> memref<1x80x64xf32, #tpu.memory_space<vmem>>
      %dma_start3A_525 = tpu.memref_squeeze %dma_start3A_524 : memref<1x80x64xf32, #tpu.memory_space<vmem>> -> memref<80x64xf32, #tpu.memory_space<vmem>>
      %dma_start3A_526 = tpu.memref_slice %arg7[%multiple_of3A_520] : memref<10000xi32, #tpu.memory_space<vmem>> -> memref<80xi32, #tpu.memory_space<vmem>>
      %dma_start3A_527 = arith.constant 0 : i32
      %dma_start3A_528 = arith.constant 0 : i32
      %dma_start3A_529 = tpu.memref_slice %arg5[%dma_start3A_527, %dma_start3A_528] : memref<10240x64xf32, #tpu.memory_space<vmem_shared>> -> memref<10240x64xf32, #tpu.memory_space<vmem_shared>>
      tpu.enqueue_indirect_dma source(%dma_start3A_525 : memref<80x64xf32, #tpu.memory_space<vmem>>) target(%dma_start3A_529 : memref<10240x64xf32, #tpu.memory_space<vmem_shared>>) offsets(%dma_start3A_526 : memref<80xi32, #tpu.memory_space<vmem>>) semaphore(%arg16 : memref<!tpu.dma_semaphore, #tpu.memory_space<semaphore_mem>>) {add = true}
      %mul3A_530 = arith.constant 5 : i32
      %mul3A_531 = arith.muli %scan3A_473, %mul3A_530 : i32
      %add3A_532 = arith.constant 2 : i32
      %add3A_533 = arith.addi %mul3A_531, %add3A_532 : i32
      %mul3A_534 = arith.constant 80 : i32
      %mul3A_535 = arith.muli %add3A_533, %mul3A_534 : i32
      %multiple_of3A_536 = tpu.assume_multiple %mul3A_535, 8 : i32
      %dma_wait3A_537 = arith.constant 2 : i32
      %dma_wait3A_538 = arith.constant 0 : i32
      %dma_wait3A_539 = arith.constant 0 : i32
      %dma_wait3A_540 = tpu.memref_slice %arg8[%dma_wait3A_537, %dma_wait3A_538, %dma_wait3A_539] : memref<5x80x64xf32, #tpu.memory_space<vmem>> -> memref<1x80x64xf32, #tpu.memory_space<vmem>>
      %dma_wait3A_541 = tpu.memref_squeeze %dma_wait3A_540 : memref<1x80x64xf32, #tpu.memory_space<vmem>> -> memref<80x64xf32, #tpu.memory_space<vmem>>
      %dma_wait3A_542 = tpu.memref_slice %arg6[%multiple_of3A_536] : memref<10000xi32, #tpu.memory_space<vmem>> -> memref<80xi32, #tpu.memory_space<vmem>>
      %dma_wait3A_543 = arith.constant 0 : i32
      %dma_wait3A_544 = arith.constant 0 : i32
      %dma_wait3A_545 = tpu.memref_slice %arg3[%dma_wait3A_543, %dma_wait3A_544] : memref<10000x64xf32, #tpu.memory_space<hbm>> -> memref<10000x64xf32, #tpu.memory_space<hbm>>
      tpu.wait_indirect_dma semaphore(%arg12 : memref<!tpu.dma_semaphore, #tpu.memory_space<semaphore_mem>>) src(%dma_wait3A_545 : memref<10000x64xf32, #tpu.memory_space<hbm>>) dst(%dma_wait3A_541 : memref<80x64xf32, #tpu.memory_space<vmem>>)
      %mul3A_546 = arith.constant 80 : i32
      %mul3A_547 = arith.muli %add3A_533, %mul3A_546 : i32
      %multiple_of3A_548 = tpu.assume_multiple %mul3A_547, 8 : i32
      %dma_start3A_549 = arith.constant 2 : i32
      %dma_start3A_550 = arith.constant 0 : i32
      %dma_start3A_551 = arith.constant 0 : i32
      %dma_start3A_552 = tpu.memref_slice %arg8[%dma_start3A_549, %dma_start3A_550, %dma_start3A_551] : memref<5x80x64xf32, #tpu.memory_space<vmem>> -> memref<1x80x64xf32, #tpu.memory_space<vmem>>
      %dma_start3A_553 = tpu.memref_squeeze %dma_start3A_552 : memref<1x80x64xf32, #tpu.memory_space<vmem>> -> memref<80x64xf32, #tpu.memory_space<vmem>>
      %dma_start3A_554 = tpu.memref_slice %arg7[%multiple_of3A_548] : memref<10000xi32, #tpu.memory_space<vmem>> -> memref<80xi32, #tpu.memory_space<vmem>>
      %dma_start3A_555 = arith.constant 0 : i32
      %dma_start3A_556 = arith.constant 0 : i32
      %dma_start3A_557 = tpu.memref_slice %arg5[%dma_start3A_555, %dma_start3A_556] : memref<10240x64xf32, #tpu.memory_space<vmem_shared>> -> memref<10240x64xf32, #tpu.memory_space<vmem_shared>>
      tpu.enqueue_indirect_dma source(%dma_start3A_553 : memref<80x64xf32, #tpu.memory_space<vmem>>) target(%dma_start3A_557 : memref<10240x64xf32, #tpu.memory_space<vmem_shared>>) offsets(%dma_start3A_554 : memref<80xi32, #tpu.memory_space<vmem>>) semaphore(%arg17 : memref<!tpu.dma_semaphore, #tpu.memory_space<semaphore_mem>>) {add = true}
      %mul3A_558 = arith.constant 5 : i32
      %mul3A_559 = arith.muli %scan3A_473, %mul3A_558 : i32
      %add3A_560 = arith.constant 3 : i32
      %add3A_561 = arith.addi %mul3A_559, %add3A_560 : i32
      %mul3A_562 = arith.constant 80 : i32
      %mul3A_563 = arith.muli %add3A_561, %mul3A_562 : i32
      %multiple_of3A_564 = tpu.assume_multiple %mul3A_563, 8 : i32
      %dma_wait3A_565 = arith.constant 3 : i32
      %dma_wait3A_566 = arith.constant 0 : i32
      %dma_wait3A_567 = arith.constant 0 : i32
      %dma_wait3A_568 = tpu.memref_slice %arg8[%dma_wait3A_565, %dma_wait3A_566, %dma_wait3A_567] : memref<5x80x64xf32, #tpu.memory_space<vmem>> -> memref<1x80x64xf32, #tpu.memory_space<vmem>>
      %dma_wait3A_569 = tpu.memref_squeeze %dma_wait3A_568 : memref<1x80x64xf32, #tpu.memory_space<vmem>> -> memref<80x64xf32, #tpu.memory_space<vmem>>
      %dma_wait3A_570 = tpu.memref_slice %arg6[%multiple_of3A_564] : memref<10000xi32, #tpu.memory_space<vmem>> -> memref<80xi32, #tpu.memory_space<vmem>>
      %dma_wait3A_571 = arith.constant 0 : i32
      %dma_wait3A_572 = arith.constant 0 : i32
      %dma_wait3A_573 = tpu.memref_slice %arg3[%dma_wait3A_571, %dma_wait3A_572] : memref<10000x64xf32, #tpu.memory_space<hbm>> -> memref<10000x64xf32, #tpu.memory_space<hbm>>
      tpu.wait_indirect_dma semaphore(%arg13 : memref<!tpu.dma_semaphore, #tpu.memory_space<semaphore_mem>>) src(%dma_wait3A_573 : memref<10000x64xf32, #tpu.memory_space<hbm>>) dst(%dma_wait3A_569 : memref<80x64xf32, #tpu.memory_space<vmem>>)
      %mul3A_574 = arith.constant 80 : i32
      %mul3A_575 = arith.muli %add3A_561, %mul3A_574 : i32
      %multiple_of3A_576 = tpu.assume_multiple %mul3A_575, 8 : i32
      %dma_start3A_577 = arith.constant 3 : i32
      %dma_start3A_578 = arith.constant 0 : i32
      %dma_start3A_579 = arith.constant 0 : i32
      %dma_start3A_580 = tpu.memref_slice %arg8[%dma_start3A_577, %dma_start3A_578, %dma_start3A_579] : memref<5x80x64xf32, #tpu.memory_space<vmem>> -> memref<1x80x64xf32, #tpu.memory_space<vmem>>
      %dma_start3A_581 = tpu.memref_squeeze %dma_start3A_580 : memref<1x80x64xf32, #tpu.memory_space<vmem>> -> memref<80x64xf32, #tpu.memory_space<vmem>>
      %dma_start3A_582 = tpu.memref_slice %arg7[%multiple_of3A_576] : memref<10000xi32, #tpu.memory_space<vmem>> -> memref<80xi32, #tpu.memory_space<vmem>>
      %dma_start3A_583 = arith.constant 0 : i32
      %dma_start3A_584 = arith.constant 0 : i32
      %dma_start3A_585 = tpu.memref_slice %arg5[%dma_start3A_583, %dma_start3A_584] : memref<10240x64xf32, #tpu.memory_space<vmem_shared>> -> memref<10240x64xf32, #tpu.memory_space<vmem_shared>>
      tpu.enqueue_indirect_dma source(%dma_start3A_581 : memref<80x64xf32, #tpu.memory_space<vmem>>) target(%dma_start3A_585 : memref<10240x64xf32, #tpu.memory_space<vmem_shared>>) offsets(%dma_start3A_582 : memref<80xi32, #tpu.memory_space<vmem>>) semaphore(%arg18 : memref<!tpu.dma_semaphore, #tpu.memory_space<semaphore_mem>>) {add = true}
      %mul3A_586 = arith.constant 5 : i32
      %mul3A_587 = arith.muli %scan3A_473, %mul3A_586 : i32
      %add3A_588 = arith.constant 4 : i32
      %add3A_589 = arith.addi %mul3A_587, %add3A_588 : i32
      %mul3A_590 = arith.constant 80 : i32
      %mul3A_591 = arith.muli %add3A_589, %mul3A_590 : i32
      %multiple_of3A_592 = tpu.assume_multiple %mul3A_591, 8 : i32
      %dma_wait3A_593 = arith.constant 4 : i32
      %dma_wait3A_594 = arith.constant 0 : i32
      %dma_wait3A_595 = arith.constant 0 : i32
      %dma_wait3A_596 = tpu.memref_slice %arg8[%dma_wait3A_593, %dma_wait3A_594, %dma_wait3A_595] : memref<5x80x64xf32, #tpu.memory_space<vmem>> -> memref<1x80x64xf32, #tpu.memory_space<vmem>>
      %dma_wait3A_597 = tpu.memref_squeeze %dma_wait3A_596 : memref<1x80x64xf32, #tpu.memory_space<vmem>> -> memref<80x64xf32, #tpu.memory_space<vmem>>
      %dma_wait3A_598 = tpu.memref_slice %arg6[%multiple_of3A_592] : memref<10000xi32, #tpu.memory_space<vmem>> -> memref<80xi32, #tpu.memory_space<vmem>>
      %dma_wait3A_599 = arith.constant 0 : i32
      %dma_wait3A_600 = arith.constant 0 : i32
      %dma_wait3A_601 = tpu.memref_slice %arg3[%dma_wait3A_599, %dma_wait3A_600] : memref<10000x64xf32, #tpu.memory_space<hbm>> -> memref<10000x64xf32, #tpu.memory_space<hbm>>
      tpu.wait_indirect_dma semaphore(%arg14 : memref<!tpu.dma_semaphore, #tpu.memory_space<semaphore_mem>>) src(%dma_wait3A_601 : memref<10000x64xf32, #tpu.memory_space<hbm>>) dst(%dma_wait3A_597 : memref<80x64xf32, #tpu.memory_space<vmem>>)
      %mul3A_602 = arith.constant 80 : i32
      %mul3A_603 = arith.muli %add3A_589, %mul3A_602 : i32
      %multiple_of3A_604 = tpu.assume_multiple %mul3A_603, 8 : i32
      %dma_start3A_605 = arith.constant 4 : i32
      %dma_start3A_606 = arith.constant 0 : i32
      %dma_start3A_607 = arith.constant 0 : i32
      %dma_start3A_608 = tpu.memref_slice %arg8[%dma_start3A_605, %dma_start3A_606, %dma_start3A_607] : memref<5x80x64xf32, #tpu.memory_space<vmem>> -> memref<1x80x64xf32, #tpu.memory_space<vmem>>
      %dma_start3A_609 = tpu.memref_squeeze %dma_start3A_608 : memref<1x80x64xf32, #tpu.memory_space<vmem>> -> memref<80x64xf32, #tpu.memory_space<vmem>>
      %dma_start3A_610 = tpu.memref_slice %arg7[%multiple_of3A_604] : memref<10000xi32, #tpu.memory_space<vmem>> -> memref<80xi32, #tpu.memory_space<vmem>>
      %dma_start3A_611 = arith.constant 0 : i32
      %dma_start3A_612 = arith.constant 0 : i32
      %dma_start3A_613 = tpu.memref_slice %arg5[%dma_start3A_611, %dma_start3A_612] : memref<10240x64xf32, #tpu.memory_space<vmem_shared>> -> memref<10240x64xf32, #tpu.memory_space<vmem_shared>>
      tpu.enqueue_indirect_dma source(%dma_start3A_609 : memref<80x64xf32, #tpu.memory_space<vmem>>) target(%dma_start3A_613 : memref<10240x64xf32, #tpu.memory_space<vmem_shared>>) offsets(%dma_start3A_610 : memref<80xi32, #tpu.memory_space<vmem>>) semaphore(%arg19 : memref<!tpu.dma_semaphore, #tpu.memory_space<semaphore_mem>>) {add = true}
      %mul3A_614 = arith.constant 5 : i32
      %mul3A_615 = arith.muli %scan3A_473, %mul3A_614 : i32
      %add3A_616 = arith.constant 0 : i32
      %add3A_617 = arith.addi %mul3A_615, %add3A_616 : i32
      %mul3A_618 = arith.constant 80 : i32
      %mul3A_619 = arith.muli %add3A_617, %mul3A_618 : i32
      %multiple_of3A_620 = tpu.assume_multiple %mul3A_619, 8 : i32
      %dma_wait3A_621 = arith.constant 0 : i32
      %dma_wait3A_622 = arith.constant 0 : i32
      %dma_wait3A_623 = arith.constant 0 : i32
      %dma_wait3A_624 = tpu.memref_slice %arg8[%dma_wait3A_621, %dma_wait3A_622, %dma_wait3A_623] : memref<5x80x64xf32, #tpu.memory_space<vmem>> -> memref<1x80x64xf32, #tpu.memory_space<vmem>>
      %dma_wait3A_625 = tpu.memref_squeeze %dma_wait3A_624 : memref<1x80x64xf32, #tpu.memory_space<vmem>> -> memref<80x64xf32, #tpu.memory_space<vmem>>
      %dma_wait3A_626 = tpu.memref_slice %arg7[%multiple_of3A_620] : memref<10000xi32, #tpu.memory_space<vmem>> -> memref<80xi32, #tpu.memory_space<vmem>>
      %dma_wait3A_627 = arith.constant 0 : i32
      %dma_wait3A_628 = arith.constant 0 : i32
      %dma_wait3A_629 = tpu.memref_slice %arg5[%dma_wait3A_627, %dma_wait3A_628] : memref<10240x64xf32, #tpu.memory_space<vmem_shared>> -> memref<10240x64xf32, #tpu.memory_space<vmem_shared>>
      tpu.wait_indirect_dma semaphore(%arg15 : memref<!tpu.dma_semaphore, #tpu.memory_space<semaphore_mem>>) src(%dma_wait3A_625 : memref<80x64xf32, #tpu.memory_space<vmem>>) dst(%dma_wait3A_629 : memref<10240x64xf32, #tpu.memory_space<vmem_shared>>)
      %add3A_630 = arith.constant 5 : i32
      %add3A_631 = arith.addi %add3A_617, %add3A_630 : i32
      %lt3A = arith.constant 125 : i32
      %lt3A_632 = arith.cmpi slt, %add3A_631, %lt3A : i32
      %convert_element_type3A = arith.extui %lt3A_632 : i1 to i32
      %cond3A = arith.constant 0 : i32
      %cond3A_633 = arith.cmpi ne, %convert_element_type3A, %cond3A : i32
      scf.if %cond3A_633 {
        %mul3A_726 = arith.constant 80 : i32
        %mul3A_727 = arith.muli %add3A_631, %mul3A_726 : i32
        %multiple_of3A_728 = tpu.assume_multiple %mul3A_727, 8 : i32
        %dma_start3A_729 = arith.constant 0 : i32
        %dma_start3A_730 = arith.constant 0 : i32
        %dma_start3A_731 = arith.constant 0 : i32
        %dma_start3A_732 = tpu.memref_slice %arg8[%dma_start3A_729, %dma_start3A_730, %dma_start3A_731] : memref<5x80x64xf32, #tpu.memory_space<vmem>> -> memref<1x80x64xf32, #tpu.memory_space<vmem>>
        %dma_start3A_733 = tpu.memref_squeeze %dma_start3A_732 : memref<1x80x64xf32, #tpu.memory_space<vmem>> -> memref<80x64xf32, #tpu.memory_space<vmem>>
        %dma_start3A_734 = tpu.memref_slice %arg6[%multiple_of3A_728] : memref<10000xi32, #tpu.memory_space<vmem>> -> memref<80xi32, #tpu.memory_space<vmem>>
        %dma_start3A_735 = arith.constant 0 : i32
        %dma_start3A_736 = arith.constant 0 : i32
        %dma_start3A_737 = tpu.memref_slice %arg3[%dma_start3A_735, %dma_start3A_736] : memref<10000x64xf32, #tpu.memory_space<hbm>> -> memref<10000x64xf32, #tpu.memory_space<hbm>>
        tpu.enqueue_indirect_dma source(%dma_start3A_737 : memref<10000x64xf32, #tpu.memory_space<hbm>>) target(%dma_start3A_733 : memref<80x64xf32, #tpu.memory_space<vmem>>) offsets(%dma_start3A_734 : memref<80xi32, #tpu.memory_space<vmem>>) semaphore(%arg10 : memref<!tpu.dma_semaphore, #tpu.memory_space<semaphore_mem>>)
      } else {
      }
      %mul3A_634 = arith.constant 5 : i32
      %mul3A_635 = arith.muli %scan3A_473, %mul3A_634 : i32
      %add3A_636 = arith.constant 1 : i32
      %add3A_637 = arith.addi %mul3A_635, %add3A_636 : i32
      %mul3A_638 = arith.constant 80 : i32
      %mul3A_639 = arith.muli %add3A_637, %mul3A_638 : i32
      %multiple_of3A_640 = tpu.assume_multiple %mul3A_639, 8 : i32
      %dma_wait3A_641 = arith.constant 1 : i32
      %dma_wait3A_642 = arith.constant 0 : i32
      %dma_wait3A_643 = arith.constant 0 : i32
      %dma_wait3A_644 = tpu.memref_slice %arg8[%dma_wait3A_641, %dma_wait3A_642, %dma_wait3A_643] : memref<5x80x64xf32, #tpu.memory_space<vmem>> -> memref<1x80x64xf32, #tpu.memory_space<vmem>>
      %dma_wait3A_645 = tpu.memref_squeeze %dma_wait3A_644 : memref<1x80x64xf32, #tpu.memory_space<vmem>> -> memref<80x64xf32, #tpu.memory_space<vmem>>
      %dma_wait3A_646 = tpu.memref_slice %arg7[%multiple_of3A_640] : memref<10000xi32, #tpu.memory_space<vmem>> -> memref<80xi32, #tpu.memory_space<vmem>>
      %dma_wait3A_647 = arith.constant 0 : i32
      %dma_wait3A_648 = arith.constant 0 : i32
      %dma_wait3A_649 = tpu.memref_slice %arg5[%dma_wait3A_647, %dma_wait3A_648] : memref<10240x64xf32, #tpu.memory_space<vmem_shared>> -> memref<10240x64xf32, #tpu.memory_space<vmem_shared>>
      tpu.wait_indirect_dma semaphore(%arg16 : memref<!tpu.dma_semaphore, #tpu.memory_space<semaphore_mem>>) src(%dma_wait3A_645 : memref<80x64xf32, #tpu.memory_space<vmem>>) dst(%dma_wait3A_649 : memref<10240x64xf32, #tpu.memory_space<vmem_shared>>)
      %add3A_650 = arith.constant 5 : i32
      %add3A_651 = arith.addi %add3A_637, %add3A_650 : i32
      %lt3A_652 = arith.constant 125 : i32
      %lt3A_653 = arith.cmpi slt, %add3A_651, %lt3A_652 : i32
      %convert_element_type3A_654 = arith.extui %lt3A_653 : i1 to i32
      %cond3A_655 = arith.constant 0 : i32
      %cond3A_656 = arith.cmpi ne, %convert_element_type3A_654, %cond3A_655 : i32
      scf.if %cond3A_656 {
        %mul3A_726 = arith.constant 80 : i32
        %mul3A_727 = arith.muli %add3A_651, %mul3A_726 : i32
        %multiple_of3A_728 = tpu.assume_multiple %mul3A_727, 8 : i32
        %dma_start3A_729 = arith.constant 1 : i32
        %dma_start3A_730 = arith.constant 0 : i32
        %dma_start3A_731 = arith.constant 0 : i32
        %dma_start3A_732 = tpu.memref_slice %arg8[%dma_start3A_729, %dma_start3A_730, %dma_start3A_731] : memref<5x80x64xf32, #tpu.memory_space<vmem>> -> memref<1x80x64xf32, #tpu.memory_space<vmem>>
        %dma_start3A_733 = tpu.memref_squeeze %dma_start3A_732 : memref<1x80x64xf32, #tpu.memory_space<vmem>> -> memref<80x64xf32, #tpu.memory_space<vmem>>
        %dma_start3A_734 = tpu.memref_slice %arg6[%multiple_of3A_728] : memref<10000xi32, #tpu.memory_space<vmem>> -> memref<80xi32, #tpu.memory_space<vmem>>
        %dma_start3A_735 = arith.constant 0 : i32
        %dma_start3A_736 = arith.constant 0 : i32
        %dma_start3A_737 = tpu.memref_slice %arg3[%dma_start3A_735, %dma_start3A_736] : memref<10000x64xf32, #tpu.memory_space<hbm>> -> memref<10000x64xf32, #tpu.memory_space<hbm>>
        tpu.enqueue_indirect_dma source(%dma_start3A_737 : memref<10000x64xf32, #tpu.memory_space<hbm>>) target(%dma_start3A_733 : memref<80x64xf32, #tpu.memory_space<vmem>>) offsets(%dma_start3A_734 : memref<80xi32, #tpu.memory_space<vmem>>) semaphore(%arg11 : memref<!tpu.dma_semaphore, #tpu.memory_space<semaphore_mem>>)
      } else {
      }
      %mul3A_657 = arith.constant 5 : i32
      %mul3A_658 = arith.muli %scan3A_473, %mul3A_657 : i32
      %add3A_659 = arith.constant 2 : i32
      %add3A_660 = arith.addi %mul3A_658, %add3A_659 : i32
      %mul3A_661 = arith.constant 80 : i32
      %mul3A_662 = arith.muli %add3A_660, %mul3A_661 : i32
      %multiple_of3A_663 = tpu.assume_multiple %mul3A_662, 8 : i32
      %dma_wait3A_664 = arith.constant 2 : i32
      %dma_wait3A_665 = arith.constant 0 : i32
      %dma_wait3A_666 = arith.constant 0 : i32
      %dma_wait3A_667 = tpu.memref_slice %arg8[%dma_wait3A_664, %dma_wait3A_665, %dma_wait3A_666] : memref<5x80x64xf32, #tpu.memory_space<vmem>> -> memref<1x80x64xf32, #tpu.memory_space<vmem>>
      %dma_wait3A_668 = tpu.memref_squeeze %dma_wait3A_667 : memref<1x80x64xf32, #tpu.memory_space<vmem>> -> memref<80x64xf32, #tpu.memory_space<vmem>>
      %dma_wait3A_669 = tpu.memref_slice %arg7[%multiple_of3A_663] : memref<10000xi32, #tpu.memory_space<vmem>> -> memref<80xi32, #tpu.memory_space<vmem>>
      %dma_wait3A_670 = arith.constant 0 : i32
      %dma_wait3A_671 = arith.constant 0 : i32
      %dma_wait3A_672 = tpu.memref_slice %arg5[%dma_wait3A_670, %dma_wait3A_671] : memref<10240x64xf32, #tpu.memory_space<vmem_shared>> -> memref<10240x64xf32, #tpu.memory_space<vmem_shared>>
      tpu.wait_indirect_dma semaphore(%arg17 : memref<!tpu.dma_semaphore, #tpu.memory_space<semaphore_mem>>) src(%dma_wait3A_668 : memref<80x64xf32, #tpu.memory_space<vmem>>) dst(%dma_wait3A_672 : memref<10240x64xf32, #tpu.memory_space<vmem_shared>>)
      %add3A_673 = arith.constant 5 : i32
      %add3A_674 = arith.addi %add3A_660, %add3A_673 : i32
      %lt3A_675 = arith.constant 125 : i32
      %lt3A_676 = arith.cmpi slt, %add3A_674, %lt3A_675 : i32
      %convert_element_type3A_677 = arith.extui %lt3A_676 : i1 to i32
      %cond3A_678 = arith.constant 0 : i32
      %cond3A_679 = arith.cmpi ne, %convert_element_type3A_677, %cond3A_678 : i32
      scf.if %cond3A_679 {
        %mul3A_726 = arith.constant 80 : i32
        %mul3A_727 = arith.muli %add3A_674, %mul3A_726 : i32
        %multiple_of3A_728 = tpu.assume_multiple %mul3A_727, 8 : i32
        %dma_start3A_729 = arith.constant 2 : i32
        %dma_start3A_730 = arith.constant 0 : i32
        %dma_start3A_731 = arith.constant 0 : i32
        %dma_start3A_732 = tpu.memref_slice %arg8[%dma_start3A_729, %dma_start3A_730, %dma_start3A_731] : memref<5x80x64xf32, #tpu.memory_space<vmem>> -> memref<1x80x64xf32, #tpu.memory_space<vmem>>
        %dma_start3A_733 = tpu.memref_squeeze %dma_start3A_732 : memref<1x80x64xf32, #tpu.memory_space<vmem>> -> memref<80x64xf32, #tpu.memory_space<vmem>>
        %dma_start3A_734 = tpu.memref_slice %arg6[%multiple_of3A_728] : memref<10000xi32, #tpu.memory_space<vmem>> -> memref<80xi32, #tpu.memory_space<vmem>>
        %dma_start3A_735 = arith.constant 0 : i32
        %dma_start3A_736 = arith.constant 0 : i32
        %dma_start3A_737 = tpu.memref_slice %arg3[%dma_start3A_735, %dma_start3A_736] : memref<10000x64xf32, #tpu.memory_space<hbm>> -> memref<10000x64xf32, #tpu.memory_space<hbm>>
        tpu.enqueue_indirect_dma source(%dma_start3A_737 : memref<10000x64xf32, #tpu.memory_space<hbm>>) target(%dma_start3A_733 : memref<80x64xf32, #tpu.memory_space<vmem>>) offsets(%dma_start3A_734 : memref<80xi32, #tpu.memory_space<vmem>>) semaphore(%arg12 : memref<!tpu.dma_semaphore, #tpu.memory_space<semaphore_mem>>)
      } else {
      }
      %mul3A_680 = arith.constant 5 : i32
      %mul3A_681 = arith.muli %scan3A_473, %mul3A_680 : i32
      %add3A_682 = arith.constant 3 : i32
      %add3A_683 = arith.addi %mul3A_681, %add3A_682 : i32
      %mul3A_684 = arith.constant 80 : i32
      %mul3A_685 = arith.muli %add3A_683, %mul3A_684 : i32
      %multiple_of3A_686 = tpu.assume_multiple %mul3A_685, 8 : i32
      %dma_wait3A_687 = arith.constant 3 : i32
      %dma_wait3A_688 = arith.constant 0 : i32
      %dma_wait3A_689 = arith.constant 0 : i32
      %dma_wait3A_690 = tpu.memref_slice %arg8[%dma_wait3A_687, %dma_wait3A_688, %dma_wait3A_689] : memref<5x80x64xf32, #tpu.memory_space<vmem>> -> memref<1x80x64xf32, #tpu.memory_space<vmem>>
      %dma_wait3A_691 = tpu.memref_squeeze %dma_wait3A_690 : memref<1x80x64xf32, #tpu.memory_space<vmem>> -> memref<80x64xf32, #tpu.memory_space<vmem>>
      %dma_wait3A_692 = tpu.memref_slice %arg7[%multiple_of3A_686] : memref<10000xi32, #tpu.memory_space<vmem>> -> memref<80xi32, #tpu.memory_space<vmem>>
      %dma_wait3A_693 = arith.constant 0 : i32
      %dma_wait3A_694 = arith.constant 0 : i32
      %dma_wait3A_695 = tpu.memref_slice %arg5[%dma_wait3A_693, %dma_wait3A_694] : memref<10240x64xf32, #tpu.memory_space<vmem_shared>> -> memref<10240x64xf32, #tpu.memory_space<vmem_shared>>
      tpu.wait_indirect_dma semaphore(%arg18 : memref<!tpu.dma_semaphore, #tpu.memory_space<semaphore_mem>>) src(%dma_wait3A_691 : memref<80x64xf32, #tpu.memory_space<vmem>>) dst(%dma_wait3A_695 : memref<10240x64xf32, #tpu.memory_space<vmem_shared>>)
      %add3A_696 = arith.constant 5 : i32
      %add3A_697 = arith.addi %add3A_683, %add3A_696 : i32
      %lt3A_698 = arith.constant 125 : i32
      %lt3A_699 = arith.cmpi slt, %add3A_697, %lt3A_698 : i32
      %convert_element_type3A_700 = arith.extui %lt3A_699 : i1 to i32
      %cond3A_701 = arith.constant 0 : i32
      %cond3A_702 = arith.cmpi ne, %convert_element_type3A_700, %cond3A_701 : i32
      scf.if %cond3A_702 {
        %mul3A_726 = arith.constant 80 : i32
        %mul3A_727 = arith.muli %add3A_697, %mul3A_726 : i32
        %multiple_of3A_728 = tpu.assume_multiple %mul3A_727, 8 : i32
        %dma_start3A_729 = arith.constant 3 : i32
        %dma_start3A_730 = arith.constant 0 : i32
        %dma_start3A_731 = arith.constant 0 : i32
        %dma_start3A_732 = tpu.memref_slice %arg8[%dma_start3A_729, %dma_start3A_730, %dma_start3A_731] : memref<5x80x64xf32, #tpu.memory_space<vmem>> -> memref<1x80x64xf32, #tpu.memory_space<vmem>>
        %dma_start3A_733 = tpu.memref_squeeze %dma_start3A_732 : memref<1x80x64xf32, #tpu.memory_space<vmem>> -> memref<80x64xf32, #tpu.memory_space<vmem>>
        %dma_start3A_734 = tpu.memref_slice %arg6[%multiple_of3A_728] : memref<10000xi32, #tpu.memory_space<vmem>> -> memref<80xi32, #tpu.memory_space<vmem>>
        %dma_start3A_735 = arith.constant 0 : i32
        %dma_start3A_736 = arith.constant 0 : i32
        %dma_start3A_737 = tpu.memref_slice %arg3[%dma_start3A_735, %dma_start3A_736] : memref<10000x64xf32, #tpu.memory_space<hbm>> -> memref<10000x64xf32, #tpu.memory_space<hbm>>
        tpu.enqueue_indirect_dma source(%dma_start3A_737 : memref<10000x64xf32, #tpu.memory_space<hbm>>) target(%dma_start3A_733 : memref<80x64xf32, #tpu.memory_space<vmem>>) offsets(%dma_start3A_734 : memref<80xi32, #tpu.memory_space<vmem>>) semaphore(%arg13 : memref<!tpu.dma_semaphore, #tpu.memory_space<semaphore_mem>>)
      } else {
      }
      %mul3A_703 = arith.constant 5 : i32
      %mul3A_704 = arith.muli %scan3A_473, %mul3A_703 : i32
      %add3A_705 = arith.constant 4 : i32
      %add3A_706 = arith.addi %mul3A_704, %add3A_705 : i32
      %mul3A_707 = arith.constant 80 : i32
      %mul3A_708 = arith.muli %add3A_706, %mul3A_707 : i32
      %multiple_of3A_709 = tpu.assume_multiple %mul3A_708, 8 : i32
      %dma_wait3A_710 = arith.constant 4 : i32
      %dma_wait3A_711 = arith.constant 0 : i32
      %dma_wait3A_712 = arith.constant 0 : i32
      %dma_wait3A_713 = tpu.memref_slice %arg8[%dma_wait3A_710, %dma_wait3A_711, %dma_wait3A_712] : memref<5x80x64xf32, #tpu.memory_space<vmem>> -> memref<1x80x64xf32, #tpu.memory_space<vmem>>
      %dma_wait3A_714 = tpu.memref_squeeze %dma_wait3A_713 : memref<1x80x64xf32, #tpu.memory_space<vmem>> -> memref<80x64xf32, #tpu.memory_space<vmem>>
      %dma_wait3A_715 = tpu.memref_slice %arg7[%multiple_of3A_709] : memref<10000xi32, #tpu.memory_space<vmem>> -> memref<80xi32, #tpu.memory_space<vmem>>
      %dma_wait3A_716 = arith.constant 0 : i32
      %dma_wait3A_717 = arith.constant 0 : i32
      %dma_wait3A_718 = tpu.memref_slice %arg5[%dma_wait3A_716, %dma_wait3A_717] : memref<10240x64xf32, #tpu.memory_space<vmem_shared>> -> memref<10240x64xf32, #tpu.memory_space<vmem_shared>>
      tpu.wait_indirect_dma semaphore(%arg19 : memref<!tpu.dma_semaphore, #tpu.memory_space<semaphore_mem>>) src(%dma_wait3A_714 : memref<80x64xf32, #tpu.memory_space<vmem>>) dst(%dma_wait3A_718 : memref<10240x64xf32, #tpu.memory_space<vmem_shared>>)
      %add3A_719 = arith.constant 5 : i32
      %add3A_720 = arith.addi %add3A_706, %add3A_719 : i32
      %lt3A_721 = arith.constant 125 : i32
      %lt3A_722 = arith.cmpi slt, %add3A_720, %lt3A_721 : i32
      %convert_element_type3A_723 = arith.extui %lt3A_722 : i1 to i32
      %cond3A_724 = arith.constant 0 : i32
      %cond3A_725 = arith.cmpi ne, %convert_element_type3A_723, %cond3A_724 : i32
      scf.if %cond3A_725 {
        %mul3A_726 = arith.constant 80 : i32
        %mul3A_727 = arith.muli %add3A_720, %mul3A_726 : i32
        %multiple_of3A_728 = tpu.assume_multiple %mul3A_727, 8 : i32
        %dma_start3A_729 = arith.constant 4 : i32
        %dma_start3A_730 = arith.constant 0 : i32
        %dma_start3A_731 = arith.constant 0 : i32
        %dma_start3A_732 = tpu.memref_slice %arg8[%dma_start3A_729, %dma_start3A_730, %dma_start3A_731] : memref<5x80x64xf32, #tpu.memory_space<vmem>> -> memref<1x80x64xf32, #tpu.memory_space<vmem>>
        %dma_start3A_733 = tpu.memref_squeeze %dma_start3A_732 : memref<1x80x64xf32, #tpu.memory_space<vmem>> -> memref<80x64xf32, #tpu.memory_space<vmem>>
        %dma_start3A_734 = tpu.memref_slice %arg6[%multiple_of3A_728] : memref<10000xi32, #tpu.memory_space<vmem>> -> memref<80xi32, #tpu.memory_space<vmem>>
        %dma_start3A_735 = arith.constant 0 : i32
        %dma_start3A_736 = arith.constant 0 : i32
        %dma_start3A_737 = tpu.memref_slice %arg3[%dma_start3A_735, %dma_start3A_736] : memref<10000x64xf32, #tpu.memory_space<hbm>> -> memref<10000x64xf32, #tpu.memory_space<hbm>>
        tpu.enqueue_indirect_dma source(%dma_start3A_737 : memref<10000x64xf32, #tpu.memory_space<hbm>>) target(%dma_start3A_733 : memref<80x64xf32, #tpu.memory_space<vmem>>) offsets(%dma_start3A_734 : memref<80xi32, #tpu.memory_space<vmem>>) semaphore(%arg14 : memref<!tpu.dma_semaphore, #tpu.memory_space<semaphore_mem>>)
      } else {
      }
    }
    %scan3A_111 = arith.constant 25 : i32
    %barrier3A_112 = arith.constant 0 : index
    tpu.barrier barrier_id(%barrier3A_112)
    %mul3A_113 = arith.constant 640 : i32
    %mul3A_114 = arith.muli %arg1, %mul3A_113 : i32
    %add3A_115 = arith.constant 0 : i32
    %add3A_116 = arith.addi %mul3A_114, %add3A_115 : i32
    %dma_start3A_117 = arith.constant 0 : i32
    %dma_start3A_118 = arith.constant 0 : i32
    %dma_start3A_119 = arith.constant 0 : i32
    %dma_start3A_120 = tpu.memref_slice %arg9[%dma_start3A_117, %dma_start3A_118, %dma_start3A_119] : memref<2x128x64xf32, #tpu.memory_space<vmem>> -> memref<1x128x64xf32, #tpu.memory_space<vmem>>
    %dma_start3A_121 = tpu.memref_squeeze %dma_start3A_120 : memref<1x128x64xf32, #tpu.memory_space<vmem>> -> memref<128x64xf32, #tpu.memory_space<vmem>>
    %dma_start3A_122 = arith.constant 0 : i32
    %dma_start3A_123 = tpu.memref_slice %arg5[%add3A_116, %dma_start3A_122] : memref<10240x64xf32, #tpu.memory_space<vmem_shared>> -> memref<128x64xf32, #tpu.memory_space<vmem_shared>>
    %dma_start3A_124 = arith.constant 0 : i32
    %dma_start3A_125 = arith.constant 0 : i32
    %dma_start3A_126 = tpu.memref_slice %arg9[%dma_start3A_117, %dma_start3A_124, %dma_start3A_125] : memref<2x128x64xf32, #tpu.memory_space<vmem>> -> memref<1x128x64xf32, #tpu.memory_space<vmem>>
    %dma_start3A_127 = tpu.memref_squeeze %dma_start3A_126 : memref<1x128x64xf32, #tpu.memory_space<vmem>> -> memref<128x64xf32, #tpu.memory_space<vmem>>
    %dma_start3A_128 = arith.constant 0 : i32
    %dma_start3A_129 = tpu.memref_slice %arg5[%add3A_116, %dma_start3A_128] : memref<10240x64xf32, #tpu.memory_space<vmem_shared>> -> memref<128x64xf32, #tpu.memory_space<vmem_shared>>
    tpu.enqueue_dma source(%dma_start3A_129 : memref<128x64xf32, #tpu.memory_space<vmem_shared>>) target(%dma_start3A_127 : memref<128x64xf32, #tpu.memory_space<vmem>>) target_semaphore(%arg10 : memref<!tpu.dma_semaphore, #tpu.memory_space<semaphore_mem>>)
    %mul3A_130 = arith.constant 640 : i32
    %mul3A_131 = arith.muli %arg1, %mul3A_130 : i32
    %add3A_132 = arith.constant 0 : i32
    %add3A_133 = arith.addi %mul3A_131, %add3A_132 : i32
    %dma_wait3A_134 = arith.constant 0 : i32
    %dma_wait3A_135 = arith.constant 0 : i32
    %dma_wait3A_136 = arith.constant 0 : i32
    %dma_wait3A_137 = tpu.memref_slice %arg9[%dma_wait3A_134, %dma_wait3A_135, %dma_wait3A_136] : memref<2x128x64xf32, #tpu.memory_space<vmem>> -> memref<1x128x64xf32, #tpu.memory_space<vmem>>
    %dma_wait3A_138 = tpu.memref_squeeze %dma_wait3A_137 : memref<1x128x64xf32, #tpu.memory_space<vmem>> -> memref<128x64xf32, #tpu.memory_space<vmem>>
    %dma_wait3A_139 = arith.constant 0 : i32
    %dma_wait3A_140 = tpu.memref_slice %arg5[%add3A_133, %dma_wait3A_139] : memref<10240x64xf32, #tpu.memory_space<vmem_shared>> -> memref<128x64xf32, #tpu.memory_space<vmem_shared>>
    %dma_wait3A_141 = arith.constant 0 : i32
    %dma_wait3A_142 = arith.constant 0 : i32
    %dma_wait3A_143 = tpu.memref_slice %arg9[%dma_wait3A_134, %dma_wait3A_141, %dma_wait3A_142] : memref<2x128x64xf32, #tpu.memory_space<vmem>> -> memref<1x128x64xf32, #tpu.memory_space<vmem>>
    %dma_wait3A_144 = tpu.memref_squeeze %dma_wait3A_143 : memref<1x128x64xf32, #tpu.memory_space<vmem>> -> memref<128x64xf32, #tpu.memory_space<vmem>>
    %dma_wait3A_145 = arith.constant 0 : i32
    %dma_wait3A_146 = tpu.memref_slice %arg5[%add3A_133, %dma_wait3A_145] : memref<10240x64xf32, #tpu.memory_space<vmem_shared>> -> memref<128x64xf32, #tpu.memory_space<vmem_shared>>
    tpu.wait_dma2 semaphore(%arg10 : memref<!tpu.dma_semaphore, #tpu.memory_space<semaphore_mem>>) src(%dma_wait3A_146 : memref<128x64xf32, #tpu.memory_space<vmem_shared>>) dst(%dma_wait3A_144 : memref<128x64xf32, #tpu.memory_space<vmem>>)
    %mul3A_147 = arith.constant 640 : i32
    %mul3A_148 = arith.muli %arg1, %mul3A_147 : i32
    %add3A_149 = arith.constant 0 : i32
    %add3A_150 = arith.addi %mul3A_148, %add3A_149 : i32
    %dma_start3A_151 = arith.constant 0 : i32
    %dma_start3A_152 = arith.constant 0 : i32
    %dma_start3A_153 = arith.constant 0 : i32
    %dma_start3A_154 = tpu.memref_slice %arg9[%dma_start3A_151, %dma_start3A_152, %dma_start3A_153] : memref<2x128x64xf32, #tpu.memory_space<vmem>> -> memref<1x128x64xf32, #tpu.memory_space<vmem>>
    %dma_start3A_155 = tpu.memref_squeeze %dma_start3A_154 : memref<1x128x64xf32, #tpu.memory_space<vmem>> -> memref<128x64xf32, #tpu.memory_space<vmem>>
    %dma_start3A_156 = arith.constant 0 : i32
    %dma_start3A_157 = tpu.memref_slice %arg4[%arg0, %add3A_150, %dma_start3A_156] : memref<2x10240x64xf32, #tpu.memory_space<hbm>> -> memref<1x128x64xf32, #tpu.memory_space<hbm>>
    %dma_start3A_158 = tpu.memref_squeeze %dma_start3A_157 : memref<1x128x64xf32, #tpu.memory_space<hbm>> -> memref<128x64xf32, #tpu.memory_space<hbm>>
    %dma_start3A_159 = arith.constant 0 : i32
    %dma_start3A_160 = tpu.memref_slice %arg4[%arg0, %add3A_150, %dma_start3A_159] : memref<2x10240x64xf32, #tpu.memory_space<hbm>> -> memref<1x128x64xf32, #tpu.memory_space<hbm>>
    %dma_start3A_161 = tpu.memref_squeeze %dma_start3A_160 : memref<1x128x64xf32, #tpu.memory_space<hbm>> -> memref<128x64xf32, #tpu.memory_space<hbm>>
    %dma_start3A_162 = arith.constant 0 : i32
    %dma_start3A_163 = arith.constant 0 : i32
    %dma_start3A_164 = tpu.memref_slice %arg9[%dma_start3A_151, %dma_start3A_162, %dma_start3A_163] : memref<2x128x64xf32, #tpu.memory_space<vmem>> -> memref<1x128x64xf32, #tpu.memory_space<vmem>>
    %dma_start3A_165 = tpu.memref_squeeze %dma_start3A_164 : memref<1x128x64xf32, #tpu.memory_space<vmem>> -> memref<128x64xf32, #tpu.memory_space<vmem>>
    tpu.enqueue_dma source(%dma_start3A_165 : memref<128x64xf32, #tpu.memory_space<vmem>>) target(%dma_start3A_161 : memref<128x64xf32, #tpu.memory_space<hbm>>) target_semaphore(%arg15 : memref<!tpu.dma_semaphore, #tpu.memory_space<semaphore_mem>>)
    %mul3A_166 = arith.constant 640 : i32
    %mul3A_167 = arith.muli %arg1, %mul3A_166 : i32
    %add3A_168 = arith.constant 128 : i32
    %add3A_169 = arith.addi %mul3A_167, %add3A_168 : i32
    %dma_start3A_170 = arith.constant 1 : i32
    %dma_start3A_171 = arith.constant 0 : i32
    %dma_start3A_172 = arith.constant 0 : i32
    %dma_start3A_173 = tpu.memref_slice %arg9[%dma_start3A_170, %dma_start3A_171, %dma_start3A_172] : memref<2x128x64xf32, #tpu.memory_space<vmem>> -> memref<1x128x64xf32, #tpu.memory_space<vmem>>
    %dma_start3A_174 = tpu.memref_squeeze %dma_start3A_173 : memref<1x128x64xf32, #tpu.memory_space<vmem>> -> memref<128x64xf32, #tpu.memory_space<vmem>>
    %dma_start3A_175 = arith.constant 0 : i32
    %dma_start3A_176 = tpu.memref_slice %arg5[%add3A_169, %dma_start3A_175] : memref<10240x64xf32, #tpu.memory_space<vmem_shared>> -> memref<128x64xf32, #tpu.memory_space<vmem_shared>>
    %dma_start3A_177 = arith.constant 0 : i32
    %dma_start3A_178 = arith.constant 0 : i32
    %dma_start3A_179 = tpu.memref_slice %arg9[%dma_start3A_170, %dma_start3A_177, %dma_start3A_178] : memref<2x128x64xf32, #tpu.memory_space<vmem>> -> memref<1x128x64xf32, #tpu.memory_space<vmem>>
    %dma_start3A_180 = tpu.memref_squeeze %dma_start3A_179 : memref<1x128x64xf32, #tpu.memory_space<vmem>> -> memref<128x64xf32, #tpu.memory_space<vmem>>
    %dma_start3A_181 = arith.constant 0 : i32
    %dma_start3A_182 = tpu.memref_slice %arg5[%add3A_169, %dma_start3A_181] : memref<10240x64xf32, #tpu.memory_space<vmem_shared>> -> memref<128x64xf32, #tpu.memory_space<vmem_shared>>
    tpu.enqueue_dma source(%dma_start3A_182 : memref<128x64xf32, #tpu.memory_space<vmem_shared>>) target(%dma_start3A_180 : memref<128x64xf32, #tpu.memory_space<vmem>>) target_semaphore(%arg11 : memref<!tpu.dma_semaphore, #tpu.memory_space<semaphore_mem>>)
    %mul3A_183 = arith.constant 640 : i32
    %mul3A_184 = arith.muli %arg1, %mul3A_183 : i32
    %add3A_185 = arith.constant 128 : i32
    %add3A_186 = arith.addi %mul3A_184, %add3A_185 : i32
    %dma_wait3A_187 = arith.constant 1 : i32
    %dma_wait3A_188 = arith.constant 0 : i32
    %dma_wait3A_189 = arith.constant 0 : i32
    %dma_wait3A_190 = tpu.memref_slice %arg9[%dma_wait3A_187, %dma_wait3A_188, %dma_wait3A_189] : memref<2x128x64xf32, #tpu.memory_space<vmem>> -> memref<1x128x64xf32, #tpu.memory_space<vmem>>
    %dma_wait3A_191 = tpu.memref_squeeze %dma_wait3A_190 : memref<1x128x64xf32, #tpu.memory_space<vmem>> -> memref<128x64xf32, #tpu.memory_space<vmem>>
    %dma_wait3A_192 = arith.constant 0 : i32
    %dma_wait3A_193 = tpu.memref_slice %arg5[%add3A_186, %dma_wait3A_192] : memref<10240x64xf32, #tpu.memory_space<vmem_shared>> -> memref<128x64xf32, #tpu.memory_space<vmem_shared>>
    %dma_wait3A_194 = arith.constant 0 : i32
    %dma_wait3A_195 = arith.constant 0 : i32
    %dma_wait3A_196 = tpu.memref_slice %arg9[%dma_wait3A_187, %dma_wait3A_194, %dma_wait3A_195] : memref<2x128x64xf32, #tpu.memory_space<vmem>> -> memref<1x128x64xf32, #tpu.memory_space<vmem>>
    %dma_wait3A_197 = tpu.memref_squeeze %dma_wait3A_196 : memref<1x128x64xf32, #tpu.memory_space<vmem>> -> memref<128x64xf32, #tpu.memory_space<vmem>>
    %dma_wait3A_198 = arith.constant 0 : i32
    %dma_wait3A_199 = tpu.memref_slice %arg5[%add3A_186, %dma_wait3A_198] : memref<10240x64xf32, #tpu.memory_space<vmem_shared>> -> memref<128x64xf32, #tpu.memory_space<vmem_shared>>
    tpu.wait_dma2 semaphore(%arg11 : memref<!tpu.dma_semaphore, #tpu.memory_space<semaphore_mem>>) src(%dma_wait3A_199 : memref<128x64xf32, #tpu.memory_space<vmem_shared>>) dst(%dma_wait3A_197 : memref<128x64xf32, #tpu.memory_space<vmem>>)
    %mul3A_200 = arith.constant 640 : i32
    %mul3A_201 = arith.muli %arg1, %mul3A_200 : i32
    %add3A_202 = arith.constant 128 : i32
    %add3A_203 = arith.addi %mul3A_201, %add3A_202 : i32
    %dma_start3A_204 = arith.constant 1 : i32
    %dma_start3A_205 = arith.constant 0 : i32
    %dma_start3A_206 = arith.constant 0 : i32
    %dma_start3A_207 = tpu.memref_slice %arg9[%dma_start3A_204, %dma_start3A_205, %dma_start3A_206] : memref<2x128x64xf32, #tpu.memory_space<vmem>> -> memref<1x128x64xf32, #tpu.memory_space<vmem>>
    %dma_start3A_208 = tpu.memref_squeeze %dma_start3A_207 : memref<1x128x64xf32, #tpu.memory_space<vmem>> -> memref<128x64xf32, #tpu.memory_space<vmem>>
    %dma_start3A_209 = arith.constant 0 : i32
    %dma_start3A_210 = tpu.memref_slice %arg4[%arg0, %add3A_203, %dma_start3A_209] : memref<2x10240x64xf32, #tpu.memory_space<hbm>> -> memref<1x128x64xf32, #tpu.memory_space<hbm>>
    %dma_start3A_211 = tpu.memref_squeeze %dma_start3A_210 : memref<1x128x64xf32, #tpu.memory_space<hbm>> -> memref<128x64xf32, #tpu.memory_space<hbm>>
    %dma_start3A_212 = arith.constant 0 : i32
    %dma_start3A_213 = tpu.memref_slice %arg4[%arg0, %add3A_203, %dma_start3A_212] : memref<2x10240x64xf32, #tpu.memory_space<hbm>> -> memref<1x128x64xf32, #tpu.memory_space<hbm>>
    %dma_start3A_214 = tpu.memref_squeeze %dma_start3A_213 : memref<1x128x64xf32, #tpu.memory_space<hbm>> -> memref<128x64xf32, #tpu.memory_space<hbm>>
    %dma_start3A_215 = arith.constant 0 : i32
    %dma_start3A_216 = arith.constant 0 : i32
    %dma_start3A_217 = tpu.memref_slice %arg9[%dma_start3A_204, %dma_start3A_215, %dma_start3A_216] : memref<2x128x64xf32, #tpu.memory_space<vmem>> -> memref<1x128x64xf32, #tpu.memory_space<vmem>>
    %dma_start3A_218 = tpu.memref_squeeze %dma_start3A_217 : memref<1x128x64xf32, #tpu.memory_space<vmem>> -> memref<128x64xf32, #tpu.memory_space<vmem>>
    tpu.enqueue_dma source(%dma_start3A_218 : memref<128x64xf32, #tpu.memory_space<vmem>>) target(%dma_start3A_214 : memref<128x64xf32, #tpu.memory_space<hbm>>) target_semaphore(%arg16 : memref<!tpu.dma_semaphore, #tpu.memory_space<semaphore_mem>>)
    %mul3A_219 = arith.constant 640 : i32
    %mul3A_220 = arith.muli %arg1, %mul3A_219 : i32
    %add3A_221 = arith.constant 0 : i32
    %add3A_222 = arith.addi %mul3A_220, %add3A_221 : i32
    %dma_wait3A_223 = arith.constant 0 : i32
    %dma_wait3A_224 = arith.constant 0 : i32
    %dma_wait3A_225 = arith.constant 0 : i32
    %dma_wait3A_226 = tpu.memref_slice %arg9[%dma_wait3A_223, %dma_wait3A_224, %dma_wait3A_225] : memref<2x128x64xf32, #tpu.memory_space<vmem>> -> memref<1x128x64xf32, #tpu.memory_space<vmem>>
    %dma_wait3A_227 = tpu.memref_squeeze %dma_wait3A_226 : memref<1x128x64xf32, #tpu.memory_space<vmem>> -> memref<128x64xf32, #tpu.memory_space<vmem>>
    %dma_wait3A_228 = arith.constant 0 : i32
    %dma_wait3A_229 = tpu.memref_slice %arg4[%arg0, %add3A_222, %dma_wait3A_228] : memref<2x10240x64xf32, #tpu.memory_space<hbm>> -> memref<1x128x64xf32, #tpu.memory_space<hbm>>
    %dma_wait3A_230 = tpu.memref_squeeze %dma_wait3A_229 : memref<1x128x64xf32, #tpu.memory_space<hbm>> -> memref<128x64xf32, #tpu.memory_space<hbm>>
    %dma_wait3A_231 = arith.constant 0 : i32
    %dma_wait3A_232 = tpu.memref_slice %arg4[%arg0, %add3A_222, %dma_wait3A_231] : memref<2x10240x64xf32, #tpu.memory_space<hbm>> -> memref<1x128x64xf32, #tpu.memory_space<hbm>>
    %dma_wait3A_233 = tpu.memref_squeeze %dma_wait3A_232 : memref<1x128x64xf32, #tpu.memory_space<hbm>> -> memref<128x64xf32, #tpu.memory_space<hbm>>
    %dma_wait3A_234 = arith.constant 0 : i32
    %dma_wait3A_235 = arith.constant 0 : i32
    %dma_wait3A_236 = tpu.memref_slice %arg9[%dma_wait3A_223, %dma_wait3A_234, %dma_wait3A_235] : memref<2x128x64xf32, #tpu.memory_space<vmem>> -> memref<1x128x64xf32, #tpu.memory_space<vmem>>
    %dma_wait3A_237 = tpu.memref_squeeze %dma_wait3A_236 : memref<1x128x64xf32, #tpu.memory_space<vmem>> -> memref<128x64xf32, #tpu.memory_space<vmem>>
    tpu.wait_dma2 semaphore(%arg15 : memref<!tpu.dma_semaphore, #tpu.memory_space<semaphore_mem>>) src(%dma_wait3A_237 : memref<128x64xf32, #tpu.memory_space<vmem>>) dst(%dma_wait3A_233 : memref<128x64xf32, #tpu.memory_space<hbm>>)
    %mul3A_238 = arith.constant 640 : i32
    %mul3A_239 = arith.muli %arg1, %mul3A_238 : i32
    %add3A_240 = arith.constant 256 : i32
    %add3A_241 = arith.addi %mul3A_239, %add3A_240 : i32
    %dma_start3A_242 = arith.constant 0 : i32
    %dma_start3A_243 = arith.constant 0 : i32
    %dma_start3A_244 = arith.constant 0 : i32
    %dma_start3A_245 = tpu.memref_slice %arg9[%dma_start3A_242, %dma_start3A_243, %dma_start3A_244] : memref<2x128x64xf32, #tpu.memory_space<vmem>> -> memref<1x128x64xf32, #tpu.memory_space<vmem>>
    %dma_start3A_246 = tpu.memref_squeeze %dma_start3A_245 : memref<1x128x64xf32, #tpu.memory_space<vmem>> -> memref<128x64xf32, #tpu.memory_space<vmem>>
    %dma_start3A_247 = arith.constant 0 : i32
    %dma_start3A_248 = tpu.memref_slice %arg5[%add3A_241, %dma_start3A_247] : memref<10240x64xf32, #tpu.memory_space<vmem_shared>> -> memref<128x64xf32, #tpu.memory_space<vmem_shared>>
    %dma_start3A_249 = arith.constant 0 : i32
    %dma_start3A_250 = arith.constant 0 : i32
    %dma_start3A_251 = tpu.memref_slice %arg9[%dma_start3A_242, %dma_start3A_249, %dma_start3A_250] : memref<2x128x64xf32, #tpu.memory_space<vmem>> -> memref<1x128x64xf32, #tpu.memory_space<vmem>>
    %dma_start3A_252 = tpu.memref_squeeze %dma_start3A_251 : memref<1x128x64xf32, #tpu.memory_space<vmem>> -> memref<128x64xf32, #tpu.memory_space<vmem>>
    %dma_start3A_253 = arith.constant 0 : i32
    %dma_start3A_254 = tpu.memref_slice %arg5[%add3A_241, %dma_start3A_253] : memref<10240x64xf32, #tpu.memory_space<vmem_shared>> -> memref<128x64xf32, #tpu.memory_space<vmem_shared>>
    tpu.enqueue_dma source(%dma_start3A_254 : memref<128x64xf32, #tpu.memory_space<vmem_shared>>) target(%dma_start3A_252 : memref<128x64xf32, #tpu.memory_space<vmem>>) target_semaphore(%arg10 : memref<!tpu.dma_semaphore, #tpu.memory_space<semaphore_mem>>)
    %mul3A_255 = arith.constant 640 : i32
    %mul3A_256 = arith.muli %arg1, %mul3A_255 : i32
    %add3A_257 = arith.constant 256 : i32
    %add3A_258 = arith.addi %mul3A_256, %add3A_257 : i32
    %dma_wait3A_259 = arith.constant 0 : i32
    %dma_wait3A_260 = arith.constant 0 : i32
    %dma_wait3A_261 = arith.constant 0 : i32
    %dma_wait3A_262 = tpu.memref_slice %arg9[%dma_wait3A_259, %dma_wait3A_260, %dma_wait3A_261] : memref<2x128x64xf32, #tpu.memory_space<vmem>> -> memref<1x128x64xf32, #tpu.memory_space<vmem>>
    %dma_wait3A_263 = tpu.memref_squeeze %dma_wait3A_262 : memref<1x128x64xf32, #tpu.memory_space<vmem>> -> memref<128x64xf32, #tpu.memory_space<vmem>>
    %dma_wait3A_264 = arith.constant 0 : i32
    %dma_wait3A_265 = tpu.memref_slice %arg5[%add3A_258, %dma_wait3A_264] : memref<10240x64xf32, #tpu.memory_space<vmem_shared>> -> memref<128x64xf32, #tpu.memory_space<vmem_shared>>
    %dma_wait3A_266 = arith.constant 0 : i32
    %dma_wait3A_267 = arith.constant 0 : i32
    %dma_wait3A_268 = tpu.memref_slice %arg9[%dma_wait3A_259, %dma_wait3A_266, %dma_wait3A_267] : memref<2x128x64xf32, #tpu.memory_space<vmem>> -> memref<1x128x64xf32, #tpu.memory_space<vmem>>
    %dma_wait3A_269 = tpu.memref_squeeze %dma_wait3A_268 : memref<1x128x64xf32, #tpu.memory_space<vmem>> -> memref<128x64xf32, #tpu.memory_space<vmem>>
    %dma_wait3A_270 = arith.constant 0 : i32
    %dma_wait3A_271 = tpu.memref_slice %arg5[%add3A_258, %dma_wait3A_270] : memref<10240x64xf32, #tpu.memory_space<vmem_shared>> -> memref<128x64xf32, #tpu.memory_space<vmem_shared>>
    tpu.wait_dma2 semaphore(%arg10 : memref<!tpu.dma_semaphore, #tpu.memory_space<semaphore_mem>>) src(%dma_wait3A_271 : memref<128x64xf32, #tpu.memory_space<vmem_shared>>) dst(%dma_wait3A_269 : memref<128x64xf32, #tpu.memory_space<vmem>>)
    %mul3A_272 = arith.constant 640 : i32
    %mul3A_273 = arith.muli %arg1, %mul3A_272 : i32
    %add3A_274 = arith.constant 256 : i32
    %add3A_275 = arith.addi %mul3A_273, %add3A_274 : i32
    %dma_start3A_276 = arith.constant 0 : i32
    %dma_start3A_277 = arith.constant 0 : i32
    %dma_start3A_278 = arith.constant 0 : i32
    %dma_start3A_279 = tpu.memref_slice %arg9[%dma_start3A_276, %dma_start3A_277, %dma_start3A_278] : memref<2x128x64xf32, #tpu.memory_space<vmem>> -> memref<1x128x64xf32, #tpu.memory_space<vmem>>
    %dma_start3A_280 = tpu.memref_squeeze %dma_start3A_279 : memref<1x128x64xf32, #tpu.memory_space<vmem>> -> memref<128x64xf32, #tpu.memory_space<vmem>>
    %dma_start3A_281 = arith.constant 0 : i32
    %dma_start3A_282 = tpu.memref_slice %arg4[%arg0, %add3A_275, %dma_start3A_281] : memref<2x10240x64xf32, #tpu.memory_space<hbm>> -> memref<1x128x64xf32, #tpu.memory_space<hbm>>
    %dma_start3A_283 = tpu.memref_squeeze %dma_start3A_282 : memref<1x128x64xf32, #tpu.memory_space<hbm>> -> memref<128x64xf32, #tpu.memory_space<hbm>>
    %dma_start3A_284 = arith.constant 0 : i32
    %dma_start3A_285 = tpu.memref_slice %arg4[%arg0, %add3A_275, %dma_start3A_284] : memref<2x10240x64xf32, #tpu.memory_space<hbm>> -> memref<1x128x64xf32, #tpu.memory_space<hbm>>
    %dma_start3A_286 = tpu.memref_squeeze %dma_start3A_285 : memref<1x128x64xf32, #tpu.memory_space<hbm>> -> memref<128x64xf32, #tpu.memory_space<hbm>>
    %dma_start3A_287 = arith.constant 0 : i32
    %dma_start3A_288 = arith.constant 0 : i32
    %dma_start3A_289 = tpu.memref_slice %arg9[%dma_start3A_276, %dma_start3A_287, %dma_start3A_288] : memref<2x128x64xf32, #tpu.memory_space<vmem>> -> memref<1x128x64xf32, #tpu.memory_space<vmem>>
    %dma_start3A_290 = tpu.memref_squeeze %dma_start3A_289 : memref<1x128x64xf32, #tpu.memory_space<vmem>> -> memref<128x64xf32, #tpu.memory_space<vmem>>
    tpu.enqueue_dma source(%dma_start3A_290 : memref<128x64xf32, #tpu.memory_space<vmem>>) target(%dma_start3A_286 : memref<128x64xf32, #tpu.memory_space<hbm>>) target_semaphore(%arg15 : memref<!tpu.dma_semaphore, #tpu.memory_space<semaphore_mem>>)
    %mul3A_291 = arith.constant 640 : i32
    %mul3A_292 = arith.muli %arg1, %mul3A_291 : i32
    %add3A_293 = arith.constant 128 : i32
    %add3A_294 = arith.addi %mul3A_292, %add3A_293 : i32
    %dma_wait3A_295 = arith.constant 1 : i32
    %dma_wait3A_296 = arith.constant 0 : i32
    %dma_wait3A_297 = arith.constant 0 : i32
    %dma_wait3A_298 = tpu.memref_slice %arg9[%dma_wait3A_295, %dma_wait3A_296, %dma_wait3A_297] : memref<2x128x64xf32, #tpu.memory_space<vmem>> -> memref<1x128x64xf32, #tpu.memory_space<vmem>>
    %dma_wait3A_299 = tpu.memref_squeeze %dma_wait3A_298 : memref<1x128x64xf32, #tpu.memory_space<vmem>> -> memref<128x64xf32, #tpu.memory_space<vmem>>
    %dma_wait3A_300 = arith.constant 0 : i32
    %dma_wait3A_301 = tpu.memref_slice %arg4[%arg0, %add3A_294, %dma_wait3A_300] : memref<2x10240x64xf32, #tpu.memory_space<hbm>> -> memref<1x128x64xf32, #tpu.memory_space<hbm>>
    %dma_wait3A_302 = tpu.memref_squeeze %dma_wait3A_301 : memref<1x128x64xf32, #tpu.memory_space<hbm>> -> memref<128x64xf32, #tpu.memory_space<hbm>>
    %dma_wait3A_303 = arith.constant 0 : i32
    %dma_wait3A_304 = tpu.memref_slice %arg4[%arg0, %add3A_294, %dma_wait3A_303] : memref<2x10240x64xf32, #tpu.memory_space<hbm>> -> memref<1x128x64xf32, #tpu.memory_space<hbm>>
    %dma_wait3A_305 = tpu.memref_squeeze %dma_wait3A_304 : memref<1x128x64xf32, #tpu.memory_space<hbm>> -> memref<128x64xf32, #tpu.memory_space<hbm>>
    %dma_wait3A_306 = arith.constant 0 : i32
    %dma_wait3A_307 = arith.constant 0 : i32
    %dma_wait3A_308 = tpu.memref_slice %arg9[%dma_wait3A_295, %dma_wait3A_306, %dma_wait3A_307] : memref<2x128x64xf32, #tpu.memory_space<vmem>> -> memref<1x128x64xf32, #tpu.memory_space<vmem>>
    %dma_wait3A_309 = tpu.memref_squeeze %dma_wait3A_308 : memref<1x128x64xf32, #tpu.memory_space<vmem>> -> memref<128x64xf32, #tpu.memory_space<vmem>>
    tpu.wait_dma2 semaphore(%arg16 : memref<!tpu.dma_semaphore, #tpu.memory_space<semaphore_mem>>) src(%dma_wait3A_309 : memref<128x64xf32, #tpu.memory_space<vmem>>) dst(%dma_wait3A_305 : memref<128x64xf32, #tpu.memory_space<hbm>>)
    %mul3A_310 = arith.constant 640 : i32
    %mul3A_311 = arith.muli %arg1, %mul3A_310 : i32
    %add3A_312 = arith.constant 384 : i32
    %add3A_313 = arith.addi %mul3A_311, %add3A_312 : i32
    %dma_start3A_314 = arith.constant 1 : i32
    %dma_start3A_315 = arith.constant 0 : i32
    %dma_start3A_316 = arith.constant 0 : i32
    %dma_start3A_317 = tpu.memref_slice %arg9[%dma_start3A_314, %dma_start3A_315, %dma_start3A_316] : memref<2x128x64xf32, #tpu.memory_space<vmem>> -> memref<1x128x64xf32, #tpu.memory_space<vmem>>
    %dma_start3A_318 = tpu.memref_squeeze %dma_start3A_317 : memref<1x128x64xf32, #tpu.memory_space<vmem>> -> memref<128x64xf32, #tpu.memory_space<vmem>>
    %dma_start3A_319 = arith.constant 0 : i32
    %dma_start3A_320 = tpu.memref_slice %arg5[%add3A_313, %dma_start3A_319] : memref<10240x64xf32, #tpu.memory_space<vmem_shared>> -> memref<128x64xf32, #tpu.memory_space<vmem_shared>>
    %dma_start3A_321 = arith.constant 0 : i32
    %dma_start3A_322 = arith.constant 0 : i32
    %dma_start3A_323 = tpu.memref_slice %arg9[%dma_start3A_314, %dma_start3A_321, %dma_start3A_322] : memref<2x128x64xf32, #tpu.memory_space<vmem>> -> memref<1x128x64xf32, #tpu.memory_space<vmem>>
    %dma_start3A_324 = tpu.memref_squeeze %dma_start3A_323 : memref<1x128x64xf32, #tpu.memory_space<vmem>> -> memref<128x64xf32, #tpu.memory_space<vmem>>
    %dma_start3A_325 = arith.constant 0 : i32
    %dma_start3A_326 = tpu.memref_slice %arg5[%add3A_313, %dma_start3A_325] : memref<10240x64xf32, #tpu.memory_space<vmem_shared>> -> memref<128x64xf32, #tpu.memory_space<vmem_shared>>
    tpu.enqueue_dma source(%dma_start3A_326 : memref<128x64xf32, #tpu.memory_space<vmem_shared>>) target(%dma_start3A_324 : memref<128x64xf32, #tpu.memory_space<vmem>>) target_semaphore(%arg11 : memref<!tpu.dma_semaphore, #tpu.memory_space<semaphore_mem>>)
    %mul3A_327 = arith.constant 640 : i32
    %mul3A_328 = arith.muli %arg1, %mul3A_327 : i32
    %add3A_329 = arith.constant 384 : i32
    %add3A_330 = arith.addi %mul3A_328, %add3A_329 : i32
    %dma_wait3A_331 = arith.constant 1 : i32
    %dma_wait3A_332 = arith.constant 0 : i32
    %dma_wait3A_333 = arith.constant 0 : i32
    %dma_wait3A_334 = tpu.memref_slice %arg9[%dma_wait3A_331, %dma_wait3A_332, %dma_wait3A_333] : memref<2x128x64xf32, #tpu.memory_space<vmem>> -> memref<1x128x64xf32, #tpu.memory_space<vmem>>
    %dma_wait3A_335 = tpu.memref_squeeze %dma_wait3A_334 : memref<1x128x64xf32, #tpu.memory_space<vmem>> -> memref<128x64xf32, #tpu.memory_space<vmem>>
    %dma_wait3A_336 = arith.constant 0 : i32
    %dma_wait3A_337 = tpu.memref_slice %arg5[%add3A_330, %dma_wait3A_336] : memref<10240x64xf32, #tpu.memory_space<vmem_shared>> -> memref<128x64xf32, #tpu.memory_space<vmem_shared>>
    %dma_wait3A_338 = arith.constant 0 : i32
    %dma_wait3A_339 = arith.constant 0 : i32
    %dma_wait3A_340 = tpu.memref_slice %arg9[%dma_wait3A_331, %dma_wait3A_338, %dma_wait3A_339] : memref<2x128x64xf32, #tpu.memory_space<vmem>> -> memref<1x128x64xf32, #tpu.memory_space<vmem>>
    %dma_wait3A_341 = tpu.memref_squeeze %dma_wait3A_340 : memref<1x128x64xf32, #tpu.memory_space<vmem>> -> memref<128x64xf32, #tpu.memory_space<vmem>>
    %dma_wait3A_342 = arith.constant 0 : i32
    %dma_wait3A_343 = tpu.memref_slice %arg5[%add3A_330, %dma_wait3A_342] : memref<10240x64xf32, #tpu.memory_space<vmem_shared>> -> memref<128x64xf32, #tpu.memory_space<vmem_shared>>
    tpu.wait_dma2 semaphore(%arg11 : memref<!tpu.dma_semaphore, #tpu.memory_space<semaphore_mem>>) src(%dma_wait3A_343 : memref<128x64xf32, #tpu.memory_space<vmem_shared>>) dst(%dma_wait3A_341 : memref<128x64xf32, #tpu.memory_space<vmem>>)
    %mul3A_344 = arith.constant 640 : i32
    %mul3A_345 = arith.muli %arg1, %mul3A_344 : i32
    %add3A_346 = arith.constant 384 : i32
    %add3A_347 = arith.addi %mul3A_345, %add3A_346 : i32
    %dma_start3A_348 = arith.constant 1 : i32
    %dma_start3A_349 = arith.constant 0 : i32
    %dma_start3A_350 = arith.constant 0 : i32
    %dma_start3A_351 = tpu.memref_slice %arg9[%dma_start3A_348, %dma_start3A_349, %dma_start3A_350] : memref<2x128x64xf32, #tpu.memory_space<vmem>> -> memref<1x128x64xf32, #tpu.memory_space<vmem>>
    %dma_start3A_352 = tpu.memref_squeeze %dma_start3A_351 : memref<1x128x64xf32, #tpu.memory_space<vmem>> -> memref<128x64xf32, #tpu.memory_space<vmem>>
    %dma_start3A_353 = arith.constant 0 : i32
    %dma_start3A_354 = tpu.memref_slice %arg4[%arg0, %add3A_347, %dma_start3A_353] : memref<2x10240x64xf32, #tpu.memory_space<hbm>> -> memref<1x128x64xf32, #tpu.memory_space<hbm>>
    %dma_start3A_355 = tpu.memref_squeeze %dma_start3A_354 : memref<1x128x64xf32, #tpu.memory_space<hbm>> -> memref<128x64xf32, #tpu.memory_space<hbm>>
    %dma_start3A_356 = arith.constant 0 : i32
    %dma_start3A_357 = tpu.memref_slice %arg4[%arg0, %add3A_347, %dma_start3A_356] : memref<2x10240x64xf32, #tpu.memory_space<hbm>> -> memref<1x128x64xf32, #tpu.memory_space<hbm>>
    %dma_start3A_358 = tpu.memref_squeeze %dma_start3A_357 : memref<1x128x64xf32, #tpu.memory_space<hbm>> -> memref<128x64xf32, #tpu.memory_space<hbm>>
    %dma_start3A_359 = arith.constant 0 : i32
    %dma_start3A_360 = arith.constant 0 : i32
    %dma_start3A_361 = tpu.memref_slice %arg9[%dma_start3A_348, %dma_start3A_359, %dma_start3A_360] : memref<2x128x64xf32, #tpu.memory_space<vmem>> -> memref<1x128x64xf32, #tpu.memory_space<vmem>>
    %dma_start3A_362 = tpu.memref_squeeze %dma_start3A_361 : memref<1x128x64xf32, #tpu.memory_space<vmem>> -> memref<128x64xf32, #tpu.memory_space<vmem>>
    tpu.enqueue_dma source(%dma_start3A_362 : memref<128x64xf32, #tpu.memory_space<vmem>>) target(%dma_start3A_358 : memref<128x64xf32, #tpu.memory_space<hbm>>) target_semaphore(%arg16 : memref<!tpu.dma_semaphore, #tpu.memory_space<semaphore_mem>>)
    %mul3A_363 = arith.constant 640 : i32
    %mul3A_364 = arith.muli %arg1, %mul3A_363 : i32
    %add3A_365 = arith.constant 256 : i32
    %add3A_366 = arith.addi %mul3A_364, %add3A_365 : i32
    %dma_wait3A_367 = arith.constant 0 : i32
    %dma_wait3A_368 = arith.constant 0 : i32
    %dma_wait3A_369 = arith.constant 0 : i32
    %dma_wait3A_370 = tpu.memref_slice %arg9[%dma_wait3A_367, %dma_wait3A_368, %dma_wait3A_369] : memref<2x128x64xf32, #tpu.memory_space<vmem>> -> memref<1x128x64xf32, #tpu.memory_space<vmem>>
    %dma_wait3A_371 = tpu.memref_squeeze %dma_wait3A_370 : memref<1x128x64xf32, #tpu.memory_space<vmem>> -> memref<128x64xf32, #tpu.memory_space<vmem>>
    %dma_wait3A_372 = arith.constant 0 : i32
    %dma_wait3A_373 = tpu.memref_slice %arg4[%arg0, %add3A_366, %dma_wait3A_372] : memref<2x10240x64xf32, #tpu.memory_space<hbm>> -> memref<1x128x64xf32, #tpu.memory_space<hbm>>
    %dma_wait3A_374 = tpu.memref_squeeze %dma_wait3A_373 : memref<1x128x64xf32, #tpu.memory_space<hbm>> -> memref<128x64xf32, #tpu.memory_space<hbm>>
    %dma_wait3A_375 = arith.constant 0 : i32
    %dma_wait3A_376 = tpu.memref_slice %arg4[%arg0, %add3A_366, %dma_wait3A_375] : memref<2x10240x64xf32, #tpu.memory_space<hbm>> -> memref<1x128x64xf32, #tpu.memory_space<hbm>>
    %dma_wait3A_377 = tpu.memref_squeeze %dma_wait3A_376 : memref<1x128x64xf32, #tpu.memory_space<hbm>> -> memref<128x64xf32, #tpu.memory_space<hbm>>
    %dma_wait3A_378 = arith.constant 0 : i32
    %dma_wait3A_379 = arith.constant 0 : i32
    %dma_wait3A_380 = tpu.memref_slice %arg9[%dma_wait3A_367, %dma_wait3A_378, %dma_wait3A_379] : memref<2x128x64xf32, #tpu.memory_space<vmem>> -> memref<1x128x64xf32, #tpu.memory_space<vmem>>
    %dma_wait3A_381 = tpu.memref_squeeze %dma_wait3A_380 : memref<1x128x64xf32, #tpu.memory_space<vmem>> -> memref<128x64xf32, #tpu.memory_space<vmem>>
    tpu.wait_dma2 semaphore(%arg15 : memref<!tpu.dma_semaphore, #tpu.memory_space<semaphore_mem>>) src(%dma_wait3A_381 : memref<128x64xf32, #tpu.memory_space<vmem>>) dst(%dma_wait3A_377 : memref<128x64xf32, #tpu.memory_space<hbm>>)
    %mul3A_382 = arith.constant 640 : i32
    %mul3A_383 = arith.muli %arg1, %mul3A_382 : i32
    %add3A_384 = arith.constant 512 : i32
    %add3A_385 = arith.addi %mul3A_383, %add3A_384 : i32
    %dma_start3A_386 = arith.constant 0 : i32
    %dma_start3A_387 = arith.constant 0 : i32
    %dma_start3A_388 = arith.constant 0 : i32
    %dma_start3A_389 = tpu.memref_slice %arg9[%dma_start3A_386, %dma_start3A_387, %dma_start3A_388] : memref<2x128x64xf32, #tpu.memory_space<vmem>> -> memref<1x128x64xf32, #tpu.memory_space<vmem>>
    %dma_start3A_390 = tpu.memref_squeeze %dma_start3A_389 : memref<1x128x64xf32, #tpu.memory_space<vmem>> -> memref<128x64xf32, #tpu.memory_space<vmem>>
    %dma_start3A_391 = arith.constant 0 : i32
    %dma_start3A_392 = tpu.memref_slice %arg5[%add3A_385, %dma_start3A_391] : memref<10240x64xf32, #tpu.memory_space<vmem_shared>> -> memref<128x64xf32, #tpu.memory_space<vmem_shared>>
    %dma_start3A_393 = arith.constant 0 : i32
    %dma_start3A_394 = arith.constant 0 : i32
    %dma_start3A_395 = tpu.memref_slice %arg9[%dma_start3A_386, %dma_start3A_393, %dma_start3A_394] : memref<2x128x64xf32, #tpu.memory_space<vmem>> -> memref<1x128x64xf32, #tpu.memory_space<vmem>>
    %dma_start3A_396 = tpu.memref_squeeze %dma_start3A_395 : memref<1x128x64xf32, #tpu.memory_space<vmem>> -> memref<128x64xf32, #tpu.memory_space<vmem>>
    %dma_start3A_397 = arith.constant 0 : i32
    %dma_start3A_398 = tpu.memref_slice %arg5[%add3A_385, %dma_start3A_397] : memref<10240x64xf32, #tpu.memory_space<vmem_shared>> -> memref<128x64xf32, #tpu.memory_space<vmem_shared>>
    tpu.enqueue_dma source(%dma_start3A_398 : memref<128x64xf32, #tpu.memory_space<vmem_shared>>) target(%dma_start3A_396 : memref<128x64xf32, #tpu.memory_space<vmem>>) target_semaphore(%arg10 : memref<!tpu.dma_semaphore, #tpu.memory_space<semaphore_mem>>)
    %mul3A_399 = arith.constant 640 : i32
    %mul3A_400 = arith.muli %arg1, %mul3A_399 : i32
    %add3A_401 = arith.constant 512 : i32
    %add3A_402 = arith.addi %mul3A_400, %add3A_401 : i32
    %dma_wait3A_403 = arith.constant 0 : i32
    %dma_wait3A_404 = arith.constant 0 : i32
    %dma_wait3A_405 = arith.constant 0 : i32
    %dma_wait3A_406 = tpu.memref_slice %arg9[%dma_wait3A_403, %dma_wait3A_404, %dma_wait3A_405] : memref<2x128x64xf32, #tpu.memory_space<vmem>> -> memref<1x128x64xf32, #tpu.memory_space<vmem>>
    %dma_wait3A_407 = tpu.memref_squeeze %dma_wait3A_406 : memref<1x128x64xf32, #tpu.memory_space<vmem>> -> memref<128x64xf32, #tpu.memory_space<vmem>>
    %dma_wait3A_408 = arith.constant 0 : i32
    %dma_wait3A_409 = tpu.memref_slice %arg5[%add3A_402, %dma_wait3A_408] : memref<10240x64xf32, #tpu.memory_space<vmem_shared>> -> memref<128x64xf32, #tpu.memory_space<vmem_shared>>
    %dma_wait3A_410 = arith.constant 0 : i32
    %dma_wait3A_411 = arith.constant 0 : i32
    %dma_wait3A_412 = tpu.memref_slice %arg9[%dma_wait3A_403, %dma_wait3A_410, %dma_wait3A_411] : memref<2x128x64xf32, #tpu.memory_space<vmem>> -> memref<1x128x64xf32, #tpu.memory_space<vmem>>
    %dma_wait3A_413 = tpu.memref_squeeze %dma_wait3A_412 : memref<1x128x64xf32, #tpu.memory_space<vmem>> -> memref<128x64xf32, #tpu.memory_space<vmem>>
    %dma_wait3A_414 = arith.constant 0 : i32
    %dma_wait3A_415 = tpu.memref_slice %arg5[%add3A_402, %dma_wait3A_414] : memref<10240x64xf32, #tpu.memory_space<vmem_shared>> -> memref<128x64xf32, #tpu.memory_space<vmem_shared>>
    tpu.wait_dma2 semaphore(%arg10 : memref<!tpu.dma_semaphore, #tpu.memory_space<semaphore_mem>>) src(%dma_wait3A_415 : memref<128x64xf32, #tpu.memory_space<vmem_shared>>) dst(%dma_wait3A_413 : memref<128x64xf32, #tpu.memory_space<vmem>>)
    %mul3A_416 = arith.constant 640 : i32
    %mul3A_417 = arith.muli %arg1, %mul3A_416 : i32
    %add3A_418 = arith.constant 512 : i32
    %add3A_419 = arith.addi %mul3A_417, %add3A_418 : i32
    %dma_start3A_420 = arith.constant 0 : i32
    %dma_start3A_421 = arith.constant 0 : i32
    %dma_start3A_422 = arith.constant 0 : i32
    %dma_start3A_423 = tpu.memref_slice %arg9[%dma_start3A_420, %dma_start3A_421, %dma_start3A_422] : memref<2x128x64xf32, #tpu.memory_space<vmem>> -> memref<1x128x64xf32, #tpu.memory_space<vmem>>
    %dma_start3A_424 = tpu.memref_squeeze %dma_start3A_423 : memref<1x128x64xf32, #tpu.memory_space<vmem>> -> memref<128x64xf32, #tpu.memory_space<vmem>>
    %dma_start3A_425 = arith.constant 0 : i32
    %dma_start3A_426 = tpu.memref_slice %arg4[%arg0, %add3A_419, %dma_start3A_425] : memref<2x10240x64xf32, #tpu.memory_space<hbm>> -> memref<1x128x64xf32, #tpu.memory_space<hbm>>
    %dma_start3A_427 = tpu.memref_squeeze %dma_start3A_426 : memref<1x128x64xf32, #tpu.memory_space<hbm>> -> memref<128x64xf32, #tpu.memory_space<hbm>>
    %dma_start3A_428 = arith.constant 0 : i32
    %dma_start3A_429 = tpu.memref_slice %arg4[%arg0, %add3A_419, %dma_start3A_428] : memref<2x10240x64xf32, #tpu.memory_space<hbm>> -> memref<1x128x64xf32, #tpu.memory_space<hbm>>
    %dma_start3A_430 = tpu.memref_squeeze %dma_start3A_429 : memref<1x128x64xf32, #tpu.memory_space<hbm>> -> memref<128x64xf32, #tpu.memory_space<hbm>>
    %dma_start3A_431 = arith.constant 0 : i32
    %dma_start3A_432 = arith.constant 0 : i32
    %dma_start3A_433 = tpu.memref_slice %arg9[%dma_start3A_420, %dma_start3A_431, %dma_start3A_432] : memref<2x128x64xf32, #tpu.memory_space<vmem>> -> memref<1x128x64xf32, #tpu.memory_space<vmem>>
    %dma_start3A_434 = tpu.memref_squeeze %dma_start3A_433 : memref<1x128x64xf32, #tpu.memory_space<vmem>> -> memref<128x64xf32, #tpu.memory_space<vmem>>
    tpu.enqueue_dma source(%dma_start3A_434 : memref<128x64xf32, #tpu.memory_space<vmem>>) target(%dma_start3A_430 : memref<128x64xf32, #tpu.memory_space<hbm>>) target_semaphore(%arg15 : memref<!tpu.dma_semaphore, #tpu.memory_space<semaphore_mem>>)
    %mul3A_435 = arith.constant 640 : i32
    %mul3A_436 = arith.muli %arg1, %mul3A_435 : i32
    %add3A_437 = arith.constant 384 : i32
    %add3A_438 = arith.addi %mul3A_436, %add3A_437 : i32
    %dma_wait3A_439 = arith.constant 1 : i32
    %dma_wait3A_440 = arith.constant 0 : i32
    %dma_wait3A_441 = arith.constant 0 : i32
    %dma_wait3A_442 = tpu.memref_slice %arg9[%dma_wait3A_439, %dma_wait3A_440, %dma_wait3A_441] : memref<2x128x64xf32, #tpu.memory_space<vmem>> -> memref<1x128x64xf32, #tpu.memory_space<vmem>>
    %dma_wait3A_443 = tpu.memref_squeeze %dma_wait3A_442 : memref<1x128x64xf32, #tpu.memory_space<vmem>> -> memref<128x64xf32, #tpu.memory_space<vmem>>
    %dma_wait3A_444 = arith.constant 0 : i32
    %dma_wait3A_445 = tpu.memref_slice %arg4[%arg0, %add3A_438, %dma_wait3A_444] : memref<2x10240x64xf32, #tpu.memory_space<hbm>> -> memref<1x128x64xf32, #tpu.memory_space<hbm>>
    %dma_wait3A_446 = tpu.memref_squeeze %dma_wait3A_445 : memref<1x128x64xf32, #tpu.memory_space<hbm>> -> memref<128x64xf32, #tpu.memory_space<hbm>>
    %dma_wait3A_447 = arith.constant 0 : i32
    %dma_wait3A_448 = tpu.memref_slice %arg4[%arg0, %add3A_438, %dma_wait3A_447] : memref<2x10240x64xf32, #tpu.memory_space<hbm>> -> memref<1x128x64xf32, #tpu.memory_space<hbm>>
    %dma_wait3A_449 = tpu.memref_squeeze %dma_wait3A_448 : memref<1x128x64xf32, #tpu.memory_space<hbm>> -> memref<128x64xf32, #tpu.memory_space<hbm>>
    %dma_wait3A_450 = arith.constant 0 : i32
    %dma_wait3A_451 = arith.constant 0 : i32
    %dma_wait3A_452 = tpu.memref_slice %arg9[%dma_wait3A_439, %dma_wait3A_450, %dma_wait3A_451] : memref<2x128x64xf32, #tpu.memory_space<vmem>> -> memref<1x128x64xf32, #tpu.memory_space<vmem>>
    %dma_wait3A_453 = tpu.memref_squeeze %dma_wait3A_452 : memref<1x128x64xf32, #tpu.memory_space<vmem>> -> memref<128x64xf32, #tpu.memory_space<vmem>>
    tpu.wait_dma2 semaphore(%arg16 : memref<!tpu.dma_semaphore, #tpu.memory_space<semaphore_mem>>) src(%dma_wait3A_453 : memref<128x64xf32, #tpu.memory_space<vmem>>) dst(%dma_wait3A_449 : memref<128x64xf32, #tpu.memory_space<hbm>>)
    %mul3A_454 = arith.constant 640 : i32
    %mul3A_455 = arith.muli %arg1, %mul3A_454 : i32
    %add3A_456 = arith.constant 512 : i32
    %add3A_457 = arith.addi %mul3A_455, %add3A_456 : i32
    %dma_wait3A_458 = arith.constant 0 : i32
    %dma_wait3A_459 = arith.constant 0 : i32
    %dma_wait3A_460 = arith.constant 0 : i32
    %dma_wait3A_461 = tpu.memref_slice %arg9[%dma_wait3A_458, %dma_wait3A_459, %dma_wait3A_460] : memref<2x128x64xf32, #tpu.memory_space<vmem>> -> memref<1x128x64xf32, #tpu.memory_space<vmem>>
    %dma_wait3A_462 = tpu.memref_squeeze %dma_wait3A_461 : memref<1x128x64xf32, #tpu.memory_space<vmem>> -> memref<128x64xf32, #tpu.memory_space<vmem>>
    %dma_wait3A_463 = arith.constant 0 : i32
    %dma_wait3A_464 = tpu.memref_slice %arg4[%arg0, %add3A_457, %dma_wait3A_463] : memref<2x10240x64xf32, #tpu.memory_space<hbm>> -> memref<1x128x64xf32, #tpu.memory_space<hbm>>
    %dma_wait3A_465 = tpu.memref_squeeze %dma_wait3A_464 : memref<1x128x64xf32, #tpu.memory_space<hbm>> -> memref<128x64xf32, #tpu.memory_space<hbm>>
    %dma_wait3A_466 = arith.constant 0 : i32
    %dma_wait3A_467 = tpu.memref_slice %arg4[%arg0, %add3A_457, %dma_wait3A_466] : memref<2x10240x64xf32, #tpu.memory_space<hbm>> -> memref<1x128x64xf32, #tpu.memory_space<hbm>>
    %dma_wait3A_468 = tpu.memref_squeeze %dma_wait3A_467 : memref<1x128x64xf32, #tpu.memory_space<hbm>> -> memref<128x64xf32, #tpu.memory_space<hbm>>
    %dma_wait3A_469 = arith.constant 0 : i32
    %dma_wait3A_470 = arith.constant 0 : i32
    %dma_wait3A_471 = tpu.memref_slice %arg9[%dma_wait3A_458, %dma_wait3A_469, %dma_wait3A_470] : memref<2x128x64xf32, #tpu.memory_space<vmem>> -> memref<1x128x64xf32, #tpu.memory_space<vmem>>
    %dma_wait3A_472 = tpu.memref_squeeze %dma_wait3A_471 : memref<1x128x64xf32, #tpu.memory_space<vmem>> -> memref<128x64xf32, #tpu.memory_space<vmem>>
    tpu.wait_dma2 semaphore(%arg15 : memref<!tpu.dma_semaphore, #tpu.memory_space<semaphore_mem>>) src(%dma_wait3A_472 : memref<128x64xf32, #tpu.memory_space<vmem>>) dst(%dma_wait3A_468 : memref<128x64xf32, #tpu.memory_space<hbm>>)
    return
  }
}

#map = affine_map<(d0, d1) -> (0)>
module attributes {stable_mosaic.version = 14 : i64} {
  func.func @_deg_body(%arg0: i32, %arg1: i32, %arg2: memref<640000xi32, #tpu.memory_space<hbm>>, %arg3: memref<10240xf32, #tpu.memory_space<hbm>>, %arg4: memref<10240xf32, #tpu.memory_space<vmem_shared>>, %arg5: memref<20000xi32, #tpu.memory_space<vmem>>, %arg6: memref<80xf32, #tpu.memory_space<vmem>>, %arg7: memref<640xf32, #tpu.memory_space<vmem>>, %arg8: memref<!tpu.dma_semaphore, #tpu.memory_space<semaphore_mem>>, %arg9: memref<!tpu.dma_semaphore, #tpu.memory_space<semaphore_mem>>, %arg10: memref<!tpu.dma_semaphore, #tpu.memory_space<semaphore_mem>>, %arg11: memref<!tpu.dma_semaphore, #tpu.memory_space<semaphore_mem>>, %arg12: memref<!tpu.dma_semaphore, #tpu.memory_space<semaphore_mem>>) attributes {dimension_semantics = [#tpu.dimension_semantics<core_parallel>, #tpu.dimension_semantics<subcore_parallel>], iteration_bounds = array<i64: 2, 16>, scalar_prefetch = 0 : i64, scratch_operands = 9 : i64, tpu.core_type = #tpu.core_type<sc_vector_subcore>, window_params = [{transform_indices = #map}, {transform_indices = #map}]} {
    %eq3A = arith.constant 0 : i32
    %eq3A_0 = arith.cmpi eq, %arg0, %eq3A : i32
    %convert_element_type3A = arith.extui %eq3A_0 : i1 to i32
    %cond3A = arith.constant 0 : i32
    %cond3A_1 = arith.cmpi ne, %convert_element_type3A, %cond3A : i32
    scf.if %cond3A_1 {
      %mul3A = arith.constant 20000 : i32
      %mul3A_2 = arith.muli %arg1, %mul3A : i32
      %add3A = arith.constant 320000 : i32
      %add3A_3 = arith.addi %add3A, %mul3A_2 : i32
      %multiple_of3A = tpu.assume_multiple %add3A_3, 8 : i32
      %dma_start3A = tpu.memref_slice %arg2[%multiple_of3A] : memref<640000xi32, #tpu.memory_space<hbm>> -> memref<20000xi32, #tpu.memory_space<hbm>>
      %dma_start3A_4 = tpu.memref_slice %arg2[%multiple_of3A] : memref<640000xi32, #tpu.memory_space<hbm>> -> memref<20000xi32, #tpu.memory_space<hbm>>
      tpu.enqueue_dma source(%dma_start3A_4 : memref<20000xi32, #tpu.memory_space<hbm>>) target(%arg5 : memref<20000xi32, #tpu.memory_space<vmem>>) target_semaphore(%arg8 : memref<!tpu.dma_semaphore, #tpu.memory_space<semaphore_mem>>)
      %broadcast_in_dim3A = arith.constant 1.000000e+00 : f32
      %broadcast_in_dim3A_5 = vector.broadcast %broadcast_in_dim3A : f32 to vector<16xf32>
      %swap3A = arith.constant 0 : index
      %swap3A_6 = tpu.vector_load %arg6[%swap3A] {strides = array<i32>} : memref<80xf32, #tpu.memory_space<vmem>>, vector<16xf32>,
      %swap3A_7 = vector.shape_cast %swap3A_6 : vector<16xf32> to vector<16xf32>
      %swap3A_8 = vector.shape_cast %broadcast_in_dim3A_5 : vector<16xf32> to vector<16xf32>
      tpu.vector_store %arg6[%swap3A], %swap3A_8 {strides = array<i32>} : memref<80xf32, #tpu.memory_space<vmem>>, vector<16xf32>,
      %broadcast_in_dim3A_9 = arith.constant 1.000000e+00 : f32
      %broadcast_in_dim3A_10 = vector.broadcast %broadcast_in_dim3A_9 : f32 to vector<16xf32>
      %swap3A_11 = arith.constant 16 : index
      %swap3A_12 = tpu.vector_load %arg6[%swap3A_11] {strides = array<i32>} : memref<80xf32, #tpu.memory_space<vmem>>, vector<16xf32>,
      %swap3A_13 = vector.shape_cast %swap3A_12 : vector<16xf32> to vector<16xf32>
      %swap3A_14 = vector.shape_cast %broadcast_in_dim3A_10 : vector<16xf32> to vector<16xf32>
      tpu.vector_store %arg6[%swap3A_11], %swap3A_14 {strides = array<i32>} : memref<80xf32, #tpu.memory_space<vmem>>, vector<16xf32>,
      %broadcast_in_dim3A_15 = arith.constant 1.000000e+00 : f32
      %broadcast_in_dim3A_16 = vector.broadcast %broadcast_in_dim3A_15 : f32 to vector<16xf32>
      %swap3A_17 = arith.constant 32 : index
      %swap3A_18 = tpu.vector_load %arg6[%swap3A_17] {strides = array<i32>} : memref<80xf32, #tpu.memory_space<vmem>>, vector<16xf32>,
      %swap3A_19 = vector.shape_cast %swap3A_18 : vector<16xf32> to vector<16xf32>
      %swap3A_20 = vector.shape_cast %broadcast_in_dim3A_16 : vector<16xf32> to vector<16xf32>
      tpu.vector_store %arg6[%swap3A_17], %swap3A_20 {strides = array<i32>} : memref<80xf32, #tpu.memory_space<vmem>>, vector<16xf32>,
      %broadcast_in_dim3A_21 = arith.constant 1.000000e+00 : f32
      %broadcast_in_dim3A_22 = vector.broadcast %broadcast_in_dim3A_21 : f32 to vector<16xf32>
      %swap3A_23 = arith.constant 48 : index
      %swap3A_24 = tpu.vector_load %arg6[%swap3A_23] {strides = array<i32>} : memref<80xf32, #tpu.memory_space<vmem>>, vector<16xf32>,
      %swap3A_25 = vector.shape_cast %swap3A_24 : vector<16xf32> to vector<16xf32>
      %swap3A_26 = vector.shape_cast %broadcast_in_dim3A_22 : vector<16xf32> to vector<16xf32>
      tpu.vector_store %arg6[%swap3A_23], %swap3A_26 {strides = array<i32>} : memref<80xf32, #tpu.memory_space<vmem>>, vector<16xf32>,
      %broadcast_in_dim3A_27 = arith.constant 1.000000e+00 : f32
      %broadcast_in_dim3A_28 = vector.broadcast %broadcast_in_dim3A_27 : f32 to vector<16xf32>
      %swap3A_29 = arith.constant 64 : index
      %swap3A_30 = tpu.vector_load %arg6[%swap3A_29] {strides = array<i32>} : memref<80xf32, #tpu.memory_space<vmem>>, vector<16xf32>,
      %swap3A_31 = vector.shape_cast %swap3A_30 : vector<16xf32> to vector<16xf32>
      %swap3A_32 = vector.shape_cast %broadcast_in_dim3A_28 : vector<16xf32> to vector<16xf32>
      tpu.vector_store %arg6[%swap3A_29], %swap3A_32 {strides = array<i32>} : memref<80xf32, #tpu.memory_space<vmem>>, vector<16xf32>,
      %scan3A = arith.constant 0 : i32
      %scan3A_33 = arith.constant 0 : i32
      %scan3A_34 = arith.constant 40 : i32
      %scan3A_35 = arith.addi %scan3A_33, %scan3A_34 : i32
      %scan3A_36 = arith.constant 1 : i32
      scf.for %scan3A_82 = %scan3A_33 to %scan3A_35 step %scan3A_36  : i32 {
        %broadcast_in_dim3A_83 = arith.constant 0.000000e+00 : f32
        %broadcast_in_dim3A_84 = vector.broadcast %broadcast_in_dim3A_83 : f32 to vector<16xf32>
        %mul3A_85 = arith.constant 16 : i32
        %mul3A_86 = arith.muli %scan3A_82, %mul3A_85 : i32
        %swap3A_87 = arith.index_cast %mul3A_86 : i32 to index
        %swap3A_88 = tpu.vector_load %arg7[%swap3A_87] {strides = array<i32>} : memref<640xf32, #tpu.memory_space<vmem>>, vector<16xf32>,
        %swap3A_89 = vector.shape_cast %swap3A_88 : vector<16xf32> to vector<16xf32>
        %swap3A_90 = vector.shape_cast %broadcast_in_dim3A_84 : vector<16xf32> to vector<16xf32>
        tpu.vector_store %arg7[%swap3A_87], %swap3A_90 {strides = array<i32>} : memref<640xf32, #tpu.memory_space<vmem>>, vector<16xf32>,
      }
      %scan3A_37 = arith.constant 40 : i32
      %mul3A_38 = arith.constant 640 : i32
      %mul3A_39 = arith.muli %arg1, %mul3A_38 : i32
      "tpu.region"() ({
        %run_scoped3A = tpu.sem_alloc : memref<!tpu.dma_semaphore, #tpu.memory_space<semaphore_mem>>
        %dma_start3A_82 = tpu.memref_slice %arg4[%mul3A_39] : memref<10240xf32, #tpu.memory_space<vmem_shared>> -> memref<640xf32, #tpu.memory_space<vmem_shared>>
        %dma_start3A_83 = tpu.memref_slice %arg4[%mul3A_39] : memref<10240xf32, #tpu.memory_space<vmem_shared>> -> memref<640xf32, #tpu.memory_space<vmem_shared>>
        tpu.enqueue_dma source(%arg7 : memref<640xf32, #tpu.memory_space<vmem>>) target(%dma_start3A_83 : memref<640xf32, #tpu.memory_space<vmem_shared>>) target_semaphore(%run_scoped3A : memref<!tpu.dma_semaphore, #tpu.memory_space<semaphore_mem>>)
        %dma_wait3A_84 = tpu.memref_slice %arg4[%mul3A_39] : memref<10240xf32, #tpu.memory_space<vmem_shared>> -> memref<640xf32, #tpu.memory_space<vmem_shared>>
        %dma_wait3A_85 = tpu.memref_slice %arg4[%mul3A_39] : memref<10240xf32, #tpu.memory_space<vmem_shared>> -> memref<640xf32, #tpu.memory_space<vmem_shared>>
        tpu.wait_dma2 semaphore(%run_scoped3A : memref<!tpu.dma_semaphore, #tpu.memory_space<semaphore_mem>>) src(%arg7 : memref<640xf32, #tpu.memory_space<vmem>>) dst(%dma_wait3A_85 : memref<640xf32, #tpu.memory_space<vmem_shared>>)
        tpu.yield
      }) : () -> ()
      %mul3A_40 = arith.constant 20000 : i32
      %mul3A_41 = arith.muli %arg1, %mul3A_40 : i32
      %add3A_42 = arith.constant 320000 : i32
      %add3A_43 = arith.addi %add3A_42, %mul3A_41 : i32
      %multiple_of3A_44 = tpu.assume_multiple %add3A_43, 8 : i32
      %dma_wait3A = tpu.memref_slice %arg2[%multiple_of3A_44] : memref<640000xi32, #tpu.memory_space<hbm>> -> memref<20000xi32, #tpu.memory_space<hbm>>
      %dma_wait3A_45 = tpu.memref_slice %arg2[%multiple_of3A_44] : memref<640000xi32, #tpu.memory_space<hbm>> -> memref<20000xi32, #tpu.memory_space<hbm>>
      tpu.wait_dma2 semaphore(%arg8 : memref<!tpu.dma_semaphore, #tpu.memory_space<semaphore_mem>>) src(%dma_wait3A_45 : memref<20000xi32, #tpu.memory_space<hbm>>) dst(%arg5 : memref<20000xi32, #tpu.memory_space<vmem>>)
      %barrier3A = arith.constant 0 : index
      tpu.barrier barrier_id(%barrier3A)
      %multiple_of3A_46 = arith.constant 0 : i32
      %multiple_of3A_47 = tpu.assume_multiple %multiple_of3A_46, 8 : i32
      %dma_start3A_48 = tpu.memref_slice %arg5[%multiple_of3A_47] : memref<20000xi32, #tpu.memory_space<vmem>> -> memref<80xi32, #tpu.memory_space<vmem>>
      %dma_start3A_49 = arith.constant 0 : i32
      %dma_start3A_50 = tpu.memref_slice %arg4[%dma_start3A_49] : memref<10240xf32, #tpu.memory_space<vmem_shared>> -> memref<10240xf32, #tpu.memory_space<vmem_shared>>
      tpu.enqueue_indirect_dma source(%arg6 : memref<80xf32, #tpu.memory_space<vmem>>) target(%dma_start3A_50 : memref<10240xf32, #tpu.memory_space<vmem_shared>>) offsets(%dma_start3A_48 : memref<80xi32, #tpu.memory_space<vmem>>) semaphore(%arg8 : memref<!tpu.dma_semaphore, #tpu.memory_space<semaphore_mem>>) {add = true}
      %multiple_of3A_51 = arith.constant 80 : i32
      %multiple_of3A_52 = tpu.assume_multiple %multiple_of3A_51, 8 : i32
      %dma_start3A_53 = tpu.memref_slice %arg5[%multiple_of3A_52] : memref<20000xi32, #tpu.memory_space<vmem>> -> memref<80xi32, #tpu.memory_space<vmem>>
      %dma_start3A_54 = arith.constant 0 : i32
      %dma_start3A_55 = tpu.memref_slice %arg4[%dma_start3A_54] : memref<10240xf32, #tpu.memory_space<vmem_shared>> -> memref<10240xf32, #tpu.memory_space<vmem_shared>>
      tpu.enqueue_indirect_dma source(%arg6 : memref<80xf32, #tpu.memory_space<vmem>>) target(%dma_start3A_55 : memref<10240xf32, #tpu.memory_space<vmem_shared>>) offsets(%dma_start3A_53 : memref<80xi32, #tpu.memory_space<vmem>>) semaphore(%arg9 : memref<!tpu.dma_semaphore, #tpu.memory_space<semaphore_mem>>) {add = true}
      %multiple_of3A_56 = arith.constant 160 : i32
      %multiple_of3A_57 = tpu.assume_multiple %multiple_of3A_56, 8 : i32
      %dma_start3A_58 = tpu.memref_slice %arg5[%multiple_of3A_57] : memref<20000xi32, #tpu.memory_space<vmem>> -> memref<80xi32, #tpu.memory_space<vmem>>
      %dma_start3A_59 = arith.constant 0 : i32
      %dma_start3A_60 = tpu.memref_slice %arg4[%dma_start3A_59] : memref<10240xf32, #tpu.memory_space<vmem_shared>> -> memref<10240xf32, #tpu.memory_space<vmem_shared>>
      tpu.enqueue_indirect_dma source(%arg6 : memref<80xf32, #tpu.memory_space<vmem>>) target(%dma_start3A_60 : memref<10240xf32, #tpu.memory_space<vmem_shared>>) offsets(%dma_start3A_58 : memref<80xi32, #tpu.memory_space<vmem>>) semaphore(%arg10 : memref<!tpu.dma_semaphore, #tpu.memory_space<semaphore_mem>>) {add = true}
      %multiple_of3A_61 = arith.constant 240 : i32
      %multiple_of3A_62 = tpu.assume_multiple %multiple_of3A_61, 8 : i32
      %dma_start3A_63 = tpu.memref_slice %arg5[%multiple_of3A_62] : memref<20000xi32, #tpu.memory_space<vmem>> -> memref<80xi32, #tpu.memory_space<vmem>>
      %dma_start3A_64 = arith.constant 0 : i32
      %dma_start3A_65 = tpu.memref_slice %arg4[%dma_start3A_64] : memref<10240xf32, #tpu.memory_space<vmem_shared>> -> memref<10240xf32, #tpu.memory_space<vmem_shared>>
      tpu.enqueue_indirect_dma source(%arg6 : memref<80xf32, #tpu.memory_space<vmem>>) target(%dma_start3A_65 : memref<10240xf32, #tpu.memory_space<vmem_shared>>) offsets(%dma_start3A_63 : memref<80xi32, #tpu.memory_space<vmem>>) semaphore(%arg11 : memref<!tpu.dma_semaphore, #tpu.memory_space<semaphore_mem>>) {add = true}
      %multiple_of3A_66 = arith.constant 320 : i32
      %multiple_of3A_67 = tpu.assume_multiple %multiple_of3A_66, 8 : i32
      %dma_start3A_68 = tpu.memref_slice %arg5[%multiple_of3A_67] : memref<20000xi32, #tpu.memory_space<vmem>> -> memref<80xi32, #tpu.memory_space<vmem>>
      %dma_start3A_69 = arith.constant 0 : i32
      %dma_start3A_70 = tpu.memref_slice %arg4[%dma_start3A_69] : memref<10240xf32, #tpu.memory_space<vmem_shared>> -> memref<10240xf32, #tpu.memory_space<vmem_shared>>
      tpu.enqueue_indirect_dma source(%arg6 : memref<80xf32, #tpu.memory_space<vmem>>) target(%dma_start3A_70 : memref<10240xf32, #tpu.memory_space<vmem_shared>>) offsets(%dma_start3A_68 : memref<80xi32, #tpu.memory_space<vmem>>) semaphore(%arg12 : memref<!tpu.dma_semaphore, #tpu.memory_space<semaphore_mem>>) {add = true}
      %scan3A_71 = arith.constant 0 : i32
      %scan3A_72 = arith.constant 0 : i32
      %scan3A_73 = arith.constant 50 : i32
      %scan3A_74 = arith.addi %scan3A_72, %scan3A_73 : i32
      %scan3A_75 = arith.constant 1 : i32
      scf.for %scan3A_82 = %scan3A_72 to %scan3A_74 step %scan3A_75  : i32 {
        %mul3A_83 = arith.constant 5 : i32
        %mul3A_84 = arith.muli %scan3A_82, %mul3A_83 : i32
        %add3A_85 = arith.constant 0 : i32
        %add3A_86 = arith.addi %mul3A_84, %add3A_85 : i32
        %mul3A_87 = arith.constant 80 : i32
        %mul3A_88 = arith.muli %add3A_86, %mul3A_87 : i32
        %multiple_of3A_89 = tpu.assume_multiple %mul3A_88, 8 : i32
        %dma_wait3A_90 = tpu.memref_slice %arg5[%multiple_of3A_89] : memref<20000xi32, #tpu.memory_space<vmem>> -> memref<80xi32, #tpu.memory_space<vmem>>
        %dma_wait3A_91 = arith.constant 0 : i32
        %dma_wait3A_92 = tpu.memref_slice %arg4[%dma_wait3A_91] : memref<10240xf32, #tpu.memory_space<vmem_shared>> -> memref<10240xf32, #tpu.memory_space<vmem_shared>>
        tpu.wait_indirect_dma semaphore(%arg8 : memref<!tpu.dma_semaphore, #tpu.memory_space<semaphore_mem>>) src(%arg6 : memref<80xf32, #tpu.memory_space<vmem>>) dst(%dma_wait3A_92 : memref<10240xf32, #tpu.memory_space<vmem_shared>>)
        %add3A_93 = arith.constant 5 : i32
        %add3A_94 = arith.addi %add3A_86, %add3A_93 : i32
        %lt3A = arith.constant 250 : i32
        %lt3A_95 = arith.cmpi slt, %add3A_94, %lt3A : i32
        %convert_element_type3A_96 = arith.extui %lt3A_95 : i1 to i32
        %cond3A_97 = arith.constant 0 : i32
        %cond3A_98 = arith.cmpi ne, %convert_element_type3A_96, %cond3A_97 : i32
        scf.if %cond3A_98 {
          %mul3A_167 = arith.constant 80 : i32
          %mul3A_168 = arith.muli %add3A_94, %mul3A_167 : i32
          %multiple_of3A_169 = tpu.assume_multiple %mul3A_168, 8 : i32
          %dma_start3A_170 = tpu.memref_slice %arg5[%multiple_of3A_169] : memref<20000xi32, #tpu.memory_space<vmem>> -> memref<80xi32, #tpu.memory_space<vmem>>
          %dma_start3A_171 = arith.constant 0 : i32
          %dma_start3A_172 = tpu.memref_slice %arg4[%dma_start3A_171] : memref<10240xf32, #tpu.memory_space<vmem_shared>> -> memref<10240xf32, #tpu.memory_space<vmem_shared>>
          tpu.enqueue_indirect_dma source(%arg6 : memref<80xf32, #tpu.memory_space<vmem>>) target(%dma_start3A_172 : memref<10240xf32, #tpu.memory_space<vmem_shared>>) offsets(%dma_start3A_170 : memref<80xi32, #tpu.memory_space<vmem>>) semaphore(%arg8 : memref<!tpu.dma_semaphore, #tpu.memory_space<semaphore_mem>>) {add = true}
        } else {
        }
        %mul3A_99 = arith.constant 5 : i32
        %mul3A_100 = arith.muli %scan3A_82, %mul3A_99 : i32
        %add3A_101 = arith.constant 1 : i32
        %add3A_102 = arith.addi %mul3A_100, %add3A_101 : i32
        %mul3A_103 = arith.constant 80 : i32
        %mul3A_104 = arith.muli %add3A_102, %mul3A_103 : i32
        %multiple_of3A_105 = tpu.assume_multiple %mul3A_104, 8 : i32
        %dma_wait3A_106 = tpu.memref_slice %arg5[%multiple_of3A_105] : memref<20000xi32, #tpu.memory_space<vmem>> -> memref<80xi32, #tpu.memory_space<vmem>>
        %dma_wait3A_107 = arith.constant 0 : i32
        %dma_wait3A_108 = tpu.memref_slice %arg4[%dma_wait3A_107] : memref<10240xf32, #tpu.memory_space<vmem_shared>> -> memref<10240xf32, #tpu.memory_space<vmem_shared>>
        tpu.wait_indirect_dma semaphore(%arg9 : memref<!tpu.dma_semaphore, #tpu.memory_space<semaphore_mem>>) src(%arg6 : memref<80xf32, #tpu.memory_space<vmem>>) dst(%dma_wait3A_108 : memref<10240xf32, #tpu.memory_space<vmem_shared>>)
        %add3A_109 = arith.constant 5 : i32
        %add3A_110 = arith.addi %add3A_102, %add3A_109 : i32
        %lt3A_111 = arith.constant 250 : i32
        %lt3A_112 = arith.cmpi slt, %add3A_110, %lt3A_111 : i32
        %convert_element_type3A_113 = arith.extui %lt3A_112 : i1 to i32
        %cond3A_114 = arith.constant 0 : i32
        %cond3A_115 = arith.cmpi ne, %convert_element_type3A_113, %cond3A_114 : i32
        scf.if %cond3A_115 {
          %mul3A_167 = arith.constant 80 : i32
          %mul3A_168 = arith.muli %add3A_110, %mul3A_167 : i32
          %multiple_of3A_169 = tpu.assume_multiple %mul3A_168, 8 : i32
          %dma_start3A_170 = tpu.memref_slice %arg5[%multiple_of3A_169] : memref<20000xi32, #tpu.memory_space<vmem>> -> memref<80xi32, #tpu.memory_space<vmem>>
          %dma_start3A_171 = arith.constant 0 : i32
          %dma_start3A_172 = tpu.memref_slice %arg4[%dma_start3A_171] : memref<10240xf32, #tpu.memory_space<vmem_shared>> -> memref<10240xf32, #tpu.memory_space<vmem_shared>>
          tpu.enqueue_indirect_dma source(%arg6 : memref<80xf32, #tpu.memory_space<vmem>>) target(%dma_start3A_172 : memref<10240xf32, #tpu.memory_space<vmem_shared>>) offsets(%dma_start3A_170 : memref<80xi32, #tpu.memory_space<vmem>>) semaphore(%arg9 : memref<!tpu.dma_semaphore, #tpu.memory_space<semaphore_mem>>) {add = true}
        } else {
        }
        %mul3A_116 = arith.constant 5 : i32
        %mul3A_117 = arith.muli %scan3A_82, %mul3A_116 : i32
        %add3A_118 = arith.constant 2 : i32
        %add3A_119 = arith.addi %mul3A_117, %add3A_118 : i32
        %mul3A_120 = arith.constant 80 : i32
        %mul3A_121 = arith.muli %add3A_119, %mul3A_120 : i32
        %multiple_of3A_122 = tpu.assume_multiple %mul3A_121, 8 : i32
        %dma_wait3A_123 = tpu.memref_slice %arg5[%multiple_of3A_122] : memref<20000xi32, #tpu.memory_space<vmem>> -> memref<80xi32, #tpu.memory_space<vmem>>
        %dma_wait3A_124 = arith.constant 0 : i32
        %dma_wait3A_125 = tpu.memref_slice %arg4[%dma_wait3A_124] : memref<10240xf32, #tpu.memory_space<vmem_shared>> -> memref<10240xf32, #tpu.memory_space<vmem_shared>>
        tpu.wait_indirect_dma semaphore(%arg10 : memref<!tpu.dma_semaphore, #tpu.memory_space<semaphore_mem>>) src(%arg6 : memref<80xf32, #tpu.memory_space<vmem>>) dst(%dma_wait3A_125 : memref<10240xf32, #tpu.memory_space<vmem_shared>>)
        %add3A_126 = arith.constant 5 : i32
        %add3A_127 = arith.addi %add3A_119, %add3A_126 : i32
        %lt3A_128 = arith.constant 250 : i32
        %lt3A_129 = arith.cmpi slt, %add3A_127, %lt3A_128 : i32
        %convert_element_type3A_130 = arith.extui %lt3A_129 : i1 to i32
        %cond3A_131 = arith.constant 0 : i32
        %cond3A_132 = arith.cmpi ne, %convert_element_type3A_130, %cond3A_131 : i32
        scf.if %cond3A_132 {
          %mul3A_167 = arith.constant 80 : i32
          %mul3A_168 = arith.muli %add3A_127, %mul3A_167 : i32
          %multiple_of3A_169 = tpu.assume_multiple %mul3A_168, 8 : i32
          %dma_start3A_170 = tpu.memref_slice %arg5[%multiple_of3A_169] : memref<20000xi32, #tpu.memory_space<vmem>> -> memref<80xi32, #tpu.memory_space<vmem>>
          %dma_start3A_171 = arith.constant 0 : i32
          %dma_start3A_172 = tpu.memref_slice %arg4[%dma_start3A_171] : memref<10240xf32, #tpu.memory_space<vmem_shared>> -> memref<10240xf32, #tpu.memory_space<vmem_shared>>
          tpu.enqueue_indirect_dma source(%arg6 : memref<80xf32, #tpu.memory_space<vmem>>) target(%dma_start3A_172 : memref<10240xf32, #tpu.memory_space<vmem_shared>>) offsets(%dma_start3A_170 : memref<80xi32, #tpu.memory_space<vmem>>) semaphore(%arg10 : memref<!tpu.dma_semaphore, #tpu.memory_space<semaphore_mem>>) {add = true}
        } else {
        }
        %mul3A_133 = arith.constant 5 : i32
        %mul3A_134 = arith.muli %scan3A_82, %mul3A_133 : i32
        %add3A_135 = arith.constant 3 : i32
        %add3A_136 = arith.addi %mul3A_134, %add3A_135 : i32
        %mul3A_137 = arith.constant 80 : i32
        %mul3A_138 = arith.muli %add3A_136, %mul3A_137 : i32
        %multiple_of3A_139 = tpu.assume_multiple %mul3A_138, 8 : i32
        %dma_wait3A_140 = tpu.memref_slice %arg5[%multiple_of3A_139] : memref<20000xi32, #tpu.memory_space<vmem>> -> memref<80xi32, #tpu.memory_space<vmem>>
        %dma_wait3A_141 = arith.constant 0 : i32
        %dma_wait3A_142 = tpu.memref_slice %arg4[%dma_wait3A_141] : memref<10240xf32, #tpu.memory_space<vmem_shared>> -> memref<10240xf32, #tpu.memory_space<vmem_shared>>
        tpu.wait_indirect_dma semaphore(%arg11 : memref<!tpu.dma_semaphore, #tpu.memory_space<semaphore_mem>>) src(%arg6 : memref<80xf32, #tpu.memory_space<vmem>>) dst(%dma_wait3A_142 : memref<10240xf32, #tpu.memory_space<vmem_shared>>)
        %add3A_143 = arith.constant 5 : i32
        %add3A_144 = arith.addi %add3A_136, %add3A_143 : i32
        %lt3A_145 = arith.constant 250 : i32
        %lt3A_146 = arith.cmpi slt, %add3A_144, %lt3A_145 : i32
        %convert_element_type3A_147 = arith.extui %lt3A_146 : i1 to i32
        %cond3A_148 = arith.constant 0 : i32
        %cond3A_149 = arith.cmpi ne, %convert_element_type3A_147, %cond3A_148 : i32
        scf.if %cond3A_149 {
          %mul3A_167 = arith.constant 80 : i32
          %mul3A_168 = arith.muli %add3A_144, %mul3A_167 : i32
          %multiple_of3A_169 = tpu.assume_multiple %mul3A_168, 8 : i32
          %dma_start3A_170 = tpu.memref_slice %arg5[%multiple_of3A_169] : memref<20000xi32, #tpu.memory_space<vmem>> -> memref<80xi32, #tpu.memory_space<vmem>>
          %dma_start3A_171 = arith.constant 0 : i32
          %dma_start3A_172 = tpu.memref_slice %arg4[%dma_start3A_171] : memref<10240xf32, #tpu.memory_space<vmem_shared>> -> memref<10240xf32, #tpu.memory_space<vmem_shared>>
          tpu.enqueue_indirect_dma source(%arg6 : memref<80xf32, #tpu.memory_space<vmem>>) target(%dma_start3A_172 : memref<10240xf32, #tpu.memory_space<vmem_shared>>) offsets(%dma_start3A_170 : memref<80xi32, #tpu.memory_space<vmem>>) semaphore(%arg11 : memref<!tpu.dma_semaphore, #tpu.memory_space<semaphore_mem>>) {add = true}
        } else {
        }
        %mul3A_150 = arith.constant 5 : i32
        %mul3A_151 = arith.muli %scan3A_82, %mul3A_150 : i32
        %add3A_152 = arith.constant 4 : i32
        %add3A_153 = arith.addi %mul3A_151, %add3A_152 : i32
        %mul3A_154 = arith.constant 80 : i32
        %mul3A_155 = arith.muli %add3A_153, %mul3A_154 : i32
        %multiple_of3A_156 = tpu.assume_multiple %mul3A_155, 8 : i32
        %dma_wait3A_157 = tpu.memref_slice %arg5[%multiple_of3A_156] : memref<20000xi32, #tpu.memory_space<vmem>> -> memref<80xi32, #tpu.memory_space<vmem>>
        %dma_wait3A_158 = arith.constant 0 : i32
        %dma_wait3A_159 = tpu.memref_slice %arg4[%dma_wait3A_158] : memref<10240xf32, #tpu.memory_space<vmem_shared>> -> memref<10240xf32, #tpu.memory_space<vmem_shared>>
        tpu.wait_indirect_dma semaphore(%arg12 : memref<!tpu.dma_semaphore, #tpu.memory_space<semaphore_mem>>) src(%arg6 : memref<80xf32, #tpu.memory_space<vmem>>) dst(%dma_wait3A_159 : memref<10240xf32, #tpu.memory_space<vmem_shared>>)
        %add3A_160 = arith.constant 5 : i32
        %add3A_161 = arith.addi %add3A_153, %add3A_160 : i32
        %lt3A_162 = arith.constant 250 : i32
        %lt3A_163 = arith.cmpi slt, %add3A_161, %lt3A_162 : i32
        %convert_element_type3A_164 = arith.extui %lt3A_163 : i1 to i32
        %cond3A_165 = arith.constant 0 : i32
        %cond3A_166 = arith.cmpi ne, %convert_element_type3A_164, %cond3A_165 : i32
        scf.if %cond3A_166 {
          %mul3A_167 = arith.constant 80 : i32
          %mul3A_168 = arith.muli %add3A_161, %mul3A_167 : i32
          %multiple_of3A_169 = tpu.assume_multiple %mul3A_168, 8 : i32
          %dma_start3A_170 = tpu.memref_slice %arg5[%multiple_of3A_169] : memref<20000xi32, #tpu.memory_space<vmem>> -> memref<80xi32, #tpu.memory_space<vmem>>
          %dma_start3A_171 = arith.constant 0 : i32
          %dma_start3A_172 = tpu.memref_slice %arg4[%dma_start3A_171] : memref<10240xf32, #tpu.memory_space<vmem_shared>> -> memref<10240xf32, #tpu.memory_space<vmem_shared>>
          tpu.enqueue_indirect_dma source(%arg6 : memref<80xf32, #tpu.memory_space<vmem>>) target(%dma_start3A_172 : memref<10240xf32, #tpu.memory_space<vmem_shared>>) offsets(%dma_start3A_170 : memref<80xi32, #tpu.memory_space<vmem>>) semaphore(%arg12 : memref<!tpu.dma_semaphore, #tpu.memory_space<semaphore_mem>>) {add = true}
        } else {
        }
      }
      %scan3A_76 = arith.constant 50 : i32
      %barrier3A_77 = arith.constant 0 : index
      tpu.barrier barrier_id(%barrier3A_77)
      %mul3A_78 = arith.constant 640 : i32
      %mul3A_79 = arith.muli %arg1, %mul3A_78 : i32
      "tpu.region"() ({
        %run_scoped3A = tpu.sem_alloc : memref<!tpu.dma_semaphore, #tpu.memory_space<semaphore_mem>>
        %dma_start3A_82 = tpu.memref_slice %arg4[%mul3A_79] : memref<10240xf32, #tpu.memory_space<vmem_shared>> -> memref<640xf32, #tpu.memory_space<vmem_shared>>
        %dma_start3A_83 = tpu.memref_slice %arg4[%mul3A_79] : memref<10240xf32, #tpu.memory_space<vmem_shared>> -> memref<640xf32, #tpu.memory_space<vmem_shared>>
        tpu.enqueue_dma source(%dma_start3A_83 : memref<640xf32, #tpu.memory_space<vmem_shared>>) target(%arg7 : memref<640xf32, #tpu.memory_space<vmem>>) target_semaphore(%run_scoped3A : memref<!tpu.dma_semaphore, #tpu.memory_space<semaphore_mem>>)
        %dma_wait3A_84 = tpu.memref_slice %arg4[%mul3A_79] : memref<10240xf32, #tpu.memory_space<vmem_shared>> -> memref<640xf32, #tpu.memory_space<vmem_shared>>
        %dma_wait3A_85 = tpu.memref_slice %arg4[%mul3A_79] : memref<10240xf32, #tpu.memory_space<vmem_shared>> -> memref<640xf32, #tpu.memory_space<vmem_shared>>
        tpu.wait_dma2 semaphore(%run_scoped3A : memref<!tpu.dma_semaphore, #tpu.memory_space<semaphore_mem>>) src(%dma_wait3A_85 : memref<640xf32, #tpu.memory_space<vmem_shared>>) dst(%arg7 : memref<640xf32, #tpu.memory_space<vmem>>)
        tpu.yield
      }) : () -> ()
      %mul3A_80 = arith.constant 640 : i32
      %mul3A_81 = arith.muli %arg1, %mul3A_80 : i32
      "tpu.region"() ({
        %run_scoped3A = tpu.sem_alloc : memref<!tpu.dma_semaphore, #tpu.memory_space<semaphore_mem>>
        %dma_start3A_82 = tpu.memref_slice %arg3[%mul3A_81] : memref<10240xf32, #tpu.memory_space<hbm>> -> memref<640xf32, #tpu.memory_space<hbm>>
        %dma_start3A_83 = tpu.memref_slice %arg3[%mul3A_81] : memref<10240xf32, #tpu.memory_space<hbm>> -> memref<640xf32, #tpu.memory_space<hbm>>
        tpu.enqueue_dma source(%arg7 : memref<640xf32, #tpu.memory_space<vmem>>) target(%dma_start3A_83 : memref<640xf32, #tpu.memory_space<hbm>>) target_semaphore(%run_scoped3A : memref<!tpu.dma_semaphore, #tpu.memory_space<semaphore_mem>>)
        %dma_wait3A_84 = tpu.memref_slice %arg3[%mul3A_81] : memref<10240xf32, #tpu.memory_space<hbm>> -> memref<640xf32, #tpu.memory_space<hbm>>
        %dma_wait3A_85 = tpu.memref_slice %arg3[%mul3A_81] : memref<10240xf32, #tpu.memory_space<hbm>> -> memref<640xf32, #tpu.memory_space<hbm>>
        tpu.wait_dma2 semaphore(%run_scoped3A : memref<!tpu.dma_semaphore, #tpu.memory_space<semaphore_mem>>) src(%arg7 : memref<640xf32, #tpu.memory_space<vmem>>) dst(%dma_wait3A_85 : memref<640xf32, #tpu.memory_space<hbm>>)
        tpu.yield
      }) : () -> ()
    } else {
    }
    return
  }
}

#map = affine_map<(d0, d1) -> (0)>
#map1 = affine_map<(d0, d1) -> (0, 0)>
#map2 = affine_map<(d0, d1) -> (0, 0, 0)>
module attributes {stable_mosaic.version = 14 : i64} {
  func.func @_spmm_body(%arg0: i32, %arg1: i32, %arg2: memref<640000xi32, #tpu.memory_space<hbm>>, %arg3: memref<10000x64xf32, #tpu.memory_space<hbm>>, %arg4: memref<2x10240x64xf32, #tpu.memory_space<hbm>>, %arg5: memref<10240x64xf32, #tpu.memory_space<vmem_shared>>, %arg6: memref<10000xi32, #tpu.memory_space<vmem>>, %arg7: memref<10000xi32, #tpu.memory_space<vmem>>, %arg8: memref<5x80x64xf32, #tpu.memory_space<vmem>>, %arg9: memref<2x128x64xf32, #tpu.memory_space<vmem>>, %arg10: memref<!tpu.dma_semaphore, #tpu.memory_space<semaphore_mem>>, %arg11: memref<!tpu.dma_semaphore, #tpu.memory_space<semaphore_mem>>, %arg12: memref<!tpu.dma_semaphore, #tpu.memory_space<semaphore_mem>>, %arg13: memref<!tpu.dma_semaphore, #tpu.memory_space<semaphore_mem>>, %arg14: memref<!tpu.dma_semaphore, #tpu.memory_space<semaphore_mem>>, %arg15: memref<!tpu.dma_semaphore, #tpu.memory_space<semaphore_mem>>, %arg16: memref<!tpu.dma_semaphore, #tpu.memory_space<semaphore_mem>>, %arg17: memref<!tpu.dma_semaphore, #tpu.memory_space<semaphore_mem>>, %arg18: memref<!tpu.dma_semaphore, #tpu.memory_space<semaphore_mem>>, %arg19: memref<!tpu.dma_semaphore, #tpu.memory_space<semaphore_mem>>) attributes {dimension_semantics = [#tpu.dimension_semantics<core_parallel>, #tpu.dimension_semantics<subcore_parallel>], iteration_bounds = array<i64: 2, 16>, scalar_prefetch = 0 : i64, scratch_operands = 15 : i64, tpu.core_type = #tpu.core_type<sc_vector_subcore>, window_params = [{transform_indices = #map}, {transform_indices = #map1}, {transform_indices = #map2}]} {
    %mul3A = arith.constant 16 : i32
    %mul3A_0 = arith.muli %arg0, %mul3A : i32
    %add3A = arith.addi %mul3A_0, %arg1 : i32
    %mul3A_1 = arith.constant 10000 : i32
    %mul3A_2 = arith.muli %add3A, %mul3A_1 : i32
    %multiple_of3A = tpu.assume_multiple %mul3A_2, 8 : i32
    %dma_start3A = tpu.memref_slice %arg2[%multiple_of3A] : memref<640000xi32, #tpu.memory_space<hbm>> -> memref<10000xi32, #tpu.memory_space<hbm>>
    %dma_start3A_3 = tpu.memref_slice %arg2[%multiple_of3A] : memref<640000xi32, #tpu.memory_space<hbm>> -> memref<10000xi32, #tpu.memory_space<hbm>>
    tpu.enqueue_dma source(%dma_start3A_3 : memref<10000xi32, #tpu.memory_space<hbm>>) target(%arg6 : memref<10000xi32, #tpu.memory_space<vmem>>) target_semaphore(%arg10 : memref<!tpu.dma_semaphore, #tpu.memory_space<semaphore_mem>>)
    %mul3A_4 = arith.constant 10000 : i32
    %mul3A_5 = arith.muli %add3A, %mul3A_4 : i32
    %add3A_6 = arith.constant 320000 : i32
    %add3A_7 = arith.addi %add3A_6, %mul3A_5 : i32
    %multiple_of3A_8 = tpu.assume_multiple %add3A_7, 8 : i32
    %dma_start3A_9 = tpu.memref_slice %arg2[%multiple_of3A_8] : memref<640000xi32, #tpu.memory_space<hbm>> -> memref<10000xi32, #tpu.memory_space<hbm>>
    %dma_start3A_10 = tpu.memref_slice %arg2[%multiple_of3A_8] : memref<640000xi32, #tpu.memory_space<hbm>> -> memref<10000xi32, #tpu.memory_space<hbm>>
    tpu.enqueue_dma source(%dma_start3A_10 : memref<10000xi32, #tpu.memory_space<hbm>>) target(%arg7 : memref<10000xi32, #tpu.memory_space<vmem>>) target_semaphore(%arg11 : memref<!tpu.dma_semaphore, #tpu.memory_space<semaphore_mem>>)
    %scan3A = arith.constant 0 : i32
    %scan3A_11 = arith.constant 0 : i32
    %scan3A_12 = arith.constant 128 : i32
    %scan3A_13 = arith.addi %scan3A_11, %scan3A_12 : i32
    %scan3A_14 = arith.constant 1 : i32
    scf.for %scan3A_473 = %scan3A_11 to %scan3A_13 step %scan3A_14  : i32 {
      %broadcast_in_dim3A = arith.constant 0.000000e+00 : f32
      %broadcast_in_dim3A_474 = vector.broadcast %broadcast_in_dim3A : f32 to vector<16xf32>
      %swap3A = arith.constant 0 : i32
      %swap3A_475 = arith.index_cast %swap3A : i32 to index
      %swap3A_476 = arith.index_cast %scan3A_473 : i32 to index
      %swap3A_477 = arith.constant 0 : index
      %swap3A_478 = tpu.vector_load %arg9[%swap3A_475, %swap3A_476, %swap3A_477] {strides = array<i32>} : memref<2x128x64xf32, #tpu.memory_space<vmem>>, vector<1x1x16xf32>,
      %swap3A_479 = vector.shape_cast %swap3A_478 : vector<1x1x16xf32> to vector<16xf32>
      %swap3A_480 = vector.shape_cast %broadcast_in_dim3A_474 : vector<16xf32> to vector<1x1x16xf32>
      tpu.vector_store %arg9[%swap3A_475, %swap3A_476, %swap3A_477], %swap3A_480 {strides = array<i32>} : memref<2x128x64xf32, #tpu.memory_space<vmem>>, vector<1x1x16xf32>,
      %broadcast_in_dim3A_481 = arith.constant 0.000000e+00 : f32
      %broadcast_in_dim3A_482 = vector.broadcast %broadcast_in_dim3A_481 : f32 to vector<16xf32>
      %swap3A_483 = arith.constant 0 : i32
      %swap3A_484 = arith.index_cast %swap3A_483 : i32 to index
      %swap3A_485 = arith.index_cast %scan3A_473 : i32 to index
      %swap3A_486 = arith.constant 16 : index
      %swap3A_487 = tpu.vector_load %arg9[%swap3A_484, %swap3A_485, %swap3A_486] {strides = array<i32>} : memref<2x128x64xf32, #tpu.memory_space<vmem>>, vector<1x1x16xf32>,
      %swap3A_488 = vector.shape_cast %swap3A_487 : vector<1x1x16xf32> to vector<16xf32>
      %swap3A_489 = vector.shape_cast %broadcast_in_dim3A_482 : vector<16xf32> to vector<1x1x16xf32>
      tpu.vector_store %arg9[%swap3A_484, %swap3A_485, %swap3A_486], %swap3A_489 {strides = array<i32>} : memref<2x128x64xf32, #tpu.memory_space<vmem>>, vector<1x1x16xf32>,
      %broadcast_in_dim3A_490 = arith.constant 0.000000e+00 : f32
      %broadcast_in_dim3A_491 = vector.broadcast %broadcast_in_dim3A_490 : f32 to vector<16xf32>
      %swap3A_492 = arith.constant 0 : i32
      %swap3A_493 = arith.index_cast %swap3A_492 : i32 to index
      %swap3A_494 = arith.index_cast %scan3A_473 : i32 to index
      %swap3A_495 = arith.constant 32 : index
      %swap3A_496 = tpu.vector_load %arg9[%swap3A_493, %swap3A_494, %swap3A_495] {strides = array<i32>} : memref<2x128x64xf32, #tpu.memory_space<vmem>>, vector<1x1x16xf32>,
      %swap3A_497 = vector.shape_cast %swap3A_496 : vector<1x1x16xf32> to vector<16xf32>
      %swap3A_498 = vector.shape_cast %broadcast_in_dim3A_491 : vector<16xf32> to vector<1x1x16xf32>
      tpu.vector_store %arg9[%swap3A_493, %swap3A_494, %swap3A_495], %swap3A_498 {strides = array<i32>} : memref<2x128x64xf32, #tpu.memory_space<vmem>>, vector<1x1x16xf32>,
      %broadcast_in_dim3A_499 = arith.constant 0.000000e+00 : f32
      %broadcast_in_dim3A_500 = vector.broadcast %broadcast_in_dim3A_499 : f32 to vector<16xf32>
      %swap3A_501 = arith.constant 0 : i32
      %swap3A_502 = arith.index_cast %swap3A_501 : i32 to index
      %swap3A_503 = arith.index_cast %scan3A_473 : i32 to index
      %swap3A_504 = arith.constant 48 : index
      %swap3A_505 = tpu.vector_load %arg9[%swap3A_502, %swap3A_503, %swap3A_504] {strides = array<i32>} : memref<2x128x64xf32, #tpu.memory_space<vmem>>, vector<1x1x16xf32>,
      %swap3A_506 = vector.shape_cast %swap3A_505 : vector<1x1x16xf32> to vector<16xf32>
      %swap3A_507 = vector.shape_cast %broadcast_in_dim3A_500 : vector<16xf32> to vector<1x1x16xf32>
      tpu.vector_store %arg9[%swap3A_502, %swap3A_503, %swap3A_504], %swap3A_507 {strides = array<i32>} : memref<2x128x64xf32, #tpu.memory_space<vmem>>, vector<1x1x16xf32>,
    }
    %scan3A_15 = arith.constant 128 : i32
    %mul3A_16 = arith.constant 640 : i32
    %mul3A_17 = arith.muli %arg1, %mul3A_16 : i32
    %add3A_18 = arith.constant 0 : i32
    %add3A_19 = arith.addi %mul3A_17, %add3A_18 : i32
    %run_scoped3A = arith.constant 0 : i32
    "tpu.region"() ({
      %run_scoped3A_473 = tpu.sem_alloc : memref<!tpu.dma_semaphore, #tpu.memory_space<semaphore_mem>>
      %dma_start3A_474 = arith.constant 0 : i32
      %dma_start3A_475 = arith.constant 0 : i32
      %dma_start3A_476 = tpu.memref_slice %arg9[%run_scoped3A, %dma_start3A_474, %dma_start3A_475] : memref<2x128x64xf32, #tpu.memory_space<vmem>> -> memref<1x128x64xf32, #tpu.memory_space<vmem>>
      %dma_start3A_477 = tpu.memref_squeeze %dma_start3A_476 : memref<1x128x64xf32, #tpu.memory_space<vmem>> -> memref<128x64xf32, #tpu.memory_space<vmem>>
      %dma_start3A_478 = arith.constant 0 : i32
      %dma_start3A_479 = tpu.memref_slice %arg5[%add3A_19, %dma_start3A_478] : memref<10240x64xf32, #tpu.memory_space<vmem_shared>> -> memref<128x64xf32, #tpu.memory_space<vmem_shared>>
      %dma_start3A_480 = arith.constant 0 : i32
      %dma_start3A_481 = tpu.memref_slice %arg5[%add3A_19, %dma_start3A_480] : memref<10240x64xf32, #tpu.memory_space<vmem_shared>> -> memref<128x64xf32, #tpu.memory_space<vmem_shared>>
      %dma_start3A_482 = arith.constant 0 : i32
      %dma_start3A_483 = arith.constant 0 : i32
      %dma_start3A_484 = tpu.memref_slice %arg9[%run_scoped3A, %dma_start3A_482, %dma_start3A_483] : memref<2x128x64xf32, #tpu.memory_space<vmem>> -> memref<1x128x64xf32, #tpu.memory_space<vmem>>
      %dma_start3A_485 = tpu.memref_squeeze %dma_start3A_484 : memref<1x128x64xf32, #tpu.memory_space<vmem>> -> memref<128x64xf32, #tpu.memory_space<vmem>>
      tpu.enqueue_dma source(%dma_start3A_485 : memref<128x64xf32, #tpu.memory_space<vmem>>) target(%dma_start3A_481 : memref<128x64xf32, #tpu.memory_space<vmem_shared>>) target_semaphore(%run_scoped3A_473 : memref<!tpu.dma_semaphore, #tpu.memory_space<semaphore_mem>>)
      %dma_wait3A_486 = arith.constant 0 : i32
      %dma_wait3A_487 = arith.constant 0 : i32
      %dma_wait3A_488 = tpu.memref_slice %arg9[%run_scoped3A, %dma_wait3A_486, %dma_wait3A_487] : memref<2x128x64xf32, #tpu.memory_space<vmem>> -> memref<1x128x64xf32, #tpu.memory_space<vmem>>
      %dma_wait3A_489 = tpu.memref_squeeze %dma_wait3A_488 : memref<1x128x64xf32, #tpu.memory_space<vmem>> -> memref<128x64xf32, #tpu.memory_space<vmem>>
      %dma_wait3A_490 = arith.constant 0 : i32
      %dma_wait3A_491 = tpu.memref_slice %arg5[%add3A_19, %dma_wait3A_490] : memref<10240x64xf32, #tpu.memory_space<vmem_shared>> -> memref<128x64xf32, #tpu.memory_space<vmem_shared>>
      %dma_wait3A_492 = arith.constant 0 : i32
      %dma_wait3A_493 = tpu.memref_slice %arg5[%add3A_19, %dma_wait3A_492] : memref<10240x64xf32, #tpu.memory_space<vmem_shared>> -> memref<128x64xf32, #tpu.memory_space<vmem_shared>>
      %dma_wait3A_494 = arith.constant 0 : i32
      %dma_wait3A_495 = arith.constant 0 : i32
      %dma_wait3A_496 = tpu.memref_slice %arg9[%run_scoped3A, %dma_wait3A_494, %dma_wait3A_495] : memref<2x128x64xf32, #tpu.memory_space<vmem>> -> memref<1x128x64xf32, #tpu.memory_space<vmem>>
      %dma_wait3A_497 = tpu.memref_squeeze %dma_wait3A_496 : memref<1x128x64xf32, #tpu.memory_space<vmem>> -> memref<128x64xf32, #tpu.memory_space<vmem>>
      tpu.wait_dma2 semaphore(%run_scoped3A_473 : memref<!tpu.dma_semaphore, #tpu.memory_space<semaphore_mem>>) src(%dma_wait3A_497 : memref<128x64xf32, #tpu.memory_space<vmem>>) dst(%dma_wait3A_493 : memref<128x64xf32, #tpu.memory_space<vmem_shared>>)
      tpu.yield
    }) : () -> ()
    %mul3A_20 = arith.constant 640 : i32
    %mul3A_21 = arith.muli %arg1, %mul3A_20 : i32
    %add3A_22 = arith.constant 128 : i32
    %add3A_23 = arith.addi %mul3A_21, %add3A_22 : i32
    %run_scoped3A_24 = arith.constant 0 : i32
    "tpu.region"() ({
      %run_scoped3A_473 = tpu.sem_alloc : memref<!tpu.dma_semaphore, #tpu.memory_space<semaphore_mem>>
      %dma_start3A_474 = arith.constant 0 : i32
      %dma_start3A_475 = arith.constant 0 : i32
      %dma_start3A_476 = tpu.memref_slice %arg9[%run_scoped3A_24, %dma_start3A_474, %dma_start3A_475] : memref<2x128x64xf32, #tpu.memory_space<vmem>> -> memref<1x128x64xf32, #tpu.memory_space<vmem>>
      %dma_start3A_477 = tpu.memref_squeeze %dma_start3A_476 : memref<1x128x64xf32, #tpu.memory_space<vmem>> -> memref<128x64xf32, #tpu.memory_space<vmem>>
      %dma_start3A_478 = arith.constant 0 : i32
      %dma_start3A_479 = tpu.memref_slice %arg5[%add3A_23, %dma_start3A_478] : memref<10240x64xf32, #tpu.memory_space<vmem_shared>> -> memref<128x64xf32, #tpu.memory_space<vmem_shared>>
      %dma_start3A_480 = arith.constant 0 : i32
      %dma_start3A_481 = tpu.memref_slice %arg5[%add3A_23, %dma_start3A_480] : memref<10240x64xf32, #tpu.memory_space<vmem_shared>> -> memref<128x64xf32, #tpu.memory_space<vmem_shared>>
      %dma_start3A_482 = arith.constant 0 : i32
      %dma_start3A_483 = arith.constant 0 : i32
      %dma_start3A_484 = tpu.memref_slice %arg9[%run_scoped3A_24, %dma_start3A_482, %dma_start3A_483] : memref<2x128x64xf32, #tpu.memory_space<vmem>> -> memref<1x128x64xf32, #tpu.memory_space<vmem>>
      %dma_start3A_485 = tpu.memref_squeeze %dma_start3A_484 : memref<1x128x64xf32, #tpu.memory_space<vmem>> -> memref<128x64xf32, #tpu.memory_space<vmem>>
      tpu.enqueue_dma source(%dma_start3A_485 : memref<128x64xf32, #tpu.memory_space<vmem>>) target(%dma_start3A_481 : memref<128x64xf32, #tpu.memory_space<vmem_shared>>) target_semaphore(%run_scoped3A_473 : memref<!tpu.dma_semaphore, #tpu.memory_space<semaphore_mem>>)
      %dma_wait3A_486 = arith.constant 0 : i32
      %dma_wait3A_487 = arith.constant 0 : i32
      %dma_wait3A_488 = tpu.memref_slice %arg9[%run_scoped3A_24, %dma_wait3A_486, %dma_wait3A_487] : memref<2x128x64xf32, #tpu.memory_space<vmem>> -> memref<1x128x64xf32, #tpu.memory_space<vmem>>
      %dma_wait3A_489 = tpu.memref_squeeze %dma_wait3A_488 : memref<1x128x64xf32, #tpu.memory_space<vmem>> -> memref<128x64xf32, #tpu.memory_space<vmem>>
      %dma_wait3A_490 = arith.constant 0 : i32
      %dma_wait3A_491 = tpu.memref_slice %arg5[%add3A_23, %dma_wait3A_490] : memref<10240x64xf32, #tpu.memory_space<vmem_shared>> -> memref<128x64xf32, #tpu.memory_space<vmem_shared>>
      %dma_wait3A_492 = arith.constant 0 : i32
      %dma_wait3A_493 = tpu.memref_slice %arg5[%add3A_23, %dma_wait3A_492] : memref<10240x64xf32, #tpu.memory_space<vmem_shared>> -> memref<128x64xf32, #tpu.memory_space<vmem_shared>>
      %dma_wait3A_494 = arith.constant 0 : i32
      %dma_wait3A_495 = arith.constant 0 : i32
      %dma_wait3A_496 = tpu.memref_slice %arg9[%run_scoped3A_24, %dma_wait3A_494, %dma_wait3A_495] : memref<2x128x64xf32, #tpu.memory_space<vmem>> -> memref<1x128x64xf32, #tpu.memory_space<vmem>>
      %dma_wait3A_497 = tpu.memref_squeeze %dma_wait3A_496 : memref<1x128x64xf32, #tpu.memory_space<vmem>> -> memref<128x64xf32, #tpu.memory_space<vmem>>
      tpu.wait_dma2 semaphore(%run_scoped3A_473 : memref<!tpu.dma_semaphore, #tpu.memory_space<semaphore_mem>>) src(%dma_wait3A_497 : memref<128x64xf32, #tpu.memory_space<vmem>>) dst(%dma_wait3A_493 : memref<128x64xf32, #tpu.memory_space<vmem_shared>>)
      tpu.yield
    }) : () -> ()
    %mul3A_25 = arith.constant 640 : i32
    %mul3A_26 = arith.muli %arg1, %mul3A_25 : i32
    %add3A_27 = arith.constant 256 : i32
    %add3A_28 = arith.addi %mul3A_26, %add3A_27 : i32
    %run_scoped3A_29 = arith.constant 0 : i32
    "tpu.region"() ({
      %run_scoped3A_473 = tpu.sem_alloc : memref<!tpu.dma_semaphore, #tpu.memory_space<semaphore_mem>>
      %dma_start3A_474 = arith.constant 0 : i32
      %dma_start3A_475 = arith.constant 0 : i32
      %dma_start3A_476 = tpu.memref_slice %arg9[%run_scoped3A_29, %dma_start3A_474, %dma_start3A_475] : memref<2x128x64xf32, #tpu.memory_space<vmem>> -> memref<1x128x64xf32, #tpu.memory_space<vmem>>
      %dma_start3A_477 = tpu.memref_squeeze %dma_start3A_476 : memref<1x128x64xf32, #tpu.memory_space<vmem>> -> memref<128x64xf32, #tpu.memory_space<vmem>>
      %dma_start3A_478 = arith.constant 0 : i32
      %dma_start3A_479 = tpu.memref_slice %arg5[%add3A_28, %dma_start3A_478] : memref<10240x64xf32, #tpu.memory_space<vmem_shared>> -> memref<128x64xf32, #tpu.memory_space<vmem_shared>>
      %dma_start3A_480 = arith.constant 0 : i32
      %dma_start3A_481 = tpu.memref_slice %arg5[%add3A_28, %dma_start3A_480] : memref<10240x64xf32, #tpu.memory_space<vmem_shared>> -> memref<128x64xf32, #tpu.memory_space<vmem_shared>>
      %dma_start3A_482 = arith.constant 0 : i32
      %dma_start3A_483 = arith.constant 0 : i32
      %dma_start3A_484 = tpu.memref_slice %arg9[%run_scoped3A_29, %dma_start3A_482, %dma_start3A_483] : memref<2x128x64xf32, #tpu.memory_space<vmem>> -> memref<1x128x64xf32, #tpu.memory_space<vmem>>
      %dma_start3A_485 = tpu.memref_squeeze %dma_start3A_484 : memref<1x128x64xf32, #tpu.memory_space<vmem>> -> memref<128x64xf32, #tpu.memory_space<vmem>>
      tpu.enqueue_dma source(%dma_start3A_485 : memref<128x64xf32, #tpu.memory_space<vmem>>) target(%dma_start3A_481 : memref<128x64xf32, #tpu.memory_space<vmem_shared>>) target_semaphore(%run_scoped3A_473 : memref<!tpu.dma_semaphore, #tpu.memory_space<semaphore_mem>>)
      %dma_wait3A_486 = arith.constant 0 : i32
      %dma_wait3A_487 = arith.constant 0 : i32
      %dma_wait3A_488 = tpu.memref_slice %arg9[%run_scoped3A_29, %dma_wait3A_486, %dma_wait3A_487] : memref<2x128x64xf32, #tpu.memory_space<vmem>> -> memref<1x128x64xf32, #tpu.memory_space<vmem>>
      %dma_wait3A_489 = tpu.memref_squeeze %dma_wait3A_488 : memref<1x128x64xf32, #tpu.memory_space<vmem>> -> memref<128x64xf32, #tpu.memory_space<vmem>>
      %dma_wait3A_490 = arith.constant 0 : i32
      %dma_wait3A_491 = tpu.memref_slice %arg5[%add3A_28, %dma_wait3A_490] : memref<10240x64xf32, #tpu.memory_space<vmem_shared>> -> memref<128x64xf32, #tpu.memory_space<vmem_shared>>
      %dma_wait3A_492 = arith.constant 0 : i32
      %dma_wait3A_493 = tpu.memref_slice %arg5[%add3A_28, %dma_wait3A_492] : memref<10240x64xf32, #tpu.memory_space<vmem_shared>> -> memref<128x64xf32, #tpu.memory_space<vmem_shared>>
      %dma_wait3A_494 = arith.constant 0 : i32
      %dma_wait3A_495 = arith.constant 0 : i32
      %dma_wait3A_496 = tpu.memref_slice %arg9[%run_scoped3A_29, %dma_wait3A_494, %dma_wait3A_495] : memref<2x128x64xf32, #tpu.memory_space<vmem>> -> memref<1x128x64xf32, #tpu.memory_space<vmem>>
      %dma_wait3A_497 = tpu.memref_squeeze %dma_wait3A_496 : memref<1x128x64xf32, #tpu.memory_space<vmem>> -> memref<128x64xf32, #tpu.memory_space<vmem>>
      tpu.wait_dma2 semaphore(%run_scoped3A_473 : memref<!tpu.dma_semaphore, #tpu.memory_space<semaphore_mem>>) src(%dma_wait3A_497 : memref<128x64xf32, #tpu.memory_space<vmem>>) dst(%dma_wait3A_493 : memref<128x64xf32, #tpu.memory_space<vmem_shared>>)
      tpu.yield
    }) : () -> ()
    %mul3A_30 = arith.constant 640 : i32
    %mul3A_31 = arith.muli %arg1, %mul3A_30 : i32
    %add3A_32 = arith.constant 384 : i32
    %add3A_33 = arith.addi %mul3A_31, %add3A_32 : i32
    %run_scoped3A_34 = arith.constant 0 : i32
    "tpu.region"() ({
      %run_scoped3A_473 = tpu.sem_alloc : memref<!tpu.dma_semaphore, #tpu.memory_space<semaphore_mem>>
      %dma_start3A_474 = arith.constant 0 : i32
      %dma_start3A_475 = arith.constant 0 : i32
      %dma_start3A_476 = tpu.memref_slice %arg9[%run_scoped3A_34, %dma_start3A_474, %dma_start3A_475] : memref<2x128x64xf32, #tpu.memory_space<vmem>> -> memref<1x128x64xf32, #tpu.memory_space<vmem>>
      %dma_start3A_477 = tpu.memref_squeeze %dma_start3A_476 : memref<1x128x64xf32, #tpu.memory_space<vmem>> -> memref<128x64xf32, #tpu.memory_space<vmem>>
      %dma_start3A_478 = arith.constant 0 : i32
      %dma_start3A_479 = tpu.memref_slice %arg5[%add3A_33, %dma_start3A_478] : memref<10240x64xf32, #tpu.memory_space<vmem_shared>> -> memref<128x64xf32, #tpu.memory_space<vmem_shared>>
      %dma_start3A_480 = arith.constant 0 : i32
      %dma_start3A_481 = tpu.memref_slice %arg5[%add3A_33, %dma_start3A_480] : memref<10240x64xf32, #tpu.memory_space<vmem_shared>> -> memref<128x64xf32, #tpu.memory_space<vmem_shared>>
      %dma_start3A_482 = arith.constant 0 : i32
      %dma_start3A_483 = arith.constant 0 : i32
      %dma_start3A_484 = tpu.memref_slice %arg9[%run_scoped3A_34, %dma_start3A_482, %dma_start3A_483] : memref<2x128x64xf32, #tpu.memory_space<vmem>> -> memref<1x128x64xf32, #tpu.memory_space<vmem>>
      %dma_start3A_485 = tpu.memref_squeeze %dma_start3A_484 : memref<1x128x64xf32, #tpu.memory_space<vmem>> -> memref<128x64xf32, #tpu.memory_space<vmem>>
      tpu.enqueue_dma source(%dma_start3A_485 : memref<128x64xf32, #tpu.memory_space<vmem>>) target(%dma_start3A_481 : memref<128x64xf32, #tpu.memory_space<vmem_shared>>) target_semaphore(%run_scoped3A_473 : memref<!tpu.dma_semaphore, #tpu.memory_space<semaphore_mem>>)
      %dma_wait3A_486 = arith.constant 0 : i32
      %dma_wait3A_487 = arith.constant 0 : i32
      %dma_wait3A_488 = tpu.memref_slice %arg9[%run_scoped3A_34, %dma_wait3A_486, %dma_wait3A_487] : memref<2x128x64xf32, #tpu.memory_space<vmem>> -> memref<1x128x64xf32, #tpu.memory_space<vmem>>
      %dma_wait3A_489 = tpu.memref_squeeze %dma_wait3A_488 : memref<1x128x64xf32, #tpu.memory_space<vmem>> -> memref<128x64xf32, #tpu.memory_space<vmem>>
      %dma_wait3A_490 = arith.constant 0 : i32
      %dma_wait3A_491 = tpu.memref_slice %arg5[%add3A_33, %dma_wait3A_490] : memref<10240x64xf32, #tpu.memory_space<vmem_shared>> -> memref<128x64xf32, #tpu.memory_space<vmem_shared>>
      %dma_wait3A_492 = arith.constant 0 : i32
      %dma_wait3A_493 = tpu.memref_slice %arg5[%add3A_33, %dma_wait3A_492] : memref<10240x64xf32, #tpu.memory_space<vmem_shared>> -> memref<128x64xf32, #tpu.memory_space<vmem_shared>>
      %dma_wait3A_494 = arith.constant 0 : i32
      %dma_wait3A_495 = arith.constant 0 : i32
      %dma_wait3A_496 = tpu.memref_slice %arg9[%run_scoped3A_34, %dma_wait3A_494, %dma_wait3A_495] : memref<2x128x64xf32, #tpu.memory_space<vmem>> -> memref<1x128x64xf32, #tpu.memory_space<vmem>>
      %dma_wait3A_497 = tpu.memref_squeeze %dma_wait3A_496 : memref<1x128x64xf32, #tpu.memory_space<vmem>> -> memref<128x64xf32, #tpu.memory_space<vmem>>
      tpu.wait_dma2 semaphore(%run_scoped3A_473 : memref<!tpu.dma_semaphore, #tpu.memory_space<semaphore_mem>>) src(%dma_wait3A_497 : memref<128x64xf32, #tpu.memory_space<vmem>>) dst(%dma_wait3A_493 : memref<128x64xf32, #tpu.memory_space<vmem_shared>>)
      tpu.yield
    }) : () -> ()
    %mul3A_35 = arith.constant 640 : i32
    %mul3A_36 = arith.muli %arg1, %mul3A_35 : i32
    %add3A_37 = arith.constant 512 : i32
    %add3A_38 = arith.addi %mul3A_36, %add3A_37 : i32
    %run_scoped3A_39 = arith.constant 0 : i32
    "tpu.region"() ({
      %run_scoped3A_473 = tpu.sem_alloc : memref<!tpu.dma_semaphore, #tpu.memory_space<semaphore_mem>>
      %dma_start3A_474 = arith.constant 0 : i32
      %dma_start3A_475 = arith.constant 0 : i32
      %dma_start3A_476 = tpu.memref_slice %arg9[%run_scoped3A_39, %dma_start3A_474, %dma_start3A_475] : memref<2x128x64xf32, #tpu.memory_space<vmem>> -> memref<1x128x64xf32, #tpu.memory_space<vmem>>
      %dma_start3A_477 = tpu.memref_squeeze %dma_start3A_476 : memref<1x128x64xf32, #tpu.memory_space<vmem>> -> memref<128x64xf32, #tpu.memory_space<vmem>>
      %dma_start3A_478 = arith.constant 0 : i32
      %dma_start3A_479 = tpu.memref_slice %arg5[%add3A_38, %dma_start3A_478] : memref<10240x64xf32, #tpu.memory_space<vmem_shared>> -> memref<128x64xf32, #tpu.memory_space<vmem_shared>>
      %dma_start3A_480 = arith.constant 0 : i32
      %dma_start3A_481 = tpu.memref_slice %arg5[%add3A_38, %dma_start3A_480] : memref<10240x64xf32, #tpu.memory_space<vmem_shared>> -> memref<128x64xf32, #tpu.memory_space<vmem_shared>>
      %dma_start3A_482 = arith.constant 0 : i32
      %dma_start3A_483 = arith.constant 0 : i32
      %dma_start3A_484 = tpu.memref_slice %arg9[%run_scoped3A_39, %dma_start3A_482, %dma_start3A_483] : memref<2x128x64xf32, #tpu.memory_space<vmem>> -> memref<1x128x64xf32, #tpu.memory_space<vmem>>
      %dma_start3A_485 = tpu.memref_squeeze %dma_start3A_484 : memref<1x128x64xf32, #tpu.memory_space<vmem>> -> memref<128x64xf32, #tpu.memory_space<vmem>>
      tpu.enqueue_dma source(%dma_start3A_485 : memref<128x64xf32, #tpu.memory_space<vmem>>) target(%dma_start3A_481 : memref<128x64xf32, #tpu.memory_space<vmem_shared>>) target_semaphore(%run_scoped3A_473 : memref<!tpu.dma_semaphore, #tpu.memory_space<semaphore_mem>>)
      %dma_wait3A_486 = arith.constant 0 : i32
      %dma_wait3A_487 = arith.constant 0 : i32
      %dma_wait3A_488 = tpu.memref_slice %arg9[%run_scoped3A_39, %dma_wait3A_486, %dma_wait3A_487] : memref<2x128x64xf32, #tpu.memory_space<vmem>> -> memref<1x128x64xf32, #tpu.memory_space<vmem>>
      %dma_wait3A_489 = tpu.memref_squeeze %dma_wait3A_488 : memref<1x128x64xf32, #tpu.memory_space<vmem>> -> memref<128x64xf32, #tpu.memory_space<vmem>>
      %dma_wait3A_490 = arith.constant 0 : i32
      %dma_wait3A_491 = tpu.memref_slice %arg5[%add3A_38, %dma_wait3A_490] : memref<10240x64xf32, #tpu.memory_space<vmem_shared>> -> memref<128x64xf32, #tpu.memory_space<vmem_shared>>
      %dma_wait3A_492 = arith.constant 0 : i32
      %dma_wait3A_493 = tpu.memref_slice %arg5[%add3A_38, %dma_wait3A_492] : memref<10240x64xf32, #tpu.memory_space<vmem_shared>> -> memref<128x64xf32, #tpu.memory_space<vmem_shared>>
      %dma_wait3A_494 = arith.constant 0 : i32
      %dma_wait3A_495 = arith.constant 0 : i32
      %dma_wait3A_496 = tpu.memref_slice %arg9[%run_scoped3A_39, %dma_wait3A_494, %dma_wait3A_495] : memref<2x128x64xf32, #tpu.memory_space<vmem>> -> memref<1x128x64xf32, #tpu.memory_space<vmem>>
      %dma_wait3A_497 = tpu.memref_squeeze %dma_wait3A_496 : memref<1x128x64xf32, #tpu.memory_space<vmem>> -> memref<128x64xf32, #tpu.memory_space<vmem>>
      tpu.wait_dma2 semaphore(%run_scoped3A_473 : memref<!tpu.dma_semaphore, #tpu.memory_space<semaphore_mem>>) src(%dma_wait3A_497 : memref<128x64xf32, #tpu.memory_space<vmem>>) dst(%dma_wait3A_493 : memref<128x64xf32, #tpu.memory_space<vmem_shared>>)
      tpu.yield
    }) : () -> ()
    %mul3A_40 = arith.constant 10000 : i32
    %mul3A_41 = arith.muli %add3A, %mul3A_40 : i32
    %multiple_of3A_42 = tpu.assume_multiple %mul3A_41, 8 : i32
    %dma_wait3A = tpu.memref_slice %arg2[%multiple_of3A_42] : memref<640000xi32, #tpu.memory_space<hbm>> -> memref<10000xi32, #tpu.memory_space<hbm>>
    %dma_wait3A_43 = tpu.memref_slice %arg2[%multiple_of3A_42] : memref<640000xi32, #tpu.memory_space<hbm>> -> memref<10000xi32, #tpu.memory_space<hbm>>
    tpu.wait_dma2 semaphore(%arg10 : memref<!tpu.dma_semaphore, #tpu.memory_space<semaphore_mem>>) src(%dma_wait3A_43 : memref<10000xi32, #tpu.memory_space<hbm>>) dst(%arg6 : memref<10000xi32, #tpu.memory_space<vmem>>)
    %mul3A_44 = arith.constant 10000 : i32
    %mul3A_45 = arith.muli %add3A, %mul3A_44 : i32
    %add3A_46 = arith.constant 320000 : i32
    %add3A_47 = arith.addi %add3A_46, %mul3A_45 : i32
    %multiple_of3A_48 = tpu.assume_multiple %add3A_47, 8 : i32
    %dma_wait3A_49 = tpu.memref_slice %arg2[%multiple_of3A_48] : memref<640000xi32, #tpu.memory_space<hbm>> -> memref<10000xi32, #tpu.memory_space<hbm>>
    %dma_wait3A_50 = tpu.memref_slice %arg2[%multiple_of3A_48] : memref<640000xi32, #tpu.memory_space<hbm>> -> memref<10000xi32, #tpu.memory_space<hbm>>
    tpu.wait_dma2 semaphore(%arg11 : memref<!tpu.dma_semaphore, #tpu.memory_space<semaphore_mem>>) src(%dma_wait3A_50 : memref<10000xi32, #tpu.memory_space<hbm>>) dst(%arg7 : memref<10000xi32, #tpu.memory_space<vmem>>)
    %barrier3A = arith.constant 0 : index
    tpu.barrier barrier_id(%barrier3A)
    %multiple_of3A_51 = arith.constant 0 : i32
    %multiple_of3A_52 = tpu.assume_multiple %multiple_of3A_51, 8 : i32
    %dma_start3A_53 = arith.constant 0 : i32
    %dma_start3A_54 = arith.constant 0 : i32
    %dma_start3A_55 = arith.constant 0 : i32
    %dma_start3A_56 = tpu.memref_slice %arg8[%dma_start3A_53, %dma_start3A_54, %dma_start3A_55] : memref<5x80x64xf32, #tpu.memory_space<vmem>> -> memref<1x80x64xf32, #tpu.memory_space<vmem>>
    %dma_start3A_57 = tpu.memref_squeeze %dma_start3A_56 : memref<1x80x64xf32, #tpu.memory_space<vmem>> -> memref<80x64xf32, #tpu.memory_space<vmem>>
    %dma_start3A_58 = tpu.memref_slice %arg6[%multiple_of3A_52] : memref<10000xi32, #tpu.memory_space<vmem>> -> memref<80xi32, #tpu.memory_space<vmem>>
    %dma_start3A_59 = arith.constant 0 : i32
    %dma_start3A_60 = arith.constant 0 : i32
    %dma_start3A_61 = tpu.memref_slice %arg3[%dma_start3A_59, %dma_start3A_60] : memref<10000x64xf32, #tpu.memory_space<hbm>> -> memref<10000x64xf32, #tpu.memory_space<hbm>>
    tpu.enqueue_indirect_dma source(%dma_start3A_61 : memref<10000x64xf32, #tpu.memory_space<hbm>>) target(%dma_start3A_57 : memref<80x64xf32, #tpu.memory_space<vmem>>) offsets(%dma_start3A_58 : memref<80xi32, #tpu.memory_space<vmem>>) semaphore(%arg10 : memref<!tpu.dma_semaphore, #tpu.memory_space<semaphore_mem>>)
    %multiple_of3A_62 = arith.constant 80 : i32
    %multiple_of3A_63 = tpu.assume_multiple %multiple_of3A_62, 8 : i32
    %dma_start3A_64 = arith.constant 1 : i32
    %dma_start3A_65 = arith.constant 0 : i32
    %dma_start3A_66 = arith.constant 0 : i32
    %dma_start3A_67 = tpu.memref_slice %arg8[%dma_start3A_64, %dma_start3A_65, %dma_start3A_66] : memref<5x80x64xf32, #tpu.memory_space<vmem>> -> memref<1x80x64xf32, #tpu.memory_space<vmem>>
    %dma_start3A_68 = tpu.memref_squeeze %dma_start3A_67 : memref<1x80x64xf32, #tpu.memory_space<vmem>> -> memref<80x64xf32, #tpu.memory_space<vmem>>
    %dma_start3A_69 = tpu.memref_slice %arg6[%multiple_of3A_63] : memref<10000xi32, #tpu.memory_space<vmem>> -> memref<80xi32, #tpu.memory_space<vmem>>
    %dma_start3A_70 = arith.constant 0 : i32
    %dma_start3A_71 = arith.constant 0 : i32
    %dma_start3A_72 = tpu.memref_slice %arg3[%dma_start3A_70, %dma_start3A_71] : memref<10000x64xf32, #tpu.memory_space<hbm>> -> memref<10000x64xf32, #tpu.memory_space<hbm>>
    tpu.enqueue_indirect_dma source(%dma_start3A_72 : memref<10000x64xf32, #tpu.memory_space<hbm>>) target(%dma_start3A_68 : memref<80x64xf32, #tpu.memory_space<vmem>>) offsets(%dma_start3A_69 : memref<80xi32, #tpu.memory_space<vmem>>) semaphore(%arg11 : memref<!tpu.dma_semaphore, #tpu.memory_space<semaphore_mem>>)
    %multiple_of3A_73 = arith.constant 160 : i32
    %multiple_of3A_74 = tpu.assume_multiple %multiple_of3A_73, 8 : i32
    %dma_start3A_75 = arith.constant 2 : i32
    %dma_start3A_76 = arith.constant 0 : i32
    %dma_start3A_77 = arith.constant 0 : i32
    %dma_start3A_78 = tpu.memref_slice %arg8[%dma_start3A_75, %dma_start3A_76, %dma_start3A_77] : memref<5x80x64xf32, #tpu.memory_space<vmem>> -> memref<1x80x64xf32, #tpu.memory_space<vmem>>
    %dma_start3A_79 = tpu.memref_squeeze %dma_start3A_78 : memref<1x80x64xf32, #tpu.memory_space<vmem>> -> memref<80x64xf32, #tpu.memory_space<vmem>>
    %dma_start3A_80 = tpu.memref_slice %arg6[%multiple_of3A_74] : memref<10000xi32, #tpu.memory_space<vmem>> -> memref<80xi32, #tpu.memory_space<vmem>>
    %dma_start3A_81 = arith.constant 0 : i32
    %dma_start3A_82 = arith.constant 0 : i32
    %dma_start3A_83 = tpu.memref_slice %arg3[%dma_start3A_81, %dma_start3A_82] : memref<10000x64xf32, #tpu.memory_space<hbm>> -> memref<10000x64xf32, #tpu.memory_space<hbm>>
    tpu.enqueue_indirect_dma source(%dma_start3A_83 : memref<10000x64xf32, #tpu.memory_space<hbm>>) target(%dma_start3A_79 : memref<80x64xf32, #tpu.memory_space<vmem>>) offsets(%dma_start3A_80 : memref<80xi32, #tpu.memory_space<vmem>>) semaphore(%arg12 : memref<!tpu.dma_semaphore, #tpu.memory_space<semaphore_mem>>)
    %multiple_of3A_84 = arith.constant 240 : i32
    %multiple_of3A_85 = tpu.assume_multiple %multiple_of3A_84, 8 : i32
    %dma_start3A_86 = arith.constant 3 : i32
    %dma_start3A_87 = arith.constant 0 : i32
    %dma_start3A_88 = arith.constant 0 : i32
    %dma_start3A_89 = tpu.memref_slice %arg8[%dma_start3A_86, %dma_start3A_87, %dma_start3A_88] : memref<5x80x64xf32, #tpu.memory_space<vmem>> -> memref<1x80x64xf32, #tpu.memory_space<vmem>>
    %dma_start3A_90 = tpu.memref_squeeze %dma_start3A_89 : memref<1x80x64xf32, #tpu.memory_space<vmem>> -> memref<80x64xf32, #tpu.memory_space<vmem>>
    %dma_start3A_91 = tpu.memref_slice %arg6[%multiple_of3A_85] : memref<10000xi32, #tpu.memory_space<vmem>> -> memref<80xi32, #tpu.memory_space<vmem>>
    %dma_start3A_92 = arith.constant 0 : i32
    %dma_start3A_93 = arith.constant 0 : i32
    %dma_start3A_94 = tpu.memref_slice %arg3[%dma_start3A_92, %dma_start3A_93] : memref<10000x64xf32, #tpu.memory_space<hbm>> -> memref<10000x64xf32, #tpu.memory_space<hbm>>
    tpu.enqueue_indirect_dma source(%dma_start3A_94 : memref<10000x64xf32, #tpu.memory_space<hbm>>) target(%dma_start3A_90 : memref<80x64xf32, #tpu.memory_space<vmem>>) offsets(%dma_start3A_91 : memref<80xi32, #tpu.memory_space<vmem>>) semaphore(%arg13 : memref<!tpu.dma_semaphore, #tpu.memory_space<semaphore_mem>>)
    %multiple_of3A_95 = arith.constant 320 : i32
    %multiple_of3A_96 = tpu.assume_multiple %multiple_of3A_95, 8 : i32
    %dma_start3A_97 = arith.constant 4 : i32
    %dma_start3A_98 = arith.constant 0 : i32
    %dma_start3A_99 = arith.constant 0 : i32
    %dma_start3A_100 = tpu.memref_slice %arg8[%dma_start3A_97, %dma_start3A_98, %dma_start3A_99] : memref<5x80x64xf32, #tpu.memory_space<vmem>> -> memref<1x80x64xf32, #tpu.memory_space<vmem>>
    %dma_start3A_101 = tpu.memref_squeeze %dma_start3A_100 : memref<1x80x64xf32, #tpu.memory_space<vmem>> -> memref<80x64xf32, #tpu.memory_space<vmem>>
    %dma_start3A_102 = tpu.memref_slice %arg6[%multiple_of3A_96] : memref<10000xi32, #tpu.memory_space<vmem>> -> memref<80xi32, #tpu.memory_space<vmem>>
    %dma_start3A_103 = arith.constant 0 : i32
    %dma_start3A_104 = arith.constant 0 : i32
    %dma_start3A_105 = tpu.memref_slice %arg3[%dma_start3A_103, %dma_start3A_104] : memref<10000x64xf32, #tpu.memory_space<hbm>> -> memref<10000x64xf32, #tpu.memory_space<hbm>>
    tpu.enqueue_indirect_dma source(%dma_start3A_105 : memref<10000x64xf32, #tpu.memory_space<hbm>>) target(%dma_start3A_101 : memref<80x64xf32, #tpu.memory_space<vmem>>) offsets(%dma_start3A_102 : memref<80xi32, #tpu.memory_space<vmem>>) semaphore(%arg14 : memref<!tpu.dma_semaphore, #tpu.memory_space<semaphore_mem>>)
    %scan3A_106 = arith.constant 0 : i32
    %scan3A_107 = arith.constant 0 : i32
    %scan3A_108 = arith.constant 25 : i32
    %scan3A_109 = arith.addi %scan3A_107, %scan3A_108 : i32
    %scan3A_110 = arith.constant 1 : i32
    scf.for %scan3A_473 = %scan3A_107 to %scan3A_109 step %scan3A_110  : i32 {
      %mul3A_474 = arith.constant 5 : i32
      %mul3A_475 = arith.muli %scan3A_473, %mul3A_474 : i32
      %add3A_476 = arith.constant 0 : i32
      %add3A_477 = arith.addi %mul3A_475, %add3A_476 : i32
      %mul3A_478 = arith.constant 80 : i32
      %mul3A_479 = arith.muli %add3A_477, %mul3A_478 : i32
      %multiple_of3A_480 = tpu.assume_multiple %mul3A_479, 8 : i32
      %dma_wait3A_481 = arith.constant 0 : i32
      %dma_wait3A_482 = arith.constant 0 : i32
      %dma_wait3A_483 = arith.constant 0 : i32
      %dma_wait3A_484 = tpu.memref_slice %arg8[%dma_wait3A_481, %dma_wait3A_482, %dma_wait3A_483] : memref<5x80x64xf32, #tpu.memory_space<vmem>> -> memref<1x80x64xf32, #tpu.memory_space<vmem>>
      %dma_wait3A_485 = tpu.memref_squeeze %dma_wait3A_484 : memref<1x80x64xf32, #tpu.memory_space<vmem>> -> memref<80x64xf32, #tpu.memory_space<vmem>>
      %dma_wait3A_486 = tpu.memref_slice %arg6[%multiple_of3A_480] : memref<10000xi32, #tpu.memory_space<vmem>> -> memref<80xi32, #tpu.memory_space<vmem>>
      %dma_wait3A_487 = arith.constant 0 : i32
      %dma_wait3A_488 = arith.constant 0 : i32
      %dma_wait3A_489 = tpu.memref_slice %arg3[%dma_wait3A_487, %dma_wait3A_488] : memref<10000x64xf32, #tpu.memory_space<hbm>> -> memref<10000x64xf32, #tpu.memory_space<hbm>>
      tpu.wait_indirect_dma semaphore(%arg10 : memref<!tpu.dma_semaphore, #tpu.memory_space<semaphore_mem>>) src(%dma_wait3A_489 : memref<10000x64xf32, #tpu.memory_space<hbm>>) dst(%dma_wait3A_485 : memref<80x64xf32, #tpu.memory_space<vmem>>)
      %mul3A_490 = arith.constant 80 : i32
      %mul3A_491 = arith.muli %add3A_477, %mul3A_490 : i32
      %multiple_of3A_492 = tpu.assume_multiple %mul3A_491, 8 : i32
      %dma_start3A_493 = arith.constant 0 : i32
      %dma_start3A_494 = arith.constant 0 : i32
      %dma_start3A_495 = arith.constant 0 : i32
      %dma_start3A_496 = tpu.memref_slice %arg8[%dma_start3A_493, %dma_start3A_494, %dma_start3A_495] : memref<5x80x64xf32, #tpu.memory_space<vmem>> -> memref<1x80x64xf32, #tpu.memory_space<vmem>>
      %dma_start3A_497 = tpu.memref_squeeze %dma_start3A_496 : memref<1x80x64xf32, #tpu.memory_space<vmem>> -> memref<80x64xf32, #tpu.memory_space<vmem>>
      %dma_start3A_498 = tpu.memref_slice %arg7[%multiple_of3A_492] : memref<10000xi32, #tpu.memory_space<vmem>> -> memref<80xi32, #tpu.memory_space<vmem>>
      %dma_start3A_499 = arith.constant 0 : i32
      %dma_start3A_500 = arith.constant 0 : i32
      %dma_start3A_501 = tpu.memref_slice %arg5[%dma_start3A_499, %dma_start3A_500] : memref<10240x64xf32, #tpu.memory_space<vmem_shared>> -> memref<10240x64xf32, #tpu.memory_space<vmem_shared>>
      tpu.enqueue_indirect_dma source(%dma_start3A_497 : memref<80x64xf32, #tpu.memory_space<vmem>>) target(%dma_start3A_501 : memref<10240x64xf32, #tpu.memory_space<vmem_shared>>) offsets(%dma_start3A_498 : memref<80xi32, #tpu.memory_space<vmem>>) semaphore(%arg15 : memref<!tpu.dma_semaphore, #tpu.memory_space<semaphore_mem>>) {add = true}
      %mul3A_502 = arith.constant 5 : i32
      %mul3A_503 = arith.muli %scan3A_473, %mul3A_502 : i32
      %add3A_504 = arith.constant 1 : i32
      %add3A_505 = arith.addi %mul3A_503, %add3A_504 : i32
      %mul3A_506 = arith.constant 80 : i32
      %mul3A_507 = arith.muli %add3A_505, %mul3A_506 : i32
      %multiple_of3A_508 = tpu.assume_multiple %mul3A_507, 8 : i32
      %dma_wait3A_509 = arith.constant 1 : i32
      %dma_wait3A_510 = arith.constant 0 : i32
      %dma_wait3A_511 = arith.constant 0 : i32
      %dma_wait3A_512 = tpu.memref_slice %arg8[%dma_wait3A_509, %dma_wait3A_510, %dma_wait3A_511] : memref<5x80x64xf32, #tpu.memory_space<vmem>> -> memref<1x80x64xf32, #tpu.memory_space<vmem>>
      %dma_wait3A_513 = tpu.memref_squeeze %dma_wait3A_512 : memref<1x80x64xf32, #tpu.memory_space<vmem>> -> memref<80x64xf32, #tpu.memory_space<vmem>>
      %dma_wait3A_514 = tpu.memref_slice %arg6[%multiple_of3A_508] : memref<10000xi32, #tpu.memory_space<vmem>> -> memref<80xi32, #tpu.memory_space<vmem>>
      %dma_wait3A_515 = arith.constant 0 : i32
      %dma_wait3A_516 = arith.constant 0 : i32
      %dma_wait3A_517 = tpu.memref_slice %arg3[%dma_wait3A_515, %dma_wait3A_516] : memref<10000x64xf32, #tpu.memory_space<hbm>> -> memref<10000x64xf32, #tpu.memory_space<hbm>>
      tpu.wait_indirect_dma semaphore(%arg11 : memref<!tpu.dma_semaphore, #tpu.memory_space<semaphore_mem>>) src(%dma_wait3A_517 : memref<10000x64xf32, #tpu.memory_space<hbm>>) dst(%dma_wait3A_513 : memref<80x64xf32, #tpu.memory_space<vmem>>)
      %mul3A_518 = arith.constant 80 : i32
      %mul3A_519 = arith.muli %add3A_505, %mul3A_518 : i32
      %multiple_of3A_520 = tpu.assume_multiple %mul3A_519, 8 : i32
      %dma_start3A_521 = arith.constant 1 : i32
      %dma_start3A_522 = arith.constant 0 : i32
      %dma_start3A_523 = arith.constant 0 : i32
      %dma_start3A_524 = tpu.memref_slice %arg8[%dma_start3A_521, %dma_start3A_522, %dma_start3A_523] : memref<5x80x64xf32, #tpu.memory_space<vmem>> -> memref<1x80x64xf32, #tpu.memory_space<vmem>>
      %dma_start3A_525 = tpu.memref_squeeze %dma_start3A_524 : memref<1x80x64xf32, #tpu.memory_space<vmem>> -> memref<80x64xf32, #tpu.memory_space<vmem>>
      %dma_start3A_526 = tpu.memref_slice %arg7[%multiple_of3A_520] : memref<10000xi32, #tpu.memory_space<vmem>> -> memref<80xi32, #tpu.memory_space<vmem>>
      %dma_start3A_527 = arith.constant 0 : i32
      %dma_start3A_528 = arith.constant 0 : i32
      %dma_start3A_529 = tpu.memref_slice %arg5[%dma_start3A_527, %dma_start3A_528] : memref<10240x64xf32, #tpu.memory_space<vmem_shared>> -> memref<10240x64xf32, #tpu.memory_space<vmem_shared>>
      tpu.enqueue_indirect_dma source(%dma_start3A_525 : memref<80x64xf32, #tpu.memory_space<vmem>>) target(%dma_start3A_529 : memref<10240x64xf32, #tpu.memory_space<vmem_shared>>) offsets(%dma_start3A_526 : memref<80xi32, #tpu.memory_space<vmem>>) semaphore(%arg16 : memref<!tpu.dma_semaphore, #tpu.memory_space<semaphore_mem>>) {add = true}
      %mul3A_530 = arith.constant 5 : i32
      %mul3A_531 = arith.muli %scan3A_473, %mul3A_530 : i32
      %add3A_532 = arith.constant 2 : i32
      %add3A_533 = arith.addi %mul3A_531, %add3A_532 : i32
      %mul3A_534 = arith.constant 80 : i32
      %mul3A_535 = arith.muli %add3A_533, %mul3A_534 : i32
      %multiple_of3A_536 = tpu.assume_multiple %mul3A_535, 8 : i32
      %dma_wait3A_537 = arith.constant 2 : i32
      %dma_wait3A_538 = arith.constant 0 : i32
      %dma_wait3A_539 = arith.constant 0 : i32
      %dma_wait3A_540 = tpu.memref_slice %arg8[%dma_wait3A_537, %dma_wait3A_538, %dma_wait3A_539] : memref<5x80x64xf32, #tpu.memory_space<vmem>> -> memref<1x80x64xf32, #tpu.memory_space<vmem>>
      %dma_wait3A_541 = tpu.memref_squeeze %dma_wait3A_540 : memref<1x80x64xf32, #tpu.memory_space<vmem>> -> memref<80x64xf32, #tpu.memory_space<vmem>>
      %dma_wait3A_542 = tpu.memref_slice %arg6[%multiple_of3A_536] : memref<10000xi32, #tpu.memory_space<vmem>> -> memref<80xi32, #tpu.memory_space<vmem>>
      %dma_wait3A_543 = arith.constant 0 : i32
      %dma_wait3A_544 = arith.constant 0 : i32
      %dma_wait3A_545 = tpu.memref_slice %arg3[%dma_wait3A_543, %dma_wait3A_544] : memref<10000x64xf32, #tpu.memory_space<hbm>> -> memref<10000x64xf32, #tpu.memory_space<hbm>>
      tpu.wait_indirect_dma semaphore(%arg12 : memref<!tpu.dma_semaphore, #tpu.memory_space<semaphore_mem>>) src(%dma_wait3A_545 : memref<10000x64xf32, #tpu.memory_space<hbm>>) dst(%dma_wait3A_541 : memref<80x64xf32, #tpu.memory_space<vmem>>)
      %mul3A_546 = arith.constant 80 : i32
      %mul3A_547 = arith.muli %add3A_533, %mul3A_546 : i32
      %multiple_of3A_548 = tpu.assume_multiple %mul3A_547, 8 : i32
      %dma_start3A_549 = arith.constant 2 : i32
      %dma_start3A_550 = arith.constant 0 : i32
      %dma_start3A_551 = arith.constant 0 : i32
      %dma_start3A_552 = tpu.memref_slice %arg8[%dma_start3A_549, %dma_start3A_550, %dma_start3A_551] : memref<5x80x64xf32, #tpu.memory_space<vmem>> -> memref<1x80x64xf32, #tpu.memory_space<vmem>>
      %dma_start3A_553 = tpu.memref_squeeze %dma_start3A_552 : memref<1x80x64xf32, #tpu.memory_space<vmem>> -> memref<80x64xf32, #tpu.memory_space<vmem>>
      %dma_start3A_554 = tpu.memref_slice %arg7[%multiple_of3A_548] : memref<10000xi32, #tpu.memory_space<vmem>> -> memref<80xi32, #tpu.memory_space<vmem>>
      %dma_start3A_555 = arith.constant 0 : i32
      %dma_start3A_556 = arith.constant 0 : i32
      %dma_start3A_557 = tpu.memref_slice %arg5[%dma_start3A_555, %dma_start3A_556] : memref<10240x64xf32, #tpu.memory_space<vmem_shared>> -> memref<10240x64xf32, #tpu.memory_space<vmem_shared>>
      tpu.enqueue_indirect_dma source(%dma_start3A_553 : memref<80x64xf32, #tpu.memory_space<vmem>>) target(%dma_start3A_557 : memref<10240x64xf32, #tpu.memory_space<vmem_shared>>) offsets(%dma_start3A_554 : memref<80xi32, #tpu.memory_space<vmem>>) semaphore(%arg17 : memref<!tpu.dma_semaphore, #tpu.memory_space<semaphore_mem>>) {add = true}
      %mul3A_558 = arith.constant 5 : i32
      %mul3A_559 = arith.muli %scan3A_473, %mul3A_558 : i32
      %add3A_560 = arith.constant 3 : i32
      %add3A_561 = arith.addi %mul3A_559, %add3A_560 : i32
      %mul3A_562 = arith.constant 80 : i32
      %mul3A_563 = arith.muli %add3A_561, %mul3A_562 : i32
      %multiple_of3A_564 = tpu.assume_multiple %mul3A_563, 8 : i32
      %dma_wait3A_565 = arith.constant 3 : i32
      %dma_wait3A_566 = arith.constant 0 : i32
      %dma_wait3A_567 = arith.constant 0 : i32
      %dma_wait3A_568 = tpu.memref_slice %arg8[%dma_wait3A_565, %dma_wait3A_566, %dma_wait3A_567] : memref<5x80x64xf32, #tpu.memory_space<vmem>> -> memref<1x80x64xf32, #tpu.memory_space<vmem>>
      %dma_wait3A_569 = tpu.memref_squeeze %dma_wait3A_568 : memref<1x80x64xf32, #tpu.memory_space<vmem>> -> memref<80x64xf32, #tpu.memory_space<vmem>>
      %dma_wait3A_570 = tpu.memref_slice %arg6[%multiple_of3A_564] : memref<10000xi32, #tpu.memory_space<vmem>> -> memref<80xi32, #tpu.memory_space<vmem>>
      %dma_wait3A_571 = arith.constant 0 : i32
      %dma_wait3A_572 = arith.constant 0 : i32
      %dma_wait3A_573 = tpu.memref_slice %arg3[%dma_wait3A_571, %dma_wait3A_572] : memref<10000x64xf32, #tpu.memory_space<hbm>> -> memref<10000x64xf32, #tpu.memory_space<hbm>>
      tpu.wait_indirect_dma semaphore(%arg13 : memref<!tpu.dma_semaphore, #tpu.memory_space<semaphore_mem>>) src(%dma_wait3A_573 : memref<10000x64xf32, #tpu.memory_space<hbm>>) dst(%dma_wait3A_569 : memref<80x64xf32, #tpu.memory_space<vmem>>)
      %mul3A_574 = arith.constant 80 : i32
      %mul3A_575 = arith.muli %add3A_561, %mul3A_574 : i32
      %multiple_of3A_576 = tpu.assume_multiple %mul3A_575, 8 : i32
      %dma_start3A_577 = arith.constant 3 : i32
      %dma_start3A_578 = arith.constant 0 : i32
      %dma_start3A_579 = arith.constant 0 : i32
      %dma_start3A_580 = tpu.memref_slice %arg8[%dma_start3A_577, %dma_start3A_578, %dma_start3A_579] : memref<5x80x64xf32, #tpu.memory_space<vmem>> -> memref<1x80x64xf32, #tpu.memory_space<vmem>>
      %dma_start3A_581 = tpu.memref_squeeze %dma_start3A_580 : memref<1x80x64xf32, #tpu.memory_space<vmem>> -> memref<80x64xf32, #tpu.memory_space<vmem>>
      %dma_start3A_582 = tpu.memref_slice %arg7[%multiple_of3A_576] : memref<10000xi32, #tpu.memory_space<vmem>> -> memref<80xi32, #tpu.memory_space<vmem>>
      %dma_start3A_583 = arith.constant 0 : i32
      %dma_start3A_584 = arith.constant 0 : i32
      %dma_start3A_585 = tpu.memref_slice %arg5[%dma_start3A_583, %dma_start3A_584] : memref<10240x64xf32, #tpu.memory_space<vmem_shared>> -> memref<10240x64xf32, #tpu.memory_space<vmem_shared>>
      tpu.enqueue_indirect_dma source(%dma_start3A_581 : memref<80x64xf32, #tpu.memory_space<vmem>>) target(%dma_start3A_585 : memref<10240x64xf32, #tpu.memory_space<vmem_shared>>) offsets(%dma_start3A_582 : memref<80xi32, #tpu.memory_space<vmem>>) semaphore(%arg18 : memref<!tpu.dma_semaphore, #tpu.memory_space<semaphore_mem>>) {add = true}
      %mul3A_586 = arith.constant 5 : i32
      %mul3A_587 = arith.muli %scan3A_473, %mul3A_586 : i32
      %add3A_588 = arith.constant 4 : i32
      %add3A_589 = arith.addi %mul3A_587, %add3A_588 : i32
      %mul3A_590 = arith.constant 80 : i32
      %mul3A_591 = arith.muli %add3A_589, %mul3A_590 : i32
      %multiple_of3A_592 = tpu.assume_multiple %mul3A_591, 8 : i32
      %dma_wait3A_593 = arith.constant 4 : i32
      %dma_wait3A_594 = arith.constant 0 : i32
      %dma_wait3A_595 = arith.constant 0 : i32
      %dma_wait3A_596 = tpu.memref_slice %arg8[%dma_wait3A_593, %dma_wait3A_594, %dma_wait3A_595] : memref<5x80x64xf32, #tpu.memory_space<vmem>> -> memref<1x80x64xf32, #tpu.memory_space<vmem>>
      %dma_wait3A_597 = tpu.memref_squeeze %dma_wait3A_596 : memref<1x80x64xf32, #tpu.memory_space<vmem>> -> memref<80x64xf32, #tpu.memory_space<vmem>>
      %dma_wait3A_598 = tpu.memref_slice %arg6[%multiple_of3A_592] : memref<10000xi32, #tpu.memory_space<vmem>> -> memref<80xi32, #tpu.memory_space<vmem>>
      %dma_wait3A_599 = arith.constant 0 : i32
      %dma_wait3A_600 = arith.constant 0 : i32
      %dma_wait3A_601 = tpu.memref_slice %arg3[%dma_wait3A_599, %dma_wait3A_600] : memref<10000x64xf32, #tpu.memory_space<hbm>> -> memref<10000x64xf32, #tpu.memory_space<hbm>>
      tpu.wait_indirect_dma semaphore(%arg14 : memref<!tpu.dma_semaphore, #tpu.memory_space<semaphore_mem>>) src(%dma_wait3A_601 : memref<10000x64xf32, #tpu.memory_space<hbm>>) dst(%dma_wait3A_597 : memref<80x64xf32, #tpu.memory_space<vmem>>)
      %mul3A_602 = arith.constant 80 : i32
      %mul3A_603 = arith.muli %add3A_589, %mul3A_602 : i32
      %multiple_of3A_604 = tpu.assume_multiple %mul3A_603, 8 : i32
      %dma_start3A_605 = arith.constant 4 : i32
      %dma_start3A_606 = arith.constant 0 : i32
      %dma_start3A_607 = arith.constant 0 : i32
      %dma_start3A_608 = tpu.memref_slice %arg8[%dma_start3A_605, %dma_start3A_606, %dma_start3A_607] : memref<5x80x64xf32, #tpu.memory_space<vmem>> -> memref<1x80x64xf32, #tpu.memory_space<vmem>>
      %dma_start3A_609 = tpu.memref_squeeze %dma_start3A_608 : memref<1x80x64xf32, #tpu.memory_space<vmem>> -> memref<80x64xf32, #tpu.memory_space<vmem>>
      %dma_start3A_610 = tpu.memref_slice %arg7[%multiple_of3A_604] : memref<10000xi32, #tpu.memory_space<vmem>> -> memref<80xi32, #tpu.memory_space<vmem>>
      %dma_start3A_611 = arith.constant 0 : i32
      %dma_start3A_612 = arith.constant 0 : i32
      %dma_start3A_613 = tpu.memref_slice %arg5[%dma_start3A_611, %dma_start3A_612] : memref<10240x64xf32, #tpu.memory_space<vmem_shared>> -> memref<10240x64xf32, #tpu.memory_space<vmem_shared>>
      tpu.enqueue_indirect_dma source(%dma_start3A_609 : memref<80x64xf32, #tpu.memory_space<vmem>>) target(%dma_start3A_613 : memref<10240x64xf32, #tpu.memory_space<vmem_shared>>) offsets(%dma_start3A_610 : memref<80xi32, #tpu.memory_space<vmem>>) semaphore(%arg19 : memref<!tpu.dma_semaphore, #tpu.memory_space<semaphore_mem>>) {add = true}
      %mul3A_614 = arith.constant 5 : i32
      %mul3A_615 = arith.muli %scan3A_473, %mul3A_614 : i32
      %add3A_616 = arith.constant 0 : i32
      %add3A_617 = arith.addi %mul3A_615, %add3A_616 : i32
      %mul3A_618 = arith.constant 80 : i32
      %mul3A_619 = arith.muli %add3A_617, %mul3A_618 : i32
      %multiple_of3A_620 = tpu.assume_multiple %mul3A_619, 8 : i32
      %dma_wait3A_621 = arith.constant 0 : i32
      %dma_wait3A_622 = arith.constant 0 : i32
      %dma_wait3A_623 = arith.constant 0 : i32
      %dma_wait3A_624 = tpu.memref_slice %arg8[%dma_wait3A_621, %dma_wait3A_622, %dma_wait3A_623] : memref<5x80x64xf32, #tpu.memory_space<vmem>> -> memref<1x80x64xf32, #tpu.memory_space<vmem>>
      %dma_wait3A_625 = tpu.memref_squeeze %dma_wait3A_624 : memref<1x80x64xf32, #tpu.memory_space<vmem>> -> memref<80x64xf32, #tpu.memory_space<vmem>>
      %dma_wait3A_626 = tpu.memref_slice %arg7[%multiple_of3A_620] : memref<10000xi32, #tpu.memory_space<vmem>> -> memref<80xi32, #tpu.memory_space<vmem>>
      %dma_wait3A_627 = arith.constant 0 : i32
      %dma_wait3A_628 = arith.constant 0 : i32
      %dma_wait3A_629 = tpu.memref_slice %arg5[%dma_wait3A_627, %dma_wait3A_628] : memref<10240x64xf32, #tpu.memory_space<vmem_shared>> -> memref<10240x64xf32, #tpu.memory_space<vmem_shared>>
      tpu.wait_indirect_dma semaphore(%arg15 : memref<!tpu.dma_semaphore, #tpu.memory_space<semaphore_mem>>) src(%dma_wait3A_625 : memref<80x64xf32, #tpu.memory_space<vmem>>) dst(%dma_wait3A_629 : memref<10240x64xf32, #tpu.memory_space<vmem_shared>>)
      %add3A_630 = arith.constant 5 : i32
      %add3A_631 = arith.addi %add3A_617, %add3A_630 : i32
      %lt3A = arith.constant 125 : i32
      %lt3A_632 = arith.cmpi slt, %add3A_631, %lt3A : i32
      %convert_element_type3A = arith.extui %lt3A_632 : i1 to i32
      %cond3A = arith.constant 0 : i32
      %cond3A_633 = arith.cmpi ne, %convert_element_type3A, %cond3A : i32
      scf.if %cond3A_633 {
        %mul3A_726 = arith.constant 80 : i32
        %mul3A_727 = arith.muli %add3A_631, %mul3A_726 : i32
        %multiple_of3A_728 = tpu.assume_multiple %mul3A_727, 8 : i32
        %dma_start3A_729 = arith.constant 0 : i32
        %dma_start3A_730 = arith.constant 0 : i32
        %dma_start3A_731 = arith.constant 0 : i32
        %dma_start3A_732 = tpu.memref_slice %arg8[%dma_start3A_729, %dma_start3A_730, %dma_start3A_731] : memref<5x80x64xf32, #tpu.memory_space<vmem>> -> memref<1x80x64xf32, #tpu.memory_space<vmem>>
        %dma_start3A_733 = tpu.memref_squeeze %dma_start3A_732 : memref<1x80x64xf32, #tpu.memory_space<vmem>> -> memref<80x64xf32, #tpu.memory_space<vmem>>
        %dma_start3A_734 = tpu.memref_slice %arg6[%multiple_of3A_728] : memref<10000xi32, #tpu.memory_space<vmem>> -> memref<80xi32, #tpu.memory_space<vmem>>
        %dma_start3A_735 = arith.constant 0 : i32
        %dma_start3A_736 = arith.constant 0 : i32
        %dma_start3A_737 = tpu.memref_slice %arg3[%dma_start3A_735, %dma_start3A_736] : memref<10000x64xf32, #tpu.memory_space<hbm>> -> memref<10000x64xf32, #tpu.memory_space<hbm>>
        tpu.enqueue_indirect_dma source(%dma_start3A_737 : memref<10000x64xf32, #tpu.memory_space<hbm>>) target(%dma_start3A_733 : memref<80x64xf32, #tpu.memory_space<vmem>>) offsets(%dma_start3A_734 : memref<80xi32, #tpu.memory_space<vmem>>) semaphore(%arg10 : memref<!tpu.dma_semaphore, #tpu.memory_space<semaphore_mem>>)
      } else {
      }
      %mul3A_634 = arith.constant 5 : i32
      %mul3A_635 = arith.muli %scan3A_473, %mul3A_634 : i32
      %add3A_636 = arith.constant 1 : i32
      %add3A_637 = arith.addi %mul3A_635, %add3A_636 : i32
      %mul3A_638 = arith.constant 80 : i32
      %mul3A_639 = arith.muli %add3A_637, %mul3A_638 : i32
      %multiple_of3A_640 = tpu.assume_multiple %mul3A_639, 8 : i32
      %dma_wait3A_641 = arith.constant 1 : i32
      %dma_wait3A_642 = arith.constant 0 : i32
      %dma_wait3A_643 = arith.constant 0 : i32
      %dma_wait3A_644 = tpu.memref_slice %arg8[%dma_wait3A_641, %dma_wait3A_642, %dma_wait3A_643] : memref<5x80x64xf32, #tpu.memory_space<vmem>> -> memref<1x80x64xf32, #tpu.memory_space<vmem>>
      %dma_wait3A_645 = tpu.memref_squeeze %dma_wait3A_644 : memref<1x80x64xf32, #tpu.memory_space<vmem>> -> memref<80x64xf32, #tpu.memory_space<vmem>>
      %dma_wait3A_646 = tpu.memref_slice %arg7[%multiple_of3A_640] : memref<10000xi32, #tpu.memory_space<vmem>> -> memref<80xi32, #tpu.memory_space<vmem>>
      %dma_wait3A_647 = arith.constant 0 : i32
      %dma_wait3A_648 = arith.constant 0 : i32
      %dma_wait3A_649 = tpu.memref_slice %arg5[%dma_wait3A_647, %dma_wait3A_648] : memref<10240x64xf32, #tpu.memory_space<vmem_shared>> -> memref<10240x64xf32, #tpu.memory_space<vmem_shared>>
      tpu.wait_indirect_dma semaphore(%arg16 : memref<!tpu.dma_semaphore, #tpu.memory_space<semaphore_mem>>) src(%dma_wait3A_645 : memref<80x64xf32, #tpu.memory_space<vmem>>) dst(%dma_wait3A_649 : memref<10240x64xf32, #tpu.memory_space<vmem_shared>>)
      %add3A_650 = arith.constant 5 : i32
      %add3A_651 = arith.addi %add3A_637, %add3A_650 : i32
      %lt3A_652 = arith.constant 125 : i32
      %lt3A_653 = arith.cmpi slt, %add3A_651, %lt3A_652 : i32
      %convert_element_type3A_654 = arith.extui %lt3A_653 : i1 to i32
      %cond3A_655 = arith.constant 0 : i32
      %cond3A_656 = arith.cmpi ne, %convert_element_type3A_654, %cond3A_655 : i32
      scf.if %cond3A_656 {
        %mul3A_726 = arith.constant 80 : i32
        %mul3A_727 = arith.muli %add3A_651, %mul3A_726 : i32
        %multiple_of3A_728 = tpu.assume_multiple %mul3A_727, 8 : i32
        %dma_start3A_729 = arith.constant 1 : i32
        %dma_start3A_730 = arith.constant 0 : i32
        %dma_start3A_731 = arith.constant 0 : i32
        %dma_start3A_732 = tpu.memref_slice %arg8[%dma_start3A_729, %dma_start3A_730, %dma_start3A_731] : memref<5x80x64xf32, #tpu.memory_space<vmem>> -> memref<1x80x64xf32, #tpu.memory_space<vmem>>
        %dma_start3A_733 = tpu.memref_squeeze %dma_start3A_732 : memref<1x80x64xf32, #tpu.memory_space<vmem>> -> memref<80x64xf32, #tpu.memory_space<vmem>>
        %dma_start3A_734 = tpu.memref_slice %arg6[%multiple_of3A_728] : memref<10000xi32, #tpu.memory_space<vmem>> -> memref<80xi32, #tpu.memory_space<vmem>>
        %dma_start3A_735 = arith.constant 0 : i32
        %dma_start3A_736 = arith.constant 0 : i32
        %dma_start3A_737 = tpu.memref_slice %arg3[%dma_start3A_735, %dma_start3A_736] : memref<10000x64xf32, #tpu.memory_space<hbm>> -> memref<10000x64xf32, #tpu.memory_space<hbm>>
        tpu.enqueue_indirect_dma source(%dma_start3A_737 : memref<10000x64xf32, #tpu.memory_space<hbm>>) target(%dma_start3A_733 : memref<80x64xf32, #tpu.memory_space<vmem>>) offsets(%dma_start3A_734 : memref<80xi32, #tpu.memory_space<vmem>>) semaphore(%arg11 : memref<!tpu.dma_semaphore, #tpu.memory_space<semaphore_mem>>)
      } else {
      }
      %mul3A_657 = arith.constant 5 : i32
      %mul3A_658 = arith.muli %scan3A_473, %mul3A_657 : i32
      %add3A_659 = arith.constant 2 : i32
      %add3A_660 = arith.addi %mul3A_658, %add3A_659 : i32
      %mul3A_661 = arith.constant 80 : i32
      %mul3A_662 = arith.muli %add3A_660, %mul3A_661 : i32
      %multiple_of3A_663 = tpu.assume_multiple %mul3A_662, 8 : i32
      %dma_wait3A_664 = arith.constant 2 : i32
      %dma_wait3A_665 = arith.constant 0 : i32
      %dma_wait3A_666 = arith.constant 0 : i32
      %dma_wait3A_667 = tpu.memref_slice %arg8[%dma_wait3A_664, %dma_wait3A_665, %dma_wait3A_666] : memref<5x80x64xf32, #tpu.memory_space<vmem>> -> memref<1x80x64xf32, #tpu.memory_space<vmem>>
      %dma_wait3A_668 = tpu.memref_squeeze %dma_wait3A_667 : memref<1x80x64xf32, #tpu.memory_space<vmem>> -> memref<80x64xf32, #tpu.memory_space<vmem>>
      %dma_wait3A_669 = tpu.memref_slice %arg7[%multiple_of3A_663] : memref<10000xi32, #tpu.memory_space<vmem>> -> memref<80xi32, #tpu.memory_space<vmem>>
      %dma_wait3A_670 = arith.constant 0 : i32
      %dma_wait3A_671 = arith.constant 0 : i32
      %dma_wait3A_672 = tpu.memref_slice %arg5[%dma_wait3A_670, %dma_wait3A_671] : memref<10240x64xf32, #tpu.memory_space<vmem_shared>> -> memref<10240x64xf32, #tpu.memory_space<vmem_shared>>
      tpu.wait_indirect_dma semaphore(%arg17 : memref<!tpu.dma_semaphore, #tpu.memory_space<semaphore_mem>>) src(%dma_wait3A_668 : memref<80x64xf32, #tpu.memory_space<vmem>>) dst(%dma_wait3A_672 : memref<10240x64xf32, #tpu.memory_space<vmem_shared>>)
      %add3A_673 = arith.constant 5 : i32
      %add3A_674 = arith.addi %add3A_660, %add3A_673 : i32
      %lt3A_675 = arith.constant 125 : i32
      %lt3A_676 = arith.cmpi slt, %add3A_674, %lt3A_675 : i32
      %convert_element_type3A_677 = arith.extui %lt3A_676 : i1 to i32
      %cond3A_678 = arith.constant 0 : i32
      %cond3A_679 = arith.cmpi ne, %convert_element_type3A_677, %cond3A_678 : i32
      scf.if %cond3A_679 {
        %mul3A_726 = arith.constant 80 : i32
        %mul3A_727 = arith.muli %add3A_674, %mul3A_726 : i32
        %multiple_of3A_728 = tpu.assume_multiple %mul3A_727, 8 : i32
        %dma_start3A_729 = arith.constant 2 : i32
        %dma_start3A_730 = arith.constant 0 : i32
        %dma_start3A_731 = arith.constant 0 : i32
        %dma_start3A_732 = tpu.memref_slice %arg8[%dma_start3A_729, %dma_start3A_730, %dma_start3A_731] : memref<5x80x64xf32, #tpu.memory_space<vmem>> -> memref<1x80x64xf32, #tpu.memory_space<vmem>>
        %dma_start3A_733 = tpu.memref_squeeze %dma_start3A_732 : memref<1x80x64xf32, #tpu.memory_space<vmem>> -> memref<80x64xf32, #tpu.memory_space<vmem>>
        %dma_start3A_734 = tpu.memref_slice %arg6[%multiple_of3A_728] : memref<10000xi32, #tpu.memory_space<vmem>> -> memref<80xi32, #tpu.memory_space<vmem>>
        %dma_start3A_735 = arith.constant 0 : i32
        %dma_start3A_736 = arith.constant 0 : i32
        %dma_start3A_737 = tpu.memref_slice %arg3[%dma_start3A_735, %dma_start3A_736] : memref<10000x64xf32, #tpu.memory_space<hbm>> -> memref<10000x64xf32, #tpu.memory_space<hbm>>
        tpu.enqueue_indirect_dma source(%dma_start3A_737 : memref<10000x64xf32, #tpu.memory_space<hbm>>) target(%dma_start3A_733 : memref<80x64xf32, #tpu.memory_space<vmem>>) offsets(%dma_start3A_734 : memref<80xi32, #tpu.memory_space<vmem>>) semaphore(%arg12 : memref<!tpu.dma_semaphore, #tpu.memory_space<semaphore_mem>>)
      } else {
      }
      %mul3A_680 = arith.constant 5 : i32
      %mul3A_681 = arith.muli %scan3A_473, %mul3A_680 : i32
      %add3A_682 = arith.constant 3 : i32
      %add3A_683 = arith.addi %mul3A_681, %add3A_682 : i32
      %mul3A_684 = arith.constant 80 : i32
      %mul3A_685 = arith.muli %add3A_683, %mul3A_684 : i32
      %multiple_of3A_686 = tpu.assume_multiple %mul3A_685, 8 : i32
      %dma_wait3A_687 = arith.constant 3 : i32
      %dma_wait3A_688 = arith.constant 0 : i32
      %dma_wait3A_689 = arith.constant 0 : i32
      %dma_wait3A_690 = tpu.memref_slice %arg8[%dma_wait3A_687, %dma_wait3A_688, %dma_wait3A_689] : memref<5x80x64xf32, #tpu.memory_space<vmem>> -> memref<1x80x64xf32, #tpu.memory_space<vmem>>
      %dma_wait3A_691 = tpu.memref_squeeze %dma_wait3A_690 : memref<1x80x64xf32, #tpu.memory_space<vmem>> -> memref<80x64xf32, #tpu.memory_space<vmem>>
      %dma_wait3A_692 = tpu.memref_slice %arg7[%multiple_of3A_686] : memref<10000xi32, #tpu.memory_space<vmem>> -> memref<80xi32, #tpu.memory_space<vmem>>
      %dma_wait3A_693 = arith.constant 0 : i32
      %dma_wait3A_694 = arith.constant 0 : i32
      %dma_wait3A_695 = tpu.memref_slice %arg5[%dma_wait3A_693, %dma_wait3A_694] : memref<10240x64xf32, #tpu.memory_space<vmem_shared>> -> memref<10240x64xf32, #tpu.memory_space<vmem_shared>>
      tpu.wait_indirect_dma semaphore(%arg18 : memref<!tpu.dma_semaphore, #tpu.memory_space<semaphore_mem>>) src(%dma_wait3A_691 : memref<80x64xf32, #tpu.memory_space<vmem>>) dst(%dma_wait3A_695 : memref<10240x64xf32, #tpu.memory_space<vmem_shared>>)
      %add3A_696 = arith.constant 5 : i32
      %add3A_697 = arith.addi %add3A_683, %add3A_696 : i32
      %lt3A_698 = arith.constant 125 : i32
      %lt3A_699 = arith.cmpi slt, %add3A_697, %lt3A_698 : i32
      %convert_element_type3A_700 = arith.extui %lt3A_699 : i1 to i32
      %cond3A_701 = arith.constant 0 : i32
      %cond3A_702 = arith.cmpi ne, %convert_element_type3A_700, %cond3A_701 : i32
      scf.if %cond3A_702 {
        %mul3A_726 = arith.constant 80 : i32
        %mul3A_727 = arith.muli %add3A_697, %mul3A_726 : i32
        %multiple_of3A_728 = tpu.assume_multiple %mul3A_727, 8 : i32
        %dma_start3A_729 = arith.constant 3 : i32
        %dma_start3A_730 = arith.constant 0 : i32
        %dma_start3A_731 = arith.constant 0 : i32
        %dma_start3A_732 = tpu.memref_slice %arg8[%dma_start3A_729, %dma_start3A_730, %dma_start3A_731] : memref<5x80x64xf32, #tpu.memory_space<vmem>> -> memref<1x80x64xf32, #tpu.memory_space<vmem>>
        %dma_start3A_733 = tpu.memref_squeeze %dma_start3A_732 : memref<1x80x64xf32, #tpu.memory_space<vmem>> -> memref<80x64xf32, #tpu.memory_space<vmem>>
        %dma_start3A_734 = tpu.memref_slice %arg6[%multiple_of3A_728] : memref<10000xi32, #tpu.memory_space<vmem>> -> memref<80xi32, #tpu.memory_space<vmem>>
        %dma_start3A_735 = arith.constant 0 : i32
        %dma_start3A_736 = arith.constant 0 : i32
        %dma_start3A_737 = tpu.memref_slice %arg3[%dma_start3A_735, %dma_start3A_736] : memref<10000x64xf32, #tpu.memory_space<hbm>> -> memref<10000x64xf32, #tpu.memory_space<hbm>>
        tpu.enqueue_indirect_dma source(%dma_start3A_737 : memref<10000x64xf32, #tpu.memory_space<hbm>>) target(%dma_start3A_733 : memref<80x64xf32, #tpu.memory_space<vmem>>) offsets(%dma_start3A_734 : memref<80xi32, #tpu.memory_space<vmem>>) semaphore(%arg13 : memref<!tpu.dma_semaphore, #tpu.memory_space<semaphore_mem>>)
      } else {
      }
      %mul3A_703 = arith.constant 5 : i32
      %mul3A_704 = arith.muli %scan3A_473, %mul3A_703 : i32
      %add3A_705 = arith.constant 4 : i32
      %add3A_706 = arith.addi %mul3A_704, %add3A_705 : i32
      %mul3A_707 = arith.constant 80 : i32
      %mul3A_708 = arith.muli %add3A_706, %mul3A_707 : i32
      %multiple_of3A_709 = tpu.assume_multiple %mul3A_708, 8 : i32
      %dma_wait3A_710 = arith.constant 4 : i32
      %dma_wait3A_711 = arith.constant 0 : i32
      %dma_wait3A_712 = arith.constant 0 : i32
      %dma_wait3A_713 = tpu.memref_slice %arg8[%dma_wait3A_710, %dma_wait3A_711, %dma_wait3A_712] : memref<5x80x64xf32, #tpu.memory_space<vmem>> -> memref<1x80x64xf32, #tpu.memory_space<vmem>>
      %dma_wait3A_714 = tpu.memref_squeeze %dma_wait3A_713 : memref<1x80x64xf32, #tpu.memory_space<vmem>> -> memref<80x64xf32, #tpu.memory_space<vmem>>
      %dma_wait3A_715 = tpu.memref_slice %arg7[%multiple_of3A_709] : memref<10000xi32, #tpu.memory_space<vmem>> -> memref<80xi32, #tpu.memory_space<vmem>>
      %dma_wait3A_716 = arith.constant 0 : i32
      %dma_wait3A_717 = arith.constant 0 : i32
      %dma_wait3A_718 = tpu.memref_slice %arg5[%dma_wait3A_716, %dma_wait3A_717] : memref<10240x64xf32, #tpu.memory_space<vmem_shared>> -> memref<10240x64xf32, #tpu.memory_space<vmem_shared>>
      tpu.wait_indirect_dma semaphore(%arg19 : memref<!tpu.dma_semaphore, #tpu.memory_space<semaphore_mem>>) src(%dma_wait3A_714 : memref<80x64xf32, #tpu.memory_space<vmem>>) dst(%dma_wait3A_718 : memref<10240x64xf32, #tpu.memory_space<vmem_shared>>)
      %add3A_719 = arith.constant 5 : i32
      %add3A_720 = arith.addi %add3A_706, %add3A_719 : i32
      %lt3A_721 = arith.constant 125 : i32
      %lt3A_722 = arith.cmpi slt, %add3A_720, %lt3A_721 : i32
      %convert_element_type3A_723 = arith.extui %lt3A_722 : i1 to i32
      %cond3A_724 = arith.constant 0 : i32
      %cond3A_725 = arith.cmpi ne, %convert_element_type3A_723, %cond3A_724 : i32
      scf.if %cond3A_725 {
        %mul3A_726 = arith.constant 80 : i32
        %mul3A_727 = arith.muli %add3A_720, %mul3A_726 : i32
        %multiple_of3A_728 = tpu.assume_multiple %mul3A_727, 8 : i32
        %dma_start3A_729 = arith.constant 4 : i32
        %dma_start3A_730 = arith.constant 0 : i32
        %dma_start3A_731 = arith.constant 0 : i32
        %dma_start3A_732 = tpu.memref_slice %arg8[%dma_start3A_729, %dma_start3A_730, %dma_start3A_731] : memref<5x80x64xf32, #tpu.memory_space<vmem>> -> memref<1x80x64xf32, #tpu.memory_space<vmem>>
        %dma_start3A_733 = tpu.memref_squeeze %dma_start3A_732 : memref<1x80x64xf32, #tpu.memory_space<vmem>> -> memref<80x64xf32, #tpu.memory_space<vmem>>
        %dma_start3A_734 = tpu.memref_slice %arg6[%multiple_of3A_728] : memref<10000xi32, #tpu.memory_space<vmem>> -> memref<80xi32, #tpu.memory_space<vmem>>
        %dma_start3A_735 = arith.constant 0 : i32
        %dma_start3A_736 = arith.constant 0 : i32
        %dma_start3A_737 = tpu.memref_slice %arg3[%dma_start3A_735, %dma_start3A_736] : memref<10000x64xf32, #tpu.memory_space<hbm>> -> memref<10000x64xf32, #tpu.memory_space<hbm>>
        tpu.enqueue_indirect_dma source(%dma_start3A_737 : memref<10000x64xf32, #tpu.memory_space<hbm>>) target(%dma_start3A_733 : memref<80x64xf32, #tpu.memory_space<vmem>>) offsets(%dma_start3A_734 : memref<80xi32, #tpu.memory_space<vmem>>) semaphore(%arg14 : memref<!tpu.dma_semaphore, #tpu.memory_space<semaphore_mem>>)
      } else {
      }
    }
    %scan3A_111 = arith.constant 25 : i32
    %barrier3A_112 = arith.constant 0 : index
    tpu.barrier barrier_id(%barrier3A_112)
    %mul3A_113 = arith.constant 640 : i32
    %mul3A_114 = arith.muli %arg1, %mul3A_113 : i32
    %add3A_115 = arith.constant 0 : i32
    %add3A_116 = arith.addi %mul3A_114, %add3A_115 : i32
    %dma_start3A_117 = arith.constant 0 : i32
    %dma_start3A_118 = arith.constant 0 : i32
    %dma_start3A_119 = arith.constant 0 : i32
    %dma_start3A_120 = tpu.memref_slice %arg9[%dma_start3A_117, %dma_start3A_118, %dma_start3A_119] : memref<2x128x64xf32, #tpu.memory_space<vmem>> -> memref<1x128x64xf32, #tpu.memory_space<vmem>>
    %dma_start3A_121 = tpu.memref_squeeze %dma_start3A_120 : memref<1x128x64xf32, #tpu.memory_space<vmem>> -> memref<128x64xf32, #tpu.memory_space<vmem>>
    %dma_start3A_122 = arith.constant 0 : i32
    %dma_start3A_123 = tpu.memref_slice %arg5[%add3A_116, %dma_start3A_122] : memref<10240x64xf32, #tpu.memory_space<vmem_shared>> -> memref<128x64xf32, #tpu.memory_space<vmem_shared>>
    %dma_start3A_124 = arith.constant 0 : i32
    %dma_start3A_125 = arith.constant 0 : i32
    %dma_start3A_126 = tpu.memref_slice %arg9[%dma_start3A_117, %dma_start3A_124, %dma_start3A_125] : memref<2x128x64xf32, #tpu.memory_space<vmem>> -> memref<1x128x64xf32, #tpu.memory_space<vmem>>
    %dma_start3A_127 = tpu.memref_squeeze %dma_start3A_126 : memref<1x128x64xf32, #tpu.memory_space<vmem>> -> memref<128x64xf32, #tpu.memory_space<vmem>>
    %dma_start3A_128 = arith.constant 0 : i32
    %dma_start3A_129 = tpu.memref_slice %arg5[%add3A_116, %dma_start3A_128] : memref<10240x64xf32, #tpu.memory_space<vmem_shared>> -> memref<128x64xf32, #tpu.memory_space<vmem_shared>>
    tpu.enqueue_dma source(%dma_start3A_129 : memref<128x64xf32, #tpu.memory_space<vmem_shared>>) target(%dma_start3A_127 : memref<128x64xf32, #tpu.memory_space<vmem>>) target_semaphore(%arg10 : memref<!tpu.dma_semaphore, #tpu.memory_space<semaphore_mem>>)
    %mul3A_130 = arith.constant 640 : i32
    %mul3A_131 = arith.muli %arg1, %mul3A_130 : i32
    %add3A_132 = arith.constant 0 : i32
    %add3A_133 = arith.addi %mul3A_131, %add3A_132 : i32
    %dma_wait3A_134 = arith.constant 0 : i32
    %dma_wait3A_135 = arith.constant 0 : i32
    %dma_wait3A_136 = arith.constant 0 : i32
    %dma_wait3A_137 = tpu.memref_slice %arg9[%dma_wait3A_134, %dma_wait3A_135, %dma_wait3A_136] : memref<2x128x64xf32, #tpu.memory_space<vmem>> -> memref<1x128x64xf32, #tpu.memory_space<vmem>>
    %dma_wait3A_138 = tpu.memref_squeeze %dma_wait3A_137 : memref<1x128x64xf32, #tpu.memory_space<vmem>> -> memref<128x64xf32, #tpu.memory_space<vmem>>
    %dma_wait3A_139 = arith.constant 0 : i32
    %dma_wait3A_140 = tpu.memref_slice %arg5[%add3A_133, %dma_wait3A_139] : memref<10240x64xf32, #tpu.memory_space<vmem_shared>> -> memref<128x64xf32, #tpu.memory_space<vmem_shared>>
    %dma_wait3A_141 = arith.constant 0 : i32
    %dma_wait3A_142 = arith.constant 0 : i32
    %dma_wait3A_143 = tpu.memref_slice %arg9[%dma_wait3A_134, %dma_wait3A_141, %dma_wait3A_142] : memref<2x128x64xf32, #tpu.memory_space<vmem>> -> memref<1x128x64xf32, #tpu.memory_space<vmem>>
    %dma_wait3A_144 = tpu.memref_squeeze %dma_wait3A_143 : memref<1x128x64xf32, #tpu.memory_space<vmem>> -> memref<128x64xf32, #tpu.memory_space<vmem>>
    %dma_wait3A_145 = arith.constant 0 : i32
    %dma_wait3A_146 = tpu.memref_slice %arg5[%add3A_133, %dma_wait3A_145] : memref<10240x64xf32, #tpu.memory_space<vmem_shared>> -> memref<128x64xf32, #tpu.memory_space<vmem_shared>>
    tpu.wait_dma2 semaphore(%arg10 : memref<!tpu.dma_semaphore, #tpu.memory_space<semaphore_mem>>) src(%dma_wait3A_146 : memref<128x64xf32, #tpu.memory_space<vmem_shared>>) dst(%dma_wait3A_144 : memref<128x64xf32, #tpu.memory_space<vmem>>)
    %mul3A_147 = arith.constant 640 : i32
    %mul3A_148 = arith.muli %arg1, %mul3A_147 : i32
    %add3A_149 = arith.constant 0 : i32
    %add3A_150 = arith.addi %mul3A_148, %add3A_149 : i32
    %dma_start3A_151 = arith.constant 0 : i32
    %dma_start3A_152 = arith.constant 0 : i32
    %dma_start3A_153 = arith.constant 0 : i32
    %dma_start3A_154 = tpu.memref_slice %arg9[%dma_start3A_151, %dma_start3A_152, %dma_start3A_153] : memref<2x128x64xf32, #tpu.memory_space<vmem>> -> memref<1x128x64xf32, #tpu.memory_space<vmem>>
    %dma_start3A_155 = tpu.memref_squeeze %dma_start3A_154 : memref<1x128x64xf32, #tpu.memory_space<vmem>> -> memref<128x64xf32, #tpu.memory_space<vmem>>
    %dma_start3A_156 = arith.constant 0 : i32
    %dma_start3A_157 = tpu.memref_slice %arg4[%arg0, %add3A_150, %dma_start3A_156] : memref<2x10240x64xf32, #tpu.memory_space<hbm>> -> memref<1x128x64xf32, #tpu.memory_space<hbm>>
    %dma_start3A_158 = tpu.memref_squeeze %dma_start3A_157 : memref<1x128x64xf32, #tpu.memory_space<hbm>> -> memref<128x64xf32, #tpu.memory_space<hbm>>
    %dma_start3A_159 = arith.constant 0 : i32
    %dma_start3A_160 = tpu.memref_slice %arg4[%arg0, %add3A_150, %dma_start3A_159] : memref<2x10240x64xf32, #tpu.memory_space<hbm>> -> memref<1x128x64xf32, #tpu.memory_space<hbm>>
    %dma_start3A_161 = tpu.memref_squeeze %dma_start3A_160 : memref<1x128x64xf32, #tpu.memory_space<hbm>> -> memref<128x64xf32, #tpu.memory_space<hbm>>
    %dma_start3A_162 = arith.constant 0 : i32
    %dma_start3A_163 = arith.constant 0 : i32
    %dma_start3A_164 = tpu.memref_slice %arg9[%dma_start3A_151, %dma_start3A_162, %dma_start3A_163] : memref<2x128x64xf32, #tpu.memory_space<vmem>> -> memref<1x128x64xf32, #tpu.memory_space<vmem>>
    %dma_start3A_165 = tpu.memref_squeeze %dma_start3A_164 : memref<1x128x64xf32, #tpu.memory_space<vmem>> -> memref<128x64xf32, #tpu.memory_space<vmem>>
    tpu.enqueue_dma source(%dma_start3A_165 : memref<128x64xf32, #tpu.memory_space<vmem>>) target(%dma_start3A_161 : memref<128x64xf32, #tpu.memory_space<hbm>>) target_semaphore(%arg15 : memref<!tpu.dma_semaphore, #tpu.memory_space<semaphore_mem>>)
    %mul3A_166 = arith.constant 640 : i32
    %mul3A_167 = arith.muli %arg1, %mul3A_166 : i32
    %add3A_168 = arith.constant 128 : i32
    %add3A_169 = arith.addi %mul3A_167, %add3A_168 : i32
    %dma_start3A_170 = arith.constant 1 : i32
    %dma_start3A_171 = arith.constant 0 : i32
    %dma_start3A_172 = arith.constant 0 : i32
    %dma_start3A_173 = tpu.memref_slice %arg9[%dma_start3A_170, %dma_start3A_171, %dma_start3A_172] : memref<2x128x64xf32, #tpu.memory_space<vmem>> -> memref<1x128x64xf32, #tpu.memory_space<vmem>>
    %dma_start3A_174 = tpu.memref_squeeze %dma_start3A_173 : memref<1x128x64xf32, #tpu.memory_space<vmem>> -> memref<128x64xf32, #tpu.memory_space<vmem>>
    %dma_start3A_175 = arith.constant 0 : i32
    %dma_start3A_176 = tpu.memref_slice %arg5[%add3A_169, %dma_start3A_175] : memref<10240x64xf32, #tpu.memory_space<vmem_shared>> -> memref<128x64xf32, #tpu.memory_space<vmem_shared>>
    %dma_start3A_177 = arith.constant 0 : i32
    %dma_start3A_178 = arith.constant 0 : i32
    %dma_start3A_179 = tpu.memref_slice %arg9[%dma_start3A_170, %dma_start3A_177, %dma_start3A_178] : memref<2x128x64xf32, #tpu.memory_space<vmem>> -> memref<1x128x64xf32, #tpu.memory_space<vmem>>
    %dma_start3A_180 = tpu.memref_squeeze %dma_start3A_179 : memref<1x128x64xf32, #tpu.memory_space<vmem>> -> memref<128x64xf32, #tpu.memory_space<vmem>>
    %dma_start3A_181 = arith.constant 0 : i32
    %dma_start3A_182 = tpu.memref_slice %arg5[%add3A_169, %dma_start3A_181] : memref<10240x64xf32, #tpu.memory_space<vmem_shared>> -> memref<128x64xf32, #tpu.memory_space<vmem_shared>>
    tpu.enqueue_dma source(%dma_start3A_182 : memref<128x64xf32, #tpu.memory_space<vmem_shared>>) target(%dma_start3A_180 : memref<128x64xf32, #tpu.memory_space<vmem>>) target_semaphore(%arg11 : memref<!tpu.dma_semaphore, #tpu.memory_space<semaphore_mem>>)
    %mul3A_183 = arith.constant 640 : i32
    %mul3A_184 = arith.muli %arg1, %mul3A_183 : i32
    %add3A_185 = arith.constant 128 : i32
    %add3A_186 = arith.addi %mul3A_184, %add3A_185 : i32
    %dma_wait3A_187 = arith.constant 1 : i32
    %dma_wait3A_188 = arith.constant 0 : i32
    %dma_wait3A_189 = arith.constant 0 : i32
    %dma_wait3A_190 = tpu.memref_slice %arg9[%dma_wait3A_187, %dma_wait3A_188, %dma_wait3A_189] : memref<2x128x64xf32, #tpu.memory_space<vmem>> -> memref<1x128x64xf32, #tpu.memory_space<vmem>>
    %dma_wait3A_191 = tpu.memref_squeeze %dma_wait3A_190 : memref<1x128x64xf32, #tpu.memory_space<vmem>> -> memref<128x64xf32, #tpu.memory_space<vmem>>
    %dma_wait3A_192 = arith.constant 0 : i32
    %dma_wait3A_193 = tpu.memref_slice %arg5[%add3A_186, %dma_wait3A_192] : memref<10240x64xf32, #tpu.memory_space<vmem_shared>> -> memref<128x64xf32, #tpu.memory_space<vmem_shared>>
    %dma_wait3A_194 = arith.constant 0 : i32
    %dma_wait3A_195 = arith.constant 0 : i32
    %dma_wait3A_196 = tpu.memref_slice %arg9[%dma_wait3A_187, %dma_wait3A_194, %dma_wait3A_195] : memref<2x128x64xf32, #tpu.memory_space<vmem>> -> memref<1x128x64xf32, #tpu.memory_space<vmem>>
    %dma_wait3A_197 = tpu.memref_squeeze %dma_wait3A_196 : memref<1x128x64xf32, #tpu.memory_space<vmem>> -> memref<128x64xf32, #tpu.memory_space<vmem>>
    %dma_wait3A_198 = arith.constant 0 : i32
    %dma_wait3A_199 = tpu.memref_slice %arg5[%add3A_186, %dma_wait3A_198] : memref<10240x64xf32, #tpu.memory_space<vmem_shared>> -> memref<128x64xf32, #tpu.memory_space<vmem_shared>>
    tpu.wait_dma2 semaphore(%arg11 : memref<!tpu.dma_semaphore, #tpu.memory_space<semaphore_mem>>) src(%dma_wait3A_199 : memref<128x64xf32, #tpu.memory_space<vmem_shared>>) dst(%dma_wait3A_197 : memref<128x64xf32, #tpu.memory_space<vmem>>)
    %mul3A_200 = arith.constant 640 : i32
    %mul3A_201 = arith.muli %arg1, %mul3A_200 : i32
    %add3A_202 = arith.constant 128 : i32
    %add3A_203 = arith.addi %mul3A_201, %add3A_202 : i32
    %dma_start3A_204 = arith.constant 1 : i32
    %dma_start3A_205 = arith.constant 0 : i32
    %dma_start3A_206 = arith.constant 0 : i32
    %dma_start3A_207 = tpu.memref_slice %arg9[%dma_start3A_204, %dma_start3A_205, %dma_start3A_206] : memref<2x128x64xf32, #tpu.memory_space<vmem>> -> memref<1x128x64xf32, #tpu.memory_space<vmem>>
    %dma_start3A_208 = tpu.memref_squeeze %dma_start3A_207 : memref<1x128x64xf32, #tpu.memory_space<vmem>> -> memref<128x64xf32, #tpu.memory_space<vmem>>
    %dma_start3A_209 = arith.constant 0 : i32
    %dma_start3A_210 = tpu.memref_slice %arg4[%arg0, %add3A_203, %dma_start3A_209] : memref<2x10240x64xf32, #tpu.memory_space<hbm>> -> memref<1x128x64xf32, #tpu.memory_space<hbm>>
    %dma_start3A_211 = tpu.memref_squeeze %dma_start3A_210 : memref<1x128x64xf32, #tpu.memory_space<hbm>> -> memref<128x64xf32, #tpu.memory_space<hbm>>
    %dma_start3A_212 = arith.constant 0 : i32
    %dma_start3A_213 = tpu.memref_slice %arg4[%arg0, %add3A_203, %dma_start3A_212] : memref<2x10240x64xf32, #tpu.memory_space<hbm>> -> memref<1x128x64xf32, #tpu.memory_space<hbm>>
    %dma_start3A_214 = tpu.memref_squeeze %dma_start3A_213 : memref<1x128x64xf32, #tpu.memory_space<hbm>> -> memref<128x64xf32, #tpu.memory_space<hbm>>
    %dma_start3A_215 = arith.constant 0 : i32
    %dma_start3A_216 = arith.constant 0 : i32
    %dma_start3A_217 = tpu.memref_slice %arg9[%dma_start3A_204, %dma_start3A_215, %dma_start3A_216] : memref<2x128x64xf32, #tpu.memory_space<vmem>> -> memref<1x128x64xf32, #tpu.memory_space<vmem>>
    %dma_start3A_218 = tpu.memref_squeeze %dma_start3A_217 : memref<1x128x64xf32, #tpu.memory_space<vmem>> -> memref<128x64xf32, #tpu.memory_space<vmem>>
    tpu.enqueue_dma source(%dma_start3A_218 : memref<128x64xf32, #tpu.memory_space<vmem>>) target(%dma_start3A_214 : memref<128x64xf32, #tpu.memory_space<hbm>>) target_semaphore(%arg16 : memref<!tpu.dma_semaphore, #tpu.memory_space<semaphore_mem>>)
    %mul3A_219 = arith.constant 640 : i32
    %mul3A_220 = arith.muli %arg1, %mul3A_219 : i32
    %add3A_221 = arith.constant 0 : i32
    %add3A_222 = arith.addi %mul3A_220, %add3A_221 : i32
    %dma_wait3A_223 = arith.constant 0 : i32
    %dma_wait3A_224 = arith.constant 0 : i32
    %dma_wait3A_225 = arith.constant 0 : i32
    %dma_wait3A_226 = tpu.memref_slice %arg9[%dma_wait3A_223, %dma_wait3A_224, %dma_wait3A_225] : memref<2x128x64xf32, #tpu.memory_space<vmem>> -> memref<1x128x64xf32, #tpu.memory_space<vmem>>
    %dma_wait3A_227 = tpu.memref_squeeze %dma_wait3A_226 : memref<1x128x64xf32, #tpu.memory_space<vmem>> -> memref<128x64xf32, #tpu.memory_space<vmem>>
    %dma_wait3A_228 = arith.constant 0 : i32
    %dma_wait3A_229 = tpu.memref_slice %arg4[%arg0, %add3A_222, %dma_wait3A_228] : memref<2x10240x64xf32, #tpu.memory_space<hbm>> -> memref<1x128x64xf32, #tpu.memory_space<hbm>>
    %dma_wait3A_230 = tpu.memref_squeeze %dma_wait3A_229 : memref<1x128x64xf32, #tpu.memory_space<hbm>> -> memref<128x64xf32, #tpu.memory_space<hbm>>
    %dma_wait3A_231 = arith.constant 0 : i32
    %dma_wait3A_232 = tpu.memref_slice %arg4[%arg0, %add3A_222, %dma_wait3A_231] : memref<2x10240x64xf32, #tpu.memory_space<hbm>> -> memref<1x128x64xf32, #tpu.memory_space<hbm>>
    %dma_wait3A_233 = tpu.memref_squeeze %dma_wait3A_232 : memref<1x128x64xf32, #tpu.memory_space<hbm>> -> memref<128x64xf32, #tpu.memory_space<hbm>>
    %dma_wait3A_234 = arith.constant 0 : i32
    %dma_wait3A_235 = arith.constant 0 : i32
    %dma_wait3A_236 = tpu.memref_slice %arg9[%dma_wait3A_223, %dma_wait3A_234, %dma_wait3A_235] : memref<2x128x64xf32, #tpu.memory_space<vmem>> -> memref<1x128x64xf32, #tpu.memory_space<vmem>>
    %dma_wait3A_237 = tpu.memref_squeeze %dma_wait3A_236 : memref<1x128x64xf32, #tpu.memory_space<vmem>> -> memref<128x64xf32, #tpu.memory_space<vmem>>
    tpu.wait_dma2 semaphore(%arg15 : memref<!tpu.dma_semaphore, #tpu.memory_space<semaphore_mem>>) src(%dma_wait3A_237 : memref<128x64xf32, #tpu.memory_space<vmem>>) dst(%dma_wait3A_233 : memref<128x64xf32, #tpu.memory_space<hbm>>)
    %mul3A_238 = arith.constant 640 : i32
    %mul3A_239 = arith.muli %arg1, %mul3A_238 : i32
    %add3A_240 = arith.constant 256 : i32
    %add3A_241 = arith.addi %mul3A_239, %add3A_240 : i32
    %dma_start3A_242 = arith.constant 0 : i32
    %dma_start3A_243 = arith.constant 0 : i32
    %dma_start3A_244 = arith.constant 0 : i32
    %dma_start3A_245 = tpu.memref_slice %arg9[%dma_start3A_242, %dma_start3A_243, %dma_start3A_244] : memref<2x128x64xf32, #tpu.memory_space<vmem>> -> memref<1x128x64xf32, #tpu.memory_space<vmem>>
    %dma_start3A_246 = tpu.memref_squeeze %dma_start3A_245 : memref<1x128x64xf32, #tpu.memory_space<vmem>> -> memref<128x64xf32, #tpu.memory_space<vmem>>
    %dma_start3A_247 = arith.constant 0 : i32
    %dma_start3A_248 = tpu.memref_slice %arg5[%add3A_241, %dma_start3A_247] : memref<10240x64xf32, #tpu.memory_space<vmem_shared>> -> memref<128x64xf32, #tpu.memory_space<vmem_shared>>
    %dma_start3A_249 = arith.constant 0 : i32
    %dma_start3A_250 = arith.constant 0 : i32
    %dma_start3A_251 = tpu.memref_slice %arg9[%dma_start3A_242, %dma_start3A_249, %dma_start3A_250] : memref<2x128x64xf32, #tpu.memory_space<vmem>> -> memref<1x128x64xf32, #tpu.memory_space<vmem>>
    %dma_start3A_252 = tpu.memref_squeeze %dma_start3A_251 : memref<1x128x64xf32, #tpu.memory_space<vmem>> -> memref<128x64xf32, #tpu.memory_space<vmem>>
    %dma_start3A_253 = arith.constant 0 : i32
    %dma_start3A_254 = tpu.memref_slice %arg5[%add3A_241, %dma_start3A_253] : memref<10240x64xf32, #tpu.memory_space<vmem_shared>> -> memref<128x64xf32, #tpu.memory_space<vmem_shared>>
    tpu.enqueue_dma source(%dma_start3A_254 : memref<128x64xf32, #tpu.memory_space<vmem_shared>>) target(%dma_start3A_252 : memref<128x64xf32, #tpu.memory_space<vmem>>) target_semaphore(%arg10 : memref<!tpu.dma_semaphore, #tpu.memory_space<semaphore_mem>>)
    %mul3A_255 = arith.constant 640 : i32
    %mul3A_256 = arith.muli %arg1, %mul3A_255 : i32
    %add3A_257 = arith.constant 256 : i32
    %add3A_258 = arith.addi %mul3A_256, %add3A_257 : i32
    %dma_wait3A_259 = arith.constant 0 : i32
    %dma_wait3A_260 = arith.constant 0 : i32
    %dma_wait3A_261 = arith.constant 0 : i32
    %dma_wait3A_262 = tpu.memref_slice %arg9[%dma_wait3A_259, %dma_wait3A_260, %dma_wait3A_261] : memref<2x128x64xf32, #tpu.memory_space<vmem>> -> memref<1x128x64xf32, #tpu.memory_space<vmem>>
    %dma_wait3A_263 = tpu.memref_squeeze %dma_wait3A_262 : memref<1x128x64xf32, #tpu.memory_space<vmem>> -> memref<128x64xf32, #tpu.memory_space<vmem>>
    %dma_wait3A_264 = arith.constant 0 : i32
    %dma_wait3A_265 = tpu.memref_slice %arg5[%add3A_258, %dma_wait3A_264] : memref<10240x64xf32, #tpu.memory_space<vmem_shared>> -> memref<128x64xf32, #tpu.memory_space<vmem_shared>>
    %dma_wait3A_266 = arith.constant 0 : i32
    %dma_wait3A_267 = arith.constant 0 : i32
    %dma_wait3A_268 = tpu.memref_slice %arg9[%dma_wait3A_259, %dma_wait3A_266, %dma_wait3A_267] : memref<2x128x64xf32, #tpu.memory_space<vmem>> -> memref<1x128x64xf32, #tpu.memory_space<vmem>>
    %dma_wait3A_269 = tpu.memref_squeeze %dma_wait3A_268 : memref<1x128x64xf32, #tpu.memory_space<vmem>> -> memref<128x64xf32, #tpu.memory_space<vmem>>
    %dma_wait3A_270 = arith.constant 0 : i32
    %dma_wait3A_271 = tpu.memref_slice %arg5[%add3A_258, %dma_wait3A_270] : memref<10240x64xf32, #tpu.memory_space<vmem_shared>> -> memref<128x64xf32, #tpu.memory_space<vmem_shared>>
    tpu.wait_dma2 semaphore(%arg10 : memref<!tpu.dma_semaphore, #tpu.memory_space<semaphore_mem>>) src(%dma_wait3A_271 : memref<128x64xf32, #tpu.memory_space<vmem_shared>>) dst(%dma_wait3A_269 : memref<128x64xf32, #tpu.memory_space<vmem>>)
    %mul3A_272 = arith.constant 640 : i32
    %mul3A_273 = arith.muli %arg1, %mul3A_272 : i32
    %add3A_274 = arith.constant 256 : i32
    %add3A_275 = arith.addi %mul3A_273, %add3A_274 : i32
    %dma_start3A_276 = arith.constant 0 : i32
    %dma_start3A_277 = arith.constant 0 : i32
    %dma_start3A_278 = arith.constant 0 : i32
    %dma_start3A_279 = tpu.memref_slice %arg9[%dma_start3A_276, %dma_start3A_277, %dma_start3A_278] : memref<2x128x64xf32, #tpu.memory_space<vmem>> -> memref<1x128x64xf32, #tpu.memory_space<vmem>>
    %dma_start3A_280 = tpu.memref_squeeze %dma_start3A_279 : memref<1x128x64xf32, #tpu.memory_space<vmem>> -> memref<128x64xf32, #tpu.memory_space<vmem>>
    %dma_start3A_281 = arith.constant 0 : i32
    %dma_start3A_282 = tpu.memref_slice %arg4[%arg0, %add3A_275, %dma_start3A_281] : memref<2x10240x64xf32, #tpu.memory_space<hbm>> -> memref<1x128x64xf32, #tpu.memory_space<hbm>>
    %dma_start3A_283 = tpu.memref_squeeze %dma_start3A_282 : memref<1x128x64xf32, #tpu.memory_space<hbm>> -> memref<128x64xf32, #tpu.memory_space<hbm>>
    %dma_start3A_284 = arith.constant 0 : i32
    %dma_start3A_285 = tpu.memref_slice %arg4[%arg0, %add3A_275, %dma_start3A_284] : memref<2x10240x64xf32, #tpu.memory_space<hbm>> -> memref<1x128x64xf32, #tpu.memory_space<hbm>>
    %dma_start3A_286 = tpu.memref_squeeze %dma_start3A_285 : memref<1x128x64xf32, #tpu.memory_space<hbm>> -> memref<128x64xf32, #tpu.memory_space<hbm>>
    %dma_start3A_287 = arith.constant 0 : i32
    %dma_start3A_288 = arith.constant 0 : i32
    %dma_start3A_289 = tpu.memref_slice %arg9[%dma_start3A_276, %dma_start3A_287, %dma_start3A_288] : memref<2x128x64xf32, #tpu.memory_space<vmem>> -> memref<1x128x64xf32, #tpu.memory_space<vmem>>
    %dma_start3A_290 = tpu.memref_squeeze %dma_start3A_289 : memref<1x128x64xf32, #tpu.memory_space<vmem>> -> memref<128x64xf32, #tpu.memory_space<vmem>>
    tpu.enqueue_dma source(%dma_start3A_290 : memref<128x64xf32, #tpu.memory_space<vmem>>) target(%dma_start3A_286 : memref<128x64xf32, #tpu.memory_space<hbm>>) target_semaphore(%arg15 : memref<!tpu.dma_semaphore, #tpu.memory_space<semaphore_mem>>)
    %mul3A_291 = arith.constant 640 : i32
    %mul3A_292 = arith.muli %arg1, %mul3A_291 : i32
    %add3A_293 = arith.constant 128 : i32
    %add3A_294 = arith.addi %mul3A_292, %add3A_293 : i32
    %dma_wait3A_295 = arith.constant 1 : i32
    %dma_wait3A_296 = arith.constant 0 : i32
    %dma_wait3A_297 = arith.constant 0 : i32
    %dma_wait3A_298 = tpu.memref_slice %arg9[%dma_wait3A_295, %dma_wait3A_296, %dma_wait3A_297] : memref<2x128x64xf32, #tpu.memory_space<vmem>> -> memref<1x128x64xf32, #tpu.memory_space<vmem>>
    %dma_wait3A_299 = tpu.memref_squeeze %dma_wait3A_298 : memref<1x128x64xf32, #tpu.memory_space<vmem>> -> memref<128x64xf32, #tpu.memory_space<vmem>>
    %dma_wait3A_300 = arith.constant 0 : i32
    %dma_wait3A_301 = tpu.memref_slice %arg4[%arg0, %add3A_294, %dma_wait3A_300] : memref<2x10240x64xf32, #tpu.memory_space<hbm>> -> memref<1x128x64xf32, #tpu.memory_space<hbm>>
    %dma_wait3A_302 = tpu.memref_squeeze %dma_wait3A_301 : memref<1x128x64xf32, #tpu.memory_space<hbm>> -> memref<128x64xf32, #tpu.memory_space<hbm>>
    %dma_wait3A_303 = arith.constant 0 : i32
    %dma_wait3A_304 = tpu.memref_slice %arg4[%arg0, %add3A_294, %dma_wait3A_303] : memref<2x10240x64xf32, #tpu.memory_space<hbm>> -> memref<1x128x64xf32, #tpu.memory_space<hbm>>
    %dma_wait3A_305 = tpu.memref_squeeze %dma_wait3A_304 : memref<1x128x64xf32, #tpu.memory_space<hbm>> -> memref<128x64xf32, #tpu.memory_space<hbm>>
    %dma_wait3A_306 = arith.constant 0 : i32
    %dma_wait3A_307 = arith.constant 0 : i32
    %dma_wait3A_308 = tpu.memref_slice %arg9[%dma_wait3A_295, %dma_wait3A_306, %dma_wait3A_307] : memref<2x128x64xf32, #tpu.memory_space<vmem>> -> memref<1x128x64xf32, #tpu.memory_space<vmem>>
    %dma_wait3A_309 = tpu.memref_squeeze %dma_wait3A_308 : memref<1x128x64xf32, #tpu.memory_space<vmem>> -> memref<128x64xf32, #tpu.memory_space<vmem>>
    tpu.wait_dma2 semaphore(%arg16 : memref<!tpu.dma_semaphore, #tpu.memory_space<semaphore_mem>>) src(%dma_wait3A_309 : memref<128x64xf32, #tpu.memory_space<vmem>>) dst(%dma_wait3A_305 : memref<128x64xf32, #tpu.memory_space<hbm>>)
    %mul3A_310 = arith.constant 640 : i32
    %mul3A_311 = arith.muli %arg1, %mul3A_310 : i32
    %add3A_312 = arith.constant 384 : i32
    %add3A_313 = arith.addi %mul3A_311, %add3A_312 : i32
    %dma_start3A_314 = arith.constant 1 : i32
    %dma_start3A_315 = arith.constant 0 : i32
    %dma_start3A_316 = arith.constant 0 : i32
    %dma_start3A_317 = tpu.memref_slice %arg9[%dma_start3A_314, %dma_start3A_315, %dma_start3A_316] : memref<2x128x64xf32, #tpu.memory_space<vmem>> -> memref<1x128x64xf32, #tpu.memory_space<vmem>>
    %dma_start3A_318 = tpu.memref_squeeze %dma_start3A_317 : memref<1x128x64xf32, #tpu.memory_space<vmem>> -> memref<128x64xf32, #tpu.memory_space<vmem>>
    %dma_start3A_319 = arith.constant 0 : i32
    %dma_start3A_320 = tpu.memref_slice %arg5[%add3A_313, %dma_start3A_319] : memref<10240x64xf32, #tpu.memory_space<vmem_shared>> -> memref<128x64xf32, #tpu.memory_space<vmem_shared>>
    %dma_start3A_321 = arith.constant 0 : i32
    %dma_start3A_322 = arith.constant 0 : i32
    %dma_start3A_323 = tpu.memref_slice %arg9[%dma_start3A_314, %dma_start3A_321, %dma_start3A_322] : memref<2x128x64xf32, #tpu.memory_space<vmem>> -> memref<1x128x64xf32, #tpu.memory_space<vmem>>
    %dma_start3A_324 = tpu.memref_squeeze %dma_start3A_323 : memref<1x128x64xf32, #tpu.memory_space<vmem>> -> memref<128x64xf32, #tpu.memory_space<vmem>>
    %dma_start3A_325 = arith.constant 0 : i32
    %dma_start3A_326 = tpu.memref_slice %arg5[%add3A_313, %dma_start3A_325] : memref<10240x64xf32, #tpu.memory_space<vmem_shared>> -> memref<128x64xf32, #tpu.memory_space<vmem_shared>>
    tpu.enqueue_dma source(%dma_start3A_326 : memref<128x64xf32, #tpu.memory_space<vmem_shared>>) target(%dma_start3A_324 : memref<128x64xf32, #tpu.memory_space<vmem>>) target_semaphore(%arg11 : memref<!tpu.dma_semaphore, #tpu.memory_space<semaphore_mem>>)
    %mul3A_327 = arith.constant 640 : i32
    %mul3A_328 = arith.muli %arg1, %mul3A_327 : i32
    %add3A_329 = arith.constant 384 : i32
    %add3A_330 = arith.addi %mul3A_328, %add3A_329 : i32
    %dma_wait3A_331 = arith.constant 1 : i32
    %dma_wait3A_332 = arith.constant 0 : i32
    %dma_wait3A_333 = arith.constant 0 : i32
    %dma_wait3A_334 = tpu.memref_slice %arg9[%dma_wait3A_331, %dma_wait3A_332, %dma_wait3A_333] : memref<2x128x64xf32, #tpu.memory_space<vmem>> -> memref<1x128x64xf32, #tpu.memory_space<vmem>>
    %dma_wait3A_335 = tpu.memref_squeeze %dma_wait3A_334 : memref<1x128x64xf32, #tpu.memory_space<vmem>> -> memref<128x64xf32, #tpu.memory_space<vmem>>
    %dma_wait3A_336 = arith.constant 0 : i32
    %dma_wait3A_337 = tpu.memref_slice %arg5[%add3A_330, %dma_wait3A_336] : memref<10240x64xf32, #tpu.memory_space<vmem_shared>> -> memref<128x64xf32, #tpu.memory_space<vmem_shared>>
    %dma_wait3A_338 = arith.constant 0 : i32
    %dma_wait3A_339 = arith.constant 0 : i32
    %dma_wait3A_340 = tpu.memref_slice %arg9[%dma_wait3A_331, %dma_wait3A_338, %dma_wait3A_339] : memref<2x128x64xf32, #tpu.memory_space<vmem>> -> memref<1x128x64xf32, #tpu.memory_space<vmem>>
    %dma_wait3A_341 = tpu.memref_squeeze %dma_wait3A_340 : memref<1x128x64xf32, #tpu.memory_space<vmem>> -> memref<128x64xf32, #tpu.memory_space<vmem>>
    %dma_wait3A_342 = arith.constant 0 : i32
    %dma_wait3A_343 = tpu.memref_slice %arg5[%add3A_330, %dma_wait3A_342] : memref<10240x64xf32, #tpu.memory_space<vmem_shared>> -> memref<128x64xf32, #tpu.memory_space<vmem_shared>>
    tpu.wait_dma2 semaphore(%arg11 : memref<!tpu.dma_semaphore, #tpu.memory_space<semaphore_mem>>) src(%dma_wait3A_343 : memref<128x64xf32, #tpu.memory_space<vmem_shared>>) dst(%dma_wait3A_341 : memref<128x64xf32, #tpu.memory_space<vmem>>)
    %mul3A_344 = arith.constant 640 : i32
    %mul3A_345 = arith.muli %arg1, %mul3A_344 : i32
    %add3A_346 = arith.constant 384 : i32
    %add3A_347 = arith.addi %mul3A_345, %add3A_346 : i32
    %dma_start3A_348 = arith.constant 1 : i32
    %dma_start3A_349 = arith.constant 0 : i32
    %dma_start3A_350 = arith.constant 0 : i32
    %dma_start3A_351 = tpu.memref_slice %arg9[%dma_start3A_348, %dma_start3A_349, %dma_start3A_350] : memref<2x128x64xf32, #tpu.memory_space<vmem>> -> memref<1x128x64xf32, #tpu.memory_space<vmem>>
    %dma_start3A_352 = tpu.memref_squeeze %dma_start3A_351 : memref<1x128x64xf32, #tpu.memory_space<vmem>> -> memref<128x64xf32, #tpu.memory_space<vmem>>
    %dma_start3A_353 = arith.constant 0 : i32
    %dma_start3A_354 = tpu.memref_slice %arg4[%arg0, %add3A_347, %dma_start3A_353] : memref<2x10240x64xf32, #tpu.memory_space<hbm>> -> memref<1x128x64xf32, #tpu.memory_space<hbm>>
    %dma_start3A_355 = tpu.memref_squeeze %dma_start3A_354 : memref<1x128x64xf32, #tpu.memory_space<hbm>> -> memref<128x64xf32, #tpu.memory_space<hbm>>
    %dma_start3A_356 = arith.constant 0 : i32
    %dma_start3A_357 = tpu.memref_slice %arg4[%arg0, %add3A_347, %dma_start3A_356] : memref<2x10240x64xf32, #tpu.memory_space<hbm>> -> memref<1x128x64xf32, #tpu.memory_space<hbm>>
    %dma_start3A_358 = tpu.memref_squeeze %dma_start3A_357 : memref<1x128x64xf32, #tpu.memory_space<hbm>> -> memref<128x64xf32, #tpu.memory_space<hbm>>
    %dma_start3A_359 = arith.constant 0 : i32
    %dma_start3A_360 = arith.constant 0 : i32
    %dma_start3A_361 = tpu.memref_slice %arg9[%dma_start3A_348, %dma_start3A_359, %dma_start3A_360] : memref<2x128x64xf32, #tpu.memory_space<vmem>> -> memref<1x128x64xf32, #tpu.memory_space<vmem>>
    %dma_start3A_362 = tpu.memref_squeeze %dma_start3A_361 : memref<1x128x64xf32, #tpu.memory_space<vmem>> -> memref<128x64xf32, #tpu.memory_space<vmem>>
    tpu.enqueue_dma source(%dma_start3A_362 : memref<128x64xf32, #tpu.memory_space<vmem>>) target(%dma_start3A_358 : memref<128x64xf32, #tpu.memory_space<hbm>>) target_semaphore(%arg16 : memref<!tpu.dma_semaphore, #tpu.memory_space<semaphore_mem>>)
    %mul3A_363 = arith.constant 640 : i32
    %mul3A_364 = arith.muli %arg1, %mul3A_363 : i32
    %add3A_365 = arith.constant 256 : i32
    %add3A_366 = arith.addi %mul3A_364, %add3A_365 : i32
    %dma_wait3A_367 = arith.constant 0 : i32
    %dma_wait3A_368 = arith.constant 0 : i32
    %dma_wait3A_369 = arith.constant 0 : i32
    %dma_wait3A_370 = tpu.memref_slice %arg9[%dma_wait3A_367, %dma_wait3A_368, %dma_wait3A_369] : memref<2x128x64xf32, #tpu.memory_space<vmem>> -> memref<1x128x64xf32, #tpu.memory_space<vmem>>
    %dma_wait3A_371 = tpu.memref_squeeze %dma_wait3A_370 : memref<1x128x64xf32, #tpu.memory_space<vmem>> -> memref<128x64xf32, #tpu.memory_space<vmem>>
    %dma_wait3A_372 = arith.constant 0 : i32
    %dma_wait3A_373 = tpu.memref_slice %arg4[%arg0, %add3A_366, %dma_wait3A_372] : memref<2x10240x64xf32, #tpu.memory_space<hbm>> -> memref<1x128x64xf32, #tpu.memory_space<hbm>>
    %dma_wait3A_374 = tpu.memref_squeeze %dma_wait3A_373 : memref<1x128x64xf32, #tpu.memory_space<hbm>> -> memref<128x64xf32, #tpu.memory_space<hbm>>
    %dma_wait3A_375 = arith.constant 0 : i32
    %dma_wait3A_376 = tpu.memref_slice %arg4[%arg0, %add3A_366, %dma_wait3A_375] : memref<2x10240x64xf32, #tpu.memory_space<hbm>> -> memref<1x128x64xf32, #tpu.memory_space<hbm>>
    %dma_wait3A_377 = tpu.memref_squeeze %dma_wait3A_376 : memref<1x128x64xf32, #tpu.memory_space<hbm>> -> memref<128x64xf32, #tpu.memory_space<hbm>>
    %dma_wait3A_378 = arith.constant 0 : i32
    %dma_wait3A_379 = arith.constant 0 : i32
    %dma_wait3A_380 = tpu.memref_slice %arg9[%dma_wait3A_367, %dma_wait3A_378, %dma_wait3A_379] : memref<2x128x64xf32, #tpu.memory_space<vmem>> -> memref<1x128x64xf32, #tpu.memory_space<vmem>>
    %dma_wait3A_381 = tpu.memref_squeeze %dma_wait3A_380 : memref<1x128x64xf32, #tpu.memory_space<vmem>> -> memref<128x64xf32, #tpu.memory_space<vmem>>
    tpu.wait_dma2 semaphore(%arg15 : memref<!tpu.dma_semaphore, #tpu.memory_space<semaphore_mem>>) src(%dma_wait3A_381 : memref<128x64xf32, #tpu.memory_space<vmem>>) dst(%dma_wait3A_377 : memref<128x64xf32, #tpu.memory_space<hbm>>)
    %mul3A_382 = arith.constant 640 : i32
    %mul3A_383 = arith.muli %arg1, %mul3A_382 : i32
    %add3A_384 = arith.constant 512 : i32
    %add3A_385 = arith.addi %mul3A_383, %add3A_384 : i32
    %dma_start3A_386 = arith.constant 0 : i32
    %dma_start3A_387 = arith.constant 0 : i32
    %dma_start3A_388 = arith.constant 0 : i32
    %dma_start3A_389 = tpu.memref_slice %arg9[%dma_start3A_386, %dma_start3A_387, %dma_start3A_388] : memref<2x128x64xf32, #tpu.memory_space<vmem>> -> memref<1x128x64xf32, #tpu.memory_space<vmem>>
    %dma_start3A_390 = tpu.memref_squeeze %dma_start3A_389 : memref<1x128x64xf32, #tpu.memory_space<vmem>> -> memref<128x64xf32, #tpu.memory_space<vmem>>
    %dma_start3A_391 = arith.constant 0 : i32
    %dma_start3A_392 = tpu.memref_slice %arg5[%add3A_385, %dma_start3A_391] : memref<10240x64xf32, #tpu.memory_space<vmem_shared>> -> memref<128x64xf32, #tpu.memory_space<vmem_shared>>
    %dma_start3A_393 = arith.constant 0 : i32
    %dma_start3A_394 = arith.constant 0 : i32
    %dma_start3A_395 = tpu.memref_slice %arg9[%dma_start3A_386, %dma_start3A_393, %dma_start3A_394] : memref<2x128x64xf32, #tpu.memory_space<vmem>> -> memref<1x128x64xf32, #tpu.memory_space<vmem>>
    %dma_start3A_396 = tpu.memref_squeeze %dma_start3A_395 : memref<1x128x64xf32, #tpu.memory_space<vmem>> -> memref<128x64xf32, #tpu.memory_space<vmem>>
    %dma_start3A_397 = arith.constant 0 : i32
    %dma_start3A_398 = tpu.memref_slice %arg5[%add3A_385, %dma_start3A_397] : memref<10240x64xf32, #tpu.memory_space<vmem_shared>> -> memref<128x64xf32, #tpu.memory_space<vmem_shared>>
    tpu.enqueue_dma source(%dma_start3A_398 : memref<128x64xf32, #tpu.memory_space<vmem_shared>>) target(%dma_start3A_396 : memref<128x64xf32, #tpu.memory_space<vmem>>) target_semaphore(%arg10 : memref<!tpu.dma_semaphore, #tpu.memory_space<semaphore_mem>>)
    %mul3A_399 = arith.constant 640 : i32
    %mul3A_400 = arith.muli %arg1, %mul3A_399 : i32
    %add3A_401 = arith.constant 512 : i32
    %add3A_402 = arith.addi %mul3A_400, %add3A_401 : i32
    %dma_wait3A_403 = arith.constant 0 : i32
    %dma_wait3A_404 = arith.constant 0 : i32
    %dma_wait3A_405 = arith.constant 0 : i32
    %dma_wait3A_406 = tpu.memref_slice %arg9[%dma_wait3A_403, %dma_wait3A_404, %dma_wait3A_405] : memref<2x128x64xf32, #tpu.memory_space<vmem>> -> memref<1x128x64xf32, #tpu.memory_space<vmem>>
    %dma_wait3A_407 = tpu.memref_squeeze %dma_wait3A_406 : memref<1x128x64xf32, #tpu.memory_space<vmem>> -> memref<128x64xf32, #tpu.memory_space<vmem>>
    %dma_wait3A_408 = arith.constant 0 : i32
    %dma_wait3A_409 = tpu.memref_slice %arg5[%add3A_402, %dma_wait3A_408] : memref<10240x64xf32, #tpu.memory_space<vmem_shared>> -> memref<128x64xf32, #tpu.memory_space<vmem_shared>>
    %dma_wait3A_410 = arith.constant 0 : i32
    %dma_wait3A_411 = arith.constant 0 : i32
    %dma_wait3A_412 = tpu.memref_slice %arg9[%dma_wait3A_403, %dma_wait3A_410, %dma_wait3A_411] : memref<2x128x64xf32, #tpu.memory_space<vmem>> -> memref<1x128x64xf32, #tpu.memory_space<vmem>>
    %dma_wait3A_413 = tpu.memref_squeeze %dma_wait3A_412 : memref<1x128x64xf32, #tpu.memory_space<vmem>> -> memref<128x64xf32, #tpu.memory_space<vmem>>
    %dma_wait3A_414 = arith.constant 0 : i32
    %dma_wait3A_415 = tpu.memref_slice %arg5[%add3A_402, %dma_wait3A_414] : memref<10240x64xf32, #tpu.memory_space<vmem_shared>> -> memref<128x64xf32, #tpu.memory_space<vmem_shared>>
    tpu.wait_dma2 semaphore(%arg10 : memref<!tpu.dma_semaphore, #tpu.memory_space<semaphore_mem>>) src(%dma_wait3A_415 : memref<128x64xf32, #tpu.memory_space<vmem_shared>>) dst(%dma_wait3A_413 : memref<128x64xf32, #tpu.memory_space<vmem>>)
    %mul3A_416 = arith.constant 640 : i32
    %mul3A_417 = arith.muli %arg1, %mul3A_416 : i32
    %add3A_418 = arith.constant 512 : i32
    %add3A_419 = arith.addi %mul3A_417, %add3A_418 : i32
    %dma_start3A_420 = arith.constant 0 : i32
    %dma_start3A_421 = arith.constant 0 : i32
    %dma_start3A_422 = arith.constant 0 : i32
    %dma_start3A_423 = tpu.memref_slice %arg9[%dma_start3A_420, %dma_start3A_421, %dma_start3A_422] : memref<2x128x64xf32, #tpu.memory_space<vmem>> -> memref<1x128x64xf32, #tpu.memory_space<vmem>>
    %dma_start3A_424 = tpu.memref_squeeze %dma_start3A_423 : memref<1x128x64xf32, #tpu.memory_space<vmem>> -> memref<128x64xf32, #tpu.memory_space<vmem>>
    %dma_start3A_425 = arith.constant 0 : i32
    %dma_start3A_426 = tpu.memref_slice %arg4[%arg0, %add3A_419, %dma_start3A_425] : memref<2x10240x64xf32, #tpu.memory_space<hbm>> -> memref<1x128x64xf32, #tpu.memory_space<hbm>>
    %dma_start3A_427 = tpu.memref_squeeze %dma_start3A_426 : memref<1x128x64xf32, #tpu.memory_space<hbm>> -> memref<128x64xf32, #tpu.memory_space<hbm>>
    %dma_start3A_428 = arith.constant 0 : i32
    %dma_start3A_429 = tpu.memref_slice %arg4[%arg0, %add3A_419, %dma_start3A_428] : memref<2x10240x64xf32, #tpu.memory_space<hbm>> -> memref<1x128x64xf32, #tpu.memory_space<hbm>>
    %dma_start3A_430 = tpu.memref_squeeze %dma_start3A_429 : memref<1x128x64xf32, #tpu.memory_space<hbm>> -> memref<128x64xf32, #tpu.memory_space<hbm>>
    %dma_start3A_431 = arith.constant 0 : i32
    %dma_start3A_432 = arith.constant 0 : i32
    %dma_start3A_433 = tpu.memref_slice %arg9[%dma_start3A_420, %dma_start3A_431, %dma_start3A_432] : memref<2x128x64xf32, #tpu.memory_space<vmem>> -> memref<1x128x64xf32, #tpu.memory_space<vmem>>
    %dma_start3A_434 = tpu.memref_squeeze %dma_start3A_433 : memref<1x128x64xf32, #tpu.memory_space<vmem>> -> memref<128x64xf32, #tpu.memory_space<vmem>>
    tpu.enqueue_dma source(%dma_start3A_434 : memref<128x64xf32, #tpu.memory_space<vmem>>) target(%dma_start3A_430 : memref<128x64xf32, #tpu.memory_space<hbm>>) target_semaphore(%arg15 : memref<!tpu.dma_semaphore, #tpu.memory_space<semaphore_mem>>)
    %mul3A_435 = arith.constant 640 : i32
    %mul3A_436 = arith.muli %arg1, %mul3A_435 : i32
    %add3A_437 = arith.constant 384 : i32
    %add3A_438 = arith.addi %mul3A_436, %add3A_437 : i32
    %dma_wait3A_439 = arith.constant 1 : i32
    %dma_wait3A_440 = arith.constant 0 : i32
    %dma_wait3A_441 = arith.constant 0 : i32
    %dma_wait3A_442 = tpu.memref_slice %arg9[%dma_wait3A_439, %dma_wait3A_440, %dma_wait3A_441] : memref<2x128x64xf32, #tpu.memory_space<vmem>> -> memref<1x128x64xf32, #tpu.memory_space<vmem>>
    %dma_wait3A_443 = tpu.memref_squeeze %dma_wait3A_442 : memref<1x128x64xf32, #tpu.memory_space<vmem>> -> memref<128x64xf32, #tpu.memory_space<vmem>>
    %dma_wait3A_444 = arith.constant 0 : i32
    %dma_wait3A_445 = tpu.memref_slice %arg4[%arg0, %add3A_438, %dma_wait3A_444] : memref<2x10240x64xf32, #tpu.memory_space<hbm>> -> memref<1x128x64xf32, #tpu.memory_space<hbm>>
    %dma_wait3A_446 = tpu.memref_squeeze %dma_wait3A_445 : memref<1x128x64xf32, #tpu.memory_space<hbm>> -> memref<128x64xf32, #tpu.memory_space<hbm>>
    %dma_wait3A_447 = arith.constant 0 : i32
    %dma_wait3A_448 = tpu.memref_slice %arg4[%arg0, %add3A_438, %dma_wait3A_447] : memref<2x10240x64xf32, #tpu.memory_space<hbm>> -> memref<1x128x64xf32, #tpu.memory_space<hbm>>
    %dma_wait3A_449 = tpu.memref_squeeze %dma_wait3A_448 : memref<1x128x64xf32, #tpu.memory_space<hbm>> -> memref<128x64xf32, #tpu.memory_space<hbm>>
    %dma_wait3A_450 = arith.constant 0 : i32
    %dma_wait3A_451 = arith.constant 0 : i32
    %dma_wait3A_452 = tpu.memref_slice %arg9[%dma_wait3A_439, %dma_wait3A_450, %dma_wait3A_451] : memref<2x128x64xf32, #tpu.memory_space<vmem>> -> memref<1x128x64xf32, #tpu.memory_space<vmem>>
    %dma_wait3A_453 = tpu.memref_squeeze %dma_wait3A_452 : memref<1x128x64xf32, #tpu.memory_space<vmem>> -> memref<128x64xf32, #tpu.memory_space<vmem>>
    tpu.wait_dma2 semaphore(%arg16 : memref<!tpu.dma_semaphore, #tpu.memory_space<semaphore_mem>>) src(%dma_wait3A_453 : memref<128x64xf32, #tpu.memory_space<vmem>>) dst(%dma_wait3A_449 : memref<128x64xf32, #tpu.memory_space<hbm>>)
    %mul3A_454 = arith.constant 640 : i32
    %mul3A_455 = arith.muli %arg1, %mul3A_454 : i32
    %add3A_456 = arith.constant 512 : i32
    %add3A_457 = arith.addi %mul3A_455, %add3A_456 : i32
    %dma_wait3A_458 = arith.constant 0 : i32
    %dma_wait3A_459 = arith.constant 0 : i32
    %dma_wait3A_460 = arith.constant 0 : i32
    %dma_wait3A_461 = tpu.memref_slice %arg9[%dma_wait3A_458, %dma_wait3A_459, %dma_wait3A_460] : memref<2x128x64xf32, #tpu.memory_space<vmem>> -> memref<1x128x64xf32, #tpu.memory_space<vmem>>
    %dma_wait3A_462 = tpu.memref_squeeze %dma_wait3A_461 : memref<1x128x64xf32, #tpu.memory_space<vmem>> -> memref<128x64xf32, #tpu.memory_space<vmem>>
    %dma_wait3A_463 = arith.constant 0 : i32
    %dma_wait3A_464 = tpu.memref_slice %arg4[%arg0, %add3A_457, %dma_wait3A_463] : memref<2x10240x64xf32, #tpu.memory_space<hbm>> -> memref<1x128x64xf32, #tpu.memory_space<hbm>>
    %dma_wait3A_465 = tpu.memref_squeeze %dma_wait3A_464 : memref<1x128x64xf32, #tpu.memory_space<hbm>> -> memref<128x64xf32, #tpu.memory_space<hbm>>
    %dma_wait3A_466 = arith.constant 0 : i32
    %dma_wait3A_467 = tpu.memref_slice %arg4[%arg0, %add3A_457, %dma_wait3A_466] : memref<2x10240x64xf32, #tpu.memory_space<hbm>> -> memref<1x128x64xf32, #tpu.memory_space<hbm>>
    %dma_wait3A_468 = tpu.memref_squeeze %dma_wait3A_467 : memref<1x128x64xf32, #tpu.memory_space<hbm>> -> memref<128x64xf32, #tpu.memory_space<hbm>>
    %dma_wait3A_469 = arith.constant 0 : i32
    %dma_wait3A_470 = arith.constant 0 : i32
    %dma_wait3A_471 = tpu.memref_slice %arg9[%dma_wait3A_458, %dma_wait3A_469, %dma_wait3A_470] : memref<2x128x64xf32, #tpu.memory_space<vmem>> -> memref<1x128x64xf32, #tpu.memory_space<vmem>>
    %dma_wait3A_472 = tpu.memref_squeeze %dma_wait3A_471 : memref<1x128x64xf32, #tpu.memory_space<vmem>> -> memref<128x64xf32, #tpu.memory_space<vmem>>
    tpu.wait_dma2 semaphore(%arg15 : memref<!tpu.dma_semaphore, #tpu.memory_space<semaphore_mem>>) src(%dma_wait3A_472 : memref<128x64xf32, #tpu.memory_space<vmem>>) dst(%dma_wait3A_468 : memref<128x64xf32, #tpu.memory_space<hbm>>)
    return
  }
}

#map = affine_map<(d0, d1) -> (0)>
#map1 = affine_map<(d0, d1) -> (0, 0)>
#map2 = affine_map<(d0, d1) -> (0, 0, 0)>
module attributes {stable_mosaic.version = 14 : i64} {
  func.func @_spmm_body(%arg0: i32, %arg1: i32, %arg2: memref<640000xi32, #tpu.memory_space<hbm>>, %arg3: memref<10000x64xf32, #tpu.memory_space<hbm>>, %arg4: memref<2x10240x64xf32, #tpu.memory_space<hbm>>, %arg5: memref<10240x64xf32, #tpu.memory_space<vmem_shared>>, %arg6: memref<10000xi32, #tpu.memory_space<vmem>>, %arg7: memref<10000xi32, #tpu.memory_space<vmem>>, %arg8: memref<5x80x64xf32, #tpu.memory_space<vmem>>, %arg9: memref<2x128x64xf32, #tpu.memory_space<vmem>>, %arg10: memref<!tpu.dma_semaphore, #tpu.memory_space<semaphore_mem>>, %arg11: memref<!tpu.dma_semaphore, #tpu.memory_space<semaphore_mem>>, %arg12: memref<!tpu.dma_semaphore, #tpu.memory_space<semaphore_mem>>, %arg13: memref<!tpu.dma_semaphore, #tpu.memory_space<semaphore_mem>>, %arg14: memref<!tpu.dma_semaphore, #tpu.memory_space<semaphore_mem>>, %arg15: memref<!tpu.dma_semaphore, #tpu.memory_space<semaphore_mem>>, %arg16: memref<!tpu.dma_semaphore, #tpu.memory_space<semaphore_mem>>, %arg17: memref<!tpu.dma_semaphore, #tpu.memory_space<semaphore_mem>>, %arg18: memref<!tpu.dma_semaphore, #tpu.memory_space<semaphore_mem>>, %arg19: memref<!tpu.dma_semaphore, #tpu.memory_space<semaphore_mem>>) attributes {dimension_semantics = [#tpu.dimension_semantics<core_parallel>, #tpu.dimension_semantics<subcore_parallel>], iteration_bounds = array<i64: 2, 16>, scalar_prefetch = 0 : i64, scratch_operands = 15 : i64, tpu.core_type = #tpu.core_type<sc_vector_subcore>, window_params = [{transform_indices = #map}, {transform_indices = #map1}, {transform_indices = #map2}]} {
    %mul3A = arith.constant 16 : i32
    %mul3A_0 = arith.muli %arg0, %mul3A : i32
    %add3A = arith.addi %mul3A_0, %arg1 : i32
    %mul3A_1 = arith.constant 10000 : i32
    %mul3A_2 = arith.muli %add3A, %mul3A_1 : i32
    %multiple_of3A = tpu.assume_multiple %mul3A_2, 8 : i32
    %dma_start3A = tpu.memref_slice %arg2[%multiple_of3A] : memref<640000xi32, #tpu.memory_space<hbm>> -> memref<10000xi32, #tpu.memory_space<hbm>>
    %dma_start3A_3 = tpu.memref_slice %arg2[%multiple_of3A] : memref<640000xi32, #tpu.memory_space<hbm>> -> memref<10000xi32, #tpu.memory_space<hbm>>
    tpu.enqueue_dma source(%dma_start3A_3 : memref<10000xi32, #tpu.memory_space<hbm>>) target(%arg6 : memref<10000xi32, #tpu.memory_space<vmem>>) target_semaphore(%arg10 : memref<!tpu.dma_semaphore, #tpu.memory_space<semaphore_mem>>)
    %mul3A_4 = arith.constant 10000 : i32
    %mul3A_5 = arith.muli %add3A, %mul3A_4 : i32
    %add3A_6 = arith.constant 320000 : i32
    %add3A_7 = arith.addi %add3A_6, %mul3A_5 : i32
    %multiple_of3A_8 = tpu.assume_multiple %add3A_7, 8 : i32
    %dma_start3A_9 = tpu.memref_slice %arg2[%multiple_of3A_8] : memref<640000xi32, #tpu.memory_space<hbm>> -> memref<10000xi32, #tpu.memory_space<hbm>>
    %dma_start3A_10 = tpu.memref_slice %arg2[%multiple_of3A_8] : memref<640000xi32, #tpu.memory_space<hbm>> -> memref<10000xi32, #tpu.memory_space<hbm>>
    tpu.enqueue_dma source(%dma_start3A_10 : memref<10000xi32, #tpu.memory_space<hbm>>) target(%arg7 : memref<10000xi32, #tpu.memory_space<vmem>>) target_semaphore(%arg11 : memref<!tpu.dma_semaphore, #tpu.memory_space<semaphore_mem>>)
    %scan3A = arith.constant 0 : i32
    %scan3A_11 = arith.constant 0 : i32
    %scan3A_12 = arith.constant 128 : i32
    %scan3A_13 = arith.addi %scan3A_11, %scan3A_12 : i32
    %scan3A_14 = arith.constant 1 : i32
    scf.for %scan3A_473 = %scan3A_11 to %scan3A_13 step %scan3A_14  : i32 {
      %broadcast_in_dim3A = arith.constant 0.000000e+00 : f32
      %broadcast_in_dim3A_474 = vector.broadcast %broadcast_in_dim3A : f32 to vector<16xf32>
      %swap3A = arith.constant 0 : i32
      %swap3A_475 = arith.index_cast %swap3A : i32 to index
      %swap3A_476 = arith.index_cast %scan3A_473 : i32 to index
      %swap3A_477 = arith.constant 0 : index
      %swap3A_478 = tpu.vector_load %arg9[%swap3A_475, %swap3A_476, %swap3A_477] {strides = array<i32>} : memref<2x128x64xf32, #tpu.memory_space<vmem>>, vector<1x1x16xf32>,
      %swap3A_479 = vector.shape_cast %swap3A_478 : vector<1x1x16xf32> to vector<16xf32>
      %swap3A_480 = vector.shape_cast %broadcast_in_dim3A_474 : vector<16xf32> to vector<1x1x16xf32>
      tpu.vector_store %arg9[%swap3A_475, %swap3A_476, %swap3A_477], %swap3A_480 {strides = array<i32>} : memref<2x128x64xf32, #tpu.memory_space<vmem>>, vector<1x1x16xf32>,
      %broadcast_in_dim3A_481 = arith.constant 0.000000e+00 : f32
      %broadcast_in_dim3A_482 = vector.broadcast %broadcast_in_dim3A_481 : f32 to vector<16xf32>
      %swap3A_483 = arith.constant 0 : i32
      %swap3A_484 = arith.index_cast %swap3A_483 : i32 to index
      %swap3A_485 = arith.index_cast %scan3A_473 : i32 to index
      %swap3A_486 = arith.constant 16 : index
      %swap3A_487 = tpu.vector_load %arg9[%swap3A_484, %swap3A_485, %swap3A_486] {strides = array<i32>} : memref<2x128x64xf32, #tpu.memory_space<vmem>>, vector<1x1x16xf32>,
      %swap3A_488 = vector.shape_cast %swap3A_487 : vector<1x1x16xf32> to vector<16xf32>
      %swap3A_489 = vector.shape_cast %broadcast_in_dim3A_482 : vector<16xf32> to vector<1x1x16xf32>
      tpu.vector_store %arg9[%swap3A_484, %swap3A_485, %swap3A_486], %swap3A_489 {strides = array<i32>} : memref<2x128x64xf32, #tpu.memory_space<vmem>>, vector<1x1x16xf32>,
      %broadcast_in_dim3A_490 = arith.constant 0.000000e+00 : f32
      %broadcast_in_dim3A_491 = vector.broadcast %broadcast_in_dim3A_490 : f32 to vector<16xf32>
      %swap3A_492 = arith.constant 0 : i32
      %swap3A_493 = arith.index_cast %swap3A_492 : i32 to index
      %swap3A_494 = arith.index_cast %scan3A_473 : i32 to index
      %swap3A_495 = arith.constant 32 : index
      %swap3A_496 = tpu.vector_load %arg9[%swap3A_493, %swap3A_494, %swap3A_495] {strides = array<i32>} : memref<2x128x64xf32, #tpu.memory_space<vmem>>, vector<1x1x16xf32>,
      %swap3A_497 = vector.shape_cast %swap3A_496 : vector<1x1x16xf32> to vector<16xf32>
      %swap3A_498 = vector.shape_cast %broadcast_in_dim3A_491 : vector<16xf32> to vector<1x1x16xf32>
      tpu.vector_store %arg9[%swap3A_493, %swap3A_494, %swap3A_495], %swap3A_498 {strides = array<i32>} : memref<2x128x64xf32, #tpu.memory_space<vmem>>, vector<1x1x16xf32>,
      %broadcast_in_dim3A_499 = arith.constant 0.000000e+00 : f32
      %broadcast_in_dim3A_500 = vector.broadcast %broadcast_in_dim3A_499 : f32 to vector<16xf32>
      %swap3A_501 = arith.constant 0 : i32
      %swap3A_502 = arith.index_cast %swap3A_501 : i32 to index
      %swap3A_503 = arith.index_cast %scan3A_473 : i32 to index
      %swap3A_504 = arith.constant 48 : index
      %swap3A_505 = tpu.vector_load %arg9[%swap3A_502, %swap3A_503, %swap3A_504] {strides = array<i32>} : memref<2x128x64xf32, #tpu.memory_space<vmem>>, vector<1x1x16xf32>,
      %swap3A_506 = vector.shape_cast %swap3A_505 : vector<1x1x16xf32> to vector<16xf32>
      %swap3A_507 = vector.shape_cast %broadcast_in_dim3A_500 : vector<16xf32> to vector<1x1x16xf32>
      tpu.vector_store %arg9[%swap3A_502, %swap3A_503, %swap3A_504], %swap3A_507 {strides = array<i32>} : memref<2x128x64xf32, #tpu.memory_space<vmem>>, vector<1x1x16xf32>,
    }
    %scan3A_15 = arith.constant 128 : i32
    %mul3A_16 = arith.constant 640 : i32
    %mul3A_17 = arith.muli %arg1, %mul3A_16 : i32
    %add3A_18 = arith.constant 0 : i32
    %add3A_19 = arith.addi %mul3A_17, %add3A_18 : i32
    %run_scoped3A = arith.constant 0 : i32
    "tpu.region"() ({
      %run_scoped3A_473 = tpu.sem_alloc : memref<!tpu.dma_semaphore, #tpu.memory_space<semaphore_mem>>
      %dma_start3A_474 = arith.constant 0 : i32
      %dma_start3A_475 = arith.constant 0 : i32
      %dma_start3A_476 = tpu.memref_slice %arg9[%run_scoped3A, %dma_start3A_474, %dma_start3A_475] : memref<2x128x64xf32, #tpu.memory_space<vmem>> -> memref<1x128x64xf32, #tpu.memory_space<vmem>>
      %dma_start3A_477 = tpu.memref_squeeze %dma_start3A_476 : memref<1x128x64xf32, #tpu.memory_space<vmem>> -> memref<128x64xf32, #tpu.memory_space<vmem>>
      %dma_start3A_478 = arith.constant 0 : i32
      %dma_start3A_479 = tpu.memref_slice %arg5[%add3A_19, %dma_start3A_478] : memref<10240x64xf32, #tpu.memory_space<vmem_shared>> -> memref<128x64xf32, #tpu.memory_space<vmem_shared>>
      %dma_start3A_480 = arith.constant 0 : i32
      %dma_start3A_481 = tpu.memref_slice %arg5[%add3A_19, %dma_start3A_480] : memref<10240x64xf32, #tpu.memory_space<vmem_shared>> -> memref<128x64xf32, #tpu.memory_space<vmem_shared>>
      %dma_start3A_482 = arith.constant 0 : i32
      %dma_start3A_483 = arith.constant 0 : i32
      %dma_start3A_484 = tpu.memref_slice %arg9[%run_scoped3A, %dma_start3A_482, %dma_start3A_483] : memref<2x128x64xf32, #tpu.memory_space<vmem>> -> memref<1x128x64xf32, #tpu.memory_space<vmem>>
      %dma_start3A_485 = tpu.memref_squeeze %dma_start3A_484 : memref<1x128x64xf32, #tpu.memory_space<vmem>> -> memref<128x64xf32, #tpu.memory_space<vmem>>
      tpu.enqueue_dma source(%dma_start3A_485 : memref<128x64xf32, #tpu.memory_space<vmem>>) target(%dma_start3A_481 : memref<128x64xf32, #tpu.memory_space<vmem_shared>>) target_semaphore(%run_scoped3A_473 : memref<!tpu.dma_semaphore, #tpu.memory_space<semaphore_mem>>)
      %dma_wait3A_486 = arith.constant 0 : i32
      %dma_wait3A_487 = arith.constant 0 : i32
      %dma_wait3A_488 = tpu.memref_slice %arg9[%run_scoped3A, %dma_wait3A_486, %dma_wait3A_487] : memref<2x128x64xf32, #tpu.memory_space<vmem>> -> memref<1x128x64xf32, #tpu.memory_space<vmem>>
      %dma_wait3A_489 = tpu.memref_squeeze %dma_wait3A_488 : memref<1x128x64xf32, #tpu.memory_space<vmem>> -> memref<128x64xf32, #tpu.memory_space<vmem>>
      %dma_wait3A_490 = arith.constant 0 : i32
      %dma_wait3A_491 = tpu.memref_slice %arg5[%add3A_19, %dma_wait3A_490] : memref<10240x64xf32, #tpu.memory_space<vmem_shared>> -> memref<128x64xf32, #tpu.memory_space<vmem_shared>>
      %dma_wait3A_492 = arith.constant 0 : i32
      %dma_wait3A_493 = tpu.memref_slice %arg5[%add3A_19, %dma_wait3A_492] : memref<10240x64xf32, #tpu.memory_space<vmem_shared>> -> memref<128x64xf32, #tpu.memory_space<vmem_shared>>
      %dma_wait3A_494 = arith.constant 0 : i32
      %dma_wait3A_495 = arith.constant 0 : i32
      %dma_wait3A_496 = tpu.memref_slice %arg9[%run_scoped3A, %dma_wait3A_494, %dma_wait3A_495] : memref<2x128x64xf32, #tpu.memory_space<vmem>> -> memref<1x128x64xf32, #tpu.memory_space<vmem>>
      %dma_wait3A_497 = tpu.memref_squeeze %dma_wait3A_496 : memref<1x128x64xf32, #tpu.memory_space<vmem>> -> memref<128x64xf32, #tpu.memory_space<vmem>>
      tpu.wait_dma2 semaphore(%run_scoped3A_473 : memref<!tpu.dma_semaphore, #tpu.memory_space<semaphore_mem>>) src(%dma_wait3A_497 : memref<128x64xf32, #tpu.memory_space<vmem>>) dst(%dma_wait3A_493 : memref<128x64xf32, #tpu.memory_space<vmem_shared>>)
      tpu.yield
    }) : () -> ()
    %mul3A_20 = arith.constant 640 : i32
    %mul3A_21 = arith.muli %arg1, %mul3A_20 : i32
    %add3A_22 = arith.constant 128 : i32
    %add3A_23 = arith.addi %mul3A_21, %add3A_22 : i32
    %run_scoped3A_24 = arith.constant 0 : i32
    "tpu.region"() ({
      %run_scoped3A_473 = tpu.sem_alloc : memref<!tpu.dma_semaphore, #tpu.memory_space<semaphore_mem>>
      %dma_start3A_474 = arith.constant 0 : i32
      %dma_start3A_475 = arith.constant 0 : i32
      %dma_start3A_476 = tpu.memref_slice %arg9[%run_scoped3A_24, %dma_start3A_474, %dma_start3A_475] : memref<2x128x64xf32, #tpu.memory_space<vmem>> -> memref<1x128x64xf32, #tpu.memory_space<vmem>>
      %dma_start3A_477 = tpu.memref_squeeze %dma_start3A_476 : memref<1x128x64xf32, #tpu.memory_space<vmem>> -> memref<128x64xf32, #tpu.memory_space<vmem>>
      %dma_start3A_478 = arith.constant 0 : i32
      %dma_start3A_479 = tpu.memref_slice %arg5[%add3A_23, %dma_start3A_478] : memref<10240x64xf32, #tpu.memory_space<vmem_shared>> -> memref<128x64xf32, #tpu.memory_space<vmem_shared>>
      %dma_start3A_480 = arith.constant 0 : i32
      %dma_start3A_481 = tpu.memref_slice %arg5[%add3A_23, %dma_start3A_480] : memref<10240x64xf32, #tpu.memory_space<vmem_shared>> -> memref<128x64xf32, #tpu.memory_space<vmem_shared>>
      %dma_start3A_482 = arith.constant 0 : i32
      %dma_start3A_483 = arith.constant 0 : i32
      %dma_start3A_484 = tpu.memref_slice %arg9[%run_scoped3A_24, %dma_start3A_482, %dma_start3A_483] : memref<2x128x64xf32, #tpu.memory_space<vmem>> -> memref<1x128x64xf32, #tpu.memory_space<vmem>>
      %dma_start3A_485 = tpu.memref_squeeze %dma_start3A_484 : memref<1x128x64xf32, #tpu.memory_space<vmem>> -> memref<128x64xf32, #tpu.memory_space<vmem>>
      tpu.enqueue_dma source(%dma_start3A_485 : memref<128x64xf32, #tpu.memory_space<vmem>>) target(%dma_start3A_481 : memref<128x64xf32, #tpu.memory_space<vmem_shared>>) target_semaphore(%run_scoped3A_473 : memref<!tpu.dma_semaphore, #tpu.memory_space<semaphore_mem>>)
      %dma_wait3A_486 = arith.constant 0 : i32
      %dma_wait3A_487 = arith.constant 0 : i32
      %dma_wait3A_488 = tpu.memref_slice %arg9[%run_scoped3A_24, %dma_wait3A_486, %dma_wait3A_487] : memref<2x128x64xf32, #tpu.memory_space<vmem>> -> memref<1x128x64xf32, #tpu.memory_space<vmem>>
      %dma_wait3A_489 = tpu.memref_squeeze %dma_wait3A_488 : memref<1x128x64xf32, #tpu.memory_space<vmem>> -> memref<128x64xf32, #tpu.memory_space<vmem>>
      %dma_wait3A_490 = arith.constant 0 : i32
      %dma_wait3A_491 = tpu.memref_slice %arg5[%add3A_23, %dma_wait3A_490] : memref<10240x64xf32, #tpu.memory_space<vmem_shared>> -> memref<128x64xf32, #tpu.memory_space<vmem_shared>>
      %dma_wait3A_492 = arith.constant 0 : i32
      %dma_wait3A_493 = tpu.memref_slice %arg5[%add3A_23, %dma_wait3A_492] : memref<10240x64xf32, #tpu.memory_space<vmem_shared>> -> memref<128x64xf32, #tpu.memory_space<vmem_shared>>
      %dma_wait3A_494 = arith.constant 0 : i32
      %dma_wait3A_495 = arith.constant 0 : i32
      %dma_wait3A_496 = tpu.memref_slice %arg9[%run_scoped3A_24, %dma_wait3A_494, %dma_wait3A_495] : memref<2x128x64xf32, #tpu.memory_space<vmem>> -> memref<1x128x64xf32, #tpu.memory_space<vmem>>
      %dma_wait3A_497 = tpu.memref_squeeze %dma_wait3A_496 : memref<1x128x64xf32, #tpu.memory_space<vmem>> -> memref<128x64xf32, #tpu.memory_space<vmem>>
      tpu.wait_dma2 semaphore(%run_scoped3A_473 : memref<!tpu.dma_semaphore, #tpu.memory_space<semaphore_mem>>) src(%dma_wait3A_497 : memref<128x64xf32, #tpu.memory_space<vmem>>) dst(%dma_wait3A_493 : memref<128x64xf32, #tpu.memory_space<vmem_shared>>)
      tpu.yield
    }) : () -> ()
    %mul3A_25 = arith.constant 640 : i32
    %mul3A_26 = arith.muli %arg1, %mul3A_25 : i32
    %add3A_27 = arith.constant 256 : i32
    %add3A_28 = arith.addi %mul3A_26, %add3A_27 : i32
    %run_scoped3A_29 = arith.constant 0 : i32
    "tpu.region"() ({
      %run_scoped3A_473 = tpu.sem_alloc : memref<!tpu.dma_semaphore, #tpu.memory_space<semaphore_mem>>
      %dma_start3A_474 = arith.constant 0 : i32
      %dma_start3A_475 = arith.constant 0 : i32
      %dma_start3A_476 = tpu.memref_slice %arg9[%run_scoped3A_29, %dma_start3A_474, %dma_start3A_475] : memref<2x128x64xf32, #tpu.memory_space<vmem>> -> memref<1x128x64xf32, #tpu.memory_space<vmem>>
      %dma_start3A_477 = tpu.memref_squeeze %dma_start3A_476 : memref<1x128x64xf32, #tpu.memory_space<vmem>> -> memref<128x64xf32, #tpu.memory_space<vmem>>
      %dma_start3A_478 = arith.constant 0 : i32
      %dma_start3A_479 = tpu.memref_slice %arg5[%add3A_28, %dma_start3A_478] : memref<10240x64xf32, #tpu.memory_space<vmem_shared>> -> memref<128x64xf32, #tpu.memory_space<vmem_shared>>
      %dma_start3A_480 = arith.constant 0 : i32
      %dma_start3A_481 = tpu.memref_slice %arg5[%add3A_28, %dma_start3A_480] : memref<10240x64xf32, #tpu.memory_space<vmem_shared>> -> memref<128x64xf32, #tpu.memory_space<vmem_shared>>
      %dma_start3A_482 = arith.constant 0 : i32
      %dma_start3A_483 = arith.constant 0 : i32
      %dma_start3A_484 = tpu.memref_slice %arg9[%run_scoped3A_29, %dma_start3A_482, %dma_start3A_483] : memref<2x128x64xf32, #tpu.memory_space<vmem>> -> memref<1x128x64xf32, #tpu.memory_space<vmem>>
      %dma_start3A_485 = tpu.memref_squeeze %dma_start3A_484 : memref<1x128x64xf32, #tpu.memory_space<vmem>> -> memref<128x64xf32, #tpu.memory_space<vmem>>
      tpu.enqueue_dma source(%dma_start3A_485 : memref<128x64xf32, #tpu.memory_space<vmem>>) target(%dma_start3A_481 : memref<128x64xf32, #tpu.memory_space<vmem_shared>>) target_semaphore(%run_scoped3A_473 : memref<!tpu.dma_semaphore, #tpu.memory_space<semaphore_mem>>)
      %dma_wait3A_486 = arith.constant 0 : i32
      %dma_wait3A_487 = arith.constant 0 : i32
      %dma_wait3A_488 = tpu.memref_slice %arg9[%run_scoped3A_29, %dma_wait3A_486, %dma_wait3A_487] : memref<2x128x64xf32, #tpu.memory_space<vmem>> -> memref<1x128x64xf32, #tpu.memory_space<vmem>>
      %dma_wait3A_489 = tpu.memref_squeeze %dma_wait3A_488 : memref<1x128x64xf32, #tpu.memory_space<vmem>> -> memref<128x64xf32, #tpu.memory_space<vmem>>
      %dma_wait3A_490 = arith.constant 0 : i32
      %dma_wait3A_491 = tpu.memref_slice %arg5[%add3A_28, %dma_wait3A_490] : memref<10240x64xf32, #tpu.memory_space<vmem_shared>> -> memref<128x64xf32, #tpu.memory_space<vmem_shared>>
      %dma_wait3A_492 = arith.constant 0 : i32
      %dma_wait3A_493 = tpu.memref_slice %arg5[%add3A_28, %dma_wait3A_492] : memref<10240x64xf32, #tpu.memory_space<vmem_shared>> -> memref<128x64xf32, #tpu.memory_space<vmem_shared>>
      %dma_wait3A_494 = arith.constant 0 : i32
      %dma_wait3A_495 = arith.constant 0 : i32
      %dma_wait3A_496 = tpu.memref_slice %arg9[%run_scoped3A_29, %dma_wait3A_494, %dma_wait3A_495] : memref<2x128x64xf32, #tpu.memory_space<vmem>> -> memref<1x128x64xf32, #tpu.memory_space<vmem>>
      %dma_wait3A_497 = tpu.memref_squeeze %dma_wait3A_496 : memref<1x128x64xf32, #tpu.memory_space<vmem>> -> memref<128x64xf32, #tpu.memory_space<vmem>>
      tpu.wait_dma2 semaphore(%run_scoped3A_473 : memref<!tpu.dma_semaphore, #tpu.memory_space<semaphore_mem>>) src(%dma_wait3A_497 : memref<128x64xf32, #tpu.memory_space<vmem>>) dst(%dma_wait3A_493 : memref<128x64xf32, #tpu.memory_space<vmem_shared>>)
      tpu.yield
    }) : () -> ()
    %mul3A_30 = arith.constant 640 : i32
    %mul3A_31 = arith.muli %arg1, %mul3A_30 : i32
    %add3A_32 = arith.constant 384 : i32
    %add3A_33 = arith.addi %mul3A_31, %add3A_32 : i32
    %run_scoped3A_34 = arith.constant 0 : i32
    "tpu.region"() ({
      %run_scoped3A_473 = tpu.sem_alloc : memref<!tpu.dma_semaphore, #tpu.memory_space<semaphore_mem>>
      %dma_start3A_474 = arith.constant 0 : i32
      %dma_start3A_475 = arith.constant 0 : i32
      %dma_start3A_476 = tpu.memref_slice %arg9[%run_scoped3A_34, %dma_start3A_474, %dma_start3A_475] : memref<2x128x64xf32, #tpu.memory_space<vmem>> -> memref<1x128x64xf32, #tpu.memory_space<vmem>>
      %dma_start3A_477 = tpu.memref_squeeze %dma_start3A_476 : memref<1x128x64xf32, #tpu.memory_space<vmem>> -> memref<128x64xf32, #tpu.memory_space<vmem>>
      %dma_start3A_478 = arith.constant 0 : i32
      %dma_start3A_479 = tpu.memref_slice %arg5[%add3A_33, %dma_start3A_478] : memref<10240x64xf32, #tpu.memory_space<vmem_shared>> -> memref<128x64xf32, #tpu.memory_space<vmem_shared>>
      %dma_start3A_480 = arith.constant 0 : i32
      %dma_start3A_481 = tpu.memref_slice %arg5[%add3A_33, %dma_start3A_480] : memref<10240x64xf32, #tpu.memory_space<vmem_shared>> -> memref<128x64xf32, #tpu.memory_space<vmem_shared>>
      %dma_start3A_482 = arith.constant 0 : i32
      %dma_start3A_483 = arith.constant 0 : i32
      %dma_start3A_484 = tpu.memref_slice %arg9[%run_scoped3A_34, %dma_start3A_482, %dma_start3A_483] : memref<2x128x64xf32, #tpu.memory_space<vmem>> -> memref<1x128x64xf32, #tpu.memory_space<vmem>>
      %dma_start3A_485 = tpu.memref_squeeze %dma_start3A_484 : memref<1x128x64xf32, #tpu.memory_space<vmem>> -> memref<128x64xf32, #tpu.memory_space<vmem>>
      tpu.enqueue_dma source(%dma_start3A_485 : memref<128x64xf32, #tpu.memory_space<vmem>>) target(%dma_start3A_481 : memref<128x64xf32, #tpu.memory_space<vmem_shared>>) target_semaphore(%run_scoped3A_473 : memref<!tpu.dma_semaphore, #tpu.memory_space<semaphore_mem>>)
      %dma_wait3A_486 = arith.constant 0 : i32
      %dma_wait3A_487 = arith.constant 0 : i32
      %dma_wait3A_488 = tpu.memref_slice %arg9[%run_scoped3A_34, %dma_wait3A_486, %dma_wait3A_487] : memref<2x128x64xf32, #tpu.memory_space<vmem>> -> memref<1x128x64xf32, #tpu.memory_space<vmem>>
      %dma_wait3A_489 = tpu.memref_squeeze %dma_wait3A_488 : memref<1x128x64xf32, #tpu.memory_space<vmem>> -> memref<128x64xf32, #tpu.memory_space<vmem>>
      %dma_wait3A_490 = arith.constant 0 : i32
      %dma_wait3A_491 = tpu.memref_slice %arg5[%add3A_33, %dma_wait3A_490] : memref<10240x64xf32, #tpu.memory_space<vmem_shared>> -> memref<128x64xf32, #tpu.memory_space<vmem_shared>>
      %dma_wait3A_492 = arith.constant 0 : i32
      %dma_wait3A_493 = tpu.memref_slice %arg5[%add3A_33, %dma_wait3A_492] : memref<10240x64xf32, #tpu.memory_space<vmem_shared>> -> memref<128x64xf32, #tpu.memory_space<vmem_shared>>
      %dma_wait3A_494 = arith.constant 0 : i32
      %dma_wait3A_495 = arith.constant 0 : i32
      %dma_wait3A_496 = tpu.memref_slice %arg9[%run_scoped3A_34, %dma_wait3A_494, %dma_wait3A_495] : memref<2x128x64xf32, #tpu.memory_space<vmem>> -> memref<1x128x64xf32, #tpu.memory_space<vmem>>
      %dma_wait3A_497 = tpu.memref_squeeze %dma_wait3A_496 : memref<1x128x64xf32, #tpu.memory_space<vmem>> -> memref<128x64xf32, #tpu.memory_space<vmem>>
      tpu.wait_dma2 semaphore(%run_scoped3A_473 : memref<!tpu.dma_semaphore, #tpu.memory_space<semaphore_mem>>) src(%dma_wait3A_497 : memref<128x64xf32, #tpu.memory_space<vmem>>) dst(%dma_wait3A_493 : memref<128x64xf32, #tpu.memory_space<vmem_shared>>)
      tpu.yield
    }) : () -> ()
    %mul3A_35 = arith.constant 640 : i32
    %mul3A_36 = arith.muli %arg1, %mul3A_35 : i32
    %add3A_37 = arith.constant 512 : i32
    %add3A_38 = arith.addi %mul3A_36, %add3A_37 : i32
    %run_scoped3A_39 = arith.constant 0 : i32
    "tpu.region"() ({
      %run_scoped3A_473 = tpu.sem_alloc : memref<!tpu.dma_semaphore, #tpu.memory_space<semaphore_mem>>
      %dma_start3A_474 = arith.constant 0 : i32
      %dma_start3A_475 = arith.constant 0 : i32
      %dma_start3A_476 = tpu.memref_slice %arg9[%run_scoped3A_39, %dma_start3A_474, %dma_start3A_475] : memref<2x128x64xf32, #tpu.memory_space<vmem>> -> memref<1x128x64xf32, #tpu.memory_space<vmem>>
      %dma_start3A_477 = tpu.memref_squeeze %dma_start3A_476 : memref<1x128x64xf32, #tpu.memory_space<vmem>> -> memref<128x64xf32, #tpu.memory_space<vmem>>
      %dma_start3A_478 = arith.constant 0 : i32
      %dma_start3A_479 = tpu.memref_slice %arg5[%add3A_38, %dma_start3A_478] : memref<10240x64xf32, #tpu.memory_space<vmem_shared>> -> memref<128x64xf32, #tpu.memory_space<vmem_shared>>
      %dma_start3A_480 = arith.constant 0 : i32
      %dma_start3A_481 = tpu.memref_slice %arg5[%add3A_38, %dma_start3A_480] : memref<10240x64xf32, #tpu.memory_space<vmem_shared>> -> memref<128x64xf32, #tpu.memory_space<vmem_shared>>
      %dma_start3A_482 = arith.constant 0 : i32
      %dma_start3A_483 = arith.constant 0 : i32
      %dma_start3A_484 = tpu.memref_slice %arg9[%run_scoped3A_39, %dma_start3A_482, %dma_start3A_483] : memref<2x128x64xf32, #tpu.memory_space<vmem>> -> memref<1x128x64xf32, #tpu.memory_space<vmem>>
      %dma_start3A_485 = tpu.memref_squeeze %dma_start3A_484 : memref<1x128x64xf32, #tpu.memory_space<vmem>> -> memref<128x64xf32, #tpu.memory_space<vmem>>
      tpu.enqueue_dma source(%dma_start3A_485 : memref<128x64xf32, #tpu.memory_space<vmem>>) target(%dma_start3A_481 : memref<128x64xf32, #tpu.memory_space<vmem_shared>>) target_semaphore(%run_scoped3A_473 : memref<!tpu.dma_semaphore, #tpu.memory_space<semaphore_mem>>)
      %dma_wait3A_486 = arith.constant 0 : i32
      %dma_wait3A_487 = arith.constant 0 : i32
      %dma_wait3A_488 = tpu.memref_slice %arg9[%run_scoped3A_39, %dma_wait3A_486, %dma_wait3A_487] : memref<2x128x64xf32, #tpu.memory_space<vmem>> -> memref<1x128x64xf32, #tpu.memory_space<vmem>>
      %dma_wait3A_489 = tpu.memref_squeeze %dma_wait3A_488 : memref<1x128x64xf32, #tpu.memory_space<vmem>> -> memref<128x64xf32, #tpu.memory_space<vmem>>
      %dma_wait3A_490 = arith.constant 0 : i32
      %dma_wait3A_491 = tpu.memref_slice %arg5[%add3A_38, %dma_wait3A_490] : memref<10240x64xf32, #tpu.memory_space<vmem_shared>> -> memref<128x64xf32, #tpu.memory_space<vmem_shared>>
      %dma_wait3A_492 = arith.constant 0 : i32
      %dma_wait3A_493 = tpu.memref_slice %arg5[%add3A_38, %dma_wait3A_492] : memref<10240x64xf32, #tpu.memory_space<vmem_shared>> -> memref<128x64xf32, #tpu.memory_space<vmem_shared>>
      %dma_wait3A_494 = arith.constant 0 : i32
      %dma_wait3A_495 = arith.constant 0 : i32
      %dma_wait3A_496 = tpu.memref_slice %arg9[%run_scoped3A_39, %dma_wait3A_494, %dma_wait3A_495] : memref<2x128x64xf32, #tpu.memory_space<vmem>> -> memref<1x128x64xf32, #tpu.memory_space<vmem>>
      %dma_wait3A_497 = tpu.memref_squeeze %dma_wait3A_496 : memref<1x128x64xf32, #tpu.memory_space<vmem>> -> memref<128x64xf32, #tpu.memory_space<vmem>>
      tpu.wait_dma2 semaphore(%run_scoped3A_473 : memref<!tpu.dma_semaphore, #tpu.memory_space<semaphore_mem>>) src(%dma_wait3A_497 : memref<128x64xf32, #tpu.memory_space<vmem>>) dst(%dma_wait3A_493 : memref<128x64xf32, #tpu.memory_space<vmem_shared>>)
      tpu.yield
    }) : () -> ()
    %mul3A_40 = arith.constant 10000 : i32
    %mul3A_41 = arith.muli %add3A, %mul3A_40 : i32
    %multiple_of3A_42 = tpu.assume_multiple %mul3A_41, 8 : i32
    %dma_wait3A = tpu.memref_slice %arg2[%multiple_of3A_42] : memref<640000xi32, #tpu.memory_space<hbm>> -> memref<10000xi32, #tpu.memory_space<hbm>>
    %dma_wait3A_43 = tpu.memref_slice %arg2[%multiple_of3A_42] : memref<640000xi32, #tpu.memory_space<hbm>> -> memref<10000xi32, #tpu.memory_space<hbm>>
    tpu.wait_dma2 semaphore(%arg10 : memref<!tpu.dma_semaphore, #tpu.memory_space<semaphore_mem>>) src(%dma_wait3A_43 : memref<10000xi32, #tpu.memory_space<hbm>>) dst(%arg6 : memref<10000xi32, #tpu.memory_space<vmem>>)
    %mul3A_44 = arith.constant 10000 : i32
    %mul3A_45 = arith.muli %add3A, %mul3A_44 : i32
    %add3A_46 = arith.constant 320000 : i32
    %add3A_47 = arith.addi %add3A_46, %mul3A_45 : i32
    %multiple_of3A_48 = tpu.assume_multiple %add3A_47, 8 : i32
    %dma_wait3A_49 = tpu.memref_slice %arg2[%multiple_of3A_48] : memref<640000xi32, #tpu.memory_space<hbm>> -> memref<10000xi32, #tpu.memory_space<hbm>>
    %dma_wait3A_50 = tpu.memref_slice %arg2[%multiple_of3A_48] : memref<640000xi32, #tpu.memory_space<hbm>> -> memref<10000xi32, #tpu.memory_space<hbm>>
    tpu.wait_dma2 semaphore(%arg11 : memref<!tpu.dma_semaphore, #tpu.memory_space<semaphore_mem>>) src(%dma_wait3A_50 : memref<10000xi32, #tpu.memory_space<hbm>>) dst(%arg7 : memref<10000xi32, #tpu.memory_space<vmem>>)
    %barrier3A = arith.constant 0 : index
    tpu.barrier barrier_id(%barrier3A)
    %multiple_of3A_51 = arith.constant 0 : i32
    %multiple_of3A_52 = tpu.assume_multiple %multiple_of3A_51, 8 : i32
    %dma_start3A_53 = arith.constant 0 : i32
    %dma_start3A_54 = arith.constant 0 : i32
    %dma_start3A_55 = arith.constant 0 : i32
    %dma_start3A_56 = tpu.memref_slice %arg8[%dma_start3A_53, %dma_start3A_54, %dma_start3A_55] : memref<5x80x64xf32, #tpu.memory_space<vmem>> -> memref<1x80x64xf32, #tpu.memory_space<vmem>>
    %dma_start3A_57 = tpu.memref_squeeze %dma_start3A_56 : memref<1x80x64xf32, #tpu.memory_space<vmem>> -> memref<80x64xf32, #tpu.memory_space<vmem>>
    %dma_start3A_58 = tpu.memref_slice %arg6[%multiple_of3A_52] : memref<10000xi32, #tpu.memory_space<vmem>> -> memref<80xi32, #tpu.memory_space<vmem>>
    %dma_start3A_59 = arith.constant 0 : i32
    %dma_start3A_60 = arith.constant 0 : i32
    %dma_start3A_61 = tpu.memref_slice %arg3[%dma_start3A_59, %dma_start3A_60] : memref<10000x64xf32, #tpu.memory_space<hbm>> -> memref<10000x64xf32, #tpu.memory_space<hbm>>
    tpu.enqueue_indirect_dma source(%dma_start3A_61 : memref<10000x64xf32, #tpu.memory_space<hbm>>) target(%dma_start3A_57 : memref<80x64xf32, #tpu.memory_space<vmem>>) offsets(%dma_start3A_58 : memref<80xi32, #tpu.memory_space<vmem>>) semaphore(%arg10 : memref<!tpu.dma_semaphore, #tpu.memory_space<semaphore_mem>>)
    %multiple_of3A_62 = arith.constant 80 : i32
    %multiple_of3A_63 = tpu.assume_multiple %multiple_of3A_62, 8 : i32
    %dma_start3A_64 = arith.constant 1 : i32
    %dma_start3A_65 = arith.constant 0 : i32
    %dma_start3A_66 = arith.constant 0 : i32
    %dma_start3A_67 = tpu.memref_slice %arg8[%dma_start3A_64, %dma_start3A_65, %dma_start3A_66] : memref<5x80x64xf32, #tpu.memory_space<vmem>> -> memref<1x80x64xf32, #tpu.memory_space<vmem>>
    %dma_start3A_68 = tpu.memref_squeeze %dma_start3A_67 : memref<1x80x64xf32, #tpu.memory_space<vmem>> -> memref<80x64xf32, #tpu.memory_space<vmem>>
    %dma_start3A_69 = tpu.memref_slice %arg6[%multiple_of3A_63] : memref<10000xi32, #tpu.memory_space<vmem>> -> memref<80xi32, #tpu.memory_space<vmem>>
    %dma_start3A_70 = arith.constant 0 : i32
    %dma_start3A_71 = arith.constant 0 : i32
    %dma_start3A_72 = tpu.memref_slice %arg3[%dma_start3A_70, %dma_start3A_71] : memref<10000x64xf32, #tpu.memory_space<hbm>> -> memref<10000x64xf32, #tpu.memory_space<hbm>>
    tpu.enqueue_indirect_dma source(%dma_start3A_72 : memref<10000x64xf32, #tpu.memory_space<hbm>>) target(%dma_start3A_68 : memref<80x64xf32, #tpu.memory_space<vmem>>) offsets(%dma_start3A_69 : memref<80xi32, #tpu.memory_space<vmem>>) semaphore(%arg11 : memref<!tpu.dma_semaphore, #tpu.memory_space<semaphore_mem>>)
    %multiple_of3A_73 = arith.constant 160 : i32
    %multiple_of3A_74 = tpu.assume_multiple %multiple_of3A_73, 8 : i32
    %dma_start3A_75 = arith.constant 2 : i32
    %dma_start3A_76 = arith.constant 0 : i32
    %dma_start3A_77 = arith.constant 0 : i32
    %dma_start3A_78 = tpu.memref_slice %arg8[%dma_start3A_75, %dma_start3A_76, %dma_start3A_77] : memref<5x80x64xf32, #tpu.memory_space<vmem>> -> memref<1x80x64xf32, #tpu.memory_space<vmem>>
    %dma_start3A_79 = tpu.memref_squeeze %dma_start3A_78 : memref<1x80x64xf32, #tpu.memory_space<vmem>> -> memref<80x64xf32, #tpu.memory_space<vmem>>
    %dma_start3A_80 = tpu.memref_slice %arg6[%multiple_of3A_74] : memref<10000xi32, #tpu.memory_space<vmem>> -> memref<80xi32, #tpu.memory_space<vmem>>
    %dma_start3A_81 = arith.constant 0 : i32
    %dma_start3A_82 = arith.constant 0 : i32
    %dma_start3A_83 = tpu.memref_slice %arg3[%dma_start3A_81, %dma_start3A_82] : memref<10000x64xf32, #tpu.memory_space<hbm>> -> memref<10000x64xf32, #tpu.memory_space<hbm>>
    tpu.enqueue_indirect_dma source(%dma_start3A_83 : memref<10000x64xf32, #tpu.memory_space<hbm>>) target(%dma_start3A_79 : memref<80x64xf32, #tpu.memory_space<vmem>>) offsets(%dma_start3A_80 : memref<80xi32, #tpu.memory_space<vmem>>) semaphore(%arg12 : memref<!tpu.dma_semaphore, #tpu.memory_space<semaphore_mem>>)
    %multiple_of3A_84 = arith.constant 240 : i32
    %multiple_of3A_85 = tpu.assume_multiple %multiple_of3A_84, 8 : i32
    %dma_start3A_86 = arith.constant 3 : i32
    %dma_start3A_87 = arith.constant 0 : i32
    %dma_start3A_88 = arith.constant 0 : i32
    %dma_start3A_89 = tpu.memref_slice %arg8[%dma_start3A_86, %dma_start3A_87, %dma_start3A_88] : memref<5x80x64xf32, #tpu.memory_space<vmem>> -> memref<1x80x64xf32, #tpu.memory_space<vmem>>
    %dma_start3A_90 = tpu.memref_squeeze %dma_start3A_89 : memref<1x80x64xf32, #tpu.memory_space<vmem>> -> memref<80x64xf32, #tpu.memory_space<vmem>>
    %dma_start3A_91 = tpu.memref_slice %arg6[%multiple_of3A_85] : memref<10000xi32, #tpu.memory_space<vmem>> -> memref<80xi32, #tpu.memory_space<vmem>>
    %dma_start3A_92 = arith.constant 0 : i32
    %dma_start3A_93 = arith.constant 0 : i32
    %dma_start3A_94 = tpu.memref_slice %arg3[%dma_start3A_92, %dma_start3A_93] : memref<10000x64xf32, #tpu.memory_space<hbm>> -> memref<10000x64xf32, #tpu.memory_space<hbm>>
    tpu.enqueue_indirect_dma source(%dma_start3A_94 : memref<10000x64xf32, #tpu.memory_space<hbm>>) target(%dma_start3A_90 : memref<80x64xf32, #tpu.memory_space<vmem>>) offsets(%dma_start3A_91 : memref<80xi32, #tpu.memory_space<vmem>>) semaphore(%arg13 : memref<!tpu.dma_semaphore, #tpu.memory_space<semaphore_mem>>)
    %multiple_of3A_95 = arith.constant 320 : i32
    %multiple_of3A_96 = tpu.assume_multiple %multiple_of3A_95, 8 : i32
    %dma_start3A_97 = arith.constant 4 : i32
    %dma_start3A_98 = arith.constant 0 : i32
    %dma_start3A_99 = arith.constant 0 : i32
    %dma_start3A_100 = tpu.memref_slice %arg8[%dma_start3A_97, %dma_start3A_98, %dma_start3A_99] : memref<5x80x64xf32, #tpu.memory_space<vmem>> -> memref<1x80x64xf32, #tpu.memory_space<vmem>>
    %dma_start3A_101 = tpu.memref_squeeze %dma_start3A_100 : memref<1x80x64xf32, #tpu.memory_space<vmem>> -> memref<80x64xf32, #tpu.memory_space<vmem>>
    %dma_start3A_102 = tpu.memref_slice %arg6[%multiple_of3A_96] : memref<10000xi32, #tpu.memory_space<vmem>> -> memref<80xi32, #tpu.memory_space<vmem>>
    %dma_start3A_103 = arith.constant 0 : i32
    %dma_start3A_104 = arith.constant 0 : i32
    %dma_start3A_105 = tpu.memref_slice %arg3[%dma_start3A_103, %dma_start3A_104] : memref<10000x64xf32, #tpu.memory_space<hbm>> -> memref<10000x64xf32, #tpu.memory_space<hbm>>
    tpu.enqueue_indirect_dma source(%dma_start3A_105 : memref<10000x64xf32, #tpu.memory_space<hbm>>) target(%dma_start3A_101 : memref<80x64xf32, #tpu.memory_space<vmem>>) offsets(%dma_start3A_102 : memref<80xi32, #tpu.memory_space<vmem>>) semaphore(%arg14 : memref<!tpu.dma_semaphore, #tpu.memory_space<semaphore_mem>>)
    %scan3A_106 = arith.constant 0 : i32
    %scan3A_107 = arith.constant 0 : i32
    %scan3A_108 = arith.constant 25 : i32
    %scan3A_109 = arith.addi %scan3A_107, %scan3A_108 : i32
    %scan3A_110 = arith.constant 1 : i32
    scf.for %scan3A_473 = %scan3A_107 to %scan3A_109 step %scan3A_110  : i32 {
      %mul3A_474 = arith.constant 5 : i32
      %mul3A_475 = arith.muli %scan3A_473, %mul3A_474 : i32
      %add3A_476 = arith.constant 0 : i32
      %add3A_477 = arith.addi %mul3A_475, %add3A_476 : i32
      %mul3A_478 = arith.constant 80 : i32
      %mul3A_479 = arith.muli %add3A_477, %mul3A_478 : i32
      %multiple_of3A_480 = tpu.assume_multiple %mul3A_479, 8 : i32
      %dma_wait3A_481 = arith.constant 0 : i32
      %dma_wait3A_482 = arith.constant 0 : i32
      %dma_wait3A_483 = arith.constant 0 : i32
      %dma_wait3A_484 = tpu.memref_slice %arg8[%dma_wait3A_481, %dma_wait3A_482, %dma_wait3A_483] : memref<5x80x64xf32, #tpu.memory_space<vmem>> -> memref<1x80x64xf32, #tpu.memory_space<vmem>>
      %dma_wait3A_485 = tpu.memref_squeeze %dma_wait3A_484 : memref<1x80x64xf32, #tpu.memory_space<vmem>> -> memref<80x64xf32, #tpu.memory_space<vmem>>
      %dma_wait3A_486 = tpu.memref_slice %arg6[%multiple_of3A_480] : memref<10000xi32, #tpu.memory_space<vmem>> -> memref<80xi32, #tpu.memory_space<vmem>>
      %dma_wait3A_487 = arith.constant 0 : i32
      %dma_wait3A_488 = arith.constant 0 : i32
      %dma_wait3A_489 = tpu.memref_slice %arg3[%dma_wait3A_487, %dma_wait3A_488] : memref<10000x64xf32, #tpu.memory_space<hbm>> -> memref<10000x64xf32, #tpu.memory_space<hbm>>
      tpu.wait_indirect_dma semaphore(%arg10 : memref<!tpu.dma_semaphore, #tpu.memory_space<semaphore_mem>>) src(%dma_wait3A_489 : memref<10000x64xf32, #tpu.memory_space<hbm>>) dst(%dma_wait3A_485 : memref<80x64xf32, #tpu.memory_space<vmem>>)
      %mul3A_490 = arith.constant 80 : i32
      %mul3A_491 = arith.muli %add3A_477, %mul3A_490 : i32
      %multiple_of3A_492 = tpu.assume_multiple %mul3A_491, 8 : i32
      %dma_start3A_493 = arith.constant 0 : i32
      %dma_start3A_494 = arith.constant 0 : i32
      %dma_start3A_495 = arith.constant 0 : i32
      %dma_start3A_496 = tpu.memref_slice %arg8[%dma_start3A_493, %dma_start3A_494, %dma_start3A_495] : memref<5x80x64xf32, #tpu.memory_space<vmem>> -> memref<1x80x64xf32, #tpu.memory_space<vmem>>
      %dma_start3A_497 = tpu.memref_squeeze %dma_start3A_496 : memref<1x80x64xf32, #tpu.memory_space<vmem>> -> memref<80x64xf32, #tpu.memory_space<vmem>>
      %dma_start3A_498 = tpu.memref_slice %arg7[%multiple_of3A_492] : memref<10000xi32, #tpu.memory_space<vmem>> -> memref<80xi32, #tpu.memory_space<vmem>>
      %dma_start3A_499 = arith.constant 0 : i32
      %dma_start3A_500 = arith.constant 0 : i32
      %dma_start3A_501 = tpu.memref_slice %arg5[%dma_start3A_499, %dma_start3A_500] : memref<10240x64xf32, #tpu.memory_space<vmem_shared>> -> memref<10240x64xf32, #tpu.memory_space<vmem_shared>>
      tpu.enqueue_indirect_dma source(%dma_start3A_497 : memref<80x64xf32, #tpu.memory_space<vmem>>) target(%dma_start3A_501 : memref<10240x64xf32, #tpu.memory_space<vmem_shared>>) offsets(%dma_start3A_498 : memref<80xi32, #tpu.memory_space<vmem>>) semaphore(%arg15 : memref<!tpu.dma_semaphore, #tpu.memory_space<semaphore_mem>>) {add = true}
      %mul3A_502 = arith.constant 5 : i32
      %mul3A_503 = arith.muli %scan3A_473, %mul3A_502 : i32
      %add3A_504 = arith.constant 1 : i32
      %add3A_505 = arith.addi %mul3A_503, %add3A_504 : i32
      %mul3A_506 = arith.constant 80 : i32
      %mul3A_507 = arith.muli %add3A_505, %mul3A_506 : i32
      %multiple_of3A_508 = tpu.assume_multiple %mul3A_507, 8 : i32
      %dma_wait3A_509 = arith.constant 1 : i32
      %dma_wait3A_510 = arith.constant 0 : i32
      %dma_wait3A_511 = arith.constant 0 : i32
      %dma_wait3A_512 = tpu.memref_slice %arg8[%dma_wait3A_509, %dma_wait3A_510, %dma_wait3A_511] : memref<5x80x64xf32, #tpu.memory_space<vmem>> -> memref<1x80x64xf32, #tpu.memory_space<vmem>>
      %dma_wait3A_513 = tpu.memref_squeeze %dma_wait3A_512 : memref<1x80x64xf32, #tpu.memory_space<vmem>> -> memref<80x64xf32, #tpu.memory_space<vmem>>
      %dma_wait3A_514 = tpu.memref_slice %arg6[%multiple_of3A_508] : memref<10000xi32, #tpu.memory_space<vmem>> -> memref<80xi32, #tpu.memory_space<vmem>>
      %dma_wait3A_515 = arith.constant 0 : i32
      %dma_wait3A_516 = arith.constant 0 : i32
      %dma_wait3A_517 = tpu.memref_slice %arg3[%dma_wait3A_515, %dma_wait3A_516] : memref<10000x64xf32, #tpu.memory_space<hbm>> -> memref<10000x64xf32, #tpu.memory_space<hbm>>
      tpu.wait_indirect_dma semaphore(%arg11 : memref<!tpu.dma_semaphore, #tpu.memory_space<semaphore_mem>>) src(%dma_wait3A_517 : memref<10000x64xf32, #tpu.memory_space<hbm>>) dst(%dma_wait3A_513 : memref<80x64xf32, #tpu.memory_space<vmem>>)
      %mul3A_518 = arith.constant 80 : i32
      %mul3A_519 = arith.muli %add3A_505, %mul3A_518 : i32
      %multiple_of3A_520 = tpu.assume_multiple %mul3A_519, 8 : i32
      %dma_start3A_521 = arith.constant 1 : i32
      %dma_start3A_522 = arith.constant 0 : i32
      %dma_start3A_523 = arith.constant 0 : i32
      %dma_start3A_524 = tpu.memref_slice %arg8[%dma_start3A_521, %dma_start3A_522, %dma_start3A_523] : memref<5x80x64xf32, #tpu.memory_space<vmem>> -> memref<1x80x64xf32, #tpu.memory_space<vmem>>
      %dma_start3A_525 = tpu.memref_squeeze %dma_start3A_524 : memref<1x80x64xf32, #tpu.memory_space<vmem>> -> memref<80x64xf32, #tpu.memory_space<vmem>>
      %dma_start3A_526 = tpu.memref_slice %arg7[%multiple_of3A_520] : memref<10000xi32, #tpu.memory_space<vmem>> -> memref<80xi32, #tpu.memory_space<vmem>>
      %dma_start3A_527 = arith.constant 0 : i32
      %dma_start3A_528 = arith.constant 0 : i32
      %dma_start3A_529 = tpu.memref_slice %arg5[%dma_start3A_527, %dma_start3A_528] : memref<10240x64xf32, #tpu.memory_space<vmem_shared>> -> memref<10240x64xf32, #tpu.memory_space<vmem_shared>>
      tpu.enqueue_indirect_dma source(%dma_start3A_525 : memref<80x64xf32, #tpu.memory_space<vmem>>) target(%dma_start3A_529 : memref<10240x64xf32, #tpu.memory_space<vmem_shared>>) offsets(%dma_start3A_526 : memref<80xi32, #tpu.memory_space<vmem>>) semaphore(%arg16 : memref<!tpu.dma_semaphore, #tpu.memory_space<semaphore_mem>>) {add = true}
      %mul3A_530 = arith.constant 5 : i32
      %mul3A_531 = arith.muli %scan3A_473, %mul3A_530 : i32
      %add3A_532 = arith.constant 2 : i32
      %add3A_533 = arith.addi %mul3A_531, %add3A_532 : i32
      %mul3A_534 = arith.constant 80 : i32
      %mul3A_535 = arith.muli %add3A_533, %mul3A_534 : i32
      %multiple_of3A_536 = tpu.assume_multiple %mul3A_535, 8 : i32
      %dma_wait3A_537 = arith.constant 2 : i32
      %dma_wait3A_538 = arith.constant 0 : i32
      %dma_wait3A_539 = arith.constant 0 : i32
      %dma_wait3A_540 = tpu.memref_slice %arg8[%dma_wait3A_537, %dma_wait3A_538, %dma_wait3A_539] : memref<5x80x64xf32, #tpu.memory_space<vmem>> -> memref<1x80x64xf32, #tpu.memory_space<vmem>>
      %dma_wait3A_541 = tpu.memref_squeeze %dma_wait3A_540 : memref<1x80x64xf32, #tpu.memory_space<vmem>> -> memref<80x64xf32, #tpu.memory_space<vmem>>
      %dma_wait3A_542 = tpu.memref_slice %arg6[%multiple_of3A_536] : memref<10000xi32, #tpu.memory_space<vmem>> -> memref<80xi32, #tpu.memory_space<vmem>>
      %dma_wait3A_543 = arith.constant 0 : i32
      %dma_wait3A_544 = arith.constant 0 : i32
      %dma_wait3A_545 = tpu.memref_slice %arg3[%dma_wait3A_543, %dma_wait3A_544] : memref<10000x64xf32, #tpu.memory_space<hbm>> -> memref<10000x64xf32, #tpu.memory_space<hbm>>
      tpu.wait_indirect_dma semaphore(%arg12 : memref<!tpu.dma_semaphore, #tpu.memory_space<semaphore_mem>>) src(%dma_wait3A_545 : memref<10000x64xf32, #tpu.memory_space<hbm>>) dst(%dma_wait3A_541 : memref<80x64xf32, #tpu.memory_space<vmem>>)
      %mul3A_546 = arith.constant 80 : i32
      %mul3A_547 = arith.muli %add3A_533, %mul3A_546 : i32
      %multiple_of3A_548 = tpu.assume_multiple %mul3A_547, 8 : i32
      %dma_start3A_549 = arith.constant 2 : i32
      %dma_start3A_550 = arith.constant 0 : i32
      %dma_start3A_551 = arith.constant 0 : i32
      %dma_start3A_552 = tpu.memref_slice %arg8[%dma_start3A_549, %dma_start3A_550, %dma_start3A_551] : memref<5x80x64xf32, #tpu.memory_space<vmem>> -> memref<1x80x64xf32, #tpu.memory_space<vmem>>
      %dma_start3A_553 = tpu.memref_squeeze %dma_start3A_552 : memref<1x80x64xf32, #tpu.memory_space<vmem>> -> memref<80x64xf32, #tpu.memory_space<vmem>>
      %dma_start3A_554 = tpu.memref_slice %arg7[%multiple_of3A_548] : memref<10000xi32, #tpu.memory_space<vmem>> -> memref<80xi32, #tpu.memory_space<vmem>>
      %dma_start3A_555 = arith.constant 0 : i32
      %dma_start3A_556 = arith.constant 0 : i32
      %dma_start3A_557 = tpu.memref_slice %arg5[%dma_start3A_555, %dma_start3A_556] : memref<10240x64xf32, #tpu.memory_space<vmem_shared>> -> memref<10240x64xf32, #tpu.memory_space<vmem_shared>>
      tpu.enqueue_indirect_dma source(%dma_start3A_553 : memref<80x64xf32, #tpu.memory_space<vmem>>) target(%dma_start3A_557 : memref<10240x64xf32, #tpu.memory_space<vmem_shared>>) offsets(%dma_start3A_554 : memref<80xi32, #tpu.memory_space<vmem>>) semaphore(%arg17 : memref<!tpu.dma_semaphore, #tpu.memory_space<semaphore_mem>>) {add = true}
      %mul3A_558 = arith.constant 5 : i32
      %mul3A_559 = arith.muli %scan3A_473, %mul3A_558 : i32
      %add3A_560 = arith.constant 3 : i32
      %add3A_561 = arith.addi %mul3A_559, %add3A_560 : i32
      %mul3A_562 = arith.constant 80 : i32
      %mul3A_563 = arith.muli %add3A_561, %mul3A_562 : i32
      %multiple_of3A_564 = tpu.assume_multiple %mul3A_563, 8 : i32
      %dma_wait3A_565 = arith.constant 3 : i32
      %dma_wait3A_566 = arith.constant 0 : i32
      %dma_wait3A_567 = arith.constant 0 : i32
      %dma_wait3A_568 = tpu.memref_slice %arg8[%dma_wait3A_565, %dma_wait3A_566, %dma_wait3A_567] : memref<5x80x64xf32, #tpu.memory_space<vmem>> -> memref<1x80x64xf32, #tpu.memory_space<vmem>>
      %dma_wait3A_569 = tpu.memref_squeeze %dma_wait3A_568 : memref<1x80x64xf32, #tpu.memory_space<vmem>> -> memref<80x64xf32, #tpu.memory_space<vmem>>
      %dma_wait3A_570 = tpu.memref_slice %arg6[%multiple_of3A_564] : memref<10000xi32, #tpu.memory_space<vmem>> -> memref<80xi32, #tpu.memory_space<vmem>>
      %dma_wait3A_571 = arith.constant 0 : i32
      %dma_wait3A_572 = arith.constant 0 : i32
      %dma_wait3A_573 = tpu.memref_slice %arg3[%dma_wait3A_571, %dma_wait3A_572] : memref<10000x64xf32, #tpu.memory_space<hbm>> -> memref<10000x64xf32, #tpu.memory_space<hbm>>
      tpu.wait_indirect_dma semaphore(%arg13 : memref<!tpu.dma_semaphore, #tpu.memory_space<semaphore_mem>>) src(%dma_wait3A_573 : memref<10000x64xf32, #tpu.memory_space<hbm>>) dst(%dma_wait3A_569 : memref<80x64xf32, #tpu.memory_space<vmem>>)
      %mul3A_574 = arith.constant 80 : i32
      %mul3A_575 = arith.muli %add3A_561, %mul3A_574 : i32
      %multiple_of3A_576 = tpu.assume_multiple %mul3A_575, 8 : i32
      %dma_start3A_577 = arith.constant 3 : i32
      %dma_start3A_578 = arith.constant 0 : i32
      %dma_start3A_579 = arith.constant 0 : i32
      %dma_start3A_580 = tpu.memref_slice %arg8[%dma_start3A_577, %dma_start3A_578, %dma_start3A_579] : memref<5x80x64xf32, #tpu.memory_space<vmem>> -> memref<1x80x64xf32, #tpu.memory_space<vmem>>
      %dma_start3A_581 = tpu.memref_squeeze %dma_start3A_580 : memref<1x80x64xf32, #tpu.memory_space<vmem>> -> memref<80x64xf32, #tpu.memory_space<vmem>>
      %dma_start3A_582 = tpu.memref_slice %arg7[%multiple_of3A_576] : memref<10000xi32, #tpu.memory_space<vmem>> -> memref<80xi32, #tpu.memory_space<vmem>>
      %dma_start3A_583 = arith.constant 0 : i32
      %dma_start3A_584 = arith.constant 0 : i32
      %dma_start3A_585 = tpu.memref_slice %arg5[%dma_start3A_583, %dma_start3A_584] : memref<10240x64xf32, #tpu.memory_space<vmem_shared>> -> memref<10240x64xf32, #tpu.memory_space<vmem_shared>>
      tpu.enqueue_indirect_dma source(%dma_start3A_581 : memref<80x64xf32, #tpu.memory_space<vmem>>) target(%dma_start3A_585 : memref<10240x64xf32, #tpu.memory_space<vmem_shared>>) offsets(%dma_start3A_582 : memref<80xi32, #tpu.memory_space<vmem>>) semaphore(%arg18 : memref<!tpu.dma_semaphore, #tpu.memory_space<semaphore_mem>>) {add = true}
      %mul3A_586 = arith.constant 5 : i32
      %mul3A_587 = arith.muli %scan3A_473, %mul3A_586 : i32
      %add3A_588 = arith.constant 4 : i32
      %add3A_589 = arith.addi %mul3A_587, %add3A_588 : i32
      %mul3A_590 = arith.constant 80 : i32
      %mul3A_591 = arith.muli %add3A_589, %mul3A_590 : i32
      %multiple_of3A_592 = tpu.assume_multiple %mul3A_591, 8 : i32
      %dma_wait3A_593 = arith.constant 4 : i32
      %dma_wait3A_594 = arith.constant 0 : i32
      %dma_wait3A_595 = arith.constant 0 : i32
      %dma_wait3A_596 = tpu.memref_slice %arg8[%dma_wait3A_593, %dma_wait3A_594, %dma_wait3A_595] : memref<5x80x64xf32, #tpu.memory_space<vmem>> -> memref<1x80x64xf32, #tpu.memory_space<vmem>>
      %dma_wait3A_597 = tpu.memref_squeeze %dma_wait3A_596 : memref<1x80x64xf32, #tpu.memory_space<vmem>> -> memref<80x64xf32, #tpu.memory_space<vmem>>
      %dma_wait3A_598 = tpu.memref_slice %arg6[%multiple_of3A_592] : memref<10000xi32, #tpu.memory_space<vmem>> -> memref<80xi32, #tpu.memory_space<vmem>>
      %dma_wait3A_599 = arith.constant 0 : i32
      %dma_wait3A_600 = arith.constant 0 : i32
      %dma_wait3A_601 = tpu.memref_slice %arg3[%dma_wait3A_599, %dma_wait3A_600] : memref<10000x64xf32, #tpu.memory_space<hbm>> -> memref<10000x64xf32, #tpu.memory_space<hbm>>
      tpu.wait_indirect_dma semaphore(%arg14 : memref<!tpu.dma_semaphore, #tpu.memory_space<semaphore_mem>>) src(%dma_wait3A_601 : memref<10000x64xf32, #tpu.memory_space<hbm>>) dst(%dma_wait3A_597 : memref<80x64xf32, #tpu.memory_space<vmem>>)
      %mul3A_602 = arith.constant 80 : i32
      %mul3A_603 = arith.muli %add3A_589, %mul3A_602 : i32
      %multiple_of3A_604 = tpu.assume_multiple %mul3A_603, 8 : i32
      %dma_start3A_605 = arith.constant 4 : i32
      %dma_start3A_606 = arith.constant 0 : i32
      %dma_start3A_607 = arith.constant 0 : i32
      %dma_start3A_608 = tpu.memref_slice %arg8[%dma_start3A_605, %dma_start3A_606, %dma_start3A_607] : memref<5x80x64xf32, #tpu.memory_space<vmem>> -> memref<1x80x64xf32, #tpu.memory_space<vmem>>
      %dma_start3A_609 = tpu.memref_squeeze %dma_start3A_608 : memref<1x80x64xf32, #tpu.memory_space<vmem>> -> memref<80x64xf32, #tpu.memory_space<vmem>>
      %dma_start3A_610 = tpu.memref_slice %arg7[%multiple_of3A_604] : memref<10000xi32, #tpu.memory_space<vmem>> -> memref<80xi32, #tpu.memory_space<vmem>>
      %dma_start3A_611 = arith.constant 0 : i32
      %dma_start3A_612 = arith.constant 0 : i32
      %dma_start3A_613 = tpu.memref_slice %arg5[%dma_start3A_611, %dma_start3A_612] : memref<10240x64xf32, #tpu.memory_space<vmem_shared>> -> memref<10240x64xf32, #tpu.memory_space<vmem_shared>>
      tpu.enqueue_indirect_dma source(%dma_start3A_609 : memref<80x64xf32, #tpu.memory_space<vmem>>) target(%dma_start3A_613 : memref<10240x64xf32, #tpu.memory_space<vmem_shared>>) offsets(%dma_start3A_610 : memref<80xi32, #tpu.memory_space<vmem>>) semaphore(%arg19 : memref<!tpu.dma_semaphore, #tpu.memory_space<semaphore_mem>>) {add = true}
      %mul3A_614 = arith.constant 5 : i32
      %mul3A_615 = arith.muli %scan3A_473, %mul3A_614 : i32
      %add3A_616 = arith.constant 0 : i32
      %add3A_617 = arith.addi %mul3A_615, %add3A_616 : i32
      %mul3A_618 = arith.constant 80 : i32
      %mul3A_619 = arith.muli %add3A_617, %mul3A_618 : i32
      %multiple_of3A_620 = tpu.assume_multiple %mul3A_619, 8 : i32
      %dma_wait3A_621 = arith.constant 0 : i32
      %dma_wait3A_622 = arith.constant 0 : i32
      %dma_wait3A_623 = arith.constant 0 : i32
      %dma_wait3A_624 = tpu.memref_slice %arg8[%dma_wait3A_621, %dma_wait3A_622, %dma_wait3A_623] : memref<5x80x64xf32, #tpu.memory_space<vmem>> -> memref<1x80x64xf32, #tpu.memory_space<vmem>>
      %dma_wait3A_625 = tpu.memref_squeeze %dma_wait3A_624 : memref<1x80x64xf32, #tpu.memory_space<vmem>> -> memref<80x64xf32, #tpu.memory_space<vmem>>
      %dma_wait3A_626 = tpu.memref_slice %arg7[%multiple_of3A_620] : memref<10000xi32, #tpu.memory_space<vmem>> -> memref<80xi32, #tpu.memory_space<vmem>>
      %dma_wait3A_627 = arith.constant 0 : i32
      %dma_wait3A_628 = arith.constant 0 : i32
      %dma_wait3A_629 = tpu.memref_slice %arg5[%dma_wait3A_627, %dma_wait3A_628] : memref<10240x64xf32, #tpu.memory_space<vmem_shared>> -> memref<10240x64xf32, #tpu.memory_space<vmem_shared>>
      tpu.wait_indirect_dma semaphore(%arg15 : memref<!tpu.dma_semaphore, #tpu.memory_space<semaphore_mem>>) src(%dma_wait3A_625 : memref<80x64xf32, #tpu.memory_space<vmem>>) dst(%dma_wait3A_629 : memref<10240x64xf32, #tpu.memory_space<vmem_shared>>)
      %add3A_630 = arith.constant 5 : i32
      %add3A_631 = arith.addi %add3A_617, %add3A_630 : i32
      %lt3A = arith.constant 125 : i32
      %lt3A_632 = arith.cmpi slt, %add3A_631, %lt3A : i32
      %convert_element_type3A = arith.extui %lt3A_632 : i1 to i32
      %cond3A = arith.constant 0 : i32
      %cond3A_633 = arith.cmpi ne, %convert_element_type3A, %cond3A : i32
      scf.if %cond3A_633 {
        %mul3A_726 = arith.constant 80 : i32
        %mul3A_727 = arith.muli %add3A_631, %mul3A_726 : i32
        %multiple_of3A_728 = tpu.assume_multiple %mul3A_727, 8 : i32
        %dma_start3A_729 = arith.constant 0 : i32
        %dma_start3A_730 = arith.constant 0 : i32
        %dma_start3A_731 = arith.constant 0 : i32
        %dma_start3A_732 = tpu.memref_slice %arg8[%dma_start3A_729, %dma_start3A_730, %dma_start3A_731] : memref<5x80x64xf32, #tpu.memory_space<vmem>> -> memref<1x80x64xf32, #tpu.memory_space<vmem>>
        %dma_start3A_733 = tpu.memref_squeeze %dma_start3A_732 : memref<1x80x64xf32, #tpu.memory_space<vmem>> -> memref<80x64xf32, #tpu.memory_space<vmem>>
        %dma_start3A_734 = tpu.memref_slice %arg6[%multiple_of3A_728] : memref<10000xi32, #tpu.memory_space<vmem>> -> memref<80xi32, #tpu.memory_space<vmem>>
        %dma_start3A_735 = arith.constant 0 : i32
        %dma_start3A_736 = arith.constant 0 : i32
        %dma_start3A_737 = tpu.memref_slice %arg3[%dma_start3A_735, %dma_start3A_736] : memref<10000x64xf32, #tpu.memory_space<hbm>> -> memref<10000x64xf32, #tpu.memory_space<hbm>>
        tpu.enqueue_indirect_dma source(%dma_start3A_737 : memref<10000x64xf32, #tpu.memory_space<hbm>>) target(%dma_start3A_733 : memref<80x64xf32, #tpu.memory_space<vmem>>) offsets(%dma_start3A_734 : memref<80xi32, #tpu.memory_space<vmem>>) semaphore(%arg10 : memref<!tpu.dma_semaphore, #tpu.memory_space<semaphore_mem>>)
      } else {
      }
      %mul3A_634 = arith.constant 5 : i32
      %mul3A_635 = arith.muli %scan3A_473, %mul3A_634 : i32
      %add3A_636 = arith.constant 1 : i32
      %add3A_637 = arith.addi %mul3A_635, %add3A_636 : i32
      %mul3A_638 = arith.constant 80 : i32
      %mul3A_639 = arith.muli %add3A_637, %mul3A_638 : i32
      %multiple_of3A_640 = tpu.assume_multiple %mul3A_639, 8 : i32
      %dma_wait3A_641 = arith.constant 1 : i32
      %dma_wait3A_642 = arith.constant 0 : i32
      %dma_wait3A_643 = arith.constant 0 : i32
      %dma_wait3A_644 = tpu.memref_slice %arg8[%dma_wait3A_641, %dma_wait3A_642, %dma_wait3A_643] : memref<5x80x64xf32, #tpu.memory_space<vmem>> -> memref<1x80x64xf32, #tpu.memory_space<vmem>>
      %dma_wait3A_645 = tpu.memref_squeeze %dma_wait3A_644 : memref<1x80x64xf32, #tpu.memory_space<vmem>> -> memref<80x64xf32, #tpu.memory_space<vmem>>
      %dma_wait3A_646 = tpu.memref_slice %arg7[%multiple_of3A_640] : memref<10000xi32, #tpu.memory_space<vmem>> -> memref<80xi32, #tpu.memory_space<vmem>>
      %dma_wait3A_647 = arith.constant 0 : i32
      %dma_wait3A_648 = arith.constant 0 : i32
      %dma_wait3A_649 = tpu.memref_slice %arg5[%dma_wait3A_647, %dma_wait3A_648] : memref<10240x64xf32, #tpu.memory_space<vmem_shared>> -> memref<10240x64xf32, #tpu.memory_space<vmem_shared>>
      tpu.wait_indirect_dma semaphore(%arg16 : memref<!tpu.dma_semaphore, #tpu.memory_space<semaphore_mem>>) src(%dma_wait3A_645 : memref<80x64xf32, #tpu.memory_space<vmem>>) dst(%dma_wait3A_649 : memref<10240x64xf32, #tpu.memory_space<vmem_shared>>)
      %add3A_650 = arith.constant 5 : i32
      %add3A_651 = arith.addi %add3A_637, %add3A_650 : i32
      %lt3A_652 = arith.constant 125 : i32
      %lt3A_653 = arith.cmpi slt, %add3A_651, %lt3A_652 : i32
      %convert_element_type3A_654 = arith.extui %lt3A_653 : i1 to i32
      %cond3A_655 = arith.constant 0 : i32
      %cond3A_656 = arith.cmpi ne, %convert_element_type3A_654, %cond3A_655 : i32
      scf.if %cond3A_656 {
        %mul3A_726 = arith.constant 80 : i32
        %mul3A_727 = arith.muli %add3A_651, %mul3A_726 : i32
        %multiple_of3A_728 = tpu.assume_multiple %mul3A_727, 8 : i32
        %dma_start3A_729 = arith.constant 1 : i32
        %dma_start3A_730 = arith.constant 0 : i32
        %dma_start3A_731 = arith.constant 0 : i32
        %dma_start3A_732 = tpu.memref_slice %arg8[%dma_start3A_729, %dma_start3A_730, %dma_start3A_731] : memref<5x80x64xf32, #tpu.memory_space<vmem>> -> memref<1x80x64xf32, #tpu.memory_space<vmem>>
        %dma_start3A_733 = tpu.memref_squeeze %dma_start3A_732 : memref<1x80x64xf32, #tpu.memory_space<vmem>> -> memref<80x64xf32, #tpu.memory_space<vmem>>
        %dma_start3A_734 = tpu.memref_slice %arg6[%multiple_of3A_728] : memref<10000xi32, #tpu.memory_space<vmem>> -> memref<80xi32, #tpu.memory_space<vmem>>
        %dma_start3A_735 = arith.constant 0 : i32
        %dma_start3A_736 = arith.constant 0 : i32
        %dma_start3A_737 = tpu.memref_slice %arg3[%dma_start3A_735, %dma_start3A_736] : memref<10000x64xf32, #tpu.memory_space<hbm>> -> memref<10000x64xf32, #tpu.memory_space<hbm>>
        tpu.enqueue_indirect_dma source(%dma_start3A_737 : memref<10000x64xf32, #tpu.memory_space<hbm>>) target(%dma_start3A_733 : memref<80x64xf32, #tpu.memory_space<vmem>>) offsets(%dma_start3A_734 : memref<80xi32, #tpu.memory_space<vmem>>) semaphore(%arg11 : memref<!tpu.dma_semaphore, #tpu.memory_space<semaphore_mem>>)
      } else {
      }
      %mul3A_657 = arith.constant 5 : i32
      %mul3A_658 = arith.muli %scan3A_473, %mul3A_657 : i32
      %add3A_659 = arith.constant 2 : i32
      %add3A_660 = arith.addi %mul3A_658, %add3A_659 : i32
      %mul3A_661 = arith.constant 80 : i32
      %mul3A_662 = arith.muli %add3A_660, %mul3A_661 : i32
      %multiple_of3A_663 = tpu.assume_multiple %mul3A_662, 8 : i32
      %dma_wait3A_664 = arith.constant 2 : i32
      %dma_wait3A_665 = arith.constant 0 : i32
      %dma_wait3A_666 = arith.constant 0 : i32
      %dma_wait3A_667 = tpu.memref_slice %arg8[%dma_wait3A_664, %dma_wait3A_665, %dma_wait3A_666] : memref<5x80x64xf32, #tpu.memory_space<vmem>> -> memref<1x80x64xf32, #tpu.memory_space<vmem>>
      %dma_wait3A_668 = tpu.memref_squeeze %dma_wait3A_667 : memref<1x80x64xf32, #tpu.memory_space<vmem>> -> memref<80x64xf32, #tpu.memory_space<vmem>>
      %dma_wait3A_669 = tpu.memref_slice %arg7[%multiple_of3A_663] : memref<10000xi32, #tpu.memory_space<vmem>> -> memref<80xi32, #tpu.memory_space<vmem>>
      %dma_wait3A_670 = arith.constant 0 : i32
      %dma_wait3A_671 = arith.constant 0 : i32
      %dma_wait3A_672 = tpu.memref_slice %arg5[%dma_wait3A_670, %dma_wait3A_671] : memref<10240x64xf32, #tpu.memory_space<vmem_shared>> -> memref<10240x64xf32, #tpu.memory_space<vmem_shared>>
      tpu.wait_indirect_dma semaphore(%arg17 : memref<!tpu.dma_semaphore, #tpu.memory_space<semaphore_mem>>) src(%dma_wait3A_668 : memref<80x64xf32, #tpu.memory_space<vmem>>) dst(%dma_wait3A_672 : memref<10240x64xf32, #tpu.memory_space<vmem_shared>>)
      %add3A_673 = arith.constant 5 : i32
      %add3A_674 = arith.addi %add3A_660, %add3A_673 : i32
      %lt3A_675 = arith.constant 125 : i32
      %lt3A_676 = arith.cmpi slt, %add3A_674, %lt3A_675 : i32
      %convert_element_type3A_677 = arith.extui %lt3A_676 : i1 to i32
      %cond3A_678 = arith.constant 0 : i32
      %cond3A_679 = arith.cmpi ne, %convert_element_type3A_677, %cond3A_678 : i32
      scf.if %cond3A_679 {
        %mul3A_726 = arith.constant 80 : i32
        %mul3A_727 = arith.muli %add3A_674, %mul3A_726 : i32
        %multiple_of3A_728 = tpu.assume_multiple %mul3A_727, 8 : i32
        %dma_start3A_729 = arith.constant 2 : i32
        %dma_start3A_730 = arith.constant 0 : i32
        %dma_start3A_731 = arith.constant 0 : i32
        %dma_start3A_732 = tpu.memref_slice %arg8[%dma_start3A_729, %dma_start3A_730, %dma_start3A_731] : memref<5x80x64xf32, #tpu.memory_space<vmem>> -> memref<1x80x64xf32, #tpu.memory_space<vmem>>
        %dma_start3A_733 = tpu.memref_squeeze %dma_start3A_732 : memref<1x80x64xf32, #tpu.memory_space<vmem>> -> memref<80x64xf32, #tpu.memory_space<vmem>>
        %dma_start3A_734 = tpu.memref_slice %arg6[%multiple_of3A_728] : memref<10000xi32, #tpu.memory_space<vmem>> -> memref<80xi32, #tpu.memory_space<vmem>>
        %dma_start3A_735 = arith.constant 0 : i32
        %dma_start3A_736 = arith.constant 0 : i32
        %dma_start3A_737 = tpu.memref_slice %arg3[%dma_start3A_735, %dma_start3A_736] : memref<10000x64xf32, #tpu.memory_space<hbm>> -> memref<10000x64xf32, #tpu.memory_space<hbm>>
        tpu.enqueue_indirect_dma source(%dma_start3A_737 : memref<10000x64xf32, #tpu.memory_space<hbm>>) target(%dma_start3A_733 : memref<80x64xf32, #tpu.memory_space<vmem>>) offsets(%dma_start3A_734 : memref<80xi32, #tpu.memory_space<vmem>>) semaphore(%arg12 : memref<!tpu.dma_semaphore, #tpu.memory_space<semaphore_mem>>)
      } else {
      }
      %mul3A_680 = arith.constant 5 : i32
      %mul3A_681 = arith.muli %scan3A_473, %mul3A_680 : i32
      %add3A_682 = arith.constant 3 : i32
      %add3A_683 = arith.addi %mul3A_681, %add3A_682 : i32
      %mul3A_684 = arith.constant 80 : i32
      %mul3A_685 = arith.muli %add3A_683, %mul3A_684 : i32
      %multiple_of3A_686 = tpu.assume_multiple %mul3A_685, 8 : i32
      %dma_wait3A_687 = arith.constant 3 : i32
      %dma_wait3A_688 = arith.constant 0 : i32
      %dma_wait3A_689 = arith.constant 0 : i32
      %dma_wait3A_690 = tpu.memref_slice %arg8[%dma_wait3A_687, %dma_wait3A_688, %dma_wait3A_689] : memref<5x80x64xf32, #tpu.memory_space<vmem>> -> memref<1x80x64xf32, #tpu.memory_space<vmem>>
      %dma_wait3A_691 = tpu.memref_squeeze %dma_wait3A_690 : memref<1x80x64xf32, #tpu.memory_space<vmem>> -> memref<80x64xf32, #tpu.memory_space<vmem>>
      %dma_wait3A_692 = tpu.memref_slice %arg7[%multiple_of3A_686] : memref<10000xi32, #tpu.memory_space<vmem>> -> memref<80xi32, #tpu.memory_space<vmem>>
      %dma_wait3A_693 = arith.constant 0 : i32
      %dma_wait3A_694 = arith.constant 0 : i32
      %dma_wait3A_695 = tpu.memref_slice %arg5[%dma_wait3A_693, %dma_wait3A_694] : memref<10240x64xf32, #tpu.memory_space<vmem_shared>> -> memref<10240x64xf32, #tpu.memory_space<vmem_shared>>
      tpu.wait_indirect_dma semaphore(%arg18 : memref<!tpu.dma_semaphore, #tpu.memory_space<semaphore_mem>>) src(%dma_wait3A_691 : memref<80x64xf32, #tpu.memory_space<vmem>>) dst(%dma_wait3A_695 : memref<10240x64xf32, #tpu.memory_space<vmem_shared>>)
      %add3A_696 = arith.constant 5 : i32
      %add3A_697 = arith.addi %add3A_683, %add3A_696 : i32
      %lt3A_698 = arith.constant 125 : i32
      %lt3A_699 = arith.cmpi slt, %add3A_697, %lt3A_698 : i32
      %convert_element_type3A_700 = arith.extui %lt3A_699 : i1 to i32
      %cond3A_701 = arith.constant 0 : i32
      %cond3A_702 = arith.cmpi ne, %convert_element_type3A_700, %cond3A_701 : i32
      scf.if %cond3A_702 {
        %mul3A_726 = arith.constant 80 : i32
        %mul3A_727 = arith.muli %add3A_697, %mul3A_726 : i32
        %multiple_of3A_728 = tpu.assume_multiple %mul3A_727, 8 : i32
        %dma_start3A_729 = arith.constant 3 : i32
        %dma_start3A_730 = arith.constant 0 : i32
        %dma_start3A_731 = arith.constant 0 : i32
        %dma_start3A_732 = tpu.memref_slice %arg8[%dma_start3A_729, %dma_start3A_730, %dma_start3A_731] : memref<5x80x64xf32, #tpu.memory_space<vmem>> -> memref<1x80x64xf32, #tpu.memory_space<vmem>>
        %dma_start3A_733 = tpu.memref_squeeze %dma_start3A_732 : memref<1x80x64xf32, #tpu.memory_space<vmem>> -> memref<80x64xf32, #tpu.memory_space<vmem>>
        %dma_start3A_734 = tpu.memref_slice %arg6[%multiple_of3A_728] : memref<10000xi32, #tpu.memory_space<vmem>> -> memref<80xi32, #tpu.memory_space<vmem>>
        %dma_start3A_735 = arith.constant 0 : i32
        %dma_start3A_736 = arith.constant 0 : i32
        %dma_start3A_737 = tpu.memref_slice %arg3[%dma_start3A_735, %dma_start3A_736] : memref<10000x64xf32, #tpu.memory_space<hbm>> -> memref<10000x64xf32, #tpu.memory_space<hbm>>
        tpu.enqueue_indirect_dma source(%dma_start3A_737 : memref<10000x64xf32, #tpu.memory_space<hbm>>) target(%dma_start3A_733 : memref<80x64xf32, #tpu.memory_space<vmem>>) offsets(%dma_start3A_734 : memref<80xi32, #tpu.memory_space<vmem>>) semaphore(%arg13 : memref<!tpu.dma_semaphore, #tpu.memory_space<semaphore_mem>>)
      } else {
      }
      %mul3A_703 = arith.constant 5 : i32
      %mul3A_704 = arith.muli %scan3A_473, %mul3A_703 : i32
      %add3A_705 = arith.constant 4 : i32
      %add3A_706 = arith.addi %mul3A_704, %add3A_705 : i32
      %mul3A_707 = arith.constant 80 : i32
      %mul3A_708 = arith.muli %add3A_706, %mul3A_707 : i32
      %multiple_of3A_709 = tpu.assume_multiple %mul3A_708, 8 : i32
      %dma_wait3A_710 = arith.constant 4 : i32
      %dma_wait3A_711 = arith.constant 0 : i32
      %dma_wait3A_712 = arith.constant 0 : i32
      %dma_wait3A_713 = tpu.memref_slice %arg8[%dma_wait3A_710, %dma_wait3A_711, %dma_wait3A_712] : memref<5x80x64xf32, #tpu.memory_space<vmem>> -> memref<1x80x64xf32, #tpu.memory_space<vmem>>
      %dma_wait3A_714 = tpu.memref_squeeze %dma_wait3A_713 : memref<1x80x64xf32, #tpu.memory_space<vmem>> -> memref<80x64xf32, #tpu.memory_space<vmem>>
      %dma_wait3A_715 = tpu.memref_slice %arg7[%multiple_of3A_709] : memref<10000xi32, #tpu.memory_space<vmem>> -> memref<80xi32, #tpu.memory_space<vmem>>
      %dma_wait3A_716 = arith.constant 0 : i32
      %dma_wait3A_717 = arith.constant 0 : i32
      %dma_wait3A_718 = tpu.memref_slice %arg5[%dma_wait3A_716, %dma_wait3A_717] : memref<10240x64xf32, #tpu.memory_space<vmem_shared>> -> memref<10240x64xf32, #tpu.memory_space<vmem_shared>>
      tpu.wait_indirect_dma semaphore(%arg19 : memref<!tpu.dma_semaphore, #tpu.memory_space<semaphore_mem>>) src(%dma_wait3A_714 : memref<80x64xf32, #tpu.memory_space<vmem>>) dst(%dma_wait3A_718 : memref<10240x64xf32, #tpu.memory_space<vmem_shared>>)
      %add3A_719 = arith.constant 5 : i32
      %add3A_720 = arith.addi %add3A_706, %add3A_719 : i32
      %lt3A_721 = arith.constant 125 : i32
      %lt3A_722 = arith.cmpi slt, %add3A_720, %lt3A_721 : i32
      %convert_element_type3A_723 = arith.extui %lt3A_722 : i1 to i32
      %cond3A_724 = arith.constant 0 : i32
      %cond3A_725 = arith.cmpi ne, %convert_element_type3A_723, %cond3A_724 : i32
      scf.if %cond3A_725 {
        %mul3A_726 = arith.constant 80 : i32
        %mul3A_727 = arith.muli %add3A_720, %mul3A_726 : i32
        %multiple_of3A_728 = tpu.assume_multiple %mul3A_727, 8 : i32
        %dma_start3A_729 = arith.constant 4 : i32
        %dma_start3A_730 = arith.constant 0 : i32
        %dma_start3A_731 = arith.constant 0 : i32
        %dma_start3A_732 = tpu.memref_slice %arg8[%dma_start3A_729, %dma_start3A_730, %dma_start3A_731] : memref<5x80x64xf32, #tpu.memory_space<vmem>> -> memref<1x80x64xf32, #tpu.memory_space<vmem>>
        %dma_start3A_733 = tpu.memref_squeeze %dma_start3A_732 : memref<1x80x64xf32, #tpu.memory_space<vmem>> -> memref<80x64xf32, #tpu.memory_space<vmem>>
        %dma_start3A_734 = tpu.memref_slice %arg6[%multiple_of3A_728] : memref<10000xi32, #tpu.memory_space<vmem>> -> memref<80xi32, #tpu.memory_space<vmem>>
        %dma_start3A_735 = arith.constant 0 : i32
        %dma_start3A_736 = arith.constant 0 : i32
        %dma_start3A_737 = tpu.memref_slice %arg3[%dma_start3A_735, %dma_start3A_736] : memref<10000x64xf32, #tpu.memory_space<hbm>> -> memref<10000x64xf32, #tpu.memory_space<hbm>>
        tpu.enqueue_indirect_dma source(%dma_start3A_737 : memref<10000x64xf32, #tpu.memory_space<hbm>>) target(%dma_start3A_733 : memref<80x64xf32, #tpu.memory_space<vmem>>) offsets(%dma_start3A_734 : memref<80xi32, #tpu.memory_space<vmem>>) semaphore(%arg14 : memref<!tpu.dma_semaphore, #tpu.memory_space<semaphore_mem>>)
      } else {
      }
    }
    %scan3A_111 = arith.constant 25 : i32
    %barrier3A_112 = arith.constant 0 : index
    tpu.barrier barrier_id(%barrier3A_112)
    %mul3A_113 = arith.constant 640 : i32
    %mul3A_114 = arith.muli %arg1, %mul3A_113 : i32
    %add3A_115 = arith.constant 0 : i32
    %add3A_116 = arith.addi %mul3A_114, %add3A_115 : i32
    %dma_start3A_117 = arith.constant 0 : i32
    %dma_start3A_118 = arith.constant 0 : i32
    %dma_start3A_119 = arith.constant 0 : i32
    %dma_start3A_120 = tpu.memref_slice %arg9[%dma_start3A_117, %dma_start3A_118, %dma_start3A_119] : memref<2x128x64xf32, #tpu.memory_space<vmem>> -> memref<1x128x64xf32, #tpu.memory_space<vmem>>
    %dma_start3A_121 = tpu.memref_squeeze %dma_start3A_120 : memref<1x128x64xf32, #tpu.memory_space<vmem>> -> memref<128x64xf32, #tpu.memory_space<vmem>>
    %dma_start3A_122 = arith.constant 0 : i32
    %dma_start3A_123 = tpu.memref_slice %arg5[%add3A_116, %dma_start3A_122] : memref<10240x64xf32, #tpu.memory_space<vmem_shared>> -> memref<128x64xf32, #tpu.memory_space<vmem_shared>>
    %dma_start3A_124 = arith.constant 0 : i32
    %dma_start3A_125 = arith.constant 0 : i32
    %dma_start3A_126 = tpu.memref_slice %arg9[%dma_start3A_117, %dma_start3A_124, %dma_start3A_125] : memref<2x128x64xf32, #tpu.memory_space<vmem>> -> memref<1x128x64xf32, #tpu.memory_space<vmem>>
    %dma_start3A_127 = tpu.memref_squeeze %dma_start3A_126 : memref<1x128x64xf32, #tpu.memory_space<vmem>> -> memref<128x64xf32, #tpu.memory_space<vmem>>
    %dma_start3A_128 = arith.constant 0 : i32
    %dma_start3A_129 = tpu.memref_slice %arg5[%add3A_116, %dma_start3A_128] : memref<10240x64xf32, #tpu.memory_space<vmem_shared>> -> memref<128x64xf32, #tpu.memory_space<vmem_shared>>
    tpu.enqueue_dma source(%dma_start3A_129 : memref<128x64xf32, #tpu.memory_space<vmem_shared>>) target(%dma_start3A_127 : memref<128x64xf32, #tpu.memory_space<vmem>>) target_semaphore(%arg10 : memref<!tpu.dma_semaphore, #tpu.memory_space<semaphore_mem>>)
    %mul3A_130 = arith.constant 640 : i32
    %mul3A_131 = arith.muli %arg1, %mul3A_130 : i32
    %add3A_132 = arith.constant 0 : i32
    %add3A_133 = arith.addi %mul3A_131, %add3A_132 : i32
    %dma_wait3A_134 = arith.constant 0 : i32
    %dma_wait3A_135 = arith.constant 0 : i32
    %dma_wait3A_136 = arith.constant 0 : i32
    %dma_wait3A_137 = tpu.memref_slice %arg9[%dma_wait3A_134, %dma_wait3A_135, %dma_wait3A_136] : memref<2x128x64xf32, #tpu.memory_space<vmem>> -> memref<1x128x64xf32, #tpu.memory_space<vmem>>
    %dma_wait3A_138 = tpu.memref_squeeze %dma_wait3A_137 : memref<1x128x64xf32, #tpu.memory_space<vmem>> -> memref<128x64xf32, #tpu.memory_space<vmem>>
    %dma_wait3A_139 = arith.constant 0 : i32
    %dma_wait3A_140 = tpu.memref_slice %arg5[%add3A_133, %dma_wait3A_139] : memref<10240x64xf32, #tpu.memory_space<vmem_shared>> -> memref<128x64xf32, #tpu.memory_space<vmem_shared>>
    %dma_wait3A_141 = arith.constant 0 : i32
    %dma_wait3A_142 = arith.constant 0 : i32
    %dma_wait3A_143 = tpu.memref_slice %arg9[%dma_wait3A_134, %dma_wait3A_141, %dma_wait3A_142] : memref<2x128x64xf32, #tpu.memory_space<vmem>> -> memref<1x128x64xf32, #tpu.memory_space<vmem>>
    %dma_wait3A_144 = tpu.memref_squeeze %dma_wait3A_143 : memref<1x128x64xf32, #tpu.memory_space<vmem>> -> memref<128x64xf32, #tpu.memory_space<vmem>>
    %dma_wait3A_145 = arith.constant 0 : i32
    %dma_wait3A_146 = tpu.memref_slice %arg5[%add3A_133, %dma_wait3A_145] : memref<10240x64xf32, #tpu.memory_space<vmem_shared>> -> memref<128x64xf32, #tpu.memory_space<vmem_shared>>
    tpu.wait_dma2 semaphore(%arg10 : memref<!tpu.dma_semaphore, #tpu.memory_space<semaphore_mem>>) src(%dma_wait3A_146 : memref<128x64xf32, #tpu.memory_space<vmem_shared>>) dst(%dma_wait3A_144 : memref<128x64xf32, #tpu.memory_space<vmem>>)
    %mul3A_147 = arith.constant 640 : i32
    %mul3A_148 = arith.muli %arg1, %mul3A_147 : i32
    %add3A_149 = arith.constant 0 : i32
    %add3A_150 = arith.addi %mul3A_148, %add3A_149 : i32
    %dma_start3A_151 = arith.constant 0 : i32
    %dma_start3A_152 = arith.constant 0 : i32
    %dma_start3A_153 = arith.constant 0 : i32
    %dma_start3A_154 = tpu.memref_slice %arg9[%dma_start3A_151, %dma_start3A_152, %dma_start3A_153] : memref<2x128x64xf32, #tpu.memory_space<vmem>> -> memref<1x128x64xf32, #tpu.memory_space<vmem>>
    %dma_start3A_155 = tpu.memref_squeeze %dma_start3A_154 : memref<1x128x64xf32, #tpu.memory_space<vmem>> -> memref<128x64xf32, #tpu.memory_space<vmem>>
    %dma_start3A_156 = arith.constant 0 : i32
    %dma_start3A_157 = tpu.memref_slice %arg4[%arg0, %add3A_150, %dma_start3A_156] : memref<2x10240x64xf32, #tpu.memory_space<hbm>> -> memref<1x128x64xf32, #tpu.memory_space<hbm>>
    %dma_start3A_158 = tpu.memref_squeeze %dma_start3A_157 : memref<1x128x64xf32, #tpu.memory_space<hbm>> -> memref<128x64xf32, #tpu.memory_space<hbm>>
    %dma_start3A_159 = arith.constant 0 : i32
    %dma_start3A_160 = tpu.memref_slice %arg4[%arg0, %add3A_150, %dma_start3A_159] : memref<2x10240x64xf32, #tpu.memory_space<hbm>> -> memref<1x128x64xf32, #tpu.memory_space<hbm>>
    %dma_start3A_161 = tpu.memref_squeeze %dma_start3A_160 : memref<1x128x64xf32, #tpu.memory_space<hbm>> -> memref<128x64xf32, #tpu.memory_space<hbm>>
    %dma_start3A_162 = arith.constant 0 : i32
    %dma_start3A_163 = arith.constant 0 : i32
    %dma_start3A_164 = tpu.memref_slice %arg9[%dma_start3A_151, %dma_start3A_162, %dma_start3A_163] : memref<2x128x64xf32, #tpu.memory_space<vmem>> -> memref<1x128x64xf32, #tpu.memory_space<vmem>>
    %dma_start3A_165 = tpu.memref_squeeze %dma_start3A_164 : memref<1x128x64xf32, #tpu.memory_space<vmem>> -> memref<128x64xf32, #tpu.memory_space<vmem>>
    tpu.enqueue_dma source(%dma_start3A_165 : memref<128x64xf32, #tpu.memory_space<vmem>>) target(%dma_start3A_161 : memref<128x64xf32, #tpu.memory_space<hbm>>) target_semaphore(%arg15 : memref<!tpu.dma_semaphore, #tpu.memory_space<semaphore_mem>>)
    %mul3A_166 = arith.constant 640 : i32
    %mul3A_167 = arith.muli %arg1, %mul3A_166 : i32
    %add3A_168 = arith.constant 128 : i32
    %add3A_169 = arith.addi %mul3A_167, %add3A_168 : i32
    %dma_start3A_170 = arith.constant 1 : i32
    %dma_start3A_171 = arith.constant 0 : i32
    %dma_start3A_172 = arith.constant 0 : i32
    %dma_start3A_173 = tpu.memref_slice %arg9[%dma_start3A_170, %dma_start3A_171, %dma_start3A_172] : memref<2x128x64xf32, #tpu.memory_space<vmem>> -> memref<1x128x64xf32, #tpu.memory_space<vmem>>
    %dma_start3A_174 = tpu.memref_squeeze %dma_start3A_173 : memref<1x128x64xf32, #tpu.memory_space<vmem>> -> memref<128x64xf32, #tpu.memory_space<vmem>>
    %dma_start3A_175 = arith.constant 0 : i32
    %dma_start3A_176 = tpu.memref_slice %arg5[%add3A_169, %dma_start3A_175] : memref<10240x64xf32, #tpu.memory_space<vmem_shared>> -> memref<128x64xf32, #tpu.memory_space<vmem_shared>>
    %dma_start3A_177 = arith.constant 0 : i32
    %dma_start3A_178 = arith.constant 0 : i32
    %dma_start3A_179 = tpu.memref_slice %arg9[%dma_start3A_170, %dma_start3A_177, %dma_start3A_178] : memref<2x128x64xf32, #tpu.memory_space<vmem>> -> memref<1x128x64xf32, #tpu.memory_space<vmem>>
    %dma_start3A_180 = tpu.memref_squeeze %dma_start3A_179 : memref<1x128x64xf32, #tpu.memory_space<vmem>> -> memref<128x64xf32, #tpu.memory_space<vmem>>
    %dma_start3A_181 = arith.constant 0 : i32
    %dma_start3A_182 = tpu.memref_slice %arg5[%add3A_169, %dma_start3A_181] : memref<10240x64xf32, #tpu.memory_space<vmem_shared>> -> memref<128x64xf32, #tpu.memory_space<vmem_shared>>
    tpu.enqueue_dma source(%dma_start3A_182 : memref<128x64xf32, #tpu.memory_space<vmem_shared>>) target(%dma_start3A_180 : memref<128x64xf32, #tpu.memory_space<vmem>>) target_semaphore(%arg11 : memref<!tpu.dma_semaphore, #tpu.memory_space<semaphore_mem>>)
    %mul3A_183 = arith.constant 640 : i32
    %mul3A_184 = arith.muli %arg1, %mul3A_183 : i32
    %add3A_185 = arith.constant 128 : i32
    %add3A_186 = arith.addi %mul3A_184, %add3A_185 : i32
    %dma_wait3A_187 = arith.constant 1 : i32
    %dma_wait3A_188 = arith.constant 0 : i32
    %dma_wait3A_189 = arith.constant 0 : i32
    %dma_wait3A_190 = tpu.memref_slice %arg9[%dma_wait3A_187, %dma_wait3A_188, %dma_wait3A_189] : memref<2x128x64xf32, #tpu.memory_space<vmem>> -> memref<1x128x64xf32, #tpu.memory_space<vmem>>
    %dma_wait3A_191 = tpu.memref_squeeze %dma_wait3A_190 : memref<1x128x64xf32, #tpu.memory_space<vmem>> -> memref<128x64xf32, #tpu.memory_space<vmem>>
    %dma_wait3A_192 = arith.constant 0 : i32
    %dma_wait3A_193 = tpu.memref_slice %arg5[%add3A_186, %dma_wait3A_192] : memref<10240x64xf32, #tpu.memory_space<vmem_shared>> -> memref<128x64xf32, #tpu.memory_space<vmem_shared>>
    %dma_wait3A_194 = arith.constant 0 : i32
    %dma_wait3A_195 = arith.constant 0 : i32
    %dma_wait3A_196 = tpu.memref_slice %arg9[%dma_wait3A_187, %dma_wait3A_194, %dma_wait3A_195] : memref<2x128x64xf32, #tpu.memory_space<vmem>> -> memref<1x128x64xf32, #tpu.memory_space<vmem>>
    %dma_wait3A_197 = tpu.memref_squeeze %dma_wait3A_196 : memref<1x128x64xf32, #tpu.memory_space<vmem>> -> memref<128x64xf32, #tpu.memory_space<vmem>>
    %dma_wait3A_198 = arith.constant 0 : i32
    %dma_wait3A_199 = tpu.memref_slice %arg5[%add3A_186, %dma_wait3A_198] : memref<10240x64xf32, #tpu.memory_space<vmem_shared>> -> memref<128x64xf32, #tpu.memory_space<vmem_shared>>
    tpu.wait_dma2 semaphore(%arg11 : memref<!tpu.dma_semaphore, #tpu.memory_space<semaphore_mem>>) src(%dma_wait3A_199 : memref<128x64xf32, #tpu.memory_space<vmem_shared>>) dst(%dma_wait3A_197 : memref<128x64xf32, #tpu.memory_space<vmem>>)
    %mul3A_200 = arith.constant 640 : i32
    %mul3A_201 = arith.muli %arg1, %mul3A_200 : i32
    %add3A_202 = arith.constant 128 : i32
    %add3A_203 = arith.addi %mul3A_201, %add3A_202 : i32
    %dma_start3A_204 = arith.constant 1 : i32
    %dma_start3A_205 = arith.constant 0 : i32
    %dma_start3A_206 = arith.constant 0 : i32
    %dma_start3A_207 = tpu.memref_slice %arg9[%dma_start3A_204, %dma_start3A_205, %dma_start3A_206] : memref<2x128x64xf32, #tpu.memory_space<vmem>> -> memref<1x128x64xf32, #tpu.memory_space<vmem>>
    %dma_start3A_208 = tpu.memref_squeeze %dma_start3A_207 : memref<1x128x64xf32, #tpu.memory_space<vmem>> -> memref<128x64xf32, #tpu.memory_space<vmem>>
    %dma_start3A_209 = arith.constant 0 : i32
    %dma_start3A_210 = tpu.memref_slice %arg4[%arg0, %add3A_203, %dma_start3A_209] : memref<2x10240x64xf32, #tpu.memory_space<hbm>> -> memref<1x128x64xf32, #tpu.memory_space<hbm>>
    %dma_start3A_211 = tpu.memref_squeeze %dma_start3A_210 : memref<1x128x64xf32, #tpu.memory_space<hbm>> -> memref<128x64xf32, #tpu.memory_space<hbm>>
    %dma_start3A_212 = arith.constant 0 : i32
    %dma_start3A_213 = tpu.memref_slice %arg4[%arg0, %add3A_203, %dma_start3A_212] : memref<2x10240x64xf32, #tpu.memory_space<hbm>> -> memref<1x128x64xf32, #tpu.memory_space<hbm>>
    %dma_start3A_214 = tpu.memref_squeeze %dma_start3A_213 : memref<1x128x64xf32, #tpu.memory_space<hbm>> -> memref<128x64xf32, #tpu.memory_space<hbm>>
    %dma_start3A_215 = arith.constant 0 : i32
    %dma_start3A_216 = arith.constant 0 : i32
    %dma_start3A_217 = tpu.memref_slice %arg9[%dma_start3A_204, %dma_start3A_215, %dma_start3A_216] : memref<2x128x64xf32, #tpu.memory_space<vmem>> -> memref<1x128x64xf32, #tpu.memory_space<vmem>>
    %dma_start3A_218 = tpu.memref_squeeze %dma_start3A_217 : memref<1x128x64xf32, #tpu.memory_space<vmem>> -> memref<128x64xf32, #tpu.memory_space<vmem>>
    tpu.enqueue_dma source(%dma_start3A_218 : memref<128x64xf32, #tpu.memory_space<vmem>>) target(%dma_start3A_214 : memref<128x64xf32, #tpu.memory_space<hbm>>) target_semaphore(%arg16 : memref<!tpu.dma_semaphore, #tpu.memory_space<semaphore_mem>>)
    %mul3A_219 = arith.constant 640 : i32
    %mul3A_220 = arith.muli %arg1, %mul3A_219 : i32
    %add3A_221 = arith.constant 0 : i32
    %add3A_222 = arith.addi %mul3A_220, %add3A_221 : i32
    %dma_wait3A_223 = arith.constant 0 : i32
    %dma_wait3A_224 = arith.constant 0 : i32
    %dma_wait3A_225 = arith.constant 0 : i32
    %dma_wait3A_226 = tpu.memref_slice %arg9[%dma_wait3A_223, %dma_wait3A_224, %dma_wait3A_225] : memref<2x128x64xf32, #tpu.memory_space<vmem>> -> memref<1x128x64xf32, #tpu.memory_space<vmem>>
    %dma_wait3A_227 = tpu.memref_squeeze %dma_wait3A_226 : memref<1x128x64xf32, #tpu.memory_space<vmem>> -> memref<128x64xf32, #tpu.memory_space<vmem>>
    %dma_wait3A_228 = arith.constant 0 : i32
    %dma_wait3A_229 = tpu.memref_slice %arg4[%arg0, %add3A_222, %dma_wait3A_228] : memref<2x10240x64xf32, #tpu.memory_space<hbm>> -> memref<1x128x64xf32, #tpu.memory_space<hbm>>
    %dma_wait3A_230 = tpu.memref_squeeze %dma_wait3A_229 : memref<1x128x64xf32, #tpu.memory_space<hbm>> -> memref<128x64xf32, #tpu.memory_space<hbm>>
    %dma_wait3A_231 = arith.constant 0 : i32
    %dma_wait3A_232 = tpu.memref_slice %arg4[%arg0, %add3A_222, %dma_wait3A_231] : memref<2x10240x64xf32, #tpu.memory_space<hbm>> -> memref<1x128x64xf32, #tpu.memory_space<hbm>>
    %dma_wait3A_233 = tpu.memref_squeeze %dma_wait3A_232 : memref<1x128x64xf32, #tpu.memory_space<hbm>> -> memref<128x64xf32, #tpu.memory_space<hbm>>
    %dma_wait3A_234 = arith.constant 0 : i32
    %dma_wait3A_235 = arith.constant 0 : i32
    %dma_wait3A_236 = tpu.memref_slice %arg9[%dma_wait3A_223, %dma_wait3A_234, %dma_wait3A_235] : memref<2x128x64xf32, #tpu.memory_space<vmem>> -> memref<1x128x64xf32, #tpu.memory_space<vmem>>
    %dma_wait3A_237 = tpu.memref_squeeze %dma_wait3A_236 : memref<1x128x64xf32, #tpu.memory_space<vmem>> -> memref<128x64xf32, #tpu.memory_space<vmem>>
    tpu.wait_dma2 semaphore(%arg15 : memref<!tpu.dma_semaphore, #tpu.memory_space<semaphore_mem>>) src(%dma_wait3A_237 : memref<128x64xf32, #tpu.memory_space<vmem>>) dst(%dma_wait3A_233 : memref<128x64xf32, #tpu.memory_space<hbm>>)
    %mul3A_238 = arith.constant 640 : i32
    %mul3A_239 = arith.muli %arg1, %mul3A_238 : i32
    %add3A_240 = arith.constant 256 : i32
    %add3A_241 = arith.addi %mul3A_239, %add3A_240 : i32
    %dma_start3A_242 = arith.constant 0 : i32
    %dma_start3A_243 = arith.constant 0 : i32
    %dma_start3A_244 = arith.constant 0 : i32
    %dma_start3A_245 = tpu.memref_slice %arg9[%dma_start3A_242, %dma_start3A_243, %dma_start3A_244] : memref<2x128x64xf32, #tpu.memory_space<vmem>> -> memref<1x128x64xf32, #tpu.memory_space<vmem>>
    %dma_start3A_246 = tpu.memref_squeeze %dma_start3A_245 : memref<1x128x64xf32, #tpu.memory_space<vmem>> -> memref<128x64xf32, #tpu.memory_space<vmem>>
    %dma_start3A_247 = arith.constant 0 : i32
    %dma_start3A_248 = tpu.memref_slice %arg5[%add3A_241, %dma_start3A_247] : memref<10240x64xf32, #tpu.memory_space<vmem_shared>> -> memref<128x64xf32, #tpu.memory_space<vmem_shared>>
    %dma_start3A_249 = arith.constant 0 : i32
    %dma_start3A_250 = arith.constant 0 : i32
    %dma_start3A_251 = tpu.memref_slice %arg9[%dma_start3A_242, %dma_start3A_249, %dma_start3A_250] : memref<2x128x64xf32, #tpu.memory_space<vmem>> -> memref<1x128x64xf32, #tpu.memory_space<vmem>>
    %dma_start3A_252 = tpu.memref_squeeze %dma_start3A_251 : memref<1x128x64xf32, #tpu.memory_space<vmem>> -> memref<128x64xf32, #tpu.memory_space<vmem>>
    %dma_start3A_253 = arith.constant 0 : i32
    %dma_start3A_254 = tpu.memref_slice %arg5[%add3A_241, %dma_start3A_253] : memref<10240x64xf32, #tpu.memory_space<vmem_shared>> -> memref<128x64xf32, #tpu.memory_space<vmem_shared>>
    tpu.enqueue_dma source(%dma_start3A_254 : memref<128x64xf32, #tpu.memory_space<vmem_shared>>) target(%dma_start3A_252 : memref<128x64xf32, #tpu.memory_space<vmem>>) target_semaphore(%arg10 : memref<!tpu.dma_semaphore, #tpu.memory_space<semaphore_mem>>)
    %mul3A_255 = arith.constant 640 : i32
    %mul3A_256 = arith.muli %arg1, %mul3A_255 : i32
    %add3A_257 = arith.constant 256 : i32
    %add3A_258 = arith.addi %mul3A_256, %add3A_257 : i32
    %dma_wait3A_259 = arith.constant 0 : i32
    %dma_wait3A_260 = arith.constant 0 : i32
    %dma_wait3A_261 = arith.constant 0 : i32
    %dma_wait3A_262 = tpu.memref_slice %arg9[%dma_wait3A_259, %dma_wait3A_260, %dma_wait3A_261] : memref<2x128x64xf32, #tpu.memory_space<vmem>> -> memref<1x128x64xf32, #tpu.memory_space<vmem>>
    %dma_wait3A_263 = tpu.memref_squeeze %dma_wait3A_262 : memref<1x128x64xf32, #tpu.memory_space<vmem>> -> memref<128x64xf32, #tpu.memory_space<vmem>>
    %dma_wait3A_264 = arith.constant 0 : i32
    %dma_wait3A_265 = tpu.memref_slice %arg5[%add3A_258, %dma_wait3A_264] : memref<10240x64xf32, #tpu.memory_space<vmem_shared>> -> memref<128x64xf32, #tpu.memory_space<vmem_shared>>
    %dma_wait3A_266 = arith.constant 0 : i32
    %dma_wait3A_267 = arith.constant 0 : i32
    %dma_wait3A_268 = tpu.memref_slice %arg9[%dma_wait3A_259, %dma_wait3A_266, %dma_wait3A_267] : memref<2x128x64xf32, #tpu.memory_space<vmem>> -> memref<1x128x64xf32, #tpu.memory_space<vmem>>
    %dma_wait3A_269 = tpu.memref_squeeze %dma_wait3A_268 : memref<1x128x64xf32, #tpu.memory_space<vmem>> -> memref<128x64xf32, #tpu.memory_space<vmem>>
    %dma_wait3A_270 = arith.constant 0 : i32
    %dma_wait3A_271 = tpu.memref_slice %arg5[%add3A_258, %dma_wait3A_270] : memref<10240x64xf32, #tpu.memory_space<vmem_shared>> -> memref<128x64xf32, #tpu.memory_space<vmem_shared>>
    tpu.wait_dma2 semaphore(%arg10 : memref<!tpu.dma_semaphore, #tpu.memory_space<semaphore_mem>>) src(%dma_wait3A_271 : memref<128x64xf32, #tpu.memory_space<vmem_shared>>) dst(%dma_wait3A_269 : memref<128x64xf32, #tpu.memory_space<vmem>>)
    %mul3A_272 = arith.constant 640 : i32
    %mul3A_273 = arith.muli %arg1, %mul3A_272 : i32
    %add3A_274 = arith.constant 256 : i32
    %add3A_275 = arith.addi %mul3A_273, %add3A_274 : i32
    %dma_start3A_276 = arith.constant 0 : i32
    %dma_start3A_277 = arith.constant 0 : i32
    %dma_start3A_278 = arith.constant 0 : i32
    %dma_start3A_279 = tpu.memref_slice %arg9[%dma_start3A_276, %dma_start3A_277, %dma_start3A_278] : memref<2x128x64xf32, #tpu.memory_space<vmem>> -> memref<1x128x64xf32, #tpu.memory_space<vmem>>
    %dma_start3A_280 = tpu.memref_squeeze %dma_start3A_279 : memref<1x128x64xf32, #tpu.memory_space<vmem>> -> memref<128x64xf32, #tpu.memory_space<vmem>>
    %dma_start3A_281 = arith.constant 0 : i32
    %dma_start3A_282 = tpu.memref_slice %arg4[%arg0, %add3A_275, %dma_start3A_281] : memref<2x10240x64xf32, #tpu.memory_space<hbm>> -> memref<1x128x64xf32, #tpu.memory_space<hbm>>
    %dma_start3A_283 = tpu.memref_squeeze %dma_start3A_282 : memref<1x128x64xf32, #tpu.memory_space<hbm>> -> memref<128x64xf32, #tpu.memory_space<hbm>>
    %dma_start3A_284 = arith.constant 0 : i32
    %dma_start3A_285 = tpu.memref_slice %arg4[%arg0, %add3A_275, %dma_start3A_284] : memref<2x10240x64xf32, #tpu.memory_space<hbm>> -> memref<1x128x64xf32, #tpu.memory_space<hbm>>
    %dma_start3A_286 = tpu.memref_squeeze %dma_start3A_285 : memref<1x128x64xf32, #tpu.memory_space<hbm>> -> memref<128x64xf32, #tpu.memory_space<hbm>>
    %dma_start3A_287 = arith.constant 0 : i32
    %dma_start3A_288 = arith.constant 0 : i32
    %dma_start3A_289 = tpu.memref_slice %arg9[%dma_start3A_276, %dma_start3A_287, %dma_start3A_288] : memref<2x128x64xf32, #tpu.memory_space<vmem>> -> memref<1x128x64xf32, #tpu.memory_space<vmem>>
    %dma_start3A_290 = tpu.memref_squeeze %dma_start3A_289 : memref<1x128x64xf32, #tpu.memory_space<vmem>> -> memref<128x64xf32, #tpu.memory_space<vmem>>
    tpu.enqueue_dma source(%dma_start3A_290 : memref<128x64xf32, #tpu.memory_space<vmem>>) target(%dma_start3A_286 : memref<128x64xf32, #tpu.memory_space<hbm>>) target_semaphore(%arg15 : memref<!tpu.dma_semaphore, #tpu.memory_space<semaphore_mem>>)
    %mul3A_291 = arith.constant 640 : i32
    %mul3A_292 = arith.muli %arg1, %mul3A_291 : i32
    %add3A_293 = arith.constant 128 : i32
    %add3A_294 = arith.addi %mul3A_292, %add3A_293 : i32
    %dma_wait3A_295 = arith.constant 1 : i32
    %dma_wait3A_296 = arith.constant 0 : i32
    %dma_wait3A_297 = arith.constant 0 : i32
    %dma_wait3A_298 = tpu.memref_slice %arg9[%dma_wait3A_295, %dma_wait3A_296, %dma_wait3A_297] : memref<2x128x64xf32, #tpu.memory_space<vmem>> -> memref<1x128x64xf32, #tpu.memory_space<vmem>>
    %dma_wait3A_299 = tpu.memref_squeeze %dma_wait3A_298 : memref<1x128x64xf32, #tpu.memory_space<vmem>> -> memref<128x64xf32, #tpu.memory_space<vmem>>
    %dma_wait3A_300 = arith.constant 0 : i32
    %dma_wait3A_301 = tpu.memref_slice %arg4[%arg0, %add3A_294, %dma_wait3A_300] : memref<2x10240x64xf32, #tpu.memory_space<hbm>> -> memref<1x128x64xf32, #tpu.memory_space<hbm>>
    %dma_wait3A_302 = tpu.memref_squeeze %dma_wait3A_301 : memref<1x128x64xf32, #tpu.memory_space<hbm>> -> memref<128x64xf32, #tpu.memory_space<hbm>>
    %dma_wait3A_303 = arith.constant 0 : i32
    %dma_wait3A_304 = tpu.memref_slice %arg4[%arg0, %add3A_294, %dma_wait3A_303] : memref<2x10240x64xf32, #tpu.memory_space<hbm>> -> memref<1x128x64xf32, #tpu.memory_space<hbm>>
    %dma_wait3A_305 = tpu.memref_squeeze %dma_wait3A_304 : memref<1x128x64xf32, #tpu.memory_space<hbm>> -> memref<128x64xf32, #tpu.memory_space<hbm>>
    %dma_wait3A_306 = arith.constant 0 : i32
    %dma_wait3A_307 = arith.constant 0 : i32
    %dma_wait3A_308 = tpu.memref_slice %arg9[%dma_wait3A_295, %dma_wait3A_306, %dma_wait3A_307] : memref<2x128x64xf32, #tpu.memory_space<vmem>> -> memref<1x128x64xf32, #tpu.memory_space<vmem>>
    %dma_wait3A_309 = tpu.memref_squeeze %dma_wait3A_308 : memref<1x128x64xf32, #tpu.memory_space<vmem>> -> memref<128x64xf32, #tpu.memory_space<vmem>>
    tpu.wait_dma2 semaphore(%arg16 : memref<!tpu.dma_semaphore, #tpu.memory_space<semaphore_mem>>) src(%dma_wait3A_309 : memref<128x64xf32, #tpu.memory_space<vmem>>) dst(%dma_wait3A_305 : memref<128x64xf32, #tpu.memory_space<hbm>>)
    %mul3A_310 = arith.constant 640 : i32
    %mul3A_311 = arith.muli %arg1, %mul3A_310 : i32
    %add3A_312 = arith.constant 384 : i32
    %add3A_313 = arith.addi %mul3A_311, %add3A_312 : i32
    %dma_start3A_314 = arith.constant 1 : i32
    %dma_start3A_315 = arith.constant 0 : i32
    %dma_start3A_316 = arith.constant 0 : i32
    %dma_start3A_317 = tpu.memref_slice %arg9[%dma_start3A_314, %dma_start3A_315, %dma_start3A_316] : memref<2x128x64xf32, #tpu.memory_space<vmem>> -> memref<1x128x64xf32, #tpu.memory_space<vmem>>
    %dma_start3A_318 = tpu.memref_squeeze %dma_start3A_317 : memref<1x128x64xf32, #tpu.memory_space<vmem>> -> memref<128x64xf32, #tpu.memory_space<vmem>>
    %dma_start3A_319 = arith.constant 0 : i32
    %dma_start3A_320 = tpu.memref_slice %arg5[%add3A_313, %dma_start3A_319] : memref<10240x64xf32, #tpu.memory_space<vmem_shared>> -> memref<128x64xf32, #tpu.memory_space<vmem_shared>>
    %dma_start3A_321 = arith.constant 0 : i32
    %dma_start3A_322 = arith.constant 0 : i32
    %dma_start3A_323 = tpu.memref_slice %arg9[%dma_start3A_314, %dma_start3A_321, %dma_start3A_322] : memref<2x128x64xf32, #tpu.memory_space<vmem>> -> memref<1x128x64xf32, #tpu.memory_space<vmem>>
    %dma_start3A_324 = tpu.memref_squeeze %dma_start3A_323 : memref<1x128x64xf32, #tpu.memory_space<vmem>> -> memref<128x64xf32, #tpu.memory_space<vmem>>
    %dma_start3A_325 = arith.constant 0 : i32
    %dma_start3A_326 = tpu.memref_slice %arg5[%add3A_313, %dma_start3A_325] : memref<10240x64xf32, #tpu.memory_space<vmem_shared>> -> memref<128x64xf32, #tpu.memory_space<vmem_shared>>
    tpu.enqueue_dma source(%dma_start3A_326 : memref<128x64xf32, #tpu.memory_space<vmem_shared>>) target(%dma_start3A_324 : memref<128x64xf32, #tpu.memory_space<vmem>>) target_semaphore(%arg11 : memref<!tpu.dma_semaphore, #tpu.memory_space<semaphore_mem>>)
    %mul3A_327 = arith.constant 640 : i32
    %mul3A_328 = arith.muli %arg1, %mul3A_327 : i32
    %add3A_329 = arith.constant 384 : i32
    %add3A_330 = arith.addi %mul3A_328, %add3A_329 : i32
    %dma_wait3A_331 = arith.constant 1 : i32
    %dma_wait3A_332 = arith.constant 0 : i32
    %dma_wait3A_333 = arith.constant 0 : i32
    %dma_wait3A_334 = tpu.memref_slice %arg9[%dma_wait3A_331, %dma_wait3A_332, %dma_wait3A_333] : memref<2x128x64xf32, #tpu.memory_space<vmem>> -> memref<1x128x64xf32, #tpu.memory_space<vmem>>
    %dma_wait3A_335 = tpu.memref_squeeze %dma_wait3A_334 : memref<1x128x64xf32, #tpu.memory_space<vmem>> -> memref<128x64xf32, #tpu.memory_space<vmem>>
    %dma_wait3A_336 = arith.constant 0 : i32
    %dma_wait3A_337 = tpu.memref_slice %arg5[%add3A_330, %dma_wait3A_336] : memref<10240x64xf32, #tpu.memory_space<vmem_shared>> -> memref<128x64xf32, #tpu.memory_space<vmem_shared>>
    %dma_wait3A_338 = arith.constant 0 : i32
    %dma_wait3A_339 = arith.constant 0 : i32
    %dma_wait3A_340 = tpu.memref_slice %arg9[%dma_wait3A_331, %dma_wait3A_338, %dma_wait3A_339] : memref<2x128x64xf32, #tpu.memory_space<vmem>> -> memref<1x128x64xf32, #tpu.memory_space<vmem>>
    %dma_wait3A_341 = tpu.memref_squeeze %dma_wait3A_340 : memref<1x128x64xf32, #tpu.memory_space<vmem>> -> memref<128x64xf32, #tpu.memory_space<vmem>>
    %dma_wait3A_342 = arith.constant 0 : i32
    %dma_wait3A_343 = tpu.memref_slice %arg5[%add3A_330, %dma_wait3A_342] : memref<10240x64xf32, #tpu.memory_space<vmem_shared>> -> memref<128x64xf32, #tpu.memory_space<vmem_shared>>
    tpu.wait_dma2 semaphore(%arg11 : memref<!tpu.dma_semaphore, #tpu.memory_space<semaphore_mem>>) src(%dma_wait3A_343 : memref<128x64xf32, #tpu.memory_space<vmem_shared>>) dst(%dma_wait3A_341 : memref<128x64xf32, #tpu.memory_space<vmem>>)
    %mul3A_344 = arith.constant 640 : i32
    %mul3A_345 = arith.muli %arg1, %mul3A_344 : i32
    %add3A_346 = arith.constant 384 : i32
    %add3A_347 = arith.addi %mul3A_345, %add3A_346 : i32
    %dma_start3A_348 = arith.constant 1 : i32
    %dma_start3A_349 = arith.constant 0 : i32
    %dma_start3A_350 = arith.constant 0 : i32
    %dma_start3A_351 = tpu.memref_slice %arg9[%dma_start3A_348, %dma_start3A_349, %dma_start3A_350] : memref<2x128x64xf32, #tpu.memory_space<vmem>> -> memref<1x128x64xf32, #tpu.memory_space<vmem>>
    %dma_start3A_352 = tpu.memref_squeeze %dma_start3A_351 : memref<1x128x64xf32, #tpu.memory_space<vmem>> -> memref<128x64xf32, #tpu.memory_space<vmem>>
    %dma_start3A_353 = arith.constant 0 : i32
    %dma_start3A_354 = tpu.memref_slice %arg4[%arg0, %add3A_347, %dma_start3A_353] : memref<2x10240x64xf32, #tpu.memory_space<hbm>> -> memref<1x128x64xf32, #tpu.memory_space<hbm>>
    %dma_start3A_355 = tpu.memref_squeeze %dma_start3A_354 : memref<1x128x64xf32, #tpu.memory_space<hbm>> -> memref<128x64xf32, #tpu.memory_space<hbm>>
    %dma_start3A_356 = arith.constant 0 : i32
    %dma_start3A_357 = tpu.memref_slice %arg4[%arg0, %add3A_347, %dma_start3A_356] : memref<2x10240x64xf32, #tpu.memory_space<hbm>> -> memref<1x128x64xf32, #tpu.memory_space<hbm>>
    %dma_start3A_358 = tpu.memref_squeeze %dma_start3A_357 : memref<1x128x64xf32, #tpu.memory_space<hbm>> -> memref<128x64xf32, #tpu.memory_space<hbm>>
    %dma_start3A_359 = arith.constant 0 : i32
    %dma_start3A_360 = arith.constant 0 : i32
    %dma_start3A_361 = tpu.memref_slice %arg9[%dma_start3A_348, %dma_start3A_359, %dma_start3A_360] : memref<2x128x64xf32, #tpu.memory_space<vmem>> -> memref<1x128x64xf32, #tpu.memory_space<vmem>>
    %dma_start3A_362 = tpu.memref_squeeze %dma_start3A_361 : memref<1x128x64xf32, #tpu.memory_space<vmem>> -> memref<128x64xf32, #tpu.memory_space<vmem>>
    tpu.enqueue_dma source(%dma_start3A_362 : memref<128x64xf32, #tpu.memory_space<vmem>>) target(%dma_start3A_358 : memref<128x64xf32, #tpu.memory_space<hbm>>) target_semaphore(%arg16 : memref<!tpu.dma_semaphore, #tpu.memory_space<semaphore_mem>>)
    %mul3A_363 = arith.constant 640 : i32
    %mul3A_364 = arith.muli %arg1, %mul3A_363 : i32
    %add3A_365 = arith.constant 256 : i32
    %add3A_366 = arith.addi %mul3A_364, %add3A_365 : i32
    %dma_wait3A_367 = arith.constant 0 : i32
    %dma_wait3A_368 = arith.constant 0 : i32
    %dma_wait3A_369 = arith.constant 0 : i32
    %dma_wait3A_370 = tpu.memref_slice %arg9[%dma_wait3A_367, %dma_wait3A_368, %dma_wait3A_369] : memref<2x128x64xf32, #tpu.memory_space<vmem>> -> memref<1x128x64xf32, #tpu.memory_space<vmem>>
    %dma_wait3A_371 = tpu.memref_squeeze %dma_wait3A_370 : memref<1x128x64xf32, #tpu.memory_space<vmem>> -> memref<128x64xf32, #tpu.memory_space<vmem>>
    %dma_wait3A_372 = arith.constant 0 : i32
    %dma_wait3A_373 = tpu.memref_slice %arg4[%arg0, %add3A_366, %dma_wait3A_372] : memref<2x10240x64xf32, #tpu.memory_space<hbm>> -> memref<1x128x64xf32, #tpu.memory_space<hbm>>
    %dma_wait3A_374 = tpu.memref_squeeze %dma_wait3A_373 : memref<1x128x64xf32, #tpu.memory_space<hbm>> -> memref<128x64xf32, #tpu.memory_space<hbm>>
    %dma_wait3A_375 = arith.constant 0 : i32
    %dma_wait3A_376 = tpu.memref_slice %arg4[%arg0, %add3A_366, %dma_wait3A_375] : memref<2x10240x64xf32, #tpu.memory_space<hbm>> -> memref<1x128x64xf32, #tpu.memory_space<hbm>>
    %dma_wait3A_377 = tpu.memref_squeeze %dma_wait3A_376 : memref<1x128x64xf32, #tpu.memory_space<hbm>> -> memref<128x64xf32, #tpu.memory_space<hbm>>
    %dma_wait3A_378 = arith.constant 0 : i32
    %dma_wait3A_379 = arith.constant 0 : i32
    %dma_wait3A_380 = tpu.memref_slice %arg9[%dma_wait3A_367, %dma_wait3A_378, %dma_wait3A_379] : memref<2x128x64xf32, #tpu.memory_space<vmem>> -> memref<1x128x64xf32, #tpu.memory_space<vmem>>
    %dma_wait3A_381 = tpu.memref_squeeze %dma_wait3A_380 : memref<1x128x64xf32, #tpu.memory_space<vmem>> -> memref<128x64xf32, #tpu.memory_space<vmem>>
    tpu.wait_dma2 semaphore(%arg15 : memref<!tpu.dma_semaphore, #tpu.memory_space<semaphore_mem>>) src(%dma_wait3A_381 : memref<128x64xf32, #tpu.memory_space<vmem>>) dst(%dma_wait3A_377 : memref<128x64xf32, #tpu.memory_space<hbm>>)
    %mul3A_382 = arith.constant 640 : i32
    %mul3A_383 = arith.muli %arg1, %mul3A_382 : i32
    %add3A_384 = arith.constant 512 : i32
    %add3A_385 = arith.addi %mul3A_383, %add3A_384 : i32
    %dma_start3A_386 = arith.constant 0 : i32
    %dma_start3A_387 = arith.constant 0 : i32
    %dma_start3A_388 = arith.constant 0 : i32
    %dma_start3A_389 = tpu.memref_slice %arg9[%dma_start3A_386, %dma_start3A_387, %dma_start3A_388] : memref<2x128x64xf32, #tpu.memory_space<vmem>> -> memref<1x128x64xf32, #tpu.memory_space<vmem>>
    %dma_start3A_390 = tpu.memref_squeeze %dma_start3A_389 : memref<1x128x64xf32, #tpu.memory_space<vmem>> -> memref<128x64xf32, #tpu.memory_space<vmem>>
    %dma_start3A_391 = arith.constant 0 : i32
    %dma_start3A_392 = tpu.memref_slice %arg5[%add3A_385, %dma_start3A_391] : memref<10240x64xf32, #tpu.memory_space<vmem_shared>> -> memref<128x64xf32, #tpu.memory_space<vmem_shared>>
    %dma_start3A_393 = arith.constant 0 : i32
    %dma_start3A_394 = arith.constant 0 : i32
    %dma_start3A_395 = tpu.memref_slice %arg9[%dma_start3A_386, %dma_start3A_393, %dma_start3A_394] : memref<2x128x64xf32, #tpu.memory_space<vmem>> -> memref<1x128x64xf32, #tpu.memory_space<vmem>>
    %dma_start3A_396 = tpu.memref_squeeze %dma_start3A_395 : memref<1x128x64xf32, #tpu.memory_space<vmem>> -> memref<128x64xf32, #tpu.memory_space<vmem>>
    %dma_start3A_397 = arith.constant 0 : i32
    %dma_start3A_398 = tpu.memref_slice %arg5[%add3A_385, %dma_start3A_397] : memref<10240x64xf32, #tpu.memory_space<vmem_shared>> -> memref<128x64xf32, #tpu.memory_space<vmem_shared>>
    tpu.enqueue_dma source(%dma_start3A_398 : memref<128x64xf32, #tpu.memory_space<vmem_shared>>) target(%dma_start3A_396 : memref<128x64xf32, #tpu.memory_space<vmem>>) target_semaphore(%arg10 : memref<!tpu.dma_semaphore, #tpu.memory_space<semaphore_mem>>)
    %mul3A_399 = arith.constant 640 : i32
    %mul3A_400 = arith.muli %arg1, %mul3A_399 : i32
    %add3A_401 = arith.constant 512 : i32
    %add3A_402 = arith.addi %mul3A_400, %add3A_401 : i32
    %dma_wait3A_403 = arith.constant 0 : i32
    %dma_wait3A_404 = arith.constant 0 : i32
    %dma_wait3A_405 = arith.constant 0 : i32
    %dma_wait3A_406 = tpu.memref_slice %arg9[%dma_wait3A_403, %dma_wait3A_404, %dma_wait3A_405] : memref<2x128x64xf32, #tpu.memory_space<vmem>> -> memref<1x128x64xf32, #tpu.memory_space<vmem>>
    %dma_wait3A_407 = tpu.memref_squeeze %dma_wait3A_406 : memref<1x128x64xf32, #tpu.memory_space<vmem>> -> memref<128x64xf32, #tpu.memory_space<vmem>>
    %dma_wait3A_408 = arith.constant 0 : i32
    %dma_wait3A_409 = tpu.memref_slice %arg5[%add3A_402, %dma_wait3A_408] : memref<10240x64xf32, #tpu.memory_space<vmem_shared>> -> memref<128x64xf32, #tpu.memory_space<vmem_shared>>
    %dma_wait3A_410 = arith.constant 0 : i32
    %dma_wait3A_411 = arith.constant 0 : i32
    %dma_wait3A_412 = tpu.memref_slice %arg9[%dma_wait3A_403, %dma_wait3A_410, %dma_wait3A_411] : memref<2x128x64xf32, #tpu.memory_space<vmem>> -> memref<1x128x64xf32, #tpu.memory_space<vmem>>
    %dma_wait3A_413 = tpu.memref_squeeze %dma_wait3A_412 : memref<1x128x64xf32, #tpu.memory_space<vmem>> -> memref<128x64xf32, #tpu.memory_space<vmem>>
    %dma_wait3A_414 = arith.constant 0 : i32
    %dma_wait3A_415 = tpu.memref_slice %arg5[%add3A_402, %dma_wait3A_414] : memref<10240x64xf32, #tpu.memory_space<vmem_shared>> -> memref<128x64xf32, #tpu.memory_space<vmem_shared>>
    tpu.wait_dma2 semaphore(%arg10 : memref<!tpu.dma_semaphore, #tpu.memory_space<semaphore_mem>>) src(%dma_wait3A_415 : memref<128x64xf32, #tpu.memory_space<vmem_shared>>) dst(%dma_wait3A_413 : memref<128x64xf32, #tpu.memory_space<vmem>>)
    %mul3A_416 = arith.constant 640 : i32
    %mul3A_417 = arith.muli %arg1, %mul3A_416 : i32
    %add3A_418 = arith.constant 512 : i32
    %add3A_419 = arith.addi %mul3A_417, %add3A_418 : i32
    %dma_start3A_420 = arith.constant 0 : i32
    %dma_start3A_421 = arith.constant 0 : i32
    %dma_start3A_422 = arith.constant 0 : i32
    %dma_start3A_423 = tpu.memref_slice %arg9[%dma_start3A_420, %dma_start3A_421, %dma_start3A_422] : memref<2x128x64xf32, #tpu.memory_space<vmem>> -> memref<1x128x64xf32, #tpu.memory_space<vmem>>
    %dma_start3A_424 = tpu.memref_squeeze %dma_start3A_423 : memref<1x128x64xf32, #tpu.memory_space<vmem>> -> memref<128x64xf32, #tpu.memory_space<vmem>>
    %dma_start3A_425 = arith.constant 0 : i32
    %dma_start3A_426 = tpu.memref_slice %arg4[%arg0, %add3A_419, %dma_start3A_425] : memref<2x10240x64xf32, #tpu.memory_space<hbm>> -> memref<1x128x64xf32, #tpu.memory_space<hbm>>
    %dma_start3A_427 = tpu.memref_squeeze %dma_start3A_426 : memref<1x128x64xf32, #tpu.memory_space<hbm>> -> memref<128x64xf32, #tpu.memory_space<hbm>>
    %dma_start3A_428 = arith.constant 0 : i32
    %dma_start3A_429 = tpu.memref_slice %arg4[%arg0, %add3A_419, %dma_start3A_428] : memref<2x10240x64xf32, #tpu.memory_space<hbm>> -> memref<1x128x64xf32, #tpu.memory_space<hbm>>
    %dma_start3A_430 = tpu.memref_squeeze %dma_start3A_429 : memref<1x128x64xf32, #tpu.memory_space<hbm>> -> memref<128x64xf32, #tpu.memory_space<hbm>>
    %dma_start3A_431 = arith.constant 0 : i32
    %dma_start3A_432 = arith.constant 0 : i32
    %dma_start3A_433 = tpu.memref_slice %arg9[%dma_start3A_420, %dma_start3A_431, %dma_start3A_432] : memref<2x128x64xf32, #tpu.memory_space<vmem>> -> memref<1x128x64xf32, #tpu.memory_space<vmem>>
    %dma_start3A_434 = tpu.memref_squeeze %dma_start3A_433 : memref<1x128x64xf32, #tpu.memory_space<vmem>> -> memref<128x64xf32, #tpu.memory_space<vmem>>
    tpu.enqueue_dma source(%dma_start3A_434 : memref<128x64xf32, #tpu.memory_space<vmem>>) target(%dma_start3A_430 : memref<128x64xf32, #tpu.memory_space<hbm>>) target_semaphore(%arg15 : memref<!tpu.dma_semaphore, #tpu.memory_space<semaphore_mem>>)
    %mul3A_435 = arith.constant 640 : i32
    %mul3A_436 = arith.muli %arg1, %mul3A_435 : i32
    %add3A_437 = arith.constant 384 : i32
    %add3A_438 = arith.addi %mul3A_436, %add3A_437 : i32
    %dma_wait3A_439 = arith.constant 1 : i32
    %dma_wait3A_440 = arith.constant 0 : i32
    %dma_wait3A_441 = arith.constant 0 : i32
    %dma_wait3A_442 = tpu.memref_slice %arg9[%dma_wait3A_439, %dma_wait3A_440, %dma_wait3A_441] : memref<2x128x64xf32, #tpu.memory_space<vmem>> -> memref<1x128x64xf32, #tpu.memory_space<vmem>>
    %dma_wait3A_443 = tpu.memref_squeeze %dma_wait3A_442 : memref<1x128x64xf32, #tpu.memory_space<vmem>> -> memref<128x64xf32, #tpu.memory_space<vmem>>
    %dma_wait3A_444 = arith.constant 0 : i32
    %dma_wait3A_445 = tpu.memref_slice %arg4[%arg0, %add3A_438, %dma_wait3A_444] : memref<2x10240x64xf32, #tpu.memory_space<hbm>> -> memref<1x128x64xf32, #tpu.memory_space<hbm>>
    %dma_wait3A_446 = tpu.memref_squeeze %dma_wait3A_445 : memref<1x128x64xf32, #tpu.memory_space<hbm>> -> memref<128x64xf32, #tpu.memory_space<hbm>>
    %dma_wait3A_447 = arith.constant 0 : i32
    %dma_wait3A_448 = tpu.memref_slice %arg4[%arg0, %add3A_438, %dma_wait3A_447] : memref<2x10240x64xf32, #tpu.memory_space<hbm>> -> memref<1x128x64xf32, #tpu.memory_space<hbm>>
    %dma_wait3A_449 = tpu.memref_squeeze %dma_wait3A_448 : memref<1x128x64xf32, #tpu.memory_space<hbm>> -> memref<128x64xf32, #tpu.memory_space<hbm>>
    %dma_wait3A_450 = arith.constant 0 : i32
    %dma_wait3A_451 = arith.constant 0 : i32
    %dma_wait3A_452 = tpu.memref_slice %arg9[%dma_wait3A_439, %dma_wait3A_450, %dma_wait3A_451] : memref<2x128x64xf32, #tpu.memory_space<vmem>> -> memref<1x128x64xf32, #tpu.memory_space<vmem>>
    %dma_wait3A_453 = tpu.memref_squeeze %dma_wait3A_452 : memref<1x128x64xf32, #tpu.memory_space<vmem>> -> memref<128x64xf32, #tpu.memory_space<vmem>>
    tpu.wait_dma2 semaphore(%arg16 : memref<!tpu.dma_semaphore, #tpu.memory_space<semaphore_mem>>) src(%dma_wait3A_453 : memref<128x64xf32, #tpu.memory_space<vmem>>) dst(%dma_wait3A_449 : memref<128x64xf32, #tpu.memory_space<hbm>>)
    %mul3A_454 = arith.constant 640 : i32
    %mul3A_455 = arith.muli %arg1, %mul3A_454 : i32
    %add3A_456 = arith.constant 512 : i32
    %add3A_457 = arith.addi %mul3A_455, %add3A_456 : i32
    %dma_wait3A_458 = arith.constant 0 : i32
    %dma_wait3A_459 = arith.constant 0 : i32
    %dma_wait3A_460 = arith.constant 0 : i32
    %dma_wait3A_461 = tpu.memref_slice %arg9[%dma_wait3A_458, %dma_wait3A_459, %dma_wait3A_460] : memref<2x128x64xf32, #tpu.memory_space<vmem>> -> memref<1x128x64xf32, #tpu.memory_space<vmem>>
    %dma_wait3A_462 = tpu.memref_squeeze %dma_wait3A_461 : memref<1x128x64xf32, #tpu.memory_space<vmem>> -> memref<128x64xf32, #tpu.memory_space<vmem>>
    %dma_wait3A_463 = arith.constant 0 : i32
    %dma_wait3A_464 = tpu.memref_slice %arg4[%arg0, %add3A_457, %dma_wait3A_463] : memref<2x10240x64xf32, #tpu.memory_space<hbm>> -> memref<1x128x64xf32, #tpu.memory_space<hbm>>
    %dma_wait3A_465 = tpu.memref_squeeze %dma_wait3A_464 : memref<1x128x64xf32, #tpu.memory_space<hbm>> -> memref<128x64xf32, #tpu.memory_space<hbm>>
    %dma_wait3A_466 = arith.constant 0 : i32
    %dma_wait3A_467 = tpu.memref_slice %arg4[%arg0, %add3A_457, %dma_wait3A_466] : memref<2x10240x64xf32, #tpu.memory_space<hbm>> -> memref<1x128x64xf32, #tpu.memory_space<hbm>>
    %dma_wait3A_468 = tpu.memref_squeeze %dma_wait3A_467 : memref<1x128x64xf32, #tpu.memory_space<hbm>> -> memref<128x64xf32, #tpu.memory_space<hbm>>
    %dma_wait3A_469 = arith.constant 0 : i32
    %dma_wait3A_470 = arith.constant 0 : i32
    %dma_wait3A_471 = tpu.memref_slice %arg9[%dma_wait3A_458, %dma_wait3A_469, %dma_wait3A_470] : memref<2x128x64xf32, #tpu.memory_space<vmem>> -> memref<1x128x64xf32, #tpu.memory_space<vmem>>
    %dma_wait3A_472 = tpu.memref_squeeze %dma_wait3A_471 : memref<1x128x64xf32, #tpu.memory_space<vmem>> -> memref<128x64xf32, #tpu.memory_space<vmem>>
    tpu.wait_dma2 semaphore(%arg15 : memref<!tpu.dma_semaphore, #tpu.memory_space<semaphore_mem>>) src(%dma_wait3A_472 : memref<128x64xf32, #tpu.memory_space<vmem>>) dst(%dma_wait3A_468 : memref<128x64xf32, #tpu.memory_space<hbm>>)
    return
  }
}

module attributes {stable_mosaic.version = 14 : i64} {
  func.func @_t1_body(%arg0: memref<5000x2xf32, #tpu.memory_space<vmem>>, %arg1: memref<10000x128xf32, #tpu.memory_space<vmem>>, %arg2: memref<128x64xf32, #tpu.memory_space<vmem>>, %arg3: memref<5000x128xf32, #tpu.memory_space<vmem>>, %arg4: memref<5000x128xf32, #tpu.memory_space<vmem>>) attributes {dimension_semantics = [], scalar_prefetch = 0 : i64, scratch_operands = 0 : i64, tpu.core_type = #tpu.core_type<tc>} {
    %get3A = arith.constant 0 : index
    %get3A_0 = arith.constant 0 : index
    %get3A_1 = vector.load %arg0[%get3A, %get3A_0] : memref<5000x2xf32, #tpu.memory_space<vmem>>, vector<5000x2xf32>
    %add3A = arith.constant 1.000000e+00 : f32
    %add3A_2 = vector.broadcast %add3A : f32 to vector<5000x2xf32>
    %add3A_3 = arith.addf %get3A_1, %add3A_2 : vector<5000x2xf32>
    %rsqrt3A = math.rsqrt %add3A_3 : vector<5000x2xf32>
    %slice3A = vector.extract_strided_slice %rsqrt3A {offsets = [0, 0], sizes = [5000, 1], strides = [1, 1]} : vector<5000x2xf32> to vector<5000x1xf32>
    %broadcast_in_dim3A = vector.shape_cast %slice3A : vector<5000x1xf32> to vector<5000x1xf32>
    %broadcast_in_dim3A_4 = vector.broadcast %broadcast_in_dim3A : vector<5000x1xf32> to vector<5000x64xf32>
    %slice3A_5 = vector.extract_strided_slice %rsqrt3A {offsets = [0, 1], sizes = [5000, 1], strides = [1, 1]} : vector<5000x2xf32> to vector<5000x1xf32>
    %broadcast_in_dim3A_6 = vector.shape_cast %slice3A_5 : vector<5000x1xf32> to vector<5000x1xf32>
    %broadcast_in_dim3A_7 = vector.broadcast %broadcast_in_dim3A_6 : vector<5000x1xf32> to vector<5000x64xf32>
    %concatenate3A = tpu.concatenate %broadcast_in_dim3A_4, %broadcast_in_dim3A_7 in 1 : vector<5000x64xf32>, vector<5000x64xf32> -> vector<5000x128xf32>
    %swap3A = arith.constant 0 : index
    %swap3A_8 = arith.constant 0 : index
    %swap3A_9 = vector.load %arg3[%swap3A, %swap3A_8] : memref<5000x128xf32, #tpu.memory_space<vmem>>, vector<5000x128xf32>
    tpu.vector_store %arg3[%swap3A, %swap3A_8], %concatenate3A {strides = array<i32>} : memref<5000x128xf32, #tpu.memory_space<vmem>>, vector<5000x128xf32>,
    %get3A_10 = arith.constant 0 : index
    %get3A_11 = arith.constant 0 : index
    %get3A_12 = vector.load %arg1[%get3A_10, %get3A_11] : memref<10000x128xf32, #tpu.memory_space<vmem>>, vector<5000x128xf32>
    %get3A_13 = arith.constant 0 : index
    %get3A_14 = arith.constant 0 : index
    %get3A_15 = vector.load %arg2[%get3A_13, %get3A_14] : memref<128x64xf32, #tpu.memory_space<vmem>>, vector<128x64xf32>
    %dot_general3A = arith.constant dense<0.000000e+00> : vector<5000x64xf32>
    %dot_general3A_16 = tpu.matmul %get3A_12, %get3A_15, %dot_general3A {dimension_numbers = #tpu.dot_dimension_numbers<[1], [0], [0], [1], [0, 0, 1, 1], [], []>, transpose_lhs_hint = false} : vector<5000x128xf32>, vector<128x64xf32>, vector<5000x64xf32> -> vector<5000x64xf32>
    %get3A_17 = arith.constant 5000 : index
    %get3A_18 = arith.constant 0 : index
    %get3A_19 = vector.load %arg1[%get3A_17, %get3A_18] : memref<10000x128xf32, #tpu.memory_space<vmem>>, vector<5000x128xf32>
    %get3A_20 = arith.constant 0 : index
    %get3A_21 = arith.constant 0 : index
    %get3A_22 = vector.load %arg2[%get3A_20, %get3A_21] : memref<128x64xf32, #tpu.memory_space<vmem>>, vector<128x64xf32>
    %dot_general3A_23 = arith.constant dense<0.000000e+00> : vector<5000x64xf32>
    %dot_general3A_24 = tpu.matmul %get3A_19, %get3A_22, %dot_general3A_23 {dimension_numbers = #tpu.dot_dimension_numbers<[1], [0], [0], [1], [0, 0, 1, 1], [], []>, transpose_lhs_hint = false} : vector<5000x128xf32>, vector<128x64xf32>, vector<5000x64xf32> -> vector<5000x64xf32>
    %concatenate3A_25 = tpu.concatenate %dot_general3A_16, %dot_general3A_24 in 1 : vector<5000x64xf32>, vector<5000x64xf32> -> vector<5000x128xf32>
    %mul3A = arith.mulf %concatenate3A, %concatenate3A_25 : vector<5000x128xf32>
    %swap3A_26 = arith.constant 0 : index
    %swap3A_27 = arith.constant 0 : index
    %swap3A_28 = vector.load %arg4[%swap3A_26, %swap3A_27] : memref<5000x128xf32, #tpu.memory_space<vmem>>, vector<5000x128xf32>
    tpu.vector_store %arg4[%swap3A_26, %swap3A_27], %mul3A {strides = array<i32>} : memref<5000x128xf32, #tpu.memory_space<vmem>>, vector<5000x128xf32>,
    return
  }
}

module attributes {stable_mosaic.version = 14 : i64} {
  func.func @_t2_body(%arg0: memref<10240x128xf32, #tpu.memory_space<vmem>>, %arg1: memref<5000x128xf32, #tpu.memory_space<vmem>>, %arg2: memref<5000x128xf32, #tpu.memory_space<vmem>>, %arg3: memref<1x64xf32, #tpu.memory_space<vmem>>, %arg4: memref<64x64xf32, #tpu.memory_space<vmem>>, %arg5: memref<5000x128xf32, #tpu.memory_space<vmem>>) attributes {dimension_semantics = [], scalar_prefetch = 0 : i64, scratch_operands = 0 : i64, tpu.core_type = #tpu.core_type<tc>} {
    %get3A = arith.constant 0 : index
    %get3A_0 = arith.constant 0 : index
    %get3A_1 = vector.load %arg0[%get3A, %get3A_0] : memref<10240x128xf32, #tpu.memory_space<vmem>>, vector<5000x128xf32>
    %get3A_2 = arith.constant 5120 : index
    %get3A_3 = arith.constant 0 : index
    %get3A_4 = vector.load %arg0[%get3A_2, %get3A_3] : memref<10240x128xf32, #tpu.memory_space<vmem>>, vector<5000x128xf32>
    %add3A = arith.addf %get3A_1, %get3A_4 : vector<5000x128xf32>
    %get3A_5 = arith.constant 0 : index
    %get3A_6 = arith.constant 0 : index
    %get3A_7 = vector.load %arg1[%get3A_5, %get3A_6] : memref<5000x128xf32, #tpu.memory_space<vmem>>, vector<5000x128xf32>
    %add3A_8 = arith.addf %add3A, %get3A_7 : vector<5000x128xf32>
    %get3A_9 = arith.constant 0 : index
    %get3A_10 = arith.constant 0 : index
    %get3A_11 = vector.load %arg3[%get3A_9, %get3A_10] : memref<1x64xf32, #tpu.memory_space<vmem>>, vector<1x64xf32>
    %get3A_12 = arith.constant 0 : index
    %get3A_13 = arith.constant 0 : index
    %get3A_14 = vector.load %arg3[%get3A_12, %get3A_13] : memref<1x64xf32, #tpu.memory_space<vmem>>, vector<1x64xf32>
    %concatenate3A = tpu.concatenate %get3A_11, %get3A_14 in 1 : vector<1x64xf32>, vector<1x64xf32> -> vector<1x128xf32>
    %get3A_15 = arith.constant 0 : index
    %get3A_16 = arith.constant 0 : index
    %get3A_17 = vector.load %arg2[%get3A_15, %get3A_16] : memref<5000x128xf32, #tpu.memory_space<vmem>>, vector<5000x128xf32>
    %mul3A = arith.mulf %get3A_17, %add3A_8 : vector<5000x128xf32>
    %add3A_18 = vector.broadcast %concatenate3A : vector<1x128xf32> to vector<5000x128xf32>
    %add3A_19 = arith.addf %mul3A, %add3A_18 : vector<5000x128xf32>
    %max3A = arith.constant 0.000000e+00 : f32
    %max3A_20 = vector.broadcast %max3A : f32 to vector<5000x128xf32>
    %max3A_21 = arith.maximumf %add3A_19, %max3A_20 : vector<5000x128xf32>
    %get3A_22 = arith.constant 0 : index
    %get3A_23 = arith.constant 0 : index
    %get3A_24 = vector.load %arg4[%get3A_22, %get3A_23] : memref<64x64xf32, #tpu.memory_space<vmem>>, vector<64x64xf32>
    %broadcast_in_dim3A = arith.constant 0.000000e+00 : f32
    %broadcast_in_dim3A_25 = vector.broadcast %broadcast_in_dim3A : f32 to vector<64x64xf32>
    %concatenate3A_26 = tpu.concatenate %get3A_24, %broadcast_in_dim3A_25 in 1 : vector<64x64xf32>, vector<64x64xf32> -> vector<64x128xf32>
    %concatenate3A_27 = tpu.concatenate %broadcast_in_dim3A_25, %get3A_24 in 1 : vector<64x64xf32>, vector<64x64xf32> -> vector<64x128xf32>
    %concatenate3A_28 = tpu.concatenate %concatenate3A_26, %concatenate3A_27 in 0 : vector<64x128xf32>, vector<64x128xf32> -> vector<128x128xf32>
    %get3A_29 = arith.constant 0 : index
    %get3A_30 = arith.constant 0 : index
    %get3A_31 = vector.load %arg2[%get3A_29, %get3A_30] : memref<5000x128xf32, #tpu.memory_space<vmem>>, vector<5000x128xf32>
    %dot_general3A = arith.constant dense<0.000000e+00> : vector<5000x128xf32>
    %dot_general3A_32 = tpu.matmul %max3A_21, %concatenate3A_28, %dot_general3A {dimension_numbers = #tpu.dot_dimension_numbers<[1], [0], [0], [1], [0, 0, 1, 1], [], []>, transpose_lhs_hint = false} : vector<5000x128xf32>, vector<128x128xf32>, vector<5000x128xf32> -> vector<5000x128xf32>
    %mul3A_33 = arith.mulf %get3A_31, %dot_general3A_32 : vector<5000x128xf32>
    %swap3A = arith.constant 0 : index
    %swap3A_34 = arith.constant 0 : index
    %swap3A_35 = vector.load %arg5[%swap3A, %swap3A_34] : memref<5000x128xf32, #tpu.memory_space<vmem>>, vector<5000x128xf32>
    tpu.vector_store %arg5[%swap3A, %swap3A_34], %mul3A_33 {strides = array<i32>} : memref<5000x128xf32, #tpu.memory_space<vmem>>, vector<5000x128xf32>,
    return
  }
}

module attributes {stable_mosaic.version = 14 : i64} {
  func.func @_t3_body(%arg0: memref<10240x128xf32, #tpu.memory_space<vmem>>, %arg1: memref<5000x128xf32, #tpu.memory_space<vmem>>, %arg2: memref<5000x128xf32, #tpu.memory_space<vmem>>, %arg3: memref<1x64xf32, #tpu.memory_space<vmem>>, %arg4: memref<64x1xf32, #tpu.memory_space<vmem>>, %arg5: memref<1x1xf32, #tpu.memory_space<vmem>>, %arg6: memref<64x1xf32, #tpu.memory_space<vmem>>, %arg7: memref<1x1xf32, #tpu.memory_space<vmem>>, %arg8: memref<5000x2xf32, #tpu.memory_space<vmem>>, %arg9: memref<5000x2xf32, #tpu.memory_space<vmem>>) attributes {dimension_semantics = [], scalar_prefetch = 0 : i64, scratch_operands = 0 : i64, tpu.core_type = #tpu.core_type<tc>} {
    %get3A = arith.constant 0 : index
    %get3A_0 = arith.constant 0 : index
    %get3A_1 = vector.load %arg0[%get3A, %get3A_0] : memref<10240x128xf32, #tpu.memory_space<vmem>>, vector<5000x128xf32>
    %get3A_2 = arith.constant 5120 : index
    %get3A_3 = arith.constant 0 : index
    %get3A_4 = vector.load %arg0[%get3A_2, %get3A_3] : memref<10240x128xf32, #tpu.memory_space<vmem>>, vector<5000x128xf32>
    %add3A = arith.addf %get3A_1, %get3A_4 : vector<5000x128xf32>
    %get3A_5 = arith.constant 0 : index
    %get3A_6 = arith.constant 0 : index
    %get3A_7 = vector.load %arg1[%get3A_5, %get3A_6] : memref<5000x128xf32, #tpu.memory_space<vmem>>, vector<5000x128xf32>
    %add3A_8 = arith.addf %add3A, %get3A_7 : vector<5000x128xf32>
    %get3A_9 = arith.constant 0 : index
    %get3A_10 = arith.constant 0 : index
    %get3A_11 = vector.load %arg3[%get3A_9, %get3A_10] : memref<1x64xf32, #tpu.memory_space<vmem>>, vector<1x64xf32>
    %get3A_12 = arith.constant 0 : index
    %get3A_13 = arith.constant 0 : index
    %get3A_14 = vector.load %arg3[%get3A_12, %get3A_13] : memref<1x64xf32, #tpu.memory_space<vmem>>, vector<1x64xf32>
    %concatenate3A = tpu.concatenate %get3A_11, %get3A_14 in 1 : vector<1x64xf32>, vector<1x64xf32> -> vector<1x128xf32>
    %get3A_15 = arith.constant 0 : index
    %get3A_16 = arith.constant 0 : index
    %get3A_17 = vector.load %arg2[%get3A_15, %get3A_16] : memref<5000x128xf32, #tpu.memory_space<vmem>>, vector<5000x128xf32>
    %mul3A = arith.mulf %get3A_17, %add3A_8 : vector<5000x128xf32>
    %add3A_18 = vector.broadcast %concatenate3A : vector<1x128xf32> to vector<5000x128xf32>
    %add3A_19 = arith.addf %mul3A, %add3A_18 : vector<5000x128xf32>
    %max3A = arith.constant 0.000000e+00 : f32
    %max3A_20 = vector.broadcast %max3A : f32 to vector<5000x128xf32>
    %max3A_21 = arith.maximumf %add3A_19, %max3A_20 : vector<5000x128xf32>
    %get3A_22 = arith.constant 0 : index
    %get3A_23 = arith.constant 0 : index
    %get3A_24 = vector.load %arg4[%get3A_22, %get3A_23] : memref<64x1xf32, #tpu.memory_space<vmem>>, vector<64x1xf32>
    %broadcast_in_dim3A = arith.constant 0.000000e+00 : f32
    %broadcast_in_dim3A_25 = vector.broadcast %broadcast_in_dim3A : f32 to vector<64x1xf32>
    %concatenate3A_26 = tpu.concatenate %get3A_24, %broadcast_in_dim3A_25 in 1 : vector<64x1xf32>, vector<64x1xf32> -> vector<64x2xf32>
    %concatenate3A_27 = tpu.concatenate %broadcast_in_dim3A_25, %get3A_24 in 1 : vector<64x1xf32>, vector<64x1xf32> -> vector<64x2xf32>
    %concatenate3A_28 = tpu.concatenate %concatenate3A_26, %concatenate3A_27 in 0 : vector<64x2xf32>, vector<64x2xf32> -> vector<128x2xf32>
    %dot_general3A = arith.constant dense<0.000000e+00> : vector<5000x2xf32>
    %dot_general3A_29 = tpu.matmul %max3A_21, %concatenate3A_28, %dot_general3A {dimension_numbers = #tpu.dot_dimension_numbers<[1], [0], [0], [1], [0, 0, 1, 1], [], []>, transpose_lhs_hint = false} : vector<5000x128xf32>, vector<128x2xf32>, vector<5000x2xf32> -> vector<5000x2xf32>
    %get3A_30 = arith.constant 0 : index
    %get3A_31 = arith.constant 0 : index
    %get3A_32 = vector.load %arg5[%get3A_30, %get3A_31] : memref<1x1xf32, #tpu.memory_space<vmem>>, vector<1x1xf32>
    %add3A_33 = vector.broadcast %get3A_32 : vector<1x1xf32> to vector<5000x2xf32>
    %add3A_34 = arith.addf %dot_general3A_29, %add3A_33 : vector<5000x2xf32>
    %reduce_max3A = vector.shape_cast %add3A_34 : vector<5000x2xf32> to vector<1x5000x2xf32>
    %reduce_max3A_35 = arith.constant dense<0xFF800000> : vector<1xf32>
    %reduce_max3A_36 = vector.multi_reduction <maximumf>, %reduce_max3A, %reduce_max3A_35 [1, 2] : vector<1x5000x2xf32> to vector<1xf32>
    %reduce_max3A_37 = vector.shape_cast %reduce_max3A_36 : vector<1xf32> to vector<1x1x1xf32>
    %reduce_max3A_38 = vector.extract %reduce_max3A_37[0, 0, 0] : f32 from vector<1x1x1xf32>
    %sub3A = vector.broadcast %reduce_max3A_38 : f32 to vector<5000x2xf32>
    %sub3A_39 = arith.subf %add3A_34, %sub3A : vector<5000x2xf32>
    %exp3A = math.exp %sub3A_39 : vector<5000x2xf32>
    %reduce_sum3A = vector.shape_cast %exp3A : vector<5000x2xf32> to vector<1x5000x2xf32>
    %reduce_sum3A_40 = arith.constant dense<0.000000e+00> : vector<1xf32>
    %reduce_sum3A_41 = vector.multi_reduction <add>, %reduce_sum3A, %reduce_sum3A_40 [1, 2] : vector<1x5000x2xf32> to vector<1xf32>
    %reduce_sum3A_42 = vector.shape_cast %reduce_sum3A_41 : vector<1xf32> to vector<1x1x1xf32>
    %reduce_sum3A_43 = vector.extract %reduce_sum3A_42[0, 0, 0] : f32 from vector<1x1x1xf32>
    %div3A = vector.broadcast %reduce_sum3A_43 : f32 to vector<5000x2xf32>
    %div3A_44 = arith.divf %exp3A, %div3A : vector<5000x2xf32>
    %swap3A = arith.constant 0 : index
    %swap3A_45 = arith.constant 0 : index
    %swap3A_46 = vector.load %arg9[%swap3A, %swap3A_45] : memref<5000x2xf32, #tpu.memory_space<vmem>>, vector<5000x2xf32>
    tpu.vector_store %arg9[%swap3A, %swap3A_45], %div3A_44 {strides = array<i32>} : memref<5000x2xf32, #tpu.memory_space<vmem>>, vector<5000x2xf32>,
    %slice3A = vector.extract_strided_slice %div3A_44 {offsets = [0, 0], sizes = [5000, 1], strides = [1, 1]} : vector<5000x2xf32> to vector<5000x1xf32>
    %broadcast_in_dim3A_47 = vector.shape_cast %slice3A : vector<5000x1xf32> to vector<5000x1xf32>
    %broadcast_in_dim3A_48 = vector.broadcast %broadcast_in_dim3A_47 : vector<5000x1xf32> to vector<5000x64xf32>
    %slice3A_49 = vector.extract_strided_slice %div3A_44 {offsets = [0, 1], sizes = [5000, 1], strides = [1, 1]} : vector<5000x2xf32> to vector<5000x1xf32>
    %broadcast_in_dim3A_50 = vector.shape_cast %slice3A_49 : vector<5000x1xf32> to vector<5000x1xf32>
    %broadcast_in_dim3A_51 = vector.broadcast %broadcast_in_dim3A_50 : vector<5000x1xf32> to vector<5000x64xf32>
    %concatenate3A_52 = tpu.concatenate %broadcast_in_dim3A_48, %broadcast_in_dim3A_51 in 1 : vector<5000x64xf32>, vector<5000x64xf32> -> vector<5000x128xf32>
    %get3A_53 = arith.constant 0 : index
    %get3A_54 = arith.constant 0 : index
    %get3A_55 = vector.load %arg6[%get3A_53, %get3A_54] : memref<64x1xf32, #tpu.memory_space<vmem>>, vector<64x1xf32>
    %broadcast_in_dim3A_56 = arith.constant 0.000000e+00 : f32
    %broadcast_in_dim3A_57 = vector.broadcast %broadcast_in_dim3A_56 : f32 to vector<64x1xf32>
    %concatenate3A_58 = tpu.concatenate %get3A_55, %broadcast_in_dim3A_57 in 1 : vector<64x1xf32>, vector<64x1xf32> -> vector<64x2xf32>
    %concatenate3A_59 = tpu.concatenate %broadcast_in_dim3A_57, %get3A_55 in 1 : vector<64x1xf32>, vector<64x1xf32> -> vector<64x2xf32>
    %concatenate3A_60 = tpu.concatenate %concatenate3A_58, %concatenate3A_59 in 0 : vector<64x2xf32>, vector<64x2xf32> -> vector<128x2xf32>
    %mul3A_61 = arith.mulf %max3A_21, %concatenate3A_52 : vector<5000x128xf32>
    %dot_general3A_62 = arith.constant dense<0.000000e+00> : vector<5000x2xf32>
    %dot_general3A_63 = tpu.matmul %mul3A_61, %concatenate3A_60, %dot_general3A_62 {dimension_numbers = #tpu.dot_dimension_numbers<[1], [0], [0], [1], [0, 0, 1, 1], [], []>, transpose_lhs_hint = false} : vector<5000x128xf32>, vector<128x2xf32>, vector<5000x2xf32> -> vector<5000x2xf32>
    %get3A_64 = arith.constant 0 : index
    %get3A_65 = arith.constant 0 : index
    %get3A_66 = vector.load %arg7[%get3A_64, %get3A_65] : memref<1x1xf32, #tpu.memory_space<vmem>>, vector<1x1xf32>
    %add3A_67 = vector.broadcast %get3A_66 : vector<1x1xf32> to vector<5000x2xf32>
    %add3A_68 = arith.addf %dot_general3A_63, %add3A_67 : vector<5000x2xf32>
    %neg3A = arith.constant 0.000000e+00 : f32
    %neg3A_69 = vector.broadcast %neg3A : f32 to vector<5000x2xf32>
    %neg3A_70 = arith.subf %neg3A_69, %add3A_68 : vector<5000x2xf32>
    %exp3A_71 = math.exp %neg3A_70 : vector<5000x2xf32>
    %add3A_72 = arith.constant 1.000000e+00 : f32
    %add3A_73 = vector.broadcast %add3A_72 : f32 to vector<5000x2xf32>
    %add3A_74 = arith.addf %add3A_73, %exp3A_71 : vector<5000x2xf32>
    %div3A_75 = arith.constant 1.000000e+00 : f32
    %div3A_76 = vector.broadcast %div3A_75 : f32 to vector<5000x2xf32>
    %div3A_77 = arith.divf %div3A_76, %add3A_74 : vector<5000x2xf32>
    %swap3A_78 = arith.constant 0 : index
    %swap3A_79 = arith.constant 0 : index
    %swap3A_80 = vector.load %arg8[%swap3A_78, %swap3A_79] : memref<5000x2xf32, #tpu.memory_space<vmem>>, vector<5000x2xf32>
    tpu.vector_store %arg8[%swap3A_78, %swap3A_79], %div3A_77 {strides = array<i32>} : memref<5000x2xf32, #tpu.memory_space<vmem>>, vector<5000x2xf32>,
    return
  }
}

</mosaic_0001>

<sc_bundles>
// kernel: kernel.10.cloned.1.call-start
scs
__scs_entry_jumppad:
0x0: {  	(pc) =	sbr.rel $0x88, $3  }
0x1: {  	(tag) =	ssettag $0x0;
	lr =	simm.s32 $0x1  }
0x2: {  	[smem:$0x3F95] =	sst lr;
	_ =	strace $0xD0000000  }
0x3: {  	_ = 	snop  }
0x4: {  	_ = 	snop  }
0x5: {  	_ = 	snop  }
0x6: {  	_ = 	snop  }
0x7: {  	_ = 	snop  }
__scs_overlays_trampoline_lowered:
0x8: {  	[smem:$0x3FA4] =	sst s0  }
0x9: {  	[smem:$0x3FA5] =	sst s1  }
0xa: {  	[smem:$0x3FA6] =	sst s2  }
0xb: {  	[smem:$0x3FA7] =	sst s3  }
0xc: {  	[smem:$0x3FA8] =	sst s4  }
0xd: {  	[smem:$0x3FA9] =	sst s5  }
0xe: {  	[smem:$0x3FAA] =	sst s6  }
0xf: {  	[smem:$0x3FAB] =	sst s7  }
0x10: {  	[smem:$0x3FAC] =	sst s8  }
0x11: {  	[smem:$0x3FAD] =	sst s9;
	s0 =	simm.s32 @!p0 $0x0  }
0x12: {  	s1 =	sld [smem:$0x3F93];
	s0 =	simm.s32 @p0 $0x1  }
0x13: {  	[smem:$0x3FAE] =	sst s0;
	s0 =	simm.s32 @!p1 $0x0  }
0x14: {  	s2 =	sld [smem:$0x3F92];
	s0 =	simm.s32 @p1 $0x1  }
0x15: {  	[smem:$0x3FAF] =	sst s0;
	s0 =	simm.s32 @!p2 $0x0  }
0x16: {  	s3 =	sld [smem:$0x3FDB];
	s0 =	simm.s32 @p2 $0x1  }
0x17: {  	s4 =	simm.s32 $0x1BF5;
	[smem:$0x3FB1] =	sst s0  }
0x18: {  	s0 =	sld [smem:$0x3F94];
	_ =	swait.ge [sflag:s4], $0x0  }
0x19: {  	s7 =	sld [smem:$0x3F95]  }
0x1a: {  	s8 =	sadd.s32 $0xFFFFE003, lr  }
0x1b: {  	s9 =	sadd.s32 $0xFFFFFEF7, lr;
	s5 =	simm.s32 $0xFFFFFFFF;
	p2 =	slt.u32 s8, $0xFFFFF086  }
0x1c: {  	p1 =	slt.u32 s9, $0xF7A;
	s5 =	simm.s32 @!p2 $0x0  }
0x1d: {  	s5 =	simm.s32 @p1 $0x1;
	p0 =	seq.s32 s7, s2  }
0x1e: {  	s7 =	smul.u32 @!p0 $0xF7A, s2;
	p2 =	seq.s32 @!p0 s5, $0x0  }
0x1f: {  	s9 =	smul.u32 $0xF7A, s1;
	s8 =	simm.s32 @!p0 $0x1BF5;
	p2 =	por !p2, p0  }
0x20: {  	[sflag:s8] =	ssyncset.s32 @!p0 $0xFFFFF086;
	s6 =	sadd.s32 @!p0 s3, s7;
	s7 =	simm.s32 @!p0 $0x108  }
0x21: {  	s3 =	sadd.s32 s3, s9;
	s6 =	sadd.s32 @!p0 $0x88, s6;
	s7 =	simm.s32 @p2 $0x1082  }
0x22: {  	[simem:s7], [sflag:s8] =	dma.local @!p0 [hbm:s6], $0xF7A  }
0x23: {  	s9 =	sor.u32 $0xD0000000, s2;
	s6 =	simm.s32 $0x108;
	_ =	swait.ge @!p0 [sflag:s8], $0x0  }
0x24: {  	s3 =	sadd.s32 $0x88, s3;
	s6 =	simm.s32 @!p1 $0x1082;
	[sflag:s4] =	ssyncset.s32 $0xFFFFF086  }
0x25: {  	[simem:s6], [sflag:s4] =	dma.local [hbm:s3], $0xF7A  }
0x26: {  	[smem:$0x3F95] =	sst s1;
	(tag) =	ssettag s2;
	_ =	strace s9  }
0x27: {  	s1 =	sld [smem:$0x3FA5]  }
0x28: {  	s2 =	sld [smem:$0x3FA6]  }
0x29: {  	s4 =	sld [smem:$0x3FA8]  }
0x2a: {  	p0 =	seq.s32 s5, $0x0;
	s5 =	sld [smem:$0x3FA9]  }
0x2b: {  	s6 =	sld [smem:$0x3FAA]  }
0x2c: {  	s7 =	sld [smem:$0x3FAB]  }
0x2d: {  	s3 =	simm.s32 $0x108;
	s8 =	sld [smem:$0x3FAC]  }
0x2e: {  	s3 =	simm.s32 @!p0 $0x1082;
	s9 =	sld [smem:$0x3FAD]  }
0x2f: {  	lr =	sadd.s32 s0, s3;
	s0 =	sld [smem:$0x3FA4]  }
0x30: {  	s3 =	sld [smem:$0x3FA7]  }
0x31: {  	[smem:$0x3FB0] =	sst s10  }
0x32: {  	s10 =	sld [smem:$0x3FAE];
	_ =	sdelay $0x3  }
0x33: {  	p0 =	seq.s32 s10, $0x1;
	s10 =	sld [smem:$0x3FB0];
	_ =	sdelay $0x3  }
0x34: {  	[smem:$0x3FB0] =	sst s10  }
0x35: {  	s10 =	sld [smem:$0x3FAF];
	_ =	sdelay $0x3  }
0x36: {  	p1 =	seq.s32 s10, $0x1;
	s10 =	sld [smem:$0x3FB0];
	_ =	sdelay $0x3  }
0x37: {  	[smem:$0x3FB0] =	sst s10  }
0x38: {  	s10 =	sld [smem:$0x3FB1]  }
0x39: {  	_ = 	snop;
	(pc) =	sbr.ind lr, $3  }
0x3a: {  	_ = 	snop  }
0x3b: {  	_ = 	snop  }
0x3c: {  	p2 =	seq.s32 s10, $0x1;
	s10 =	sld [smem:$0x3FB0]  }
0x3d: {  	_ =	shalt  }
0x3e: {  	_ =	shalt  }
0x3f: {  	_ =	shalt  }
0x40: {  	_ =	shalt  }
0x41: {  	_ =	shalt  }
0x42: {  	_ =	shalt  }
0x43: {  	_ =	shalt  }
0x44: {  	_ =	shalt  }
0x45: {  	_ =	shalt  }
0x46: {  	_ =	shalt  }
0x47: {  	_ =	shalt  }
0x48: {  	_ =	shalt  }
0x49: {  	_ =	shalt  }
0x4a: {  	_ =	shalt  }
0x4b: {  	_ =	shalt  }
0x4c: {  	_ =	shalt  }
0x4d: {  	_ =	shalt  }
0x4e: {  	_ =	shalt  }
0x4f: {  	_ =	shalt  }
0x50: {  	_ =	shalt  }
0x51: {  	_ =	shalt  }
0x52: {  	_ =	shalt  }
0x53: {  	_ =	shalt  }
0x54: {  	_ =	shalt  }
0x55: {  	_ =	shalt  }
0x56: {  	_ =	shalt  }
0x57: {  	_ =	shalt  }
0x58: {  	_ =	shalt  }
0x59: {  	_ =	shalt  }
0x5a: {  	_ =	shalt  }
0x5b: {  	_ =	shalt  }
0x5c: {  	_ =	shalt  }
0x5d: {  	_ =	shalt  }
0x5e: {  	_ =	shalt  }
0x5f: {  	_ =	shalt  }
0x60: {  	_ =	shalt  }
0x61: {  	_ =	shalt  }
0x62: {  	_ =	shalt  }
0x63: {  	_ =	shalt  }
0x64: {  	_ =	shalt  }
0x65: {  	_ =	shalt  }
0x66: {  	_ =	shalt  }
0x67: {  	_ =	shalt  }
0x68: {  	_ =	shalt  }
0x69: {  	_ =	shalt  }
0x6a: {  	_ =	shalt  }
0x6b: {  	_ =	shalt  }
0x6c: {  	_ =	shalt  }
0x6d: {  	_ =	shalt  }
0x6e: {  	_ =	shalt  }
0x6f: {  	_ =	shalt  }
0x70: {  	_ =	shalt  }
0x71: {  	_ =	shalt  }
0x72: {  	_ =	shalt  }
0x73: {  	_ =	shalt  }
0x74: {  	_ =	shalt  }
0x75: {  	_ =	shalt  }
0x76: {  	_ =	shalt  }
0x77: {  	_ =	shalt  }
0x78: {  	_ =	shalt  }
0x79: {  	_ =	shalt  }
0x7a: {  	_ =	shalt  }
0x7b: {  	_ =	shalt  }
0x7c: {  	_ =	shalt  }
0x7d: {  	_ =	shalt  }
0x7e: {  	_ =	shalt  }
0x7f: {  	_ =	shalt  }
0x80: {  	_ =	shalt  }
0x81: {  	_ =	shalt  }
0x82: {  	_ =	shalt  }
0x83: {  	_ =	shalt  }
0x84: {  	_ =	shalt  }
0x85: {  	_ =	shalt  }
0x86: {  	_ =	shalt  }
0x87: {  	_ =	shalt  }
.Lfunc_end0:
.L_simem_size_0:
called_computation_lowered:
.L_overlay_start_0:
0x88: {  	s2 =	sld [smem:$0x3FD9]  }
0x89: {  	s3 =	sld [smem:$0x3FFE];
	_ =	sdelay $0x1  }
0x8a: {  	s1 =	srdreg.scid  }
0x8b: {  	s0 =	sand.u32 $0x1, s1  }
0x8c: {  	s16 =	sshll.u32 s0, $0xA;
	s2 =	sadd.s32 s3, s2  }
0x8d: {  	s2 =	sadd.s32 s2, s16  }
0x8e: {  	[smem:$0x3FBC] =	sst s2  }
0x8f: {  	_ = 	snop  }
0x90: {  	(tm) =	ssettm $0x1  }
0x91: {  	s17 =	sld [smem:$0x3FFB];
	_ =	sdelay $0x3  }
0x92: {  	_ =	strace s17  }
0x93: {  	s2 =	sld [smem:$0x3FFC];
	_ =	sdelay $0x3  }
0x94: {  	_ =	strace s2  }
0x95: {  	s2 =	sld [smem:$0x3FFD];
	_ =	sdelay $0x3  }
0x96: {  	_ =	strace s2  }
0x97: {  	_ =	strace $0x8FFFFFFF  }
0x98: {  	s18 =	sld [smem:$0x3FDB];
	_ =	sdelay $0x1  }
0x99: {  	s19 =	simm.s32 $_scs_section_size  }
0x9a: {  	s4 =	simm.s32 $_size__tile_overlayer_lowered;
	s5 =	simm.s32 $_tile_overlayer_lowered  }
0x9b: {  	s22 =	simm.s32 $0x1BFF;
	s21 =	sshll.u32 s5, $0x1;
	s2 =	sadd.s32 s19, s18  }
0x9c: {  	s6 =	simm.s32 $0x0;
	s20 =	sshll.u32 s4, $0x1;
	s4 =	sadd.s32 s21, s2  }
0x9d: {  	[timem:s6], [sflag:s22] =	dma.local [hbm:s4], s20  }
0x9e: {  	_ =	swait.ge [sflag:s22], s20  }
0x9f: {  	s3 =	ssub.s32 $0x0, s20;
	[sflag:s22] =	ssyncset.done $0x0  }
0xa0: {  	[sflag:s22] =	ssyncadd.s32 s3;
	_ =	sdelay $0x1  }
0xa1: {  	s23 =	simm.s32 $0x1B8B  }
0xa2: {  	_ =	swait.ge [sflag:s23], $0x1  }
0xa3: {  	[sflag:s23] =	ssyncset.done $0x0  }
0xa4: {  	s25 =	simm.s32 $0x1B8E;
	s24 =	sld [smem:$0x3FFE];
	[sflag:s23] =	ssyncadd.s32 $0xFFFFFFFF  }
0xa5: {  	s26 =	simm.s32 $execute0_lowered;
	[smem:$0x3FD2] =	sst s25  }
0xa6: {  	s4 =	sshll.u32 s26, $0x1;
	_ =	strace $0x80000046;
	[dreg:$0x1] =	wrdreg $0xFFFFFFFF  }
0xa7: {  	s28 =	simm.s32 $_size_execute0_lowered;
	s2 =	sadd.s32 s2, s4;
	[dreg:$0x0] =	wrdreg $0x0  }
0xa8: {  	s4 =	sshll.u32 s28, $0x1;
	[dreg:$0x2] =	wrdreg s2  }
0xa9: {  	[dreg:$0x3] =	wrdreg s4  }
0xaa: {  	[dreg:$0x4] =	wrdreg $0xC0  }
0xab: {  	_ =	task [dreg:s6], $0x5FFFF  }
0xac: {  	[dreg:$0x1] =	wrdreg $0xFFFFFFFF  }
0xad: {  	[dreg:$0x0] =	wrdreg $0x60  }
0xae: {  	[dreg:$0x2] =	wrdreg s24  }
0xaf: {  	[dreg:$0x3] =	wrdreg $0x0  }
0xb0: {  	[dreg:$0x4] =	wrdreg $0x9  }
0xb1: {  	_ =	task.clear_ibuf [dreg:s6], $0x5FFFF;
	_ =	strace $0x90000046  }
0xb2: {  	s29 =	simm.s32 $0x9;
	_ =	strace $0x80000048  }
0xb3: {  	_ =	swait.ge [sflag:s29], $0x1  }
0xb4: {  	[sflag:s29] =	ssyncadd.s32 $0xFFFFFFFF  }
0xb5: {  	_ =	strace $0x90000048  }
0xb6: {  	_ =	sfence  }
0xb7: {  	s30 =	sld [smem:$0x0];
	_ =	sdelay $0x2  }
0xb8: {  	s31 =	sshll.u32 s1, $0xD;
	s1 =	sshrl.u32 s1, $0x2  }
0xb9: {  	s3 =	sand.u32 $0x4000, s31;
	s1 =	sadd.s32 s1, s30  }
0xba: {  	s0 =	sor.u32 s3, s0;
	s1 =	sshll.u32 s1, $0x11  }
0xbb: {  	s0 =	sor.u32 s1, s0  }
0xbc: {  	s0 =	sadd.s32 $0x8F2B, s0  }
0xbd: {  	[sflag:s0] =	ssyncadd.remote.s32 $0x1  }
0xbe: {  	_ =	sfence.sel $0xFFFF  }
0xbf: {  	[dreg:$0x0] =	wrdreg $0xFFFFFFFF;
	(pc) =	sbr.abs _section_cstart, $3  }
0xc0: {  	[dreg:$0x1] =	wrdreg $0xFFFFFFFF  }
0xc1: {  	_ =	task.clear_ibuf [dreg:s6], $0x2FFFF;
	_ =	strace $0x9FFFFFFF  }
0xc2: {  	(tm) =	ssettm $0x7FFFFFFF  }
0xc3: {  	_ =	shalt  }
tec
execute0_lowered:
.L_overlay_start_1:
0x0: {  	(tag) =	ssettag $0x1  }
0x1: {  	s1 =	srdreg.scid  }
0x2: {  	s1 =	sand.u32 $0x1, s1  }
0x3: {  	p0 =	seq.s32 s1, $0x1  }
.Ltmp0:
0x4: {  	_ = 	snop;
	(pc) =	sbr.rel @p0 .LBB2_4-.Ltmp0, $4  }
0x5: {  	s4 =	rddreg [dreg:$0x0]  }
0x6: {  	s2 =	rddreg [dreg:$0x1];
	s3 =	simm.s32 $0x0  }
0x7: {  	[smem:$0x7FF] =	sst s3  }
0x8: {  	s0 =	rddreg [dreg:$0x2];
	_ =	strace $0x80000047;
	s1 =	stileid.u32  }
0x9: {  	s5 =	smul.u32 $0x4E20, s1;
	_ =	sdelay $0x1  }
0xa: {  	s6 =	sadd.s32 $0x3E00, s4;
	s5 =	sshrl.u32 s5, $0x3  }
0xb: {  	s5 =	sadd.s32 s6, s5  }
0xc: {  	s8 =	simm.s32 $0x280;
	s5 =	sadd.s32 $0x9C40, s5  }
0xd: {  	v0 =	vimm.f32 $1.000000000e+00;
	[tilespmem:s8], [sflag:$0x1] =	stream.linear.gather [hbm4b:s5+s3], $0x4E20, $0x38;
	[tilespmem:$0x5370] =	vst v63  }
0xe: {  	[tilespmem:$0x50A0] =	vst v0  }
0xf: {  	[tilespmem:$0x50B0] =	vst v0  }
0x10: {  	[tilespmem:$0x50C0] =	vst v0  }
0x11: {  	[tilespmem:$0x50D0] =	vst v0  }
0x12: {  	v63 =	vimm.f32 $0.0e+00;
	[tilespmem:$0x50E0] =	vst v0  }
0x13: {  	[tilespmem:$0x50F0] =	vst v63  }
0x14: {  	[tilespmem:$0x5100] =	vst v63  }
0x15: {  	[tilespmem:$0x5110] =	vst v63  }
0x16: {  	[tilespmem:$0x5120] =	vst v63  }
0x17: {  	[tilespmem:$0x5130] =	vst v63  }
0x18: {  	[tilespmem:$0x5140] =	vst v63  }
0x19: {  	[tilespmem:$0x5150] =	vst v63  }
0x1a: {  	[tilespmem:$0x5160] =	vst v63  }
0x1b: {  	[tilespmem:$0x5170] =	vst v63  }
0x1c: {  	[tilespmem:$0x5180] =	vst v63  }
0x1d: {  	[tilespmem:$0x5190] =	vst v63  }
0x1e: {  	[tilespmem:$0x51A0] =	vst v63  }
0x1f: {  	[tilespmem:$0x51B0] =	vst v63  }
0x20: {  	[tilespmem:$0x51C0] =	vst v63  }
0x21: {  	[tilespmem:$0x51D0] =	vst v63  }
0x22: {  	[tilespmem:$0x51E0] =	vst v63  }
0x23: {  	[tilespmem:$0x51F0] =	vst v63  }
0x24: {  	[tilespmem:$0x5200] =	vst v63  }
0x25: {  	[tilespmem:$0x5210] =	vst v63  }
0x26: {  	[tilespmem:$0x5220] =	vst v63  }
0x27: {  	[tilespmem:$0x5230] =	vst v63  }
0x28: {  	[tilespmem:$0x5240] =	vst v63  }
0x29: {  	[tilespmem:$0x5250] =	vst v63  }
0x2a: {  	[tilespmem:$0x5260] =	vst v63  }
0x2b: {  	[tilespmem:$0x5270] =	vst v63  }
0x2c: {  	[tilespmem:$0x5280] =	vst v63  }
0x2d: {  	[tilespmem:$0x5290] =	vst v63  }
0x2e: {  	[tilespmem:$0x52A0] =	vst v63  }
0x2f: {  	[tilespmem:$0x52B0] =	vst v63  }
0x30: {  	[tilespmem:$0x52C0] =	vst v63  }
0x31: {  	[tilespmem:$0x52D0] =	vst v63  }
0x32: {  	[tilespmem:$0x52E0] =	vst v63  }
0x33: {  	[tilespmem:$0x52F0] =	vst v63  }
0x34: {  	[tilespmem:$0x5300] =	vst v63  }
0x35: {  	[tilespmem:$0x5310] =	vst v63  }
0x36: {  	[tilespmem:$0x5320] =	vst v63  }
0x37: {  	[tilespmem:$0x5330] =	vst v63  }
0x38: {  	s11 =	smul.u32 $0x280, s1;
	[tilespmem:$0x5340] =	vst v63  }
0x39: {  	[tilespmem:$0x5350] =	vst v63  }
0x3a: {  	s23 =	simm.s32 $0x50F0;
	s24 =	simm.s32 $0x6;
	s3 =	sadd.s32 s11, s2;
	[tilespmem:$0x5360] =	vst v63  }
0x3b: {  	[spmem:s3] =	stream.linear.scatter [tilespmem:s23], [sflag:$0x6], $0x280, $0x38;
	[tilespmem:$0x5370] =	vst v63  }
0x3c: {  	_ =	swait.ge [sflag:s24], $0x280  }
0x3d: {  	[sflag:s24] =	ssyncset.done $0x0  }
0x3e: {  	s5 =	simm.s32 $0x1;
	[sflag:s24] =	ssyncadd.s32 $0xFFFFFD80  }
0x3f: {  	_ =	swait.ge [sflag:s5], $0x4E20  }
0x40: {  	[sflag:s5] =	ssyncset.done $0x0  }
0x41: {  	[sflag:s5] =	ssyncadd.s32 $0xFFFFB1E0  }
0x42: {  	s7 =	simm.s32 $0x50A0;
	s6 =	simm.s32 $0x50;
	[bflag:$0x0] =	sbarrier.arrive $0xFFFF  }
0x43: {  	[spmem:s2] =	stream.indirect.scatter.add.f32 [tilespmem:s7], [sflag:$0x1], $0x1, s8, s6, $0xb8;
	[tilespmem:$0x5370] =	vst v63  }
0x44: {  	s25 =	simm.s32 $0x2D0  }
0x45: {  	[spmem:s2] =	stream.indirect.scatter.add.f32 [tilespmem:s7], [sflag:$0x2], $0x1, s25, s6, $0xb8;
	[tilespmem:$0x5370] =	vst v63  }
0x46: {  	s26 =	simm.s32 $0x320  }
0x47: {  	[spmem:s2] =	stream.indirect.scatter.add.f32 [tilespmem:s7], [sflag:$0x3], $0x1, s26, s6, $0xb8;
	[tilespmem:$0x5370] =	vst v63  }
0x48: {  	s28 =	simm.s32 $0x370  }
0x49: {  	[spmem:s2] =	stream.indirect.scatter.add.f32 [tilespmem:s7], [sflag:$0x4], $0x1, s28, s6, $0xb8;
	[tilespmem:$0x5370] =	vst v63  }
0x4a: {  	s29 =	simm.s32 $0x3C0  }
0x4b: {  	[spmem:s2] =	stream.indirect.scatter.add.f32 [tilespmem:s7], [sflag:$0x5], $0x1, s29, s6, $0xb8;
	[tilespmem:$0x5370] =	vst v63  }
0x4c: {  	_ =	swait.ge [sflag:s5], $0x50  }
0x4d: {  	[sflag:s5] =	ssyncset.done $0x0  }
0x4e: {  	s9 =	simm.s32 $0x410;
	s8 =	simm.s32 $0x2;
	[sflag:s5] =	ssyncadd.s32 $0xFFFFFFB0  }
0x4f: {  	[spmem:s2] =	stream.indirect.scatter.add.f32 [tilespmem:s7], [sflag:$0x1], $0x1, s9, s6, $0xb8;
	[tilespmem:$0x5370] =	vst v63  }
0x50: {  	_ =	swait.ge [sflag:s8], $0x50  }
0x51: {  	[sflag:s8] =	ssyncset.done $0x0  }
0x52: {  	s10 =	simm.s32 $0x460;
	s9 =	simm.s32 $0x3;
	[sflag:s8] =	ssyncadd.s32 $0xFFFFFFB0  }
0x53: {  	[spmem:s2] =	stream.indirect.scatter.add.f32 [tilespmem:s7], [sflag:$0x2], $0x1, s10, s6, $0xb8;
	[tilespmem:$0x5370] =	vst v63  }
0x54: {  	_ =	swait.ge [sflag:s9], $0x50  }
0x55: {  	[sflag:s9] =	ssyncset.done $0x0  }
0x56: {  	s12 =	simm.s32 $0x4B0;
	s10 =	simm.s32 $0x4;
	[sflag:s9] =	ssyncadd.s32 $0xFFFFFFB0  }
0x57: {  	[spmem:s2] =	stream.indirect.scatter.add.f32 [tilespmem:s7], [sflag:$0x3], $0x1, s12, s6, $0xb8;
	[tilespmem:$0x5370] =	vst v63  }
0x58: {  	_ =	swait.ge [sflag:s10], $0x50  }
0x59: {  	s13 =	simm.s32 $0x500;
	[sflag:s10] =	ssyncset.done $0x0  }
0x5a: {  	s30 =	sshrl.u32 s11, $0x3;
	s11 =	simm.s32 $0x5;
	[sflag:s10] =	ssyncadd.s32 $0xFFFFFFB0  }
0x5b: {  	[spmem:s2] =	stream.indirect.scatter.add.f32 [tilespmem:s7], [sflag:$0x4], $0x1, s13, s6, $0xb8;
	[tilespmem:$0x5370] =	vst v63  }
0x5c: {  	s31 =	sadd.s32 s30, s4;
	_ =	swait.ge [sflag:s11], $0x50  }
0x5d: {  	s4 =	sadd.s32 $0x17800, s31;
	[sflag:s11] =	ssyncset.done $0x0  }
0x5e: {  	s12 =	simm.s32 $0xFFFED400;
	s13 =	simm.s32 $0x550;
	[sflag:s11] =	ssyncadd.s32 $0xFFFFFFB0  }
.LBB2_2:
0x5f: {  	[spmem:s2] =	stream.indirect.scatter.add.f32 [tilespmem:s7], [sflag:$0x5], $0x1, s13, s6, $0xb8;
	[tilespmem:$0x5370] =	vst v63  }
0x60: {  	s13 =	smov.u32 s12  }
0x61: {  	p0 =	sne.s32 s12, $0xFFFFF9C0;
	s12 =	sadd.s32 $0x640, s12;
	_ =	swait.ge [sflag:s5], $0x50  }
0x62: {  	s13 =	sshra.s32 s13, $0x2;
	[sflag:s5] =	ssyncset.done $0x0  }
0x63: {  	s14 =	sadd.s32 $0x50A0, s13;
	[sflag:s5] =	ssyncadd.s32 $0xFFFFFFB0  }
0x64: {  	[spmem:s2] =	stream.indirect.scatter.add.f32 [tilespmem:s7], [sflag:$0x1], $0x1, s14, s6, $0xb8;
	[tilespmem:$0x5370] =	vst v63  }
0x65: {  	_ =	swait.ge [sflag:s8], $0x50  }
0x66: {  	[sflag:s8] =	ssyncset.done $0x0  }
0x67: {  	s14 =	sadd.s32 $0x50F0, s13;
	[sflag:s8] =	ssyncadd.s32 $0xFFFFFFB0  }
0x68: {  	[spmem:s2] =	stream.indirect.scatter.add.f32 [tilespmem:s7], [sflag:$0x2], $0x1, s14, s6, $0xb8;
	[tilespmem:$0x5370] =	vst v63  }
0x69: {  	_ =	swait.ge [sflag:s9], $0x50  }
0x6a: {  	[sflag:s9] =	ssyncset.done $0x0  }
0x6b: {  	s14 =	sadd.s32 $0x5140, s13;
	[sflag:s9] =	ssyncadd.s32 $0xFFFFFFB0  }
0x6c: {  	[spmem:s2] =	stream.indirect.scatter.add.f32 [tilespmem:s7], [sflag:$0x3], $0x1, s14, s6, $0xb8;
	[tilespmem:$0x5370] =	vst v63  }
0x6d: {  	_ =	swait.ge [sflag:s10], $0x50  }
0x6e: {  	[sflag:s10] =	ssyncset.done $0x0  }
.Ltmp1:
0x6f: {  	s14 =	sadd.s32 $0x5190, s13;
	[sflag:s10] =	ssyncadd.s32 $0xFFFFFFB0;
	(pc) =	sbr.rel @p0 .LBB2_2-.Ltmp1, $4  }
0x70: {  	[spmem:s2] =	stream.indirect.scatter.add.f32 [tilespmem:s7], [sflag:$0x4], $0x1, s14, s6, $0xb8;
	[tilespmem:$0x5370] =	vst v63  }
0x71: {  	_ =	swait.ge [sflag:s11], $0x50  }
0x72: {  	[sflag:s11] =	ssyncset.done $0x0  }
0x73: {  	s13 =	sadd.s32 $0x51E0, s13;
	[sflag:s11] =	ssyncadd.s32 $0xFFFFFFB0  }
0x74: {  	[spmem:s2] =	stream.indirect.scatter.add.f32 [tilespmem:s7], [sflag:$0x5], $0x1, s13, s6, $0xb8;
	[tilespmem:$0x5370] =	vst v63  }
0x75: {  	s24 =	simm.s32 $0x1  }
0x76: {  	_ =	swait.ge [sflag:s24], $0x50  }
0x77: {  	[sflag:s24] =	ssyncset.done $0x0  }
0x78: {  	s25 =	simm.s32 $0x2;
	[sflag:s24] =	ssyncadd.s32 $0xFFFFFFB0  }
0x79: {  	_ =	swait.ge [sflag:s25], $0x50  }
0x7a: {  	[sflag:s25] =	ssyncset.done $0x0  }
0x7b: {  	s26 =	simm.s32 $0x3;
	[sflag:s25] =	ssyncadd.s32 $0xFFFFFFB0  }
0x7c: {  	_ =	swait.ge [sflag:s26], $0x50  }
0x7d: {  	[sflag:s26] =	ssyncset.done $0x0  }
0x7e: {  	s28 =	simm.s32 $0x4;
	[sflag:s26] =	ssyncadd.s32 $0xFFFFFFB0  }
0x7f: {  	_ =	swait.ge [sflag:s28], $0x50  }
0x80: {  	[sflag:s28] =	ssyncset.done $0x0  }
0x81: {  	s29 =	simm.s32 $0x5;
	[sflag:s28] =	ssyncadd.s32 $0xFFFFFFB0  }
0x82: {  	_ =	swait.ge [sflag:s29], $0x50  }
0x83: {  	[sflag:s29] =	ssyncset.done $0x0  }
0x84: {  	[sflag:s29] =	ssyncadd.s32 $0xFFFFFFB0  }
0x85: {  	s30 =	simm.s32 $0x50F0;
	s31 =	simm.s32 $0x6;
	[bflag:$0x0] =	sbarrier.arrive $0xFFFF  }
0x86: {  	[tilespmem:s30], [sflag:$0x6] =	stream.linear.gather [spmem:s3], $0x280, $0x38;
	[tilespmem:$0x5370] =	vst v63  }
0x87: {  	_ =	swait.ge [sflag:s31], $0x280  }
0x88: {  	[sflag:s31] =	ssyncset.done $0x0  }
0x89: {  	s5 =	simm.s32 $0x0;
	[sflag:s31] =	ssyncadd.s32 $0xFFFFFD80  }
0x8a: {  	[hbm4b:s4+s5] =	stream.linear.scatter [tilespmem:s30], [sflag:$0x6], $0x280, $0x38;
	[tilespmem:$0x5370] =	vst v63  }
0x8b: {  	_ =	swait.ge [sflag:s31], $0x280  }
0x8c: {  	[sflag:s31] =	ssyncset.done $0x0  }
0x8d: {  	[sflag:s31] =	ssyncadd.s32 $0xFFFFFD80  }
.LBB2_4:
0x8e: {  	_ =	sfence.sel $0x180000  }
0x8f: {  	[bflag:$0x0] =	sbarrier.arrive $0xFFFF  }
0x90: {  	p0 =	sne.s32 s1, $0x0;
	_ =	strace $0x90000047  }
0x91: {  	s0 =	sadd.s32 @!p0 $0x100000, s0;
	[bflag:$0x2] =	sbarrier.arrive $0xFFFF  }
0x92: {  	[sflag:s0] =	ssyncadd.tile.s32 @!p0 $0x1;
	_ =	shalt  }
.Lfunc_end2:
_tile_overlayer_lowered:
.L_overlay_start_2:
0x93: {  	(tag) =	ssettag $0x2  }
0x94: {  	s0 =	rddreg [dreg:$0x0];
	s2 =	stileid.u32  }
0x95: {  	s1 =	rddreg [dreg:$0x1];
	p0 =	sne.s32 s2, $0x0  }
0x96: {  	s3 =	rddreg [dreg:$0x2];
	[bflag:$0x3] =	sbarrier.arrive $0xFFFF;
	s2 =	simm.s32 @!p0 $0x1C06  }
0x97: {  	[timem:s3], [sflag:s2] =	dma.local @!p0 [hbm:s0], s1  }
0x98: {  	s0 =	simm.s32 @!p0 $0x6  }
0x99: {  	_ =	swait.ge @!p0 [sflag:s0], s1  }
0x9a: {  	s1 =	ssub.s32 @!p0 $0x0, s1;
	[sflag:s0] =	ssyncset.done @!p0 $0x0  }
0x9b: {  	[sflag:s0] =	ssyncadd.s32 @!p0 s1  }
0x9c: {  	[bflag:$0x3] =	sbarrier.arrive $0xFFFF  }
0x9d: {  	_ =	shalt  }

// kernel: kernel.13.cloned.1.call-start
scs
__scs_entry_jumppad:
0x0: {  	(pc) =	sbr.rel $0x88, $3  }
0x1: {  	(tag) =	ssettag $0x0;
	lr =	simm.s32 $0x1  }
0x2: {  	[smem:$0x3F95] =	sst lr;
	_ =	strace $0xD0000000  }
0x3: {  	_ = 	snop  }
0x4: {  	_ = 	snop  }
0x5: {  	_ = 	snop  }
0x6: {  	_ = 	snop  }
0x7: {  	_ = 	snop  }
__scs_overlays_trampoline_lowered:
0x8: {  	[smem:$0x3FA4] =	sst s0  }
0x9: {  	[smem:$0x3FA5] =	sst s1  }
0xa: {  	[smem:$0x3FA6] =	sst s2  }
0xb: {  	[smem:$0x3FA7] =	sst s3  }
0xc: {  	[smem:$0x3FA8] =	sst s4  }
0xd: {  	[smem:$0x3FA9] =	sst s5  }
0xe: {  	[smem:$0x3FAA] =	sst s6  }
0xf: {  	[smem:$0x3FAB] =	sst s7  }
0x10: {  	[smem:$0x3FAC] =	sst s8  }
0x11: {  	[smem:$0x3FAD] =	sst s9;
	s0 =	simm.s32 @!p0 $0x0  }
0x12: {  	s1 =	sld [smem:$0x3F93];
	s0 =	simm.s32 @p0 $0x1  }
0x13: {  	[smem:$0x3FAE] =	sst s0;
	s0 =	simm.s32 @!p1 $0x0  }
0x14: {  	s2 =	sld [smem:$0x3F92];
	s0 =	simm.s32 @p1 $0x1  }
0x15: {  	[smem:$0x3FAF] =	sst s0;
	s0 =	simm.s32 @!p2 $0x0  }
0x16: {  	s3 =	sld [smem:$0x3FDB];
	s0 =	simm.s32 @p2 $0x1  }
0x17: {  	s4 =	simm.s32 $0x1BF5;
	[smem:$0x3FB1] =	sst s0  }
0x18: {  	s0 =	sld [smem:$0x3F94];
	_ =	swait.ge [sflag:s4], $0x0  }
0x19: {  	s7 =	sld [smem:$0x3F95]  }
0x1a: {  	s8 =	sadd.s32 $0xFFFFE003, lr  }
0x1b: {  	s9 =	sadd.s32 $0xFFFFFEF7, lr;
	s5 =	simm.s32 $0xFFFFFFFF;
	p2 =	slt.u32 s8, $0xFFFFF086  }
0x1c: {  	p1 =	slt.u32 s9, $0xF7A;
	s5 =	simm.s32 @!p2 $0x0  }
0x1d: {  	s5 =	simm.s32 @p1 $0x1;
	p0 =	seq.s32 s7, s2  }
0x1e: {  	s7 =	smul.u32 @!p0 $0xF7A, s2;
	p2 =	seq.s32 @!p0 s5, $0x0  }
0x1f: {  	s9 =	smul.u32 $0xF7A, s1;
	s8 =	simm.s32 @!p0 $0x1BF5;
	p2 =	por !p2, p0  }
0x20: {  	[sflag:s8] =	ssyncset.s32 @!p0 $0xFFFFF086;
	s6 =	sadd.s32 @!p0 s3, s7;
	s7 =	simm.s32 @!p0 $0x108  }
0x21: {  	s3 =	sadd.s32 s3, s9;
	s6 =	sadd.s32 @!p0 $0x88, s6;
	s7 =	simm.s32 @p2 $0x1082  }
0x22: {  	[simem:s7], [sflag:s8] =	dma.local @!p0 [hbm:s6], $0xF7A  }
0x23: {  	s9 =	sor.u32 $0xD0000000, s2;
	s6 =	simm.s32 $0x108;
	_ =	swait.ge @!p0 [sflag:s8], $0x0  }
0x24: {  	s3 =	sadd.s32 $0x88, s3;
	s6 =	simm.s32 @!p1 $0x1082;
	[sflag:s4] =	ssyncset.s32 $0xFFFFF086  }
0x25: {  	[simem:s6], [sflag:s4] =	dma.local [hbm:s3], $0xF7A  }
0x26: {  	[smem:$0x3F95] =	sst s1;
	(tag) =	ssettag s2;
	_ =	strace s9  }
0x27: {  	s1 =	sld [smem:$0x3FA5]  }
0x28: {  	s2 =	sld [smem:$0x3FA6]  }
0x29: {  	s4 =	sld [smem:$0x3FA8]  }
0x2a: {  	p0 =	seq.s32 s5, $0x0;
	s5 =	sld [smem:$0x3FA9]  }
0x2b: {  	s6 =	sld [smem:$0x3FAA]  }
0x2c: {  	s7 =	sld [smem:$0x3FAB]  }
0x2d: {  	s3 =	simm.s32 $0x108;
	s8 =	sld [smem:$0x3FAC]  }
0x2e: {  	s3 =	simm.s32 @!p0 $0x1082;
	s9 =	sld [smem:$0x3FAD]  }
0x2f: {  	lr =	sadd.s32 s0, s3;
	s0 =	sld [smem:$0x3FA4]  }
0x30: {  	s3 =	sld [smem:$0x3FA7]  }
0x31: {  	[smem:$0x3FB0] =	sst s10  }
0x32: {  	s10 =	sld [smem:$0x3FAE];
	_ =	sdelay $0x3  }
0x33: {  	p0 =	seq.s32 s10, $0x1;
	s10 =	sld [smem:$0x3FB0];
	_ =	sdelay $0x3  }
0x34: {  	[smem:$0x3FB0] =	sst s10  }
0x35: {  	s10 =	sld [smem:$0x3FAF];
	_ =	sdelay $0x3  }
0x36: {  	p1 =	seq.s32 s10, $0x1;
	s10 =	sld [smem:$0x3FB0];
	_ =	sdelay $0x3  }
0x37: {  	[smem:$0x3FB0] =	sst s10  }
0x38: {  	s10 =	sld [smem:$0x3FB1]  }
0x39: {  	_ = 	snop;
	(pc) =	sbr.ind lr, $3  }
0x3a: {  	_ = 	snop  }
0x3b: {  	_ = 	snop  }
0x3c: {  	p2 =	seq.s32 s10, $0x1;
	s10 =	sld [smem:$0x3FB0]  }
0x3d: {  	_ =	shalt  }
0x3e: {  	_ =	shalt  }
0x3f: {  	_ =	shalt  }
0x40: {  	_ =	shalt  }
0x41: {  	_ =	shalt  }
0x42: {  	_ =	shalt  }
0x43: {  	_ =	shalt  }
0x44: {  	_ =	shalt  }
0x45: {  	_ =	shalt  }
0x46: {  	_ =	shalt  }
0x47: {  	_ =	shalt  }
0x48: {  	_ =	shalt  }
0x49: {  	_ =	shalt  }
0x4a: {  	_ =	shalt  }
0x4b: {  	_ =	shalt  }
0x4c: {  	_ =	shalt  }
0x4d: {  	_ =	shalt  }
0x4e: {  	_ =	shalt  }
0x4f: {  	_ =	shalt  }
0x50: {  	_ =	shalt  }
0x51: {  	_ =	shalt  }
0x52: {  	_ =	shalt  }
0x53: {  	_ =	shalt  }
0x54: {  	_ =	shalt  }
0x55: {  	_ =	shalt  }
0x56: {  	_ =	shalt  }
0x57: {  	_ =	shalt  }
0x58: {  	_ =	shalt  }
0x59: {  	_ =	shalt  }
0x5a: {  	_ =	shalt  }
0x5b: {  	_ =	shalt  }
0x5c: {  	_ =	shalt  }
0x5d: {  	_ =	shalt  }
0x5e: {  	_ =	shalt  }
0x5f: {  	_ =	shalt  }
0x60: {  	_ =	shalt  }
0x61: {  	_ =	shalt  }
0x62: {  	_ =	shalt  }
0x63: {  	_ =	shalt  }
0x64: {  	_ =	shalt  }
0x65: {  	_ =	shalt  }
0x66: {  	_ =	shalt  }
0x67: {  	_ =	shalt  }
0x68: {  	_ =	shalt  }
0x69: {  	_ =	shalt  }
0x6a: {  	_ =	shalt  }
0x6b: {  	_ =	shalt  }
0x6c: {  	_ =	shalt  }
0x6d: {  	_ =	shalt  }
0x6e: {  	_ =	shalt  }
0x6f: {  	_ =	shalt  }
0x70: {  	_ =	shalt  }
0x71: {  	_ =	shalt  }
0x72: {  	_ =	shalt  }
0x73: {  	_ =	shalt  }
0x74: {  	_ =	shalt  }
0x75: {  	_ =	shalt  }
0x76: {  	_ =	shalt  }
0x77: {  	_ =	shalt  }
0x78: {  	_ =	shalt  }
0x79: {  	_ =	shalt  }
0x7a: {  	_ =	shalt  }
0x7b: {  	_ =	shalt  }
0x7c: {  	_ =	shalt  }
0x7d: {  	_ =	shalt  }
0x7e: {  	_ =	shalt  }
0x7f: {  	_ =	shalt  }
0x80: {  	_ =	shalt  }
0x81: {  	_ =	shalt  }
0x82: {  	_ =	shalt  }
0x83: {  	_ =	shalt  }
0x84: {  	_ =	shalt  }
0x85: {  	_ =	shalt  }
0x86: {  	_ =	shalt  }
0x87: {  	_ =	shalt  }
.Lfunc_end0:
.L_simem_size_0:
called_computation.1_lowered:
.L_overlay_start_0:
0x88: {  	s2 =	sld [smem:$0x3FD9]  }
0x89: {  	s3 =	sld [smem:$0x3FFE];
	_ =	sdelay $0x1  }
0x8a: {  	s1 =	srdreg.scid  }
0x8b: {  	s0 =	sand.u32 $0x1, s1  }
0x8c: {  	s16 =	sshll.u32 s0, $0xA;
	s2 =	sadd.s32 s3, s2  }
0x8d: {  	s2 =	sadd.s32 s2, s16  }
0x8e: {  	[smem:$0x3FBC] =	sst s2  }
0x8f: {  	_ = 	snop  }
0x90: {  	(tm) =	ssettm $0x1  }
0x91: {  	s17 =	sld [smem:$0x3FFB];
	_ =	sdelay $0x3  }
0x92: {  	_ =	strace s17  }
0x93: {  	s2 =	sld [smem:$0x3FFC];
	_ =	sdelay $0x3  }
0x94: {  	_ =	strace s2  }
0x95: {  	s2 =	sld [smem:$0x3FFD];
	_ =	sdelay $0x3  }
0x96: {  	_ =	strace s2  }
0x97: {  	_ =	strace $0x8FFFFFFF  }
0x98: {  	s18 =	sld [smem:$0x3FDB];
	_ =	sdelay $0x1  }
0x99: {  	s19 =	simm.s32 $_scs_section_size  }
0x9a: {  	s4 =	simm.s32 $_size__tile_overlayer_lowered;
	s5 =	simm.s32 $_tile_overlayer_lowered  }
0x9b: {  	s22 =	simm.s32 $0x1BFF;
	s21 =	sshll.u32 s5, $0x1;
	s2 =	sadd.s32 s19, s18  }
0x9c: {  	s6 =	simm.s32 $0x0;
	s20 =	sshll.u32 s4, $0x1;
	s4 =	sadd.s32 s21, s2  }
0x9d: {  	[timem:s6], [sflag:s22] =	dma.local [hbm:s4], s20  }
0x9e: {  	_ =	swait.ge [sflag:s22], s20  }
0x9f: {  	s3 =	ssub.s32 $0x0, s20;
	[sflag:s22] =	ssyncset.done $0x0  }
0xa0: {  	[sflag:s22] =	ssyncadd.s32 s3;
	_ =	sdelay $0x1  }
0xa1: {  	s23 =	simm.s32 $0x1B8B  }
0xa2: {  	_ =	swait.ge [sflag:s23], $0x1  }
0xa3: {  	[sflag:s23] =	ssyncset.done $0x0  }
0xa4: {  	s25 =	simm.s32 $0x1B8E;
	s24 =	sld [smem:$0x3FFE];
	[sflag:s23] =	ssyncadd.s32 $0xFFFFFFFF  }
0xa5: {  	s26 =	simm.s32 $execute0_lowered;
	[smem:$0x3FD2] =	sst s25  }
0xa6: {  	s4 =	sshll.u32 s26, $0x1;
	_ =	strace $0x80000049;
	[dreg:$0x1] =	wrdreg $0xFFFFFFFF  }
0xa7: {  	s28 =	simm.s32 $_size_execute0_lowered;
	s2 =	sadd.s32 s2, s4;
	[dreg:$0x0] =	wrdreg $0x0  }
0xa8: {  	s4 =	sshll.u32 s28, $0x1;
	[dreg:$0x2] =	wrdreg s2  }
0xa9: {  	[dreg:$0x3] =	wrdreg s4  }
0xaa: {  	[dreg:$0x4] =	wrdreg $0xC0  }
0xab: {  	_ =	task [dreg:s6], $0x5FFFF  }
0xac: {  	[dreg:$0x1] =	wrdreg $0xFFFFFFFF  }
0xad: {  	[dreg:$0x0] =	wrdreg $0x60  }
0xae: {  	[dreg:$0x2] =	wrdreg s24  }
0xaf: {  	[dreg:$0x3] =	wrdreg $0x0  }
0xb0: {  	[dreg:$0x4] =	wrdreg $0x9  }
0xb1: {  	_ =	task.clear_ibuf [dreg:s6], $0x5FFFF;
	_ =	strace $0x90000049  }
0xb2: {  	s29 =	simm.s32 $0x9;
	_ =	strace $0x8000004B  }
0xb3: {  	_ =	swait.ge [sflag:s29], $0x1  }
0xb4: {  	[sflag:s29] =	ssyncadd.s32 $0xFFFFFFFF  }
0xb5: {  	_ =	strace $0x9000004B  }
0xb6: {  	_ =	sfence  }
0xb7: {  	s30 =	sld [smem:$0x0];
	_ =	sdelay $0x2  }
0xb8: {  	s31 =	sshll.u32 s1, $0xD;
	s1 =	sshrl.u32 s1, $0x2  }
0xb9: {  	s3 =	sand.u32 $0x4000, s31;
	s1 =	sadd.s32 s1, s30  }
0xba: {  	s0 =	sor.u32 s3, s0;
	s1 =	sshll.u32 s1, $0x11  }
0xbb: {  	s0 =	sor.u32 s1, s0  }
0xbc: {  	s0 =	sadd.s32 $0x8F2B, s0  }
0xbd: {  	[sflag:s0] =	ssyncadd.remote.s32 $0x1  }
0xbe: {  	_ =	sfence.sel $0xFFFF  }
0xbf: {  	[dreg:$0x0] =	wrdreg $0xFFFFFFFF;
	(pc) =	sbr.abs _section_cstart, $3  }
0xc0: {  	[dreg:$0x1] =	wrdreg $0xFFFFFFFF  }
0xc1: {  	_ =	task.clear_ibuf [dreg:s6], $0x2FFFF;
	_ =	strace $0x9FFFFFFF  }
0xc2: {  	(tm) =	ssettm $0x7FFFFFFF  }
0xc3: {  	_ =	shalt  }
tec
execute0_lowered:
.L_overlay_start_1:
0x0: {  	(tag) =	ssettag $0x1  }
0x1: {  	s0 =	srdreg.scid  }
0x2: {  	s1 =	rddreg [dreg:$0x0];
	s8 =	stileid.u32  }
0x3: {  	s2 =	rddreg [dreg:$0x1];
	s20 =	simm.s32 $0x15220;
	s28 =	simm.s32 $0x10220  }
0x4: {  	s30 =	simm.s32 $0x11620;
	s19 =	simm.s32 $0x13E20;
	s29 =	simm.s32 $0x4  }
0x5: {  	s31 =	simm.s32 $0x5;
	s18 =	simm.s32 $0x17220;
	s0 =	sand.u32 $0x1, s0  }
0x6: {  	s11 =	smul.u32 $0xA000, s8;
	s3 =	sshll.u32 s0, $0x4;
	s6 =	ssub.s32 $0x2, s0  }
0x7: {  	s0 =	smul.u32 $0xA0000, s0;
	s4 =	sor.u32 s8, s3;
	s3 =	simm.s32 $0x0  }
0x8: {  	s7 =	sshrl.u32 s6, $0x1;
	s22 =	sadd.s32 $0x2000, s11;
	s12 =	sadd.s32 $0x4000, s11  }
0x9: {  	s13 =	sadd.s32 $0x6000, s11;
	s15 =	sadd.s32 $0x8000, s11;
	s4 =	smul.u32 $0x2710, s4  }
0xa: {  	[smem:$0x7FF] =	sst s3;
	s6 =	ssub.s32 s6, s7;
	s7 =	sadd.s32 s11, s2  }
0xb: {  	s8 =	sadd.s32 s22, s2;
	s9 =	sadd.s32 s12, s2;
	s10 =	sadd.s32 s13, s2  }
0xc: {  	s14 =	sadd.s32 s11, s0;
	s11 =	sadd.s32 s15, s2;
	s23 =	sadd.s32 s0, s12  }
0xd: {  	s24 =	sadd.s32 s0, s13;
	s13 =	simm.s32 $0xA;
	_ =	strace $0x8000004A  }
0xe: {  	s14 =	sshrl.u32 s14, $0x3;
	s12 =	sshrl.u32 s24, $0x3;
	s26 =	smax.u32 s6, $0x1  }
0xf: {  	s24 =	simm.s32 $0x50;
	s6 =	simm.s32 $0x8;
	s4 =	sshrl.u32 s4, $0x3  }
0x10: {  	[dreg:$0xa] =	wrdreg s26;
	s26 =	simm.s32 $0x3;
	s5 =	sadd.s32 s4, s1  }
0x11: {  	s4 =	sadd.s32 $0x17800, s1;
	s1 =	sadd.s32 $0x2B200, s1;
	s21 =	sadd.s32 $0x3E00, s5  }
0x12: {  	s5 =	sadd.s32 $0xDA40, s5;
	s14 =	sadd.s32 s1, s14;
	[dreg:$0x3] =	wrdreg s21  }
0x13: {  	s25 =	sadd.s32 s1, s12;
	s12 =	simm.s32 $0x9;
	[dreg:$0x4] =	wrdreg s5  }
0x14: {  	s5 =	sadd.s32 s0, s22;
	[dreg:$0x5] =	wrdreg s14;
	s0 =	sadd.s32 s0, s15  }
0x15: {  	[dreg:$0x8] =	wrdreg s25;
	s21 =	simm.s32 $0xB;
	s5 =	sshrl.u32 s5, $0x3  }
0x16: {  	s22 =	simm.s32 $0x1;
	s0 =	sshrl.u32 s0, $0x3;
	s5 =	sadd.s32 s1, s5  }
0x17: {  	s25 =	simm.s32 $0xEE20;
	s0 =	sadd.s32 s1, s0;
	[dreg:$0x6] =	wrdreg s5  }
0x18: {  	s14 =	simm.s32 $0x0;
	s5 =	sshrl.u32 s23, $0x3;
	[dreg:$0x9] =	wrdreg s0  }
0x19: {  	s23 =	simm.s32 $0x2;
	s0 =	simm.s32 $0x6;
	s5 =	sadd.s32 s1, s5  }
0x1a: {  	v0 =	vimm.f32 $0.0e+00;
	s1 =	simm.s32 $0x12A20;
	[dreg:$0x7] =	wrdreg s5;
	s5 =	simm.s32 $0x7  }
.LBB2_1:
0x1b: {  	s15 =	rddreg [dreg:$0x3];
	s16 =	simm.s32 $0xA000  }
0x1c: {  	[tilespmem:s16], [sflag:$0x1] =	stream.linear.gather [hbm4b:s15+s3], $0x2710, $0x38;
	[tilespmem:$0x19220] =	vst v63  }
0x1d: {  	s17 =	simm.s32 $0xC710;
	s16 =	rddreg [dreg:$0x4]  }
0x1e: {  	[tilespmem:s17], [sflag:$0x2] =	stream.linear.gather [hbm4b:s16+s3], $0x2710, $0x38;
	[tilespmem:$0x19220] =	vst v63  }
0x1f: {  	s15 =	simm.s32 $0x0;
	s16 =	simm.s32 $0x100  }
.LBB2_2:
0x20: {  	p0 =	sne.s32 s16, $0x7F00;
	[tilespmem:s15+$0x15250] =	vst v0;
	s17 =	smov.u32 s16;
	s16 =	sadd.s32 $0x100, s16  }
.Ltmp0:
0x21: {  	[tilespmem:s15+$0x15240] =	vst v0;
	(pc) =	sbr.rel @p0 .LBB2_2-.Ltmp0, $3  }
0x22: {  	[tilespmem:s15+$0x15220] =	vst v0  }
0x23: {  	[tilespmem:s15+$0x15230] =	vst v0;
	_ =	sdelay $0x1  }
0x24: {  	s15 =	sshra.s32 s17, $0x2  }
0x25: {  	[tilespmem:s15+$0x15250] =	vst v0  }
0x26: {  	[tilespmem:s15+$0x15240] =	vst v0  }
0x27: {  	[tilespmem:s15+$0x15220] =	vst v0  }
0x28: {  	[tilespmem:s15+$0x15230] =	vst v0  }
0x29: {  	[spmem:s7] =	stream.linear.scatter [tilespmem:s20], [sflag:$0xB], $0x2000, $0x38;
	[tilespmem:$0x19220] =	vst v63  }
0x2a: {  	_ =	swait.ge [sflag:s21], $0x2000  }
0x2b: {  	[sflag:s21] =	ssyncset.done $0x0  }
0x2c: {  	[sflag:s21] =	ssyncadd.s32 $0xFFFFE000  }
0x2d: {  	[spmem:s8] =	stream.linear.scatter [tilespmem:s20], [sflag:$0xB], $0x2000, $0x38;
	[tilespmem:$0x19220] =	vst v63  }
0x2e: {  	_ =	swait.ge [sflag:s21], $0x2000  }
0x2f: {  	[sflag:s21] =	ssyncset.done $0x0  }
0x30: {  	[sflag:s21] =	ssyncadd.s32 $0xFFFFE000  }
0x31: {  	[spmem:s9] =	stream.linear.scatter [tilespmem:s20], [sflag:$0xB], $0x2000, $0x38;
	[tilespmem:$0x19220] =	vst v63  }
0x32: {  	_ =	swait.ge [sflag:s21], $0x2000  }
0x33: {  	[sflag:s21] =	ssyncset.done $0x0  }
0x34: {  	[sflag:s21] =	ssyncadd.s32 $0xFFFFE000  }
0x35: {  	[spmem:s10] =	stream.linear.scatter [tilespmem:s20], [sflag:$0xB], $0x2000, $0x38;
	[tilespmem:$0x19220] =	vst v63  }
0x36: {  	_ =	swait.ge [sflag:s21], $0x2000  }
0x37: {  	[sflag:s21] =	ssyncset.done $0x0  }
0x38: {  	[sflag:s21] =	ssyncadd.s32 $0xFFFFE000  }
0x39: {  	[spmem:s11] =	stream.linear.scatter [tilespmem:s20], [sflag:$0xB], $0x2000, $0x38;
	[tilespmem:$0x19220] =	vst v63  }
0x3a: {  	_ =	swait.ge [sflag:s21], $0x2000  }
0x3b: {  	[sflag:s21] =	ssyncset.done $0x0  }
0x3c: {  	[sflag:s21] =	ssyncadd.s32 $0xFFFFE000  }
0x3d: {  	_ =	swait.ge [sflag:s22], $0x2710  }
0x3e: {  	[sflag:s22] =	ssyncset.done $0x0  }
0x3f: {  	[sflag:s22] =	ssyncadd.s32 $0xFFFFD8F0  }
0x40: {  	_ =	swait.ge [sflag:s23], $0x2710  }
0x41: {  	[sflag:s23] =	ssyncset.done $0x0  }
0x42: {  	[sflag:s23] =	ssyncadd.s32 $0xFFFFD8F0  }
0x43: {  	s16 =	simm.s32 $0xA000;
	[bflag:$0x0] =	sbarrier.arrive $0xFFFF  }
0x44: {  	[tilespmem:s25], [sflag:$0x1] =	stream.indirect.gather [hbm4b:s4+s24], $0x40, s16, s24, $0xb8;
	[tilespmem:$0x19220] =	vst v63  }
0x45: {  	s17 =	simm.s32 $0xA050  }
0x46: {  	[tilespmem:s28], [sflag:$0x2] =	stream.indirect.gather [hbm4b:s4+s24], $0x40, s17, s24, $0xb8;
	[tilespmem:$0x19220] =	vst v63  }
0x47: {  	s16 =	simm.s32 $0xA0A0  }
0x48: {  	[tilespmem:s30], [sflag:$0x3] =	stream.indirect.gather [hbm4b:s4+s24], $0x40, s16, s24, $0xb8;
	[tilespmem:$0x19220] =	vst v63  }
0x49: {  	s17 =	simm.s32 $0xA0F0  }
0x4a: {  	[tilespmem:s1], [sflag:$0x4] =	stream.indirect.gather [hbm4b:s4+s24], $0x40, s17, s24, $0xb8;
	[tilespmem:$0x19220] =	vst v63  }
0x4b: {  	s16 =	simm.s32 $0xA140  }
0x4c: {  	[tilespmem:s19], [sflag:$0x5] =	stream.indirect.gather [hbm4b:s4+s24], $0x40, s16, s24, $0xb8;
	[tilespmem:$0x19220] =	vst v63  }
0x4d: {  	_ =	swait.ge [sflag:s22], $0x1400  }
0x4e: {  	[sflag:s22] =	ssyncset.done $0x0  }
0x4f: {  	s17 =	simm.s32 $0xC710;
	[sflag:s22] =	ssyncadd.s32 $0xFFFFEC00  }
0x50: {  	[spmem:s2] =	stream.indirect.scatter.add.f32 [tilespmem:s25], [sflag:$0x6], $0x40, s17, s24, $0xb8;
	[tilespmem:$0x19220] =	vst v63  }
0x51: {  	_ =	swait.ge [sflag:s23], $0x1400  }
0x52: {  	[sflag:s23] =	ssyncset.done $0x0  }
0x53: {  	s16 =	simm.s32 $0xC760;
	[sflag:s23] =	ssyncadd.s32 $0xFFFFEC00  }
0x54: {  	[spmem:s2] =	stream.indirect.scatter.add.f32 [tilespmem:s28], [sflag:$0x7], $0x40, s16, s24, $0xb8;
	[tilespmem:$0x19220] =	vst v63  }
0x55: {  	_ =	swait.ge [sflag:s26], $0x1400  }
0x56: {  	[sflag:s26] =	ssyncset.done $0x0  }
0x57: {  	s17 =	simm.s32 $0xC7B0;
	[sflag:s26] =	ssyncadd.s32 $0xFFFFEC00  }
0x58: {  	[spmem:s2] =	stream.indirect.scatter.add.f32 [tilespmem:s30], [sflag:$0x8], $0x40, s17, s24, $0xb8;
	[tilespmem:$0x19220] =	vst v63  }
0x59: {  	_ =	swait.ge [sflag:s29], $0x1400  }
0x5a: {  	[sflag:s29] =	ssyncset.done $0x0  }
0x5b: {  	s16 =	simm.s32 $0xC800;
	[sflag:s29] =	ssyncadd.s32 $0xFFFFEC00  }
0x5c: {  	[spmem:s2] =	stream.indirect.scatter.add.f32 [tilespmem:s1], [sflag:$0x9], $0x40, s16, s24, $0xb8;
	[tilespmem:$0x19220] =	vst v63  }
0x5d: {  	_ =	swait.ge [sflag:s31], $0x1400  }
0x5e: {  	[sflag:s31] =	ssyncset.done $0x0  }
0x5f: {  	s17 =	simm.s32 $0xC850;
	[sflag:s31] =	ssyncadd.s32 $0xFFFFEC00  }
0x60: {  	[spmem:s2] =	stream.indirect.scatter.add.f32 [tilespmem:s19], [sflag:$0xA], $0x40, s17, s24, $0xb8;
	[tilespmem:$0x19220] =	vst v63  }
0x61: {  	_ =	swait.ge [sflag:s0], $0x1400  }
0x62: {  	[sflag:s0] =	ssyncset.done $0x0  }
0x63: {  	s16 =	simm.s32 $0xA190;
	[sflag:s0] =	ssyncadd.s32 $0xFFFFEC00  }
0x64: {  	[tilespmem:s25], [sflag:$0x1] =	stream.indirect.gather [hbm4b:s4+s24], $0x40, s16, s24, $0xb8;
	[tilespmem:$0x19220] =	vst v63  }
0x65: {  	_ =	swait.ge [sflag:s5], $0x1400  }
0x66: {  	[sflag:s5] =	ssyncset.done $0x0  }
0x67: {  	s17 =	simm.s32 $0xA1E0;
	[sflag:s5] =	ssyncadd.s32 $0xFFFFEC00  }
0x68: {  	[tilespmem:s28], [sflag:$0x2] =	stream.indirect.gather [hbm4b:s4+s24], $0x40, s17, s24, $0xb8;
	[tilespmem:$0x19220] =	vst v63  }
0x69: {  	_ =	swait.ge [sflag:s6], $0x1400  }
0x6a: {  	[sflag:s6] =	ssyncset.done $0x0  }
0x6b: {  	s16 =	simm.s32 $0xA230;
	[sflag:s6] =	ssyncadd.s32 $0xFFFFEC00  }
0x6c: {  	[tilespmem:s30], [sflag:$0x3] =	stream.indirect.gather [hbm4b:s4+s24], $0x40, s16, s24, $0xb8;
	[tilespmem:$0x19220] =	vst v63  }
0x6d: {  	_ =	swait.ge [sflag:s12], $0x1400  }
0x6e: {  	[sflag:s12] =	ssyncset.done $0x0  }
0x6f: {  	s17 =	simm.s32 $0xA280;
	[sflag:s12] =	ssyncadd.s32 $0xFFFFEC00  }
0x70: {  	[tilespmem:s1], [sflag:$0x4] =	stream.indirect.gather [hbm4b:s4+s24], $0x40, s17, s24, $0xb8;
	[tilespmem:$0x19220] =	vst v63  }
0x71: {  	_ =	swait.ge [sflag:s13], $0x1400  }
0x72: {  	[sflag:s13] =	ssyncset.done $0x0  }
0x73: {  	s15 =	simm.s32 $0x640;
	s16 =	simm.s32 $0xA2D0;
	[sflag:s13] =	ssyncadd.s32 $0xFFFFEC00  }
.LBB2_4:
0x74: {  	[tilespmem:s19], [sflag:$0x5] =	stream.indirect.gather [hbm4b:s4+s24], $0x40, s16, s24, $0xb8;
	[tilespmem:$0x19220] =	vst v63  }
0x75: {  	s16 =	smov.u32 s15  }
0x76: {  	p0 =	sne.s32 s15, $0x8FC0;
	s15 =	sadd.s32 $0x640, s15;
	_ =	swait.ge [sflag:s22], $0x1400  }
0x77: {  	s16 =	sshra.s32 s16, $0x2;
	[sflag:s22] =	ssyncset.done $0x0  }
0x78: {  	s17 =	sadd.s32 $0xC710, s16;
	[sflag:s22] =	ssyncadd.s32 $0xFFFFEC00  }
0x79: {  	[spmem:s2] =	stream.indirect.scatter.add.f32 [tilespmem:s25], [sflag:$0x6], $0x40, s17, s24, $0xb8;
	[tilespmem:$0x19220] =	vst v63  }
0x7a: {  	_ =	swait.ge [sflag:s23], $0x1400  }
0x7b: {  	[sflag:s23] =	ssyncset.done $0x0  }
0x7c: {  	s17 =	sadd.s32 $0xC760, s16;
	[sflag:s23] =	ssyncadd.s32 $0xFFFFEC00  }
0x7d: {  	[spmem:s2] =	stream.indirect.scatter.add.f32 [tilespmem:s28], [sflag:$0x7], $0x40, s17, s24, $0xb8;
	[tilespmem:$0x19220] =	vst v63  }
0x7e: {  	_ =	swait.ge [sflag:s26], $0x1400  }
0x7f: {  	[sflag:s26] =	ssyncset.done $0x0  }
0x80: {  	s17 =	sadd.s32 $0xC7B0, s16;
	[sflag:s26] =	ssyncadd.s32 $0xFFFFEC00  }
0x81: {  	[spmem:s2] =	stream.indirect.scatter.add.f32 [tilespmem:s30], [sflag:$0x8], $0x40, s17, s24, $0xb8;
	[tilespmem:$0x19220] =	vst v63  }
0x82: {  	_ =	swait.ge [sflag:s29], $0x1400  }
0x83: {  	[sflag:s29] =	ssyncset.done $0x0  }
0x84: {  	s17 =	sadd.s32 $0xC800, s16;
	[sflag:s29] =	ssyncadd.s32 $0xFFFFEC00  }
0x85: {  	[spmem:s2] =	stream.indirect.scatter.add.f32 [tilespmem:s1], [sflag:$0x9], $0x40, s17, s24, $0xb8;
	[tilespmem:$0x19220] =	vst v63  }
0x86: {  	_ =	swait.ge [sflag:s31], $0x1400  }
0x87: {  	[sflag:s31] =	ssyncset.done $0x0  }
0x88: {  	s17 =	sadd.s32 $0xC850, s16;
	[sflag:s31] =	ssyncadd.s32 $0xFFFFEC00  }
0x89: {  	[spmem:s2] =	stream.indirect.scatter.add.f32 [tilespmem:s19], [sflag:$0xA], $0x40, s17, s24, $0xb8;
	[tilespmem:$0x19220] =	vst v63  }
0x8a: {  	_ =	swait.ge [sflag:s0], $0x1400  }
0x8b: {  	[sflag:s0] =	ssyncset.done $0x0  }
0x8c: {  	s17 =	sadd.s32 $0xA190, s16;
	[sflag:s0] =	ssyncadd.s32 $0xFFFFEC00  }
0x8d: {  	[tilespmem:s25], [sflag:$0x1] =	stream.indirect.gather [hbm4b:s4+s24], $0x40, s17, s24, $0xb8;
	[tilespmem:$0x19220] =	vst v63  }
0x8e: {  	_ =	swait.ge [sflag:s5], $0x1400  }
0x8f: {  	[sflag:s5] =	ssyncset.done $0x0  }
0x90: {  	s17 =	sadd.s32 $0xA1E0, s16;
	[sflag:s5] =	ssyncadd.s32 $0xFFFFEC00  }
0x91: {  	[tilespmem:s28], [sflag:$0x2] =	stream.indirect.gather [hbm4b:s4+s24], $0x40, s17, s24, $0xb8;
	[tilespmem:$0x19220] =	vst v63  }
0x92: {  	_ =	swait.ge [sflag:s6], $0x1400  }
0x93: {  	[sflag:s6] =	ssyncset.done $0x0  }
0x94: {  	s17 =	sadd.s32 $0xA230, s16;
	[sflag:s6] =	ssyncadd.s32 $0xFFFFEC00  }
0x95: {  	[tilespmem:s30], [sflag:$0x3] =	stream.indirect.gather [hbm4b:s4+s24], $0x40, s17, s24, $0xb8;
	[tilespmem:$0x19220] =	vst v63  }
0x96: {  	_ =	swait.ge [sflag:s12], $0x1400  }
0x97: {  	[sflag:s12] =	ssyncset.done $0x0  }
.Ltmp1:
0x98: {  	s17 =	sadd.s32 $0xA280, s16;
	[sflag:s12] =	ssyncadd.s32 $0xFFFFEC00;
	(pc) =	sbr.rel @p0 .LBB2_4-.Ltmp1, $4  }
0x99: {  	[tilespmem:s1], [sflag:$0x4] =	stream.indirect.gather [hbm4b:s4+s24], $0x40, s17, s24, $0xb8;
	[tilespmem:$0x19220] =	vst v63  }
0x9a: {  	_ =	swait.ge [sflag:s13], $0x1400  }
0x9b: {  	[sflag:s13] =	ssyncset.done $0x0  }
0x9c: {  	s16 =	sadd.s32 $0xA2D0, s16;
	[sflag:s13] =	ssyncadd.s32 $0xFFFFEC00  }
0x9d: {  	[tilespmem:s19], [sflag:$0x5] =	stream.indirect.gather [hbm4b:s4+s24], $0x40, s16, s24, $0xb8;
	[tilespmem:$0x19220] =	vst v63  }
0x9e: {  	_ =	swait.ge [sflag:s22], $0x1400  }
0x9f: {  	[sflag:s22] =	ssyncset.done $0x0  }
0xa0: {  	s15 =	simm.s32 $0xEC90;
	[sflag:s22] =	ssyncadd.s32 $0xFFFFEC00  }
0xa1: {  	[spmem:s2] =	stream.indirect.scatter.add.f32 [tilespmem:s25], [sflag:$0x6], $0x40, s15, s24, $0xb8;
	[tilespmem:$0x19220] =	vst v63  }
0xa2: {  	_ =	swait.ge [sflag:s23], $0x1400  }
0xa3: {  	[sflag:s23] =	ssyncset.done $0x0  }
0xa4: {  	s16 =	simm.s32 $0xECE0;
	[sflag:s23] =	ssyncadd.s32 $0xFFFFEC00  }
0xa5: {  	[spmem:s2] =	stream.indirect.scatter.add.f32 [tilespmem:s28], [sflag:$0x7], $0x40, s16, s24, $0xb8;
	[tilespmem:$0x19220] =	vst v63  }
0xa6: {  	_ =	swait.ge [sflag:s26], $0x1400  }
0xa7: {  	[sflag:s26] =	ssyncset.done $0x0  }
0xa8: {  	s17 =	simm.s32 $0xED30;
	[sflag:s26] =	ssyncadd.s32 $0xFFFFEC00  }
0xa9: {  	[spmem:s2] =	stream.indirect.scatter.add.f32 [tilespmem:s30], [sflag:$0x8], $0x40, s17, s24, $0xb8;
	[tilespmem:$0x19220] =	vst v63  }
0xaa: {  	_ =	swait.ge [sflag:s29], $0x1400  }
0xab: {  	[sflag:s29] =	ssyncset.done $0x0  }
0xac: {  	s16 =	simm.s32 $0xED80;
	[sflag:s29] =	ssyncadd.s32 $0xFFFFEC00  }
0xad: {  	[spmem:s2] =	stream.indirect.scatter.add.f32 [tilespmem:s1], [sflag:$0x9], $0x40, s16, s24, $0xb8;
	[tilespmem:$0x19220] =	vst v63  }
0xae: {  	_ =	swait.ge [sflag:s31], $0x1400  }
0xaf: {  	[sflag:s31] =	ssyncset.done $0x0  }
0xb0: {  	s17 =	simm.s32 $0xEDD0;
	[sflag:s31] =	ssyncadd.s32 $0xFFFFEC00  }
0xb1: {  	[spmem:s2] =	stream.indirect.scatter.add.f32 [tilespmem:s19], [sflag:$0xA], $0x40, s17, s24, $0xb8;
	[tilespmem:$0x19220] =	vst v63  }
0xb2: {  	_ =	swait.ge [sflag:s0], $0x1400  }
0xb3: {  	[sflag:s0] =	ssyncset.done $0x0  }
0xb4: {  	[sflag:s0] =	ssyncadd.s32 $0xFFFFEC00  }
0xb5: {  	_ =	swait.ge [sflag:s5], $0x1400  }
0xb6: {  	[sflag:s5] =	ssyncset.done $0x0  }
0xb7: {  	[sflag:s5] =	ssyncadd.s32 $0xFFFFEC00  }
0xb8: {  	_ =	swait.ge [sflag:s6], $0x1400  }
0xb9: {  	[sflag:s6] =	ssyncset.done $0x0  }
0xba: {  	[sflag:s6] =	ssyncadd.s32 $0xFFFFEC00  }
0xbb: {  	_ =	swait.ge [sflag:s12], $0x1400  }
0xbc: {  	[sflag:s12] =	ssyncset.done $0x0  }
0xbd: {  	[sflag:s12] =	ssyncadd.s32 $0xFFFFEC00  }
0xbe: {  	_ =	swait.ge [sflag:s13], $0x1400  }
0xbf: {  	[sflag:s13] =	ssyncset.done $0x0  }
0xc0: {  	[sflag:s13] =	ssyncadd.s32 $0xFFFFEC00  }
0xc1: {  	[bflag:$0x0] =	sbarrier.arrive $0xFFFF  }
0xc2: {  	[tilespmem:s20], [sflag:$0x1] =	stream.linear.gather [spmem:s7], $0x2000, $0x38;
	[tilespmem:$0x19220] =	vst v63  }
0xc3: {  	_ =	swait.ge [sflag:s22], $0x2000  }
0xc4: {  	[sflag:s22] =	ssyncset.done $0x0  }
0xc5: {  	s16 =	rddreg [dreg:$0x5];
	[sflag:s22] =	ssyncadd.s32 $0xFFFFE000  }
0xc6: {  	[hbm4b:s16+s3] =	stream.linear.scatter [tilespmem:s20], [sflag:$0x6], $0x2000, $0x38;
	[tilespmem:$0x19220] =	vst v63  }
0xc7: {  	_ = 	snop  }
0xc8: {  	[tilespmem:s18], [sflag:$0x2] =	stream.linear.gather [spmem:s8], $0x2000, $0x38;
	[tilespmem:$0x19220] =	vst v63  }
0xc9: {  	_ =	swait.ge [sflag:s23], $0x2000  }
0xca: {  	[sflag:s23] =	ssyncset.done $0x0  }
0xcb: {  	s17 =	rddreg [dreg:$0x6];
	[sflag:s23] =	ssyncadd.s32 $0xFFFFE000  }
0xcc: {  	[hbm4b:s17+s3] =	stream.linear.scatter [tilespmem:s18], [sflag:$0x7], $0x2000, $0x38;
	[tilespmem:$0x19220] =	vst v63  }
0xcd: {  	_ =	swait.ge [sflag:s0], $0x2000  }
0xce: {  	[sflag:s0] =	ssyncset.done $0x0  }
0xcf: {  	[sflag:s0] =	ssyncadd.s32 $0xFFFFE000  }
0xd0: {  	[tilespmem:s20], [sflag:$0x1] =	stream.linear.gather [spmem:s9], $0x2000, $0x38;
	[tilespmem:$0x19220] =	vst v63  }
0xd1: {  	_ =	swait.ge [sflag:s22], $0x2000  }
0xd2: {  	[sflag:s22] =	ssyncset.done $0x0  }
0xd3: {  	s16 =	rddreg [dreg:$0x7];
	[sflag:s22] =	ssyncadd.s32 $0xFFFFE000  }
0xd4: {  	[hbm4b:s16+s3] =	stream.linear.scatter [tilespmem:s20], [sflag:$0x6], $0x2000, $0x38;
	[tilespmem:$0x19220] =	vst v63  }
0xd5: {  	_ =	swait.ge [sflag:s5], $0x2000  }
0xd6: {  	[sflag:s5] =	ssyncset.done $0x0  }
0xd7: {  	[sflag:s5] =	ssyncadd.s32 $0xFFFFE000  }
0xd8: {  	[tilespmem:s18], [sflag:$0x2] =	stream.linear.gather [spmem:s10], $0x2000, $0x38;
	[tilespmem:$0x19220] =	vst v63  }
0xd9: {  	_ =	swait.ge [sflag:s23], $0x2000  }
0xda: {  	[sflag:s23] =	ssyncset.done $0x0  }
0xdb: {  	s17 =	rddreg [dreg:$0x8];
	[sflag:s23] =	ssyncadd.s32 $0xFFFFE000  }
0xdc: {  	[hbm4b:s17+s3] =	stream.linear.scatter [tilespmem:s18], [sflag:$0x7], $0x2000, $0x38;
	[tilespmem:$0x19220] =	vst v63  }
0xdd: {  	_ =	swait.ge [sflag:s0], $0x2000  }
0xde: {  	[sflag:s0] =	ssyncset.done $0x0  }
0xdf: {  	[sflag:s0] =	ssyncadd.s32 $0xFFFFE000  }
0xe0: {  	[tilespmem:s20], [sflag:$0x1] =	stream.linear.gather [spmem:s11], $0x2000, $0x38;
	[tilespmem:$0x19220] =	vst v63  }
0xe1: {  	_ =	swait.ge [sflag:s22], $0x2000  }
0xe2: {  	[sflag:s22] =	ssyncset.done $0x0  }
0xe3: {  	s16 =	rddreg [dreg:$0x9];
	[sflag:s22] =	ssyncadd.s32 $0xFFFFE000  }
0xe4: {  	[hbm4b:s16+s3] =	stream.linear.scatter [tilespmem:s20], [sflag:$0x6], $0x2000, $0x38;
	[tilespmem:$0x19220] =	vst v63  }
0xe5: {  	_ =	swait.ge [sflag:s5], $0x2000  }
0xe6: {  	[sflag:s5] =	ssyncset.done $0x0  }
0xe7: {  	[sflag:s5] =	ssyncadd.s32 $0xFFFFE000  }
0xe8: {  	_ =	swait.ge [sflag:s0], $0x2000  }
0xe9: {  	s14 =	sadd.s32 $0x1, s14;
	s17 =	rddreg [dreg:$0xa]  }
0xea: {  	p0 =	sne.s32 s14, s17  }
.Ltmp2:
0xeb: {  	_ = 	snop;
	(pc) =	sbr.rel @p0 .LBB2_1-.Ltmp2, $3  }
0xec: {  	_ =	sdelay $0x1  }
0xed: {  	[sflag:s0] =	ssyncset.done $0x0  }
0xee: {  	[sflag:s0] =	ssyncadd.s32 $0xFFFFE000  }
0xef: {  	_ =	sfence.sel $0x180000  }
0xf0: {  	[bflag:$0x0] =	sbarrier.arrive $0xFFFF  }
0xf1: {  	_ =	strace $0x9000004A  }
0xf2: {  	s0 =	stileid.u32;
	[bflag:$0x2] =	sbarrier.arrive $0xFFFF  }
0xf3: {  	p0 =	sne.s32 s0, $0x0;
	s0 =	rddreg [dreg:$0x2]  }
0xf4: {  	s0 =	sadd.s32 @!p0 $0x100000, s0  }
0xf5: {  	[sflag:s0] =	ssyncadd.tile.s32 @!p0 $0x1;
	_ =	shalt  }
.Lfunc_end2:
_tile_overlayer_lowered:
.L_overlay_start_2:
0xf6: {  	(tag) =	ssettag $0x2  }
0xf7: {  	s0 =	rddreg [dreg:$0x0];
	s2 =	stileid.u32  }
0xf8: {  	s1 =	rddreg [dreg:$0x1];
	p0 =	sne.s32 s2, $0x0  }
0xf9: {  	s3 =	rddreg [dreg:$0x2];
	[bflag:$0x3] =	sbarrier.arrive $0xFFFF;
	s2 =	simm.s32 @!p0 $0x1C0B  }
0xfa: {  	[timem:s3], [sflag:s2] =	dma.local @!p0 [hbm:s0], s1  }
0xfb: {  	s0 =	simm.s32 @!p0 $0xB  }
0xfc: {  	_ =	swait.ge @!p0 [sflag:s0], s1  }
0xfd: {  	s1 =	ssub.s32 @!p0 $0x0, s1;
	[sflag:s0] =	ssyncset.done @!p0 $0x0  }
0xfe: {  	[sflag:s0] =	ssyncadd.s32 @!p0 s1  }
0xff: {  	[bflag:$0x3] =	sbarrier.arrive $0xFFFF  }
0x100: {  	_ =	shalt  }

// kernel: kernel.16.cloned.1.call-start
scs
__scs_entry_jumppad:
0x0: {  	(pc) =	sbr.rel $0x88, $3  }
0x1: {  	(tag) =	ssettag $0x0;
	lr =	simm.s32 $0x1  }
0x2: {  	[smem:$0x3F95] =	sst lr;
	_ =	strace $0xD0000000  }
0x3: {  	_ = 	snop  }
0x4: {  	_ = 	snop  }
0x5: {  	_ = 	snop  }
0x6: {  	_ = 	snop  }
0x7: {  	_ = 	snop  }
__scs_overlays_trampoline_lowered:
0x8: {  	[smem:$0x3FA4] =	sst s0  }
0x9: {  	[smem:$0x3FA5] =	sst s1  }
0xa: {  	[smem:$0x3FA6] =	sst s2  }
0xb: {  	[smem:$0x3FA7] =	sst s3  }
0xc: {  	[smem:$0x3FA8] =	sst s4  }
0xd: {  	[smem:$0x3FA9] =	sst s5  }
0xe: {  	[smem:$0x3FAA] =	sst s6  }
0xf: {  	[smem:$0x3FAB] =	sst s7  }
0x10: {  	[smem:$0x3FAC] =	sst s8  }
0x11: {  	[smem:$0x3FAD] =	sst s9;
	s0 =	simm.s32 @!p0 $0x0  }
0x12: {  	s1 =	sld [smem:$0x3F93];
	s0 =	simm.s32 @p0 $0x1  }
0x13: {  	[smem:$0x3FAE] =	sst s0;
	s0 =	simm.s32 @!p1 $0x0  }
0x14: {  	s2 =	sld [smem:$0x3F92];
	s0 =	simm.s32 @p1 $0x1  }
0x15: {  	[smem:$0x3FAF] =	sst s0;
	s0 =	simm.s32 @!p2 $0x0  }
0x16: {  	s3 =	sld [smem:$0x3FDB];
	s0 =	simm.s32 @p2 $0x1  }
0x17: {  	s4 =	simm.s32 $0x1BF5;
	[smem:$0x3FB1] =	sst s0  }
0x18: {  	s0 =	sld [smem:$0x3F94];
	_ =	swait.ge [sflag:s4], $0x0  }
0x19: {  	s7 =	sld [smem:$0x3F95]  }
0x1a: {  	s8 =	sadd.s32 $0xFFFFE003, lr  }
0x1b: {  	s9 =	sadd.s32 $0xFFFFFEF7, lr;
	s5 =	simm.s32 $0xFFFFFFFF;
	p2 =	slt.u32 s8, $0xFFFFF086  }
0x1c: {  	p1 =	slt.u32 s9, $0xF7A;
	s5 =	simm.s32 @!p2 $0x0  }
0x1d: {  	s5 =	simm.s32 @p1 $0x1;
	p0 =	seq.s32 s7, s2  }
0x1e: {  	s7 =	smul.u32 @!p0 $0xF7A, s2;
	p2 =	seq.s32 @!p0 s5, $0x0  }
0x1f: {  	s9 =	smul.u32 $0xF7A, s1;
	s8 =	simm.s32 @!p0 $0x1BF5;
	p2 =	por !p2, p0  }
0x20: {  	[sflag:s8] =	ssyncset.s32 @!p0 $0xFFFFF086;
	s6 =	sadd.s32 @!p0 s3, s7;
	s7 =	simm.s32 @!p0 $0x108  }
0x21: {  	s3 =	sadd.s32 s3, s9;
	s6 =	sadd.s32 @!p0 $0x88, s6;
	s7 =	simm.s32 @p2 $0x1082  }
0x22: {  	[simem:s7], [sflag:s8] =	dma.local @!p0 [hbm:s6], $0xF7A  }
0x23: {  	s9 =	sor.u32 $0xD0000000, s2;
	s6 =	simm.s32 $0x108;
	_ =	swait.ge @!p0 [sflag:s8], $0x0  }
0x24: {  	s3 =	sadd.s32 $0x88, s3;
	s6 =	simm.s32 @!p1 $0x1082;
	[sflag:s4] =	ssyncset.s32 $0xFFFFF086  }
0x25: {  	[simem:s6], [sflag:s4] =	dma.local [hbm:s3], $0xF7A  }
0x26: {  	[smem:$0x3F95] =	sst s1;
	(tag) =	ssettag s2;
	_ =	strace s9  }
0x27: {  	s1 =	sld [smem:$0x3FA5]  }
0x28: {  	s2 =	sld [smem:$0x3FA6]  }
0x29: {  	s4 =	sld [smem:$0x3FA8]  }
0x2a: {  	p0 =	seq.s32 s5, $0x0;
	s5 =	sld [smem:$0x3FA9]  }
0x2b: {  	s6 =	sld [smem:$0x3FAA]  }
0x2c: {  	s7 =	sld [smem:$0x3FAB]  }
0x2d: {  	s3 =	simm.s32 $0x108;
	s8 =	sld [smem:$0x3FAC]  }
0x2e: {  	s3 =	simm.s32 @!p0 $0x1082;
	s9 =	sld [smem:$0x3FAD]  }
0x2f: {  	lr =	sadd.s32 s0, s3;
	s0 =	sld [smem:$0x3FA4]  }
0x30: {  	s3 =	sld [smem:$0x3FA7]  }
0x31: {  	[smem:$0x3FB0] =	sst s10  }
0x32: {  	s10 =	sld [smem:$0x3FAE];
	_ =	sdelay $0x3  }
0x33: {  	p0 =	seq.s32 s10, $0x1;
	s10 =	sld [smem:$0x3FB0];
	_ =	sdelay $0x3  }
0x34: {  	[smem:$0x3FB0] =	sst s10  }
0x35: {  	s10 =	sld [smem:$0x3FAF];
	_ =	sdelay $0x3  }
0x36: {  	p1 =	seq.s32 s10, $0x1;
	s10 =	sld [smem:$0x3FB0];
	_ =	sdelay $0x3  }
0x37: {  	[smem:$0x3FB0] =	sst s10  }
0x38: {  	s10 =	sld [smem:$0x3FB1]  }
0x39: {  	_ = 	snop;
	(pc) =	sbr.ind lr, $3  }
0x3a: {  	_ = 	snop  }
0x3b: {  	_ = 	snop  }
0x3c: {  	p2 =	seq.s32 s10, $0x1;
	s10 =	sld [smem:$0x3FB0]  }
0x3d: {  	_ =	shalt  }
0x3e: {  	_ =	shalt  }
0x3f: {  	_ =	shalt  }
0x40: {  	_ =	shalt  }
0x41: {  	_ =	shalt  }
0x42: {  	_ =	shalt  }
0x43: {  	_ =	shalt  }
0x44: {  	_ =	shalt  }
0x45: {  	_ =	shalt  }
0x46: {  	_ =	shalt  }
0x47: {  	_ =	shalt  }
0x48: {  	_ =	shalt  }
0x49: {  	_ =	shalt  }
0x4a: {  	_ =	shalt  }
0x4b: {  	_ =	shalt  }
0x4c: {  	_ =	shalt  }
0x4d: {  	_ =	shalt  }
0x4e: {  	_ =	shalt  }
0x4f: {  	_ =	shalt  }
0x50: {  	_ =	shalt  }
0x51: {  	_ =	shalt  }
0x52: {  	_ =	shalt  }
0x53: {  	_ =	shalt  }
0x54: {  	_ =	shalt  }
0x55: {  	_ =	shalt  }
0x56: {  	_ =	shalt  }
0x57: {  	_ =	shalt  }
0x58: {  	_ =	shalt  }
0x59: {  	_ =	shalt  }
0x5a: {  	_ =	shalt  }
0x5b: {  	_ =	shalt  }
0x5c: {  	_ =	shalt  }
0x5d: {  	_ =	shalt  }
0x5e: {  	_ =	shalt  }
0x5f: {  	_ =	shalt  }
0x60: {  	_ =	shalt  }
0x61: {  	_ =	shalt  }
0x62: {  	_ =	shalt  }
0x63: {  	_ =	shalt  }
0x64: {  	_ =	shalt  }
0x65: {  	_ =	shalt  }
0x66: {  	_ =	shalt  }
0x67: {  	_ =	shalt  }
0x68: {  	_ =	shalt  }
0x69: {  	_ =	shalt  }
0x6a: {  	_ =	shalt  }
0x6b: {  	_ =	shalt  }
0x6c: {  	_ =	shalt  }
0x6d: {  	_ =	shalt  }
0x6e: {  	_ =	shalt  }
0x6f: {  	_ =	shalt  }
0x70: {  	_ =	shalt  }
0x71: {  	_ =	shalt  }
0x72: {  	_ =	shalt  }
0x73: {  	_ =	shalt  }
0x74: {  	_ =	shalt  }
0x75: {  	_ =	shalt  }
0x76: {  	_ =	shalt  }
0x77: {  	_ =	shalt  }
0x78: {  	_ =	shalt  }
0x79: {  	_ =	shalt  }
0x7a: {  	_ =	shalt  }
0x7b: {  	_ =	shalt  }
0x7c: {  	_ =	shalt  }
0x7d: {  	_ =	shalt  }
0x7e: {  	_ =	shalt  }
0x7f: {  	_ =	shalt  }
0x80: {  	_ =	shalt  }
0x81: {  	_ =	shalt  }
0x82: {  	_ =	shalt  }
0x83: {  	_ =	shalt  }
0x84: {  	_ =	shalt  }
0x85: {  	_ =	shalt  }
0x86: {  	_ =	shalt  }
0x87: {  	_ =	shalt  }
.Lfunc_end0:
.L_simem_size_0:
called_computation.2_lowered:
.L_overlay_start_0:
0x88: {  	s2 =	sld [smem:$0x3FD9]  }
0x89: {  	s3 =	sld [smem:$0x3FFE];
	_ =	sdelay $0x1  }
0x8a: {  	s1 =	srdreg.scid  }
0x8b: {  	s0 =	sand.u32 $0x1, s1  }
0x8c: {  	s16 =	sshll.u32 s0, $0xA;
	s2 =	sadd.s32 s3, s2  }
0x8d: {  	s2 =	sadd.s32 s2, s16  }
0x8e: {  	[smem:$0x3FBC] =	sst s2  }
0x8f: {  	_ = 	snop  }
0x90: {  	(tm) =	ssettm $0x1  }
0x91: {  	s17 =	sld [smem:$0x3FFB];
	_ =	sdelay $0x3  }
0x92: {  	_ =	strace s17  }
0x93: {  	s2 =	sld [smem:$0x3FFC];
	_ =	sdelay $0x3  }
0x94: {  	_ =	strace s2  }
0x95: {  	s2 =	sld [smem:$0x3FFD];
	_ =	sdelay $0x3  }
0x96: {  	_ =	strace s2  }
0x97: {  	_ =	strace $0x8FFFFFFF  }
0x98: {  	s18 =	sld [smem:$0x3FDB];
	_ =	sdelay $0x1  }
0x99: {  	s19 =	simm.s32 $_scs_section_size  }
0x9a: {  	s4 =	simm.s32 $_size__tile_overlayer_lowered;
	s5 =	simm.s32 $_tile_overlayer_lowered  }
0x9b: {  	s22 =	simm.s32 $0x1BFF;
	s21 =	sshll.u32 s5, $0x1;
	s2 =	sadd.s32 s19, s18  }
0x9c: {  	s6 =	simm.s32 $0x0;
	s20 =	sshll.u32 s4, $0x1;
	s4 =	sadd.s32 s21, s2  }
0x9d: {  	[timem:s6], [sflag:s22] =	dma.local [hbm:s4], s20  }
0x9e: {  	_ =	swait.ge [sflag:s22], s20  }
0x9f: {  	s3 =	ssub.s32 $0x0, s20;
	[sflag:s22] =	ssyncset.done $0x0  }
0xa0: {  	[sflag:s22] =	ssyncadd.s32 s3;
	_ =	sdelay $0x1  }
0xa1: {  	s23 =	simm.s32 $0x1B8B  }
0xa2: {  	_ =	swait.ge [sflag:s23], $0x1  }
0xa3: {  	[sflag:s23] =	ssyncset.done $0x0  }
0xa4: {  	s25 =	simm.s32 $0x1B8E;
	s24 =	sld [smem:$0x3FFE];
	[sflag:s23] =	ssyncadd.s32 $0xFFFFFFFF  }
0xa5: {  	s26 =	simm.s32 $execute0_lowered;
	[smem:$0x3FD2] =	sst s25  }
0xa6: {  	s4 =	sshll.u32 s26, $0x1;
	_ =	strace $0x8000004C;
	[dreg:$0x1] =	wrdreg $0xFFFFFFFF  }
0xa7: {  	s28 =	simm.s32 $_size_execute0_lowered;
	s2 =	sadd.s32 s2, s4;
	[dreg:$0x0] =	wrdreg $0x0  }
0xa8: {  	s4 =	sshll.u32 s28, $0x1;
	[dreg:$0x2] =	wrdreg s2  }
0xa9: {  	[dreg:$0x3] =	wrdreg s4  }
0xaa: {  	[dreg:$0x4] =	wrdreg $0xC0  }
0xab: {  	_ =	task [dreg:s6], $0x5FFFF  }
0xac: {  	[dreg:$0x1] =	wrdreg $0xFFFFFFFF  }
0xad: {  	[dreg:$0x0] =	wrdreg $0x60  }
0xae: {  	[dreg:$0x2] =	wrdreg s24  }
0xaf: {  	[dreg:$0x3] =	wrdreg $0x0  }
0xb0: {  	[dreg:$0x4] =	wrdreg $0x9  }
0xb1: {  	_ =	task.clear_ibuf [dreg:s6], $0x5FFFF;
	_ =	strace $0x9000004C  }
0xb2: {  	s29 =	simm.s32 $0x9;
	_ =	strace $0x8000004E  }
0xb3: {  	_ =	swait.ge [sflag:s29], $0x1  }
0xb4: {  	[sflag:s29] =	ssyncadd.s32 $0xFFFFFFFF  }
0xb5: {  	_ =	strace $0x9000004E  }
0xb6: {  	_ =	sfence  }
0xb7: {  	s30 =	sld [smem:$0x0];
	_ =	sdelay $0x2  }
0xb8: {  	s31 =	sshll.u32 s1, $0xD;
	s1 =	sshrl.u32 s1, $0x2  }
0xb9: {  	s3 =	sand.u32 $0x4000, s31;
	s1 =	sadd.s32 s1, s30  }
0xba: {  	s0 =	sor.u32 s3, s0;
	s1 =	sshll.u32 s1, $0x11  }
0xbb: {  	s0 =	sor.u32 s1, s0  }
0xbc: {  	s0 =	sadd.s32 $0x8F2B, s0  }
0xbd: {  	[sflag:s0] =	ssyncadd.remote.s32 $0x1  }
0xbe: {  	_ =	sfence.sel $0xFFFF  }
0xbf: {  	[dreg:$0x0] =	wrdreg $0xFFFFFFFF;
	(pc) =	sbr.abs _section_cstart, $3  }
0xc0: {  	[dreg:$0x1] =	wrdreg $0xFFFFFFFF  }
0xc1: {  	_ =	task.clear_ibuf [dreg:s6], $0x2FFFF;
	_ =	strace $0x9FFFFFFF  }
0xc2: {  	(tm) =	ssettm $0x7FFFFFFF  }
0xc3: {  	_ =	shalt  }
tec
execute0_lowered:
.L_overlay_start_1:
0x0: {  	(tag) =	ssettag $0x1  }
0x1: {  	s0 =	srdreg.scid  }
0x2: {  	s1 =	rddreg [dreg:$0x0];
	s8 =	stileid.u32  }
0x3: {  	s2 =	rddreg [dreg:$0x1];
	s20 =	simm.s32 $0x15220;
	s28 =	simm.s32 $0x10220  }
0x4: {  	s30 =	simm.s32 $0x11620;
	s19 =	simm.s32 $0x13E20;
	s29 =	simm.s32 $0x4  }
0x5: {  	s31 =	simm.s32 $0x5;
	s18 =	simm.s32 $0x17220;
	s0 =	sand.u32 $0x1, s0  }
0x6: {  	s11 =	smul.u32 $0xA000, s8;
	s3 =	sshll.u32 s0, $0x4;
	s6 =	ssub.s32 $0x2, s0  }
0x7: {  	s0 =	smul.u32 $0xA0000, s0;
	s4 =	sor.u32 s8, s3;
	s3 =	simm.s32 $0x0  }
0x8: {  	s7 =	sshrl.u32 s6, $0x1;
	s22 =	sadd.s32 $0x2000, s11;
	s12 =	sadd.s32 $0x4000, s11  }
0x9: {  	s13 =	sadd.s32 $0x6000, s11;
	s15 =	sadd.s32 $0x8000, s11;
	s4 =	smul.u32 $0x2710, s4  }
0xa: {  	[smem:$0x7FF] =	sst s3;
	s6 =	ssub.s32 s6, s7;
	s7 =	sadd.s32 s11, s2  }
0xb: {  	s8 =	sadd.s32 s22, s2;
	s9 =	sadd.s32 s12, s2;
	s10 =	sadd.s32 s13, s2  }
0xc: {  	s14 =	sadd.s32 s11, s0;
	s11 =	sadd.s32 s15, s2;
	s23 =	sadd.s32 s0, s12  }
0xd: {  	s24 =	sadd.s32 s0, s13;
	s13 =	simm.s32 $0xA;
	_ =	strace $0x8000004D  }
0xe: {  	s14 =	sshrl.u32 s14, $0x3;
	s12 =	sshrl.u32 s24, $0x3;
	s26 =	smax.u32 s6, $0x1  }
0xf: {  	s24 =	simm.s32 $0x50;
	s6 =	simm.s32 $0x8;
	s4 =	sshrl.u32 s4, $0x3  }
0x10: {  	[dreg:$0xa] =	wrdreg s26;
	s26 =	simm.s32 $0x3;
	s5 =	sadd.s32 s4, s1  }
0x11: {  	s4 =	sadd.s32 $0x17800, s1;
	s1 =	sadd.s32 $0x2B200, s1;
	s21 =	sadd.s32 $0x3E00, s5  }
0x12: {  	s5 =	sadd.s32 $0xDA40, s5;
	s14 =	sadd.s32 s1, s14;
	[dreg:$0x3] =	wrdreg s21  }
0x13: {  	s25 =	sadd.s32 s1, s12;
	s12 =	simm.s32 $0x9;
	[dreg:$0x4] =	wrdreg s5  }
0x14: {  	s5 =	sadd.s32 s0, s22;
	[dreg:$0x5] =	wrdreg s14;
	s0 =	sadd.s32 s0, s15  }
0x15: {  	[dreg:$0x8] =	wrdreg s25;
	s21 =	simm.s32 $0xB;
	s5 =	sshrl.u32 s5, $0x3  }
0x16: {  	s22 =	simm.s32 $0x1;
	s0 =	sshrl.u32 s0, $0x3;
	s5 =	sadd.s32 s1, s5  }
0x17: {  	s25 =	simm.s32 $0xEE20;
	s0 =	sadd.s32 s1, s0;
	[dreg:$0x6] =	wrdreg s5  }
0x18: {  	s14 =	simm.s32 $0x0;
	s5 =	sshrl.u32 s23, $0x3;
	[dreg:$0x9] =	wrdreg s0  }
0x19: {  	s23 =	simm.s32 $0x2;
	s0 =	simm.s32 $0x6;
	s5 =	sadd.s32 s1, s5  }
0x1a: {  	v0 =	vimm.f32 $0.0e+00;
	s1 =	simm.s32 $0x12A20;
	[dreg:$0x7] =	wrdreg s5;
	s5 =	simm.s32 $0x7  }
.LBB2_1:
0x1b: {  	s15 =	rddreg [dreg:$0x3];
	s16 =	simm.s32 $0xA000  }
0x1c: {  	[tilespmem:s16], [sflag:$0x1] =	stream.linear.gather [hbm4b:s15+s3], $0x2710, $0x38;
	[tilespmem:$0x19220] =	vst v63  }
0x1d: {  	s17 =	simm.s32 $0xC710;
	s16 =	rddreg [dreg:$0x4]  }
0x1e: {  	[tilespmem:s17], [sflag:$0x2] =	stream.linear.gather [hbm4b:s16+s3], $0x2710, $0x38;
	[tilespmem:$0x19220] =	vst v63  }
0x1f: {  	s15 =	simm.s32 $0x0;
	s16 =	simm.s32 $0x100  }
.LBB2_2:
0x20: {  	p0 =	sne.s32 s16, $0x7F00;
	[tilespmem:s15+$0x15250] =	vst v0;
	s17 =	smov.u32 s16;
	s16 =	sadd.s32 $0x100, s16  }
.Ltmp0:
0x21: {  	[tilespmem:s15+$0x15240] =	vst v0;
	(pc) =	sbr.rel @p0 .LBB2_2-.Ltmp0, $3  }
0x22: {  	[tilespmem:s15+$0x15220] =	vst v0  }
0x23: {  	[tilespmem:s15+$0x15230] =	vst v0;
	_ =	sdelay $0x1  }
0x24: {  	s15 =	sshra.s32 s17, $0x2  }
0x25: {  	[tilespmem:s15+$0x15250] =	vst v0  }
0x26: {  	[tilespmem:s15+$0x15240] =	vst v0  }
0x27: {  	[tilespmem:s15+$0x15220] =	vst v0  }
0x28: {  	[tilespmem:s15+$0x15230] =	vst v0  }
0x29: {  	[spmem:s7] =	stream.linear.scatter [tilespmem:s20], [sflag:$0xB], $0x2000, $0x38;
	[tilespmem:$0x19220] =	vst v63  }
0x2a: {  	_ =	swait.ge [sflag:s21], $0x2000  }
0x2b: {  	[sflag:s21] =	ssyncset.done $0x0  }
0x2c: {  	[sflag:s21] =	ssyncadd.s32 $0xFFFFE000  }
0x2d: {  	[spmem:s8] =	stream.linear.scatter [tilespmem:s20], [sflag:$0xB], $0x2000, $0x38;
	[tilespmem:$0x19220] =	vst v63  }
0x2e: {  	_ =	swait.ge [sflag:s21], $0x2000  }
0x2f: {  	[sflag:s21] =	ssyncset.done $0x0  }
0x30: {  	[sflag:s21] =	ssyncadd.s32 $0xFFFFE000  }
0x31: {  	[spmem:s9] =	stream.linear.scatter [tilespmem:s20], [sflag:$0xB], $0x2000, $0x38;
	[tilespmem:$0x19220] =	vst v63  }
0x32: {  	_ =	swait.ge [sflag:s21], $0x2000  }
0x33: {  	[sflag:s21] =	ssyncset.done $0x0  }
0x34: {  	[sflag:s21] =	ssyncadd.s32 $0xFFFFE000  }
0x35: {  	[spmem:s10] =	stream.linear.scatter [tilespmem:s20], [sflag:$0xB], $0x2000, $0x38;
	[tilespmem:$0x19220] =	vst v63  }
0x36: {  	_ =	swait.ge [sflag:s21], $0x2000  }
0x37: {  	[sflag:s21] =	ssyncset.done $0x0  }
0x38: {  	[sflag:s21] =	ssyncadd.s32 $0xFFFFE000  }
0x39: {  	[spmem:s11] =	stream.linear.scatter [tilespmem:s20], [sflag:$0xB], $0x2000, $0x38;
	[tilespmem:$0x19220] =	vst v63  }
0x3a: {  	_ =	swait.ge [sflag:s21], $0x2000  }
0x3b: {  	[sflag:s21] =	ssyncset.done $0x0  }
0x3c: {  	[sflag:s21] =	ssyncadd.s32 $0xFFFFE000  }
0x3d: {  	_ =	swait.ge [sflag:s22], $0x2710  }
0x3e: {  	[sflag:s22] =	ssyncset.done $0x0  }
0x3f: {  	[sflag:s22] =	ssyncadd.s32 $0xFFFFD8F0  }
0x40: {  	_ =	swait.ge [sflag:s23], $0x2710  }
0x41: {  	[sflag:s23] =	ssyncset.done $0x0  }
0x42: {  	[sflag:s23] =	ssyncadd.s32 $0xFFFFD8F0  }
0x43: {  	s16 =	simm.s32 $0xA000;
	[bflag:$0x0] =	sbarrier.arrive $0xFFFF  }
0x44: {  	[tilespmem:s25], [sflag:$0x1] =	stream.indirect.gather [hbm4b:s4+s24], $0x40, s16, s24, $0xb8;
	[tilespmem:$0x19220] =	vst v63  }
0x45: {  	s17 =	simm.s32 $0xA050  }
0x46: {  	[tilespmem:s28], [sflag:$0x2] =	stream.indirect.gather [hbm4b:s4+s24], $0x40, s17, s24, $0xb8;
	[tilespmem:$0x19220] =	vst v63  }
0x47: {  	s16 =	simm.s32 $0xA0A0  }
0x48: {  	[tilespmem:s30], [sflag:$0x3] =	stream.indirect.gather [hbm4b:s4+s24], $0x40, s16, s24, $0xb8;
	[tilespmem:$0x19220] =	vst v63  }
0x49: {  	s17 =	simm.s32 $0xA0F0  }
0x4a: {  	[tilespmem:s1], [sflag:$0x4] =	stream.indirect.gather [hbm4b:s4+s24], $0x40, s17, s24, $0xb8;
	[tilespmem:$0x19220] =	vst v63  }
0x4b: {  	s16 =	simm.s32 $0xA140  }
0x4c: {  	[tilespmem:s19], [sflag:$0x5] =	stream.indirect.gather [hbm4b:s4+s24], $0x40, s16, s24, $0xb8;
	[tilespmem:$0x19220] =	vst v63  }
0x4d: {  	_ =	swait.ge [sflag:s22], $0x1400  }
0x4e: {  	[sflag:s22] =	ssyncset.done $0x0  }
0x4f: {  	s17 =	simm.s32 $0xC710;
	[sflag:s22] =	ssyncadd.s32 $0xFFFFEC00  }
0x50: {  	[spmem:s2] =	stream.indirect.scatter.add.f32 [tilespmem:s25], [sflag:$0x6], $0x40, s17, s24, $0xb8;
	[tilespmem:$0x19220] =	vst v63  }
0x51: {  	_ =	swait.ge [sflag:s23], $0x1400  }
0x52: {  	[sflag:s23] =	ssyncset.done $0x0  }
0x53: {  	s16 =	simm.s32 $0xC760;
	[sflag:s23] =	ssyncadd.s32 $0xFFFFEC00  }
0x54: {  	[spmem:s2] =	stream.indirect.scatter.add.f32 [tilespmem:s28], [sflag:$0x7], $0x40, s16, s24, $0xb8;
	[tilespmem:$0x19220] =	vst v63  }
0x55: {  	_ =	swait.ge [sflag:s26], $0x1400  }
0x56: {  	[sflag:s26] =	ssyncset.done $0x0  }
0x57: {  	s17 =	simm.s32 $0xC7B0;
	[sflag:s26] =	ssyncadd.s32 $0xFFFFEC00  }
0x58: {  	[spmem:s2] =	stream.indirect.scatter.add.f32 [tilespmem:s30], [sflag:$0x8], $0x40, s17, s24, $0xb8;
	[tilespmem:$0x19220] =	vst v63  }
0x59: {  	_ =	swait.ge [sflag:s29], $0x1400  }
0x5a: {  	[sflag:s29] =	ssyncset.done $0x0  }
0x5b: {  	s16 =	simm.s32 $0xC800;
	[sflag:s29] =	ssyncadd.s32 $0xFFFFEC00  }
0x5c: {  	[spmem:s2] =	stream.indirect.scatter.add.f32 [tilespmem:s1], [sflag:$0x9], $0x40, s16, s24, $0xb8;
	[tilespmem:$0x19220] =	vst v63  }
0x5d: {  	_ =	swait.ge [sflag:s31], $0x1400  }
0x5e: {  	[sflag:s31] =	ssyncset.done $0x0  }
0x5f: {  	s17 =	simm.s32 $0xC850;
	[sflag:s31] =	ssyncadd.s32 $0xFFFFEC00  }
0x60: {  	[spmem:s2] =	stream.indirect.scatter.add.f32 [tilespmem:s19], [sflag:$0xA], $0x40, s17, s24, $0xb8;
	[tilespmem:$0x19220] =	vst v63  }
0x61: {  	_ =	swait.ge [sflag:s0], $0x1400  }
0x62: {  	[sflag:s0] =	ssyncset.done $0x0  }
0x63: {  	s16 =	simm.s32 $0xA190;
	[sflag:s0] =	ssyncadd.s32 $0xFFFFEC00  }
0x64: {  	[tilespmem:s25], [sflag:$0x1] =	stream.indirect.gather [hbm4b:s4+s24], $0x40, s16, s24, $0xb8;
	[tilespmem:$0x19220] =	vst v63  }
0x65: {  	_ =	swait.ge [sflag:s5], $0x1400  }
0x66: {  	[sflag:s5] =	ssyncset.done $0x0  }
0x67: {  	s17 =	simm.s32 $0xA1E0;
	[sflag:s5] =	ssyncadd.s32 $0xFFFFEC00  }
0x68: {  	[tilespmem:s28], [sflag:$0x2] =	stream.indirect.gather [hbm4b:s4+s24], $0x40, s17, s24, $0xb8;
	[tilespmem:$0x19220] =	vst v63  }
0x69: {  	_ =	swait.ge [sflag:s6], $0x1400  }
0x6a: {  	[sflag:s6] =	ssyncset.done $0x0  }
0x6b: {  	s16 =	simm.s32 $0xA230;
	[sflag:s6] =	ssyncadd.s32 $0xFFFFEC00  }
0x6c: {  	[tilespmem:s30], [sflag:$0x3] =	stream.indirect.gather [hbm4b:s4+s24], $0x40, s16, s24, $0xb8;
	[tilespmem:$0x19220] =	vst v63  }
0x6d: {  	_ =	swait.ge [sflag:s12], $0x1400  }
0x6e: {  	[sflag:s12] =	ssyncset.done $0x0  }
0x6f: {  	s17 =	simm.s32 $0xA280;
	[sflag:s12] =	ssyncadd.s32 $0xFFFFEC00  }
0x70: {  	[tilespmem:s1], [sflag:$0x4] =	stream.indirect.gather [hbm4b:s4+s24], $0x40, s17, s24, $0xb8;
	[tilespmem:$0x19220] =	vst v63  }
0x71: {  	_ =	swait.ge [sflag:s13], $0x1400  }
0x72: {  	[sflag:s13] =	ssyncset.done $0x0  }
0x73: {  	s15 =	simm.s32 $0x640;
	s16 =	simm.s32 $0xA2D0;
	[sflag:s13] =	ssyncadd.s32 $0xFFFFEC00  }
.LBB2_4:
0x74: {  	[tilespmem:s19], [sflag:$0x5] =	stream.indirect.gather [hbm4b:s4+s24], $0x40, s16, s24, $0xb8;
	[tilespmem:$0x19220] =	vst v63  }
0x75: {  	s16 =	smov.u32 s15  }
0x76: {  	p0 =	sne.s32 s15, $0x8FC0;
	s15 =	sadd.s32 $0x640, s15;
	_ =	swait.ge [sflag:s22], $0x1400  }
0x77: {  	s16 =	sshra.s32 s16, $0x2;
	[sflag:s22] =	ssyncset.done $0x0  }
0x78: {  	s17 =	sadd.s32 $0xC710, s16;
	[sflag:s22] =	ssyncadd.s32 $0xFFFFEC00  }
0x79: {  	[spmem:s2] =	stream.indirect.scatter.add.f32 [tilespmem:s25], [sflag:$0x6], $0x40, s17, s24, $0xb8;
	[tilespmem:$0x19220] =	vst v63  }
0x7a: {  	_ =	swait.ge [sflag:s23], $0x1400  }
0x7b: {  	[sflag:s23] =	ssyncset.done $0x0  }
0x7c: {  	s17 =	sadd.s32 $0xC760, s16;
	[sflag:s23] =	ssyncadd.s32 $0xFFFFEC00  }
0x7d: {  	[spmem:s2] =	stream.indirect.scatter.add.f32 [tilespmem:s28], [sflag:$0x7], $0x40, s17, s24, $0xb8;
	[tilespmem:$0x19220] =	vst v63  }
0x7e: {  	_ =	swait.ge [sflag:s26], $0x1400  }
0x7f: {  	[sflag:s26] =	ssyncset.done $0x0  }
0x80: {  	s17 =	sadd.s32 $0xC7B0, s16;
	[sflag:s26] =	ssyncadd.s32 $0xFFFFEC00  }
0x81: {  	[spmem:s2] =	stream.indirect.scatter.add.f32 [tilespmem:s30], [sflag:$0x8], $0x40, s17, s24, $0xb8;
	[tilespmem:$0x19220] =	vst v63  }
0x82: {  	_ =	swait.ge [sflag:s29], $0x1400  }
0x83: {  	[sflag:s29] =	ssyncset.done $0x0  }
0x84: {  	s17 =	sadd.s32 $0xC800, s16;
	[sflag:s29] =	ssyncadd.s32 $0xFFFFEC00  }
0x85: {  	[spmem:s2] =	stream.indirect.scatter.add.f32 [tilespmem:s1], [sflag:$0x9], $0x40, s17, s24, $0xb8;
	[tilespmem:$0x19220] =	vst v63  }
0x86: {  	_ =	swait.ge [sflag:s31], $0x1400  }
0x87: {  	[sflag:s31] =	ssyncset.done $0x0  }
0x88: {  	s17 =	sadd.s32 $0xC850, s16;
	[sflag:s31] =	ssyncadd.s32 $0xFFFFEC00  }
0x89: {  	[spmem:s2] =	stream.indirect.scatter.add.f32 [tilespmem:s19], [sflag:$0xA], $0x40, s17, s24, $0xb8;
	[tilespmem:$0x19220] =	vst v63  }
0x8a: {  	_ =	swait.ge [sflag:s0], $0x1400  }
0x8b: {  	[sflag:s0] =	ssyncset.done $0x0  }
0x8c: {  	s17 =	sadd.s32 $0xA190, s16;
	[sflag:s0] =	ssyncadd.s32 $0xFFFFEC00  }
0x8d: {  	[tilespmem:s25], [sflag:$0x1] =	stream.indirect.gather [hbm4b:s4+s24], $0x40, s17, s24, $0xb8;
	[tilespmem:$0x19220] =	vst v63  }
0x8e: {  	_ =	swait.ge [sflag:s5], $0x1400  }
0x8f: {  	[sflag:s5] =	ssyncset.done $0x0  }
0x90: {  	s17 =	sadd.s32 $0xA1E0, s16;
	[sflag:s5] =	ssyncadd.s32 $0xFFFFEC00  }
0x91: {  	[tilespmem:s28], [sflag:$0x2] =	stream.indirect.gather [hbm4b:s4+s24], $0x40, s17, s24, $0xb8;
	[tilespmem:$0x19220] =	vst v63  }
0x92: {  	_ =	swait.ge [sflag:s6], $0x1400  }
0x93: {  	[sflag:s6] =	ssyncset.done $0x0  }
0x94: {  	s17 =	sadd.s32 $0xA230, s16;
	[sflag:s6] =	ssyncadd.s32 $0xFFFFEC00  }
0x95: {  	[tilespmem:s30], [sflag:$0x3] =	stream.indirect.gather [hbm4b:s4+s24], $0x40, s17, s24, $0xb8;
	[tilespmem:$0x19220] =	vst v63  }
0x96: {  	_ =	swait.ge [sflag:s12], $0x1400  }
0x97: {  	[sflag:s12] =	ssyncset.done $0x0  }
.Ltmp1:
0x98: {  	s17 =	sadd.s32 $0xA280, s16;
	[sflag:s12] =	ssyncadd.s32 $0xFFFFEC00;
	(pc) =	sbr.rel @p0 .LBB2_4-.Ltmp1, $4  }
0x99: {  	[tilespmem:s1], [sflag:$0x4] =	stream.indirect.gather [hbm4b:s4+s24], $0x40, s17, s24, $0xb8;
	[tilespmem:$0x19220] =	vst v63  }
0x9a: {  	_ =	swait.ge [sflag:s13], $0x1400  }
0x9b: {  	[sflag:s13] =	ssyncset.done $0x0  }
0x9c: {  	s16 =	sadd.s32 $0xA2D0, s16;
	[sflag:s13] =	ssyncadd.s32 $0xFFFFEC00  }
0x9d: {  	[tilespmem:s19], [sflag:$0x5] =	stream.indirect.gather [hbm4b:s4+s24], $0x40, s16, s24, $0xb8;
	[tilespmem:$0x19220] =	vst v63  }
0x9e: {  	_ =	swait.ge [sflag:s22], $0x1400  }
0x9f: {  	[sflag:s22] =	ssyncset.done $0x0  }
0xa0: {  	s15 =	simm.s32 $0xEC90;
	[sflag:s22] =	ssyncadd.s32 $0xFFFFEC00  }
0xa1: {  	[spmem:s2] =	stream.indirect.scatter.add.f32 [tilespmem:s25], [sflag:$0x6], $0x40, s15, s24, $0xb8;
	[tilespmem:$0x19220] =	vst v63  }
0xa2: {  	_ =	swait.ge [sflag:s23], $0x1400  }
0xa3: {  	[sflag:s23] =	ssyncset.done $0x0  }
0xa4: {  	s16 =	simm.s32 $0xECE0;
	[sflag:s23] =	ssyncadd.s32 $0xFFFFEC00  }
0xa5: {  	[spmem:s2] =	stream.indirect.scatter.add.f32 [tilespmem:s28], [sflag:$0x7], $0x40, s16, s24, $0xb8;
	[tilespmem:$0x19220] =	vst v63  }
0xa6: {  	_ =	swait.ge [sflag:s26], $0x1400  }
0xa7: {  	[sflag:s26] =	ssyncset.done $0x0  }
0xa8: {  	s17 =	simm.s32 $0xED30;
	[sflag:s26] =	ssyncadd.s32 $0xFFFFEC00  }
0xa9: {  	[spmem:s2] =	stream.indirect.scatter.add.f32 [tilespmem:s30], [sflag:$0x8], $0x40, s17, s24, $0xb8;
	[tilespmem:$0x19220] =	vst v63  }
0xaa: {  	_ =	swait.ge [sflag:s29], $0x1400  }
0xab: {  	[sflag:s29] =	ssyncset.done $0x0  }
0xac: {  	s16 =	simm.s32 $0xED80;
	[sflag:s29] =	ssyncadd.s32 $0xFFFFEC00  }
0xad: {  	[spmem:s2] =	stream.indirect.scatter.add.f32 [tilespmem:s1], [sflag:$0x9], $0x40, s16, s24, $0xb8;
	[tilespmem:$0x19220] =	vst v63  }
0xae: {  	_ =	swait.ge [sflag:s31], $0x1400  }
0xaf: {  	[sflag:s31] =	ssyncset.done $0x0  }
0xb0: {  	s17 =	simm.s32 $0xEDD0;
	[sflag:s31] =	ssyncadd.s32 $0xFFFFEC00  }
0xb1: {  	[spmem:s2] =	stream.indirect.scatter.add.f32 [tilespmem:s19], [sflag:$0xA], $0x40, s17, s24, $0xb8;
	[tilespmem:$0x19220] =	vst v63  }
0xb2: {  	_ =	swait.ge [sflag:s0], $0x1400  }
0xb3: {  	[sflag:s0] =	ssyncset.done $0x0  }
0xb4: {  	[sflag:s0] =	ssyncadd.s32 $0xFFFFEC00  }
0xb5: {  	_ =	swait.ge [sflag:s5], $0x1400  }
0xb6: {  	[sflag:s5] =	ssyncset.done $0x0  }
0xb7: {  	[sflag:s5] =	ssyncadd.s32 $0xFFFFEC00  }
0xb8: {  	_ =	swait.ge [sflag:s6], $0x1400  }
0xb9: {  	[sflag:s6] =	ssyncset.done $0x0  }
0xba: {  	[sflag:s6] =	ssyncadd.s32 $0xFFFFEC00  }
0xbb: {  	_ =	swait.ge [sflag:s12], $0x1400  }
0xbc: {  	[sflag:s12] =	ssyncset.done $0x0  }
0xbd: {  	[sflag:s12] =	ssyncadd.s32 $0xFFFFEC00  }
0xbe: {  	_ =	swait.ge [sflag:s13], $0x1400  }
0xbf: {  	[sflag:s13] =	ssyncset.done $0x0  }
0xc0: {  	[sflag:s13] =	ssyncadd.s32 $0xFFFFEC00  }
0xc1: {  	[bflag:$0x0] =	sbarrier.arrive $0xFFFF  }
0xc2: {  	[tilespmem:s20], [sflag:$0x1] =	stream.linear.gather [spmem:s7], $0x2000, $0x38;
	[tilespmem:$0x19220] =	vst v63  }
0xc3: {  	_ =	swait.ge [sflag:s22], $0x2000  }
0xc4: {  	[sflag:s22] =	ssyncset.done $0x0  }
0xc5: {  	s16 =	rddreg [dreg:$0x5];
	[sflag:s22] =	ssyncadd.s32 $0xFFFFE000  }
0xc6: {  	[hbm4b:s16+s3] =	stream.linear.scatter [tilespmem:s20], [sflag:$0x6], $0x2000, $0x38;
	[tilespmem:$0x19220] =	vst v63  }
0xc7: {  	_ = 	snop  }
0xc8: {  	[tilespmem:s18], [sflag:$0x2] =	stream.linear.gather [spmem:s8], $0x2000, $0x38;
	[tilespmem:$0x19220] =	vst v63  }
0xc9: {  	_ =	swait.ge [sflag:s23], $0x2000  }
0xca: {  	[sflag:s23] =	ssyncset.done $0x0  }
0xcb: {  	s17 =	rddreg [dreg:$0x6];
	[sflag:s23] =	ssyncadd.s32 $0xFFFFE000  }
0xcc: {  	[hbm4b:s17+s3] =	stream.linear.scatter [tilespmem:s18], [sflag:$0x7], $0x2000, $0x38;
	[tilespmem:$0x19220] =	vst v63  }
0xcd: {  	_ =	swait.ge [sflag:s0], $0x2000  }
0xce: {  	[sflag:s0] =	ssyncset.done $0x0  }
0xcf: {  	[sflag:s0] =	ssyncadd.s32 $0xFFFFE000  }
0xd0: {  	[tilespmem:s20], [sflag:$0x1] =	stream.linear.gather [spmem:s9], $0x2000, $0x38;
	[tilespmem:$0x19220] =	vst v63  }
0xd1: {  	_ =	swait.ge [sflag:s22], $0x2000  }
0xd2: {  	[sflag:s22] =	ssyncset.done $0x0  }
0xd3: {  	s16 =	rddreg [dreg:$0x7];
	[sflag:s22] =	ssyncadd.s32 $0xFFFFE000  }
0xd4: {  	[hbm4b:s16+s3] =	stream.linear.scatter [tilespmem:s20], [sflag:$0x6], $0x2000, $0x38;
	[tilespmem:$0x19220] =	vst v63  }
0xd5: {  	_ =	swait.ge [sflag:s5], $0x2000  }
0xd6: {  	[sflag:s5] =	ssyncset.done $0x0  }
0xd7: {  	[sflag:s5] =	ssyncadd.s32 $0xFFFFE000  }
0xd8: {  	[tilespmem:s18], [sflag:$0x2] =	stream.linear.gather [spmem:s10], $0x2000, $0x38;
	[tilespmem:$0x19220] =	vst v63  }
0xd9: {  	_ =	swait.ge [sflag:s23], $0x2000  }
0xda: {  	[sflag:s23] =	ssyncset.done $0x0  }
0xdb: {  	s17 =	rddreg [dreg:$0x8];
	[sflag:s23] =	ssyncadd.s32 $0xFFFFE000  }
0xdc: {  	[hbm4b:s17+s3] =	stream.linear.scatter [tilespmem:s18], [sflag:$0x7], $0x2000, $0x38;
	[tilespmem:$0x19220] =	vst v63  }
0xdd: {  	_ =	swait.ge [sflag:s0], $0x2000  }
0xde: {  	[sflag:s0] =	ssyncset.done $0x0  }
0xdf: {  	[sflag:s0] =	ssyncadd.s32 $0xFFFFE000  }
0xe0: {  	[tilespmem:s20], [sflag:$0x1] =	stream.linear.gather [spmem:s11], $0x2000, $0x38;
	[tilespmem:$0x19220] =	vst v63  }
0xe1: {  	_ =	swait.ge [sflag:s22], $0x2000  }
0xe2: {  	[sflag:s22] =	ssyncset.done $0x0  }
0xe3: {  	s16 =	rddreg [dreg:$0x9];
	[sflag:s22] =	ssyncadd.s32 $0xFFFFE000  }
0xe4: {  	[hbm4b:s16+s3] =	stream.linear.scatter [tilespmem:s20], [sflag:$0x6], $0x2000, $0x38;
	[tilespmem:$0x19220] =	vst v63  }
0xe5: {  	_ =	swait.ge [sflag:s5], $0x2000  }
0xe6: {  	[sflag:s5] =	ssyncset.done $0x0  }
0xe7: {  	[sflag:s5] =	ssyncadd.s32 $0xFFFFE000  }
0xe8: {  	_ =	swait.ge [sflag:s0], $0x2000  }
0xe9: {  	s14 =	sadd.s32 $0x1, s14;
	s17 =	rddreg [dreg:$0xa]  }
0xea: {  	p0 =	sne.s32 s14, s17  }
.Ltmp2:
0xeb: {  	_ = 	snop;
	(pc) =	sbr.rel @p0 .LBB2_1-.Ltmp2, $3  }
0xec: {  	_ =	sdelay $0x1  }
0xed: {  	[sflag:s0] =	ssyncset.done $0x0  }
0xee: {  	[sflag:s0] =	ssyncadd.s32 $0xFFFFE000  }
0xef: {  	_ =	sfence.sel $0x180000  }
0xf0: {  	[bflag:$0x0] =	sbarrier.arrive $0xFFFF  }
0xf1: {  	_ =	strace $0x9000004D  }
0xf2: {  	s0 =	stileid.u32;
	[bflag:$0x2] =	sbarrier.arrive $0xFFFF  }
0xf3: {  	p0 =	sne.s32 s0, $0x0;
	s0 =	rddreg [dreg:$0x2]  }
0xf4: {  	s0 =	sadd.s32 @!p0 $0x100000, s0  }
0xf5: {  	[sflag:s0] =	ssyncadd.tile.s32 @!p0 $0x1;
	_ =	shalt  }
.Lfunc_end2:
_tile_overlayer_lowered:
.L_overlay_start_2:
0xf6: {  	(tag) =	ssettag $0x2  }
0xf7: {  	s0 =	rddreg [dreg:$0x0];
	s2 =	stileid.u32  }
0xf8: {  	s1 =	rddreg [dreg:$0x1];
	p0 =	sne.s32 s2, $0x0  }
0xf9: {  	s3 =	rddreg [dreg:$0x2];
	[bflag:$0x3] =	sbarrier.arrive $0xFFFF;
	s2 =	simm.s32 @!p0 $0x1C0B  }
0xfa: {  	[timem:s3], [sflag:s2] =	dma.local @!p0 [hbm:s0], s1  }
0xfb: {  	s0 =	simm.s32 @!p0 $0xB  }
0xfc: {  	_ =	swait.ge @!p0 [sflag:s0], s1  }
0xfd: {  	s1 =	ssub.s32 @!p0 $0x0, s1;
	[sflag:s0] =	ssyncset.done @!p0 $0x0  }
0xfe: {  	[sflag:s0] =	ssyncadd.s32 @!p0 s1  }
0xff: {  	[bflag:$0x3] =	sbarrier.arrive $0xFFFF  }
0x100: {  	_ =	shalt  }

// kernel: kernel.19.cloned.1.call-start
scs
__scs_entry_jumppad:
0x0: {  	(pc) =	sbr.rel $0x88, $3  }
0x1: {  	(tag) =	ssettag $0x0;
	lr =	simm.s32 $0x1  }
0x2: {  	[smem:$0x3F95] =	sst lr;
	_ =	strace $0xD0000000  }
0x3: {  	_ = 	snop  }
0x4: {  	_ = 	snop  }
0x5: {  	_ = 	snop  }
0x6: {  	_ = 	snop  }
0x7: {  	_ = 	snop  }
__scs_overlays_trampoline_lowered:
0x8: {  	[smem:$0x3FA4] =	sst s0  }
0x9: {  	[smem:$0x3FA5] =	sst s1  }
0xa: {  	[smem:$0x3FA6] =	sst s2  }
0xb: {  	[smem:$0x3FA7] =	sst s3  }
0xc: {  	[smem:$0x3FA8] =	sst s4  }
0xd: {  	[smem:$0x3FA9] =	sst s5  }
0xe: {  	[smem:$0x3FAA] =	sst s6  }
0xf: {  	[smem:$0x3FAB] =	sst s7  }
0x10: {  	[smem:$0x3FAC] =	sst s8  }
0x11: {  	[smem:$0x3FAD] =	sst s9;
	s0 =	simm.s32 @!p0 $0x0  }
0x12: {  	s1 =	sld [smem:$0x3F93];
	s0 =	simm.s32 @p0 $0x1  }
0x13: {  	[smem:$0x3FAE] =	sst s0;
	s0 =	simm.s32 @!p1 $0x0  }
0x14: {  	s2 =	sld [smem:$0x3F92];
	s0 =	simm.s32 @p1 $0x1  }
0x15: {  	[smem:$0x3FAF] =	sst s0;
	s0 =	simm.s32 @!p2 $0x0  }
0x16: {  	s3 =	sld [smem:$0x3FDB];
	s0 =	simm.s32 @p2 $0x1  }
0x17: {  	s4 =	simm.s32 $0x1BF5;
	[smem:$0x3FB1] =	sst s0  }
0x18: {  	s0 =	sld [smem:$0x3F94];
	_ =	swait.ge [sflag:s4], $0x0  }
0x19: {  	s7 =	sld [smem:$0x3F95]  }
0x1a: {  	s8 =	sadd.s32 $0xFFFFE003, lr  }
0x1b: {  	s9 =	sadd.s32 $0xFFFFFEF7, lr;
	s5 =	simm.s32 $0xFFFFFFFF;
	p2 =	slt.u32 s8, $0xFFFFF086  }
0x1c: {  	p1 =	slt.u32 s9, $0xF7A;
	s5 =	simm.s32 @!p2 $0x0  }
0x1d: {  	s5 =	simm.s32 @p1 $0x1;
	p0 =	seq.s32 s7, s2  }
0x1e: {  	s7 =	smul.u32 @!p0 $0xF7A, s2;
	p2 =	seq.s32 @!p0 s5, $0x0  }
0x1f: {  	s9 =	smul.u32 $0xF7A, s1;
	s8 =	simm.s32 @!p0 $0x1BF5;
	p2 =	por !p2, p0  }
0x20: {  	[sflag:s8] =	ssyncset.s32 @!p0 $0xFFFFF086;
	s6 =	sadd.s32 @!p0 s3, s7;
	s7 =	simm.s32 @!p0 $0x108  }
0x21: {  	s3 =	sadd.s32 s3, s9;
	s6 =	sadd.s32 @!p0 $0x88, s6;
	s7 =	simm.s32 @p2 $0x1082  }
0x22: {  	[simem:s7], [sflag:s8] =	dma.local @!p0 [hbm:s6], $0xF7A  }
0x23: {  	s9 =	sor.u32 $0xD0000000, s2;
	s6 =	simm.s32 $0x108;
	_ =	swait.ge @!p0 [sflag:s8], $0x0  }
0x24: {  	s3 =	sadd.s32 $0x88, s3;
	s6 =	simm.s32 @!p1 $0x1082;
	[sflag:s4] =	ssyncset.s32 $0xFFFFF086  }
0x25: {  	[simem:s6], [sflag:s4] =	dma.local [hbm:s3], $0xF7A  }
0x26: {  	[smem:$0x3F95] =	sst s1;
	(tag) =	ssettag s2;
	_ =	strace s9  }
0x27: {  	s1 =	sld [smem:$0x3FA5]  }
0x28: {  	s2 =	sld [smem:$0x3FA6]  }
0x29: {  	s4 =	sld [smem:$0x3FA8]  }
0x2a: {  	p0 =	seq.s32 s5, $0x0;
	s5 =	sld [smem:$0x3FA9]  }
0x2b: {  	s6 =	sld [smem:$0x3FAA]  }
0x2c: {  	s7 =	sld [smem:$0x3FAB]  }
0x2d: {  	s3 =	simm.s32 $0x108;
	s8 =	sld [smem:$0x3FAC]  }
0x2e: {  	s3 =	simm.s32 @!p0 $0x1082;
	s9 =	sld [smem:$0x3FAD]  }
0x2f: {  	lr =	sadd.s32 s0, s3;
	s0 =	sld [smem:$0x3FA4]  }
0x30: {  	s3 =	sld [smem:$0x3FA7]  }
0x31: {  	[smem:$0x3FB0] =	sst s10  }
0x32: {  	s10 =	sld [smem:$0x3FAE];
	_ =	sdelay $0x3  }
0x33: {  	p0 =	seq.s32 s10, $0x1;
	s10 =	sld [smem:$0x3FB0];
	_ =	sdelay $0x3  }
0x34: {  	[smem:$0x3FB0] =	sst s10  }
0x35: {  	s10 =	sld [smem:$0x3FAF];
	_ =	sdelay $0x3  }
0x36: {  	p1 =	seq.s32 s10, $0x1;
	s10 =	sld [smem:$0x3FB0];
	_ =	sdelay $0x3  }
0x37: {  	[smem:$0x3FB0] =	sst s10  }
0x38: {  	s10 =	sld [smem:$0x3FB1]  }
0x39: {  	_ = 	snop;
	(pc) =	sbr.ind lr, $3  }
0x3a: {  	_ = 	snop  }
0x3b: {  	_ = 	snop  }
0x3c: {  	p2 =	seq.s32 s10, $0x1;
	s10 =	sld [smem:$0x3FB0]  }
0x3d: {  	_ =	shalt  }
0x3e: {  	_ =	shalt  }
0x3f: {  	_ =	shalt  }
0x40: {  	_ =	shalt  }
0x41: {  	_ =	shalt  }
0x42: {  	_ =	shalt  }
0x43: {  	_ =	shalt  }
0x44: {  	_ =	shalt  }
0x45: {  	_ =	shalt  }
0x46: {  	_ =	shalt  }
0x47: {  	_ =	shalt  }
0x48: {  	_ =	shalt  }
0x49: {  	_ =	shalt  }
0x4a: {  	_ =	shalt  }
0x4b: {  	_ =	shalt  }
0x4c: {  	_ =	shalt  }
0x4d: {  	_ =	shalt  }
0x4e: {  	_ =	shalt  }
0x4f: {  	_ =	shalt  }
0x50: {  	_ =	shalt  }
0x51: {  	_ =	shalt  }
0x52: {  	_ =	shalt  }
0x53: {  	_ =	shalt  }
0x54: {  	_ =	shalt  }
0x55: {  	_ =	shalt  }
0x56: {  	_ =	shalt  }
0x57: {  	_ =	shalt  }
0x58: {  	_ =	shalt  }
0x59: {  	_ =	shalt  }
0x5a: {  	_ =	shalt  }
0x5b: {  	_ =	shalt  }
0x5c: {  	_ =	shalt  }
0x5d: {  	_ =	shalt  }
0x5e: {  	_ =	shalt  }
0x5f: {  	_ =	shalt  }
0x60: {  	_ =	shalt  }
0x61: {  	_ =	shalt  }
0x62: {  	_ =	shalt  }
0x63: {  	_ =	shalt  }
0x64: {  	_ =	shalt  }
0x65: {  	_ =	shalt  }
0x66: {  	_ =	shalt  }
0x67: {  	_ =	shalt  }
0x68: {  	_ =	shalt  }
0x69: {  	_ =	shalt  }
0x6a: {  	_ =	shalt  }
0x6b: {  	_ =	shalt  }
0x6c: {  	_ =	shalt  }
0x6d: {  	_ =	shalt  }
0x6e: {  	_ =	shalt  }
0x6f: {  	_ =	shalt  }
0x70: {  	_ =	shalt  }
0x71: {  	_ =	shalt  }
0x72: {  	_ =	shalt  }
0x73: {  	_ =	shalt  }
0x74: {  	_ =	shalt  }
0x75: {  	_ =	shalt  }
0x76: {  	_ =	shalt  }
0x77: {  	_ =	shalt  }
0x78: {  	_ =	shalt  }
0x79: {  	_ =	shalt  }
0x7a: {  	_ =	shalt  }
0x7b: {  	_ =	shalt  }
0x7c: {  	_ =	shalt  }
0x7d: {  	_ =	shalt  }
0x7e: {  	_ =	shalt  }
0x7f: {  	_ =	shalt  }
0x80: {  	_ =	shalt  }
0x81: {  	_ =	shalt  }
0x82: {  	_ =	shalt  }
0x83: {  	_ =	shalt  }
0x84: {  	_ =	shalt  }
0x85: {  	_ =	shalt  }
0x86: {  	_ =	shalt  }
0x87: {  	_ =	shalt  }
.Lfunc_end0:
.L_simem_size_0:
called_computation.3_lowered:
.L_overlay_start_0:
0x88: {  	s2 =	sld [smem:$0x3FD9]  }
0x89: {  	s3 =	sld [smem:$0x3FFE];
	_ =	sdelay $0x1  }
0x8a: {  	s1 =	srdreg.scid  }
0x8b: {  	s0 =	sand.u32 $0x1, s1  }
0x8c: {  	s16 =	sshll.u32 s0, $0xA;
	s2 =	sadd.s32 s3, s2  }
0x8d: {  	s2 =	sadd.s32 s2, s16  }
0x8e: {  	[smem:$0x3FBC] =	sst s2  }
0x8f: {  	_ = 	snop  }
0x90: {  	(tm) =	ssettm $0x1  }
0x91: {  	s17 =	sld [smem:$0x3FFB];
	_ =	sdelay $0x3  }
0x92: {  	_ =	strace s17  }
0x93: {  	s2 =	sld [smem:$0x3FFC];
	_ =	sdelay $0x3  }
0x94: {  	_ =	strace s2  }
0x95: {  	s2 =	sld [smem:$0x3FFD];
	_ =	sdelay $0x3  }
0x96: {  	_ =	strace s2  }
0x97: {  	_ =	strace $0x8FFFFFFF  }
0x98: {  	s18 =	sld [smem:$0x3FDB];
	_ =	sdelay $0x1  }
0x99: {  	s19 =	simm.s32 $_scs_section_size  }
0x9a: {  	s4 =	simm.s32 $_size__tile_overlayer_lowered;
	s5 =	simm.s32 $_tile_overlayer_lowered  }
0x9b: {  	s22 =	simm.s32 $0x1BFF;
	s21 =	sshll.u32 s5, $0x1;
	s2 =	sadd.s32 s19, s18  }
0x9c: {  	s6 =	simm.s32 $0x0;
	s20 =	sshll.u32 s4, $0x1;
	s4 =	sadd.s32 s21, s2  }
0x9d: {  	[timem:s6], [sflag:s22] =	dma.local [hbm:s4], s20  }
0x9e: {  	_ =	swait.ge [sflag:s22], s20  }
0x9f: {  	s3 =	ssub.s32 $0x0, s20;
	[sflag:s22] =	ssyncset.done $0x0  }
0xa0: {  	[sflag:s22] =	ssyncadd.s32 s3;
	_ =	sdelay $0x1  }
0xa1: {  	s23 =	simm.s32 $0x1B8B  }
0xa2: {  	_ =	swait.ge [sflag:s23], $0x1  }
0xa3: {  	[sflag:s23] =	ssyncset.done $0x0  }
0xa4: {  	s25 =	simm.s32 $0x1B8E;
	s24 =	sld [smem:$0x3FFE];
	[sflag:s23] =	ssyncadd.s32 $0xFFFFFFFF  }
0xa5: {  	s26 =	simm.s32 $execute0_lowered;
	[smem:$0x3FD2] =	sst s25  }
0xa6: {  	s4 =	sshll.u32 s26, $0x1;
	_ =	strace $0x8000004F;
	[dreg:$0x1] =	wrdreg $0xFFFFFFFF  }
0xa7: {  	s28 =	simm.s32 $_size_execute0_lowered;
	s2 =	sadd.s32 s2, s4;
	[dreg:$0x0] =	wrdreg $0x0  }
0xa8: {  	s4 =	sshll.u32 s28, $0x1;
	[dreg:$0x2] =	wrdreg s2  }
0xa9: {  	[dreg:$0x3] =	wrdreg s4  }
0xaa: {  	[dreg:$0x4] =	wrdreg $0xC0  }
0xab: {  	_ =	task [dreg:s6], $0x5FFFF  }
0xac: {  	[dreg:$0x1] =	wrdreg $0xFFFFFFFF  }
0xad: {  	[dreg:$0x0] =	wrdreg $0x60  }
0xae: {  	[dreg:$0x2] =	wrdreg s24  }
0xaf: {  	[dreg:$0x3] =	wrdreg $0x0  }
0xb0: {  	[dreg:$0x4] =	wrdreg $0x9  }
0xb1: {  	_ =	task.clear_ibuf [dreg:s6], $0x5FFFF;
	_ =	strace $0x9000004F  }
0xb2: {  	s29 =	simm.s32 $0x9;
	_ =	strace $0x80000051  }
0xb3: {  	_ =	swait.ge [sflag:s29], $0x1  }
0xb4: {  	[sflag:s29] =	ssyncadd.s32 $0xFFFFFFFF  }
0xb5: {  	_ =	strace $0x90000051  }
0xb6: {  	_ =	sfence  }
0xb7: {  	s30 =	sld [smem:$0x0];
	_ =	sdelay $0x2  }
0xb8: {  	s31 =	sshll.u32 s1, $0xD;
	s1 =	sshrl.u32 s1, $0x2  }
0xb9: {  	s3 =	sand.u32 $0x4000, s31;
	s1 =	sadd.s32 s1, s30  }
0xba: {  	s0 =	sor.u32 s3, s0;
	s1 =	sshll.u32 s1, $0x11  }
0xbb: {  	s0 =	sor.u32 s1, s0  }
0xbc: {  	s0 =	sadd.s32 $0x8F2B, s0  }
0xbd: {  	[sflag:s0] =	ssyncadd.remote.s32 $0x1  }
0xbe: {  	_ =	sfence.sel $0xFFFF  }
0xbf: {  	[dreg:$0x0] =	wrdreg $0xFFFFFFFF;
	(pc) =	sbr.abs _section_cstart, $3  }
0xc0: {  	[dreg:$0x1] =	wrdreg $0xFFFFFFFF  }
0xc1: {  	_ =	task.clear_ibuf [dreg:s6], $0x2FFFF;
	_ =	strace $0x9FFFFFFF  }
0xc2: {  	(tm) =	ssettm $0x7FFFFFFF  }
0xc3: {  	_ =	shalt  }
tec
execute0_lowered:
.L_overlay_start_1:
0x0: {  	(tag) =	ssettag $0x1  }
0x1: {  	s0 =	srdreg.scid  }
0x2: {  	s1 =	rddreg [dreg:$0x0];
	s8 =	stileid.u32  }
0x3: {  	s2 =	rddreg [dreg:$0x1];
	s20 =	simm.s32 $0x15220;
	s28 =	simm.s32 $0x10220  }
0x4: {  	s30 =	simm.s32 $0x11620;
	s19 =	simm.s32 $0x13E20;
	s29 =	simm.s32 $0x4  }
0x5: {  	s31 =	simm.s32 $0x5;
	s18 =	simm.s32 $0x17220;
	s0 =	sand.u32 $0x1, s0  }
0x6: {  	s11 =	smul.u32 $0xA000, s8;
	s3 =	sshll.u32 s0, $0x4;
	s6 =	ssub.s32 $0x2, s0  }
0x7: {  	s0 =	smul.u32 $0xA0000, s0;
	s4 =	sor.u32 s8, s3;
	s3 =	simm.s32 $0x0  }
0x8: {  	s7 =	sshrl.u32 s6, $0x1;
	s22 =	sadd.s32 $0x2000, s11;
	s12 =	sadd.s32 $0x4000, s11  }
0x9: {  	s13 =	sadd.s32 $0x6000, s11;
	s15 =	sadd.s32 $0x8000, s11;
	s4 =	smul.u32 $0x2710, s4  }
0xa: {  	[smem:$0x7FF] =	sst s3;
	s6 =	ssub.s32 s6, s7;
	s7 =	sadd.s32 s11, s2  }
0xb: {  	s8 =	sadd.s32 s22, s2;
	s9 =	sadd.s32 s12, s2;
	s10 =	sadd.s32 s13, s2  }
0xc: {  	s14 =	sadd.s32 s11, s0;
	s11 =	sadd.s32 s15, s2;
	s23 =	sadd.s32 s0, s12  }
0xd: {  	s24 =	sadd.s32 s0, s13;
	s13 =	simm.s32 $0xA;
	_ =	strace $0x80000050  }
0xe: {  	s14 =	sshrl.u32 s14, $0x3;
	s12 =	sshrl.u32 s24, $0x3;
	s26 =	smax.u32 s6, $0x1  }
0xf: {  	s24 =	simm.s32 $0x50;
	s6 =	simm.s32 $0x8;
	s4 =	sshrl.u32 s4, $0x3  }
0x10: {  	[dreg:$0xa] =	wrdreg s26;
	s26 =	simm.s32 $0x3;
	s5 =	sadd.s32 s4, s1  }
0x11: {  	s4 =	sadd.s32 $0x17800, s1;
	s1 =	sadd.s32 $0x2B200, s1;
	s21 =	sadd.s32 $0x3E00, s5  }
0x12: {  	s5 =	sadd.s32 $0xDA40, s5;
	s14 =	sadd.s32 s1, s14;
	[dreg:$0x3] =	wrdreg s21  }
0x13: {  	s25 =	sadd.s32 s1, s12;
	s12 =	simm.s32 $0x9;
	[dreg:$0x4] =	wrdreg s5  }
0x14: {  	s5 =	sadd.s32 s0, s22;
	[dreg:$0x5] =	wrdreg s14;
	s0 =	sadd.s32 s0, s15  }
0x15: {  	[dreg:$0x8] =	wrdreg s25;
	s21 =	simm.s32 $0xB;
	s5 =	sshrl.u32 s5, $0x3  }
0x16: {  	s22 =	simm.s32 $0x1;
	s0 =	sshrl.u32 s0, $0x3;
	s5 =	sadd.s32 s1, s5  }
0x17: {  	s25 =	simm.s32 $0xEE20;
	s0 =	sadd.s32 s1, s0;
	[dreg:$0x6] =	wrdreg s5  }
0x18: {  	s14 =	simm.s32 $0x0;
	s5 =	sshrl.u32 s23, $0x3;
	[dreg:$0x9] =	wrdreg s0  }
0x19: {  	s23 =	simm.s32 $0x2;
	s0 =	simm.s32 $0x6;
	s5 =	sadd.s32 s1, s5  }
0x1a: {  	v0 =	vimm.f32 $0.0e+00;
	s1 =	simm.s32 $0x12A20;
	[dreg:$0x7] =	wrdreg s5;
	s5 =	simm.s32 $0x7  }
.LBB2_1:
0x1b: {  	s15 =	rddreg [dreg:$0x3];
	s16 =	simm.s32 $0xA000  }
0x1c: {  	[tilespmem:s16], [sflag:$0x1] =	stream.linear.gather [hbm4b:s15+s3], $0x2710, $0x38;
	[tilespmem:$0x19220] =	vst v63  }
0x1d: {  	s17 =	simm.s32 $0xC710;
	s16 =	rddreg [dreg:$0x4]  }
0x1e: {  	[tilespmem:s17], [sflag:$0x2] =	stream.linear.gather [hbm4b:s16+s3], $0x2710, $0x38;
	[tilespmem:$0x19220] =	vst v63  }
0x1f: {  	s15 =	simm.s32 $0x0;
	s16 =	simm.s32 $0x100  }
.LBB2_2:
0x20: {  	p0 =	sne.s32 s16, $0x7F00;
	[tilespmem:s15+$0x15250] =	vst v0;
	s17 =	smov.u32 s16;
	s16 =	sadd.s32 $0x100, s16  }
.Ltmp0:
0x21: {  	[tilespmem:s15+$0x15240] =	vst v0;
	(pc) =	sbr.rel @p0 .LBB2_2-.Ltmp0, $3  }
0x22: {  	[tilespmem:s15+$0x15220] =	vst v0  }
0x23: {  	[tilespmem:s15+$0x15230] =	vst v0;
	_ =	sdelay $0x1  }
0x24: {  	s15 =	sshra.s32 s17, $0x2  }
0x25: {  	[tilespmem:s15+$0x15250] =	vst v0  }
0x26: {  	[tilespmem:s15+$0x15240] =	vst v0  }
0x27: {  	[tilespmem:s15+$0x15220] =	vst v0  }
0x28: {  	[tilespmem:s15+$0x15230] =	vst v0  }
0x29: {  	[spmem:s7] =	stream.linear.scatter [tilespmem:s20], [sflag:$0xB], $0x2000, $0x38;
	[tilespmem:$0x19220] =	vst v63  }
0x2a: {  	_ =	swait.ge [sflag:s21], $0x2000  }
0x2b: {  	[sflag:s21] =	ssyncset.done $0x0  }
0x2c: {  	[sflag:s21] =	ssyncadd.s32 $0xFFFFE000  }
0x2d: {  	[spmem:s8] =	stream.linear.scatter [tilespmem:s20], [sflag:$0xB], $0x2000, $0x38;
	[tilespmem:$0x19220] =	vst v63  }
0x2e: {  	_ =	swait.ge [sflag:s21], $0x2000  }
0x2f: {  	[sflag:s21] =	ssyncset.done $0x0  }
0x30: {  	[sflag:s21] =	ssyncadd.s32 $0xFFFFE000  }
0x31: {  	[spmem:s9] =	stream.linear.scatter [tilespmem:s20], [sflag:$0xB], $0x2000, $0x38;
	[tilespmem:$0x19220] =	vst v63  }
0x32: {  	_ =	swait.ge [sflag:s21], $0x2000  }
0x33: {  	[sflag:s21] =	ssyncset.done $0x0  }
0x34: {  	[sflag:s21] =	ssyncadd.s32 $0xFFFFE000  }
0x35: {  	[spmem:s10] =	stream.linear.scatter [tilespmem:s20], [sflag:$0xB], $0x2000, $0x38;
	[tilespmem:$0x19220] =	vst v63  }
0x36: {  	_ =	swait.ge [sflag:s21], $0x2000  }
0x37: {  	[sflag:s21] =	ssyncset.done $0x0  }
0x38: {  	[sflag:s21] =	ssyncadd.s32 $0xFFFFE000  }
0x39: {  	[spmem:s11] =	stream.linear.scatter [tilespmem:s20], [sflag:$0xB], $0x2000, $0x38;
	[tilespmem:$0x19220] =	vst v63  }
0x3a: {  	_ =	swait.ge [sflag:s21], $0x2000  }
0x3b: {  	[sflag:s21] =	ssyncset.done $0x0  }
0x3c: {  	[sflag:s21] =	ssyncadd.s32 $0xFFFFE000  }
0x3d: {  	_ =	swait.ge [sflag:s22], $0x2710  }
0x3e: {  	[sflag:s22] =	ssyncset.done $0x0  }
0x3f: {  	[sflag:s22] =	ssyncadd.s32 $0xFFFFD8F0  }
0x40: {  	_ =	swait.ge [sflag:s23], $0x2710  }
0x41: {  	[sflag:s23] =	ssyncset.done $0x0  }
0x42: {  	[sflag:s23] =	ssyncadd.s32 $0xFFFFD8F0  }
0x43: {  	s16 =	simm.s32 $0xA000;
	[bflag:$0x0] =	sbarrier.arrive $0xFFFF  }
0x44: {  	[tilespmem:s25], [sflag:$0x1] =	stream.indirect.gather [hbm4b:s4+s24], $0x40, s16, s24, $0xb8;
	[tilespmem:$0x19220] =	vst v63  }
0x45: {  	s17 =	simm.s32 $0xA050  }
0x46: {  	[tilespmem:s28], [sflag:$0x2] =	stream.indirect.gather [hbm4b:s4+s24], $0x40, s17, s24, $0xb8;
	[tilespmem:$0x19220] =	vst v63  }
0x47: {  	s16 =	simm.s32 $0xA0A0  }
0x48: {  	[tilespmem:s30], [sflag:$0x3] =	stream.indirect.gather [hbm4b:s4+s24], $0x40, s16, s24, $0xb8;
	[tilespmem:$0x19220] =	vst v63  }
0x49: {  	s17 =	simm.s32 $0xA0F0  }
0x4a: {  	[tilespmem:s1], [sflag:$0x4] =	stream.indirect.gather [hbm4b:s4+s24], $0x40, s17, s24, $0xb8;
	[tilespmem:$0x19220] =	vst v63  }
0x4b: {  	s16 =	simm.s32 $0xA140  }
0x4c: {  	[tilespmem:s19], [sflag:$0x5] =	stream.indirect.gather [hbm4b:s4+s24], $0x40, s16, s24, $0xb8;
	[tilespmem:$0x19220] =	vst v63  }
0x4d: {  	_ =	swait.ge [sflag:s22], $0x1400  }
0x4e: {  	[sflag:s22] =	ssyncset.done $0x0  }
0x4f: {  	s17 =	simm.s32 $0xC710;
	[sflag:s22] =	ssyncadd.s32 $0xFFFFEC00  }
0x50: {  	[spmem:s2] =	stream.indirect.scatter.add.f32 [tilespmem:s25], [sflag:$0x6], $0x40, s17, s24, $0xb8;
	[tilespmem:$0x19220] =	vst v63  }
0x51: {  	_ =	swait.ge [sflag:s23], $0x1400  }
0x52: {  	[sflag:s23] =	ssyncset.done $0x0  }
0x53: {  	s16 =	simm.s32 $0xC760;
	[sflag:s23] =	ssyncadd.s32 $0xFFFFEC00  }
0x54: {  	[spmem:s2] =	stream.indirect.scatter.add.f32 [tilespmem:s28], [sflag:$0x7], $0x40, s16, s24, $0xb8;
	[tilespmem:$0x19220] =	vst v63  }
0x55: {  	_ =	swait.ge [sflag:s26], $0x1400  }
0x56: {  	[sflag:s26] =	ssyncset.done $0x0  }
0x57: {  	s17 =	simm.s32 $0xC7B0;
	[sflag:s26] =	ssyncadd.s32 $0xFFFFEC00  }
0x58: {  	[spmem:s2] =	stream.indirect.scatter.add.f32 [tilespmem:s30], [sflag:$0x8], $0x40, s17, s24, $0xb8;
	[tilespmem:$0x19220] =	vst v63  }
0x59: {  	_ =	swait.ge [sflag:s29], $0x1400  }
0x5a: {  	[sflag:s29] =	ssyncset.done $0x0  }
0x5b: {  	s16 =	simm.s32 $0xC800;
	[sflag:s29] =	ssyncadd.s32 $0xFFFFEC00  }
0x5c: {  	[spmem:s2] =	stream.indirect.scatter.add.f32 [tilespmem:s1], [sflag:$0x9], $0x40, s16, s24, $0xb8;
	[tilespmem:$0x19220] =	vst v63  }
0x5d: {  	_ =	swait.ge [sflag:s31], $0x1400  }
0x5e: {  	[sflag:s31] =	ssyncset.done $0x0  }
0x5f: {  	s17 =	simm.s32 $0xC850;
	[sflag:s31] =	ssyncadd.s32 $0xFFFFEC00  }
0x60: {  	[spmem:s2] =	stream.indirect.scatter.add.f32 [tilespmem:s19], [sflag:$0xA], $0x40, s17, s24, $0xb8;
	[tilespmem:$0x19220] =	vst v63  }
0x61: {  	_ =	swait.ge [sflag:s0], $0x1400  }
0x62: {  	[sflag:s0] =	ssyncset.done $0x0  }
0x63: {  	s16 =	simm.s32 $0xA190;
	[sflag:s0] =	ssyncadd.s32 $0xFFFFEC00  }
0x64: {  	[tilespmem:s25], [sflag:$0x1] =	stream.indirect.gather [hbm4b:s4+s24], $0x40, s16, s24, $0xb8;
	[tilespmem:$0x19220] =	vst v63  }
0x65: {  	_ =	swait.ge [sflag:s5], $0x1400  }
0x66: {  	[sflag:s5] =	ssyncset.done $0x0  }
0x67: {  	s17 =	simm.s32 $0xA1E0;
	[sflag:s5] =	ssyncadd.s32 $0xFFFFEC00  }
0x68: {  	[tilespmem:s28], [sflag:$0x2] =	stream.indirect.gather [hbm4b:s4+s24], $0x40, s17, s24, $0xb8;
	[tilespmem:$0x19220] =	vst v63  }
0x69: {  	_ =	swait.ge [sflag:s6], $0x1400  }
0x6a: {  	[sflag:s6] =	ssyncset.done $0x0  }
0x6b: {  	s16 =	simm.s32 $0xA230;
	[sflag:s6] =	ssyncadd.s32 $0xFFFFEC00  }
0x6c: {  	[tilespmem:s30], [sflag:$0x3] =	stream.indirect.gather [hbm4b:s4+s24], $0x40, s16, s24, $0xb8;
	[tilespmem:$0x19220] =	vst v63  }
0x6d: {  	_ =	swait.ge [sflag:s12], $0x1400  }
0x6e: {  	[sflag:s12] =	ssyncset.done $0x0  }
0x6f: {  	s17 =	simm.s32 $0xA280;
	[sflag:s12] =	ssyncadd.s32 $0xFFFFEC00  }
0x70: {  	[tilespmem:s1], [sflag:$0x4] =	stream.indirect.gather [hbm4b:s4+s24], $0x40, s17, s24, $0xb8;
	[tilespmem:$0x19220] =	vst v63  }
0x71: {  	_ =	swait.ge [sflag:s13], $0x1400  }
0x72: {  	[sflag:s13] =	ssyncset.done $0x0  }
0x73: {  	s15 =	simm.s32 $0x640;
	s16 =	simm.s32 $0xA2D0;
	[sflag:s13] =	ssyncadd.s32 $0xFFFFEC00  }
.LBB2_4:
0x74: {  	[tilespmem:s19], [sflag:$0x5] =	stream.indirect.gather [hbm4b:s4+s24], $0x40, s16, s24, $0xb8;
	[tilespmem:$0x19220] =	vst v63  }
0x75: {  	s16 =	smov.u32 s15  }
0x76: {  	p0 =	sne.s32 s15, $0x8FC0;
	s15 =	sadd.s32 $0x640, s15;
	_ =	swait.ge [sflag:s22], $0x1400  }
0x77: {  	s16 =	sshra.s32 s16, $0x2;
	[sflag:s22] =	ssyncset.done $0x0  }
0x78: {  	s17 =	sadd.s32 $0xC710, s16;
	[sflag:s22] =	ssyncadd.s32 $0xFFFFEC00  }
0x79: {  	[spmem:s2] =	stream.indirect.scatter.add.f32 [tilespmem:s25], [sflag:$0x6], $0x40, s17, s24, $0xb8;
	[tilespmem:$0x19220] =	vst v63  }
0x7a: {  	_ =	swait.ge [sflag:s23], $0x1400  }
0x7b: {  	[sflag:s23] =	ssyncset.done $0x0  }
0x7c: {  	s17 =	sadd.s32 $0xC760, s16;
	[sflag:s23] =	ssyncadd.s32 $0xFFFFEC00  }
0x7d: {  	[spmem:s2] =	stream.indirect.scatter.add.f32 [tilespmem:s28], [sflag:$0x7], $0x40, s17, s24, $0xb8;
	[tilespmem:$0x19220] =	vst v63  }
0x7e: {  	_ =	swait.ge [sflag:s26], $0x1400  }
0x7f: {  	[sflag:s26] =	ssyncset.done $0x0  }
0x80: {  	s17 =	sadd.s32 $0xC7B0, s16;
	[sflag:s26] =	ssyncadd.s32 $0xFFFFEC00  }
0x81: {  	[spmem:s2] =	stream.indirect.scatter.add.f32 [tilespmem:s30], [sflag:$0x8], $0x40, s17, s24, $0xb8;
	[tilespmem:$0x19220] =	vst v63  }
0x82: {  	_ =	swait.ge [sflag:s29], $0x1400  }
0x83: {  	[sflag:s29] =	ssyncset.done $0x0  }
0x84: {  	s17 =	sadd.s32 $0xC800, s16;
	[sflag:s29] =	ssyncadd.s32 $0xFFFFEC00  }
0x85: {  	[spmem:s2] =	stream.indirect.scatter.add.f32 [tilespmem:s1], [sflag:$0x9], $0x40, s17, s24, $0xb8;
	[tilespmem:$0x19220] =	vst v63  }
0x86: {  	_ =	swait.ge [sflag:s31], $0x1400  }
0x87: {  	[sflag:s31] =	ssyncset.done $0x0  }
0x88: {  	s17 =	sadd.s32 $0xC850, s16;
	[sflag:s31] =	ssyncadd.s32 $0xFFFFEC00  }
0x89: {  	[spmem:s2] =	stream.indirect.scatter.add.f32 [tilespmem:s19], [sflag:$0xA], $0x40, s17, s24, $0xb8;
	[tilespmem:$0x19220] =	vst v63  }
0x8a: {  	_ =	swait.ge [sflag:s0], $0x1400  }
0x8b: {  	[sflag:s0] =	ssyncset.done $0x0  }
0x8c: {  	s17 =	sadd.s32 $0xA190, s16;
	[sflag:s0] =	ssyncadd.s32 $0xFFFFEC00  }
0x8d: {  	[tilespmem:s25], [sflag:$0x1] =	stream.indirect.gather [hbm4b:s4+s24], $0x40, s17, s24, $0xb8;
	[tilespmem:$0x19220] =	vst v63  }
0x8e: {  	_ =	swait.ge [sflag:s5], $0x1400  }
0x8f: {  	[sflag:s5] =	ssyncset.done $0x0  }
0x90: {  	s17 =	sadd.s32 $0xA1E0, s16;
	[sflag:s5] =	ssyncadd.s32 $0xFFFFEC00  }
0x91: {  	[tilespmem:s28], [sflag:$0x2] =	stream.indirect.gather [hbm4b:s4+s24], $0x40, s17, s24, $0xb8;
	[tilespmem:$0x19220] =	vst v63  }
0x92: {  	_ =	swait.ge [sflag:s6], $0x1400  }
0x93: {  	[sflag:s6] =	ssyncset.done $0x0  }
0x94: {  	s17 =	sadd.s32 $0xA230, s16;
	[sflag:s6] =	ssyncadd.s32 $0xFFFFEC00  }
0x95: {  	[tilespmem:s30], [sflag:$0x3] =	stream.indirect.gather [hbm4b:s4+s24], $0x40, s17, s24, $0xb8;
	[tilespmem:$0x19220] =	vst v63  }
0x96: {  	_ =	swait.ge [sflag:s12], $0x1400  }
0x97: {  	[sflag:s12] =	ssyncset.done $0x0  }
.Ltmp1:
0x98: {  	s17 =	sadd.s32 $0xA280, s16;
	[sflag:s12] =	ssyncadd.s32 $0xFFFFEC00;
	(pc) =	sbr.rel @p0 .LBB2_4-.Ltmp1, $4  }
0x99: {  	[tilespmem:s1], [sflag:$0x4] =	stream.indirect.gather [hbm4b:s4+s24], $0x40, s17, s24, $0xb8;
	[tilespmem:$0x19220] =	vst v63  }
0x9a: {  	_ =	swait.ge [sflag:s13], $0x1400  }
0x9b: {  	[sflag:s13] =	ssyncset.done $0x0  }
0x9c: {  	s16 =	sadd.s32 $0xA2D0, s16;
	[sflag:s13] =	ssyncadd.s32 $0xFFFFEC00  }
0x9d: {  	[tilespmem:s19], [sflag:$0x5] =	stream.indirect.gather [hbm4b:s4+s24], $0x40, s16, s24, $0xb8;
	[tilespmem:$0x19220] =	vst v63  }
0x9e: {  	_ =	swait.ge [sflag:s22], $0x1400  }
0x9f: {  	[sflag:s22] =	ssyncset.done $0x0  }
0xa0: {  	s15 =	simm.s32 $0xEC90;
	[sflag:s22] =	ssyncadd.s32 $0xFFFFEC00  }
0xa1: {  	[spmem:s2] =	stream.indirect.scatter.add.f32 [tilespmem:s25], [sflag:$0x6], $0x40, s15, s24, $0xb8;
	[tilespmem:$0x19220] =	vst v63  }
0xa2: {  	_ =	swait.ge [sflag:s23], $0x1400  }
0xa3: {  	[sflag:s23] =	ssyncset.done $0x0  }
0xa4: {  	s16 =	simm.s32 $0xECE0;
	[sflag:s23] =	ssyncadd.s32 $0xFFFFEC00  }
0xa5: {  	[spmem:s2] =	stream.indirect.scatter.add.f32 [tilespmem:s28], [sflag:$0x7], $0x40, s16, s24, $0xb8;
	[tilespmem:$0x19220] =	vst v63  }
0xa6: {  	_ =	swait.ge [sflag:s26], $0x1400  }
0xa7: {  	[sflag:s26] =	ssyncset.done $0x0  }
0xa8: {  	s17 =	simm.s32 $0xED30;
	[sflag:s26] =	ssyncadd.s32 $0xFFFFEC00  }
0xa9: {  	[spmem:s2] =	stream.indirect.scatter.add.f32 [tilespmem:s30], [sflag:$0x8], $0x40, s17, s24, $0xb8;
	[tilespmem:$0x19220] =	vst v63  }
0xaa: {  	_ =	swait.ge [sflag:s29], $0x1400  }
0xab: {  	[sflag:s29] =	ssyncset.done $0x0  }
0xac: {  	s16 =	simm.s32 $0xED80;
	[sflag:s29] =	ssyncadd.s32 $0xFFFFEC00  }
0xad: {  	[spmem:s2] =	stream.indirect.scatter.add.f32 [tilespmem:s1], [sflag:$0x9], $0x40, s16, s24, $0xb8;
	[tilespmem:$0x19220] =	vst v63  }
0xae: {  	_ =	swait.ge [sflag:s31], $0x1400  }
0xaf: {  	[sflag:s31] =	ssyncset.done $0x0  }
0xb0: {  	s17 =	simm.s32 $0xEDD0;
	[sflag:s31] =	ssyncadd.s32 $0xFFFFEC00  }
0xb1: {  	[spmem:s2] =	stream.indirect.scatter.add.f32 [tilespmem:s19], [sflag:$0xA], $0x40, s17, s24, $0xb8;
	[tilespmem:$0x19220] =	vst v63  }
0xb2: {  	_ =	swait.ge [sflag:s0], $0x1400  }
0xb3: {  	[sflag:s0] =	ssyncset.done $0x0  }
0xb4: {  	[sflag:s0] =	ssyncadd.s32 $0xFFFFEC00  }
0xb5: {  	_ =	swait.ge [sflag:s5], $0x1400  }
0xb6: {  	[sflag:s5] =	ssyncset.done $0x0  }
0xb7: {  	[sflag:s5] =	ssyncadd.s32 $0xFFFFEC00  }
0xb8: {  	_ =	swait.ge [sflag:s6], $0x1400  }
0xb9: {  	[sflag:s6] =	ssyncset.done $0x0  }
0xba: {  	[sflag:s6] =	ssyncadd.s32 $0xFFFFEC00  }
0xbb: {  	_ =	swait.ge [sflag:s12], $0x1400  }
0xbc: {  	[sflag:s12] =	ssyncset.done $0x0  }
0xbd: {  	[sflag:s12] =	ssyncadd.s32 $0xFFFFEC00  }
0xbe: {  	_ =	swait.ge [sflag:s13], $0x1400  }
0xbf: {  	[sflag:s13] =	ssyncset.done $0x0  }
0xc0: {  	[sflag:s13] =	ssyncadd.s32 $0xFFFFEC00  }
0xc1: {  	[bflag:$0x0] =	sbarrier.arrive $0xFFFF  }
0xc2: {  	[tilespmem:s20], [sflag:$0x1] =	stream.linear.gather [spmem:s7], $0x2000, $0x38;
	[tilespmem:$0x19220] =	vst v63  }
0xc3: {  	_ =	swait.ge [sflag:s22], $0x2000  }
0xc4: {  	[sflag:s22] =	ssyncset.done $0x0  }
0xc5: {  	s16 =	rddreg [dreg:$0x5];
	[sflag:s22] =	ssyncadd.s32 $0xFFFFE000  }
0xc6: {  	[hbm4b:s16+s3] =	stream.linear.scatter [tilespmem:s20], [sflag:$0x6], $0x2000, $0x38;
	[tilespmem:$0x19220] =	vst v63  }
0xc7: {  	_ = 	snop  }
0xc8: {  	[tilespmem:s18], [sflag:$0x2] =	stream.linear.gather [spmem:s8], $0x2000, $0x38;
	[tilespmem:$0x19220] =	vst v63  }
0xc9: {  	_ =	swait.ge [sflag:s23], $0x2000  }
0xca: {  	[sflag:s23] =	ssyncset.done $0x0  }
0xcb: {  	s17 =	rddreg [dreg:$0x6];
	[sflag:s23] =	ssyncadd.s32 $0xFFFFE000  }
0xcc: {  	[hbm4b:s17+s3] =	stream.linear.scatter [tilespmem:s18], [sflag:$0x7], $0x2000, $0x38;
	[tilespmem:$0x19220] =	vst v63  }
0xcd: {  	_ =	swait.ge [sflag:s0], $0x2000  }
0xce: {  	[sflag:s0] =	ssyncset.done $0x0  }
0xcf: {  	[sflag:s0] =	ssyncadd.s32 $0xFFFFE000  }
0xd0: {  	[tilespmem:s20], [sflag:$0x1] =	stream.linear.gather [spmem:s9], $0x2000, $0x38;
	[tilespmem:$0x19220] =	vst v63  }
0xd1: {  	_ =	swait.ge [sflag:s22], $0x2000  }
0xd2: {  	[sflag:s22] =	ssyncset.done $0x0  }
0xd3: {  	s16 =	rddreg [dreg:$0x7];
	[sflag:s22] =	ssyncadd.s32 $0xFFFFE000  }
0xd4: {  	[hbm4b:s16+s3] =	stream.linear.scatter [tilespmem:s20], [sflag:$0x6], $0x2000, $0x38;
	[tilespmem:$0x19220] =	vst v63  }
0xd5: {  	_ =	swait.ge [sflag:s5], $0x2000  }
0xd6: {  	[sflag:s5] =	ssyncset.done $0x0  }
0xd7: {  	[sflag:s5] =	ssyncadd.s32 $0xFFFFE000  }
0xd8: {  	[tilespmem:s18], [sflag:$0x2] =	stream.linear.gather [spmem:s10], $0x2000, $0x38;
	[tilespmem:$0x19220] =	vst v63  }
0xd9: {  	_ =	swait.ge [sflag:s23], $0x2000  }
0xda: {  	[sflag:s23] =	ssyncset.done $0x0  }
0xdb: {  	s17 =	rddreg [dreg:$0x8];
	[sflag:s23] =	ssyncadd.s32 $0xFFFFE000  }
0xdc: {  	[hbm4b:s17+s3] =	stream.linear.scatter [tilespmem:s18], [sflag:$0x7], $0x2000, $0x38;
	[tilespmem:$0x19220] =	vst v63  }
0xdd: {  	_ =	swait.ge [sflag:s0], $0x2000  }
0xde: {  	[sflag:s0] =	ssyncset.done $0x0  }
0xdf: {  	[sflag:s0] =	ssyncadd.s32 $0xFFFFE000  }
0xe0: {  	[tilespmem:s20], [sflag:$0x1] =	stream.linear.gather [spmem:s11], $0x2000, $0x38;
	[tilespmem:$0x19220] =	vst v63  }
0xe1: {  	_ =	swait.ge [sflag:s22], $0x2000  }
0xe2: {  	[sflag:s22] =	ssyncset.done $0x0  }
0xe3: {  	s16 =	rddreg [dreg:$0x9];
	[sflag:s22] =	ssyncadd.s32 $0xFFFFE000  }
0xe4: {  	[hbm4b:s16+s3] =	stream.linear.scatter [tilespmem:s20], [sflag:$0x6], $0x2000, $0x38;
	[tilespmem:$0x19220] =	vst v63  }
0xe5: {  	_ =	swait.ge [sflag:s5], $0x2000  }
0xe6: {  	[sflag:s5] =	ssyncset.done $0x0  }
0xe7: {  	[sflag:s5] =	ssyncadd.s32 $0xFFFFE000  }
0xe8: {  	_ =	swait.ge [sflag:s0], $0x2000  }
0xe9: {  	s14 =	sadd.s32 $0x1, s14;
	s17 =	rddreg [dreg:$0xa]  }
0xea: {  	p0 =	sne.s32 s14, s17  }
.Ltmp2:
0xeb: {  	_ = 	snop;
	(pc) =	sbr.rel @p0 .LBB2_1-.Ltmp2, $3  }
0xec: {  	_ =	sdelay $0x1  }
0xed: {  	[sflag:s0] =	ssyncset.done $0x0  }
0xee: {  	[sflag:s0] =	ssyncadd.s32 $0xFFFFE000  }
0xef: {  	_ =	sfence.sel $0x180000  }
0xf0: {  	[bflag:$0x0] =	sbarrier.arrive $0xFFFF  }
0xf1: {  	_ =	strace $0x90000050  }
0xf2: {  	s0 =	stileid.u32;
	[bflag:$0x2] =	sbarrier.arrive $0xFFFF  }
0xf3: {  	p0 =	sne.s32 s0, $0x0;
	s0 =	rddreg [dreg:$0x2]  }
0xf4: {  	s0 =	sadd.s32 @!p0 $0x100000, s0  }
0xf5: {  	[sflag:s0] =	ssyncadd.tile.s32 @!p0 $0x1;
	_ =	shalt  }
.Lfunc_end2:
_tile_overlayer_lowered:
.L_overlay_start_2:
0xf6: {  	(tag) =	ssettag $0x2  }
0xf7: {  	s0 =	rddreg [dreg:$0x0];
	s2 =	stileid.u32  }
0xf8: {  	s1 =	rddreg [dreg:$0x1];
	p0 =	sne.s32 s2, $0x0  }
0xf9: {  	s3 =	rddreg [dreg:$0x2];
	[bflag:$0x3] =	sbarrier.arrive $0xFFFF;
	s2 =	simm.s32 @!p0 $0x1C0B  }
0xfa: {  	[timem:s3], [sflag:s2] =	dma.local @!p0 [hbm:s0], s1  }
0xfb: {  	s0 =	simm.s32 @!p0 $0xB  }
0xfc: {  	_ =	swait.ge @!p0 [sflag:s0], s1  }
0xfd: {  	s1 =	ssub.s32 @!p0 $0x0, s1;
	[sflag:s0] =	ssyncset.done @!p0 $0x0  }
0xfe: {  	[sflag:s0] =	ssyncadd.s32 @!p0 s1  }
0xff: {  	[bflag:$0x3] =	sbarrier.arrive $0xFFFF  }
0x100: {  	_ =	shalt  }

</sc_bundles>
